<compile_context>
chip_gen: v7x
topology: tpu7x:2x2x1
jax: 0.10.2.dev20260603
libtpu: 0.0.44.dev20260713+nightly
codegen_flags: <defaults>
</compile_context>

<pallas_src>
import functools

import jax
import jax.numpy as jnp
from jax import lax
from jax.experimental import pallas as pl
from jax.experimental.pallas import tpu as pltpu
from jax.experimental.pallas import tpu_sc as plsc

N = 10000
G = 8
E = 160000
FIN = 128
HG = 32
HR = 128
HD = 128
FNWP = 16
HOR = 4

NC = 2
NS = 16
GPC = G // NC
PW = GPC * HG

CHUNK = 128
CPT = 80
EPT = CHUNK * CPT
EPAD = EPT * NS
NPAD = N + 16
RT = 1000
NT_OUT = N // RT
RZ = NPAD // NS

HALF = CPT // 2
R = 4

NB = 5
RB = N // NB

_mesh = plsc.VectorSubcoreMesh(
    core_axis_name="c", subcore_axis_name="s", num_cores=NC, num_subcores=NS)

_sc_params = pltpu.CompilerParams(use_tc_tiling_on_sc=False)



@functools.partial(
    pl.kernel,
    out_type=jax.ShapeDtypeStruct((N, 16), jnp.float32),
    mesh=_mesh,
    compiler_params=_sc_params,
    scratch_types=[
        pltpu.VMEM((CPT, CHUNK), jnp.int32),
        pltpu.VMEM((CHUNK, 16), jnp.float32),
        pltpu.VMEM((RZ, 16), jnp.float32),
        pltpu.VMEM_SHARED((NPAD, 16), jnp.float32),
        pltpu.SemaphoreType.DMA,
    ],
)
def _deg_kernel(dst_hbm, deg_hbm, dst_v, ones_v, zero_v, deg_sh, sem):
    c = lax.axis_index("c")
    s = lax.axis_index("s")
    pltpu.sync_copy(dst_hbm.at[s], dst_v)

    def _fill(i, carry):
        ones_v[i, :] = jnp.ones((16,), jnp.float32)
        return carry
    lax.fori_loop(0, CHUNK, _fill, 0)

    def _zfill(i, carry):
        zero_v[i, :] = jnp.zeros((16,), jnp.float32)
        return carry
    lax.fori_loop(0, RZ, _zfill, 0)

    pltpu.sync_copy(zero_v, deg_sh.at[pl.ds(s * RZ, RZ)])
    plsc.subcore_barrier()

    DEPTH = 8
    for j in range(DEPTH):
        pltpu.async_copy(ones_v, deg_sh.at[dst_v.at[j]], sem, add=True)

    def _body(j, carry):
        pltpu.make_async_copy(ones_v, deg_sh.at[dst_v.at[j]], sem).wait()

        @pl.when(j + DEPTH < CPT)
        def _():
            pltpu.async_copy(
                ones_v, deg_sh.at[dst_v.at[j + DEPTH]], sem, add=True)
        return carry
    lax.fori_loop(0, CPT, _body, 0)
    plsc.subcore_barrier()

    @pl.when(jnp.logical_and(c == 0, s < NT_OUT))
    def _():
        pltpu.sync_copy(deg_sh.at[pl.ds(s * RT, RT)],
                        deg_hbm.at[pl.ds(s * RT, RT)])


@functools.partial(
    pl.kernel,
    out_type=jax.ShapeDtypeStruct((NC, N, PW), jnp.bfloat16),
    mesh=_mesh,
    compiler_params=_sc_params,
    scratch_types=[
        pltpu.VMEM((HALF, CHUNK), jnp.int32),
        pltpu.VMEM((HALF, CHUNK), jnp.int32),
        pltpu.VMEM((R, CHUNK, PW), jnp.bfloat16),
        pltpu.VMEM_SHARED((NPAD, PW), jnp.bfloat16),
        pltpu.SemaphoreType.DMA,
        pltpu.SemaphoreType.DMA,
        pltpu.SemaphoreType.DMA,
        pltpu.SemaphoreType.DMA,
        pltpu.SemaphoreType.DMA,
        pltpu.SemaphoreType.DMA,
        pltpu.SemaphoreType.DMA,
        pltpu.SemaphoreType.DMA,
    ],
)
def _conv_kernel(hs_hbm, src_hbm, dst_hbm, out_hbm,
                 dst_v, idx_v, rows_v, acc_sh,
                 sem_g0, sem_g1, sem_g2, sem_g3,
                 sem_s0, sem_s1, sem_s2, sem_s3):
    c = lax.axis_index("c")
    s = lax.axis_index("s")
    sem_g = (sem_g0, sem_g1, sem_g2, sem_g3)
    sem_s = (sem_s0, sem_s1, sem_s2, sem_s3)
    off = c * N

    def _zfill(i, carry):
        for k in range(PW // 32):
            rows_v[0, i, pl.ds(k * 32, 32)] = jnp.zeros((32,), jnp.bfloat16)
        return carry
    lax.fori_loop(0, CHUNK, _zfill, 0)
    for m in range(4):
        pltpu.sync_copy(rows_v.at[0],
                        acc_sh.at[pl.ds(s * RZ + m * CHUNK, CHUNK)])
    pltpu.sync_copy(rows_v.at[0, pl.ds(0, RZ - 4 * CHUNK)],
                    acc_sh.at[pl.ds(s * RZ + 4 * CHUNK, RZ - 4 * CHUNK)])
    plsc.subcore_barrier()

    def _gather(j, slot):
        pltpu.async_copy(
            hs_hbm.at[idx_v.at[j]], rows_v.at[slot], sem_g[slot])

    def _gather_wait(j, slot):
        pltpu.make_async_copy(
            hs_hbm.at[idx_v.at[j]], rows_v.at[slot], sem_g[slot]).wait()

    def _scatter(j, slot):
        pltpu.async_copy(
            rows_v.at[slot], acc_sh.at[dst_v.at[j]], sem_s[slot], add=True)

    def _scatter_wait(j, slot):
        pltpu.make_async_copy(
            rows_v.at[slot], acc_sh.at[dst_v.at[j]], sem_s[slot]).wait()

    for half in range(2):
        base = half * HALF
        pltpu.sync_copy(src_hbm.at[s, pl.ds(base, HALF)], idx_v)
        pltpu.sync_copy(dst_hbm.at[s, pl.ds(base, HALF)], dst_v)

        def _idxfill(j, c2):
            for k in range(CHUNK // 16):
                idx_v[j, pl.ds(k * 16, 16)] = (
                    idx_v[j, pl.ds(k * 16, 16)] + off)
            return c2
        lax.fori_loop(0, HALF, _idxfill, 0)

        for r in range(R - 1):
            _gather(r, r)

        def _grp_body(q, c2):
            for r in range(R):
                j = q * R + r
                nslot = (r + R - 1) % R
                _gather_wait(j, r)
                _scatter(j, r)
                @pl.when(j >= 1)
                def _():
                    _scatter_wait(j - 1, nslot)

                @pl.when(j + R - 1 < HALF)
                def _():
                    _gather(j + R - 1, nslot)
            return c2
        lax.fori_loop(0, HALF // R, _grp_body, 0)
        _scatter_wait(HALF - 1, R - 1)

    plsc.subcore_barrier()

    @pl.when(s < NT_OUT)
    def _():
        pltpu.sync_copy(acc_sh.at[pl.ds(s * RT, RT)],
                        out_hbm.at[c, pl.ds(s * RT, RT)])



def _xw_scale_body(x_ref, w_ref, deg_ref, o_ref):
    dinv = lax.rsqrt(deg_ref[:, 0:1] + 1.0)
    w = w_ref[...]
    parts = [
        jnp.dot(x_ref[gl], w, preferred_element_type=jnp.float32)
        for gl in range(GPC)
    ]
    o_ref[...] = (jnp.concatenate(parts, axis=1) * dinv).astype(jnp.bfloat16)


def _mid_body(acc_ref, hs_ref, deg_ref, b1_ref, w2_ref, o_ref):
    dinv = lax.rsqrt(deg_ref[:, 0:1] + 1.0)
    b1 = b1_ref[...]
    w2 = w2_ref[...]
    acc = acc_ref[...].astype(jnp.float32)
    hs = hs_ref[...].astype(jnp.float32)
    parts = []
    for gl in range(GPC):
        lo, hi = gl * HG, (gl + 1) * HG
        h1 = jnp.maximum(dinv * (acc[:, lo:hi] + hs[:, lo:hi]) + b1, 0.0)
        parts.append(jnp.dot(h1, w2, preferred_element_type=jnp.float32))
    o_ref[...] = (jnp.concatenate(parts, axis=1) * dinv).astype(jnp.bfloat16)


def _final_body(acc_ref, hs_ref, deg_ref, b2_ref, wih_ref, whh_ref,
                bih_ref, bhh_ref, xf_ref, wd1h_ref, wd1f_ref, bd1_ref,
                wd2_ref, bd2_ref, y_ref):
    dinv = lax.rsqrt(deg_ref[:, 0:1] + 1.0)
    b2 = b2_ref[...]
    wih = wih_ref[...]
    whh = whh_ref[...]
    bih = bih_ref[...]
    bhh = bhh_ref[...]
    h = jnp.zeros((RB, HR), jnp.float32)
    for t in range(G):
        cc, gl = t // GPC, t % GPC
        sl = pl.ds(gl * HG, HG)
        xt = dinv * (acc_ref[cc, :, sl].astype(jnp.float32)
                     + hs_ref[cc, :, sl].astype(jnp.float32)) + b2
        gi = jnp.dot(xt, wih, preferred_element_type=jnp.float32) + bih
        gh = jnp.dot(h, whh, preferred_element_type=jnp.float32) + bhh
        r = jax.nn.sigmoid(gi[:, 0:HR] + gh[:, 0:HR])
        z = jax.nn.sigmoid(gi[:, HR:2 * HR] + gh[:, HR:2 * HR])
        n = jnp.tanh(gi[:, 2 * HR:] + r * gh[:, 2 * HR:])
        h = (1.0 - z) * n + z * h
    hp = jnp.dot(h, wd1h_ref[...], preferred_element_type=jnp.float32)
    wd1f = wd1f_ref[...]
    bd1 = bd1_ref[...]
    wd2 = wd2_ref[...]
    bd2 = bd2_ref[...]
    for t in range(HOR):
        zz = jnp.maximum(
            hp + jnp.dot(xf_ref[t], wd1f, preferred_element_type=jnp.float32)
            + bd1, 0.0)
        y_ref[t] = jnp.dot(zz, wd2, preferred_element_type=jnp.float32) + bd2


def _xw_scale(x_g, w1, deg):
    return pl.pallas_call(
        _xw_scale_body,
        grid=(NC, NB),
        in_specs=[
            pl.BlockSpec((GPC, RB, FIN), lambda cb, nb: (cb, nb, 0)),
            pl.BlockSpec((FIN, HG), lambda cb, nb: (0, 0)),
            pl.BlockSpec((RB, 16), lambda cb, nb: (nb, 0)),
        ],
        out_specs=pl.BlockSpec((RB, PW), lambda cb, nb: (cb * NB + nb, 0)),
        out_shape=jax.ShapeDtypeStruct((NC * N, PW), jnp.bfloat16),
    )(x_g, w1, deg)


def _mid(acc1, hs1, deg, b1, w2):
    return pl.pallas_call(
        _mid_body,
        grid=(NC * NB,),
        in_specs=[
            pl.BlockSpec((RB, PW), lambda i: (i, 0)),
            pl.BlockSpec((RB, PW), lambda i: (i, 0)),
            pl.BlockSpec((RB, 16), lambda i: (i % NB, 0)),
            pl.BlockSpec((1, HG), lambda i: (0, 0)),
            pl.BlockSpec((HG, HG), lambda i: (0, 0)),
        ],
        out_specs=pl.BlockSpec((RB, PW), lambda i: (i, 0)),
        out_shape=jax.ShapeDtypeStruct((NC * N, PW), jnp.bfloat16),
    )(acc1, hs1, deg, b1, w2)


def _final(acc2, hs2, deg, b2, wih_t, whh_t, bih, bhh, xf, wd1h, wd1f,
           bd1, wd2, bd2):
    return pl.pallas_call(
        _final_body,
        grid=(NB,),
        in_specs=[
            pl.BlockSpec((NC, RB, PW), lambda i: (0, i, 0)),
            pl.BlockSpec((NC, RB, PW), lambda i: (0, i, 0)),
            pl.BlockSpec((RB, 16), lambda i: (i, 0)),
            pl.BlockSpec((1, HG), lambda i: (0, 0)),
            pl.BlockSpec((HG, 3 * HR), lambda i: (0, 0)),
            pl.BlockSpec((HR, 3 * HR), lambda i: (0, 0)),
            pl.BlockSpec((1, 3 * HR), lambda i: (0, 0)),
            pl.BlockSpec((1, 3 * HR), lambda i: (0, 0)),
            pl.BlockSpec((HOR, RB, FNWP), lambda i: (0, i, 0)),
            pl.BlockSpec((HR, HD), lambda i: (0, 0)),
            pl.BlockSpec((FNWP, HD), lambda i: (0, 0)),
            pl.BlockSpec((1, HD), lambda i: (0, 0)),
            pl.BlockSpec((HD, 1), lambda i: (0, 0)),
            pl.BlockSpec((1, 1), lambda i: (0, 0)),
        ],
        out_specs=pl.BlockSpec((HOR, RB, 1), lambda i: (0, i, 0)),
        out_shape=jax.ShapeDtypeStruct((HOR, N, 1), jnp.float32),
    )(acc2, hs2, deg, b2, wih_t, whh_t, bih, bhh, xf, wd1h, wd1f,
      bd1, wd2, bd2)



def kernel(X_seq, X_fut_seq, edge_index, W1, b1, W2, b2, W_ih, W_hh,
           b_ih, b_hh, Wd1, bd1, Wd2, bd2):
    src = edge_index[0]
    dst = edge_index[1]
    pad = EPAD - E
    src_p = jnp.concatenate(
        [src, jnp.zeros((pad,), jnp.int32)]).reshape(NS, CPT, CHUNK)
    dst_p = jnp.concatenate(
        [dst, jnp.full((pad,), N, jnp.int32)]).reshape(NS, CPT, CHUNK)
    x_g = X_seq.reshape(G, N, FIN)

    deg = _deg_kernel(dst_p)
    hs1 = _xw_scale(x_g, W1, deg)
    acc1 = _conv_kernel(hs1, src_p, dst_p)
    hs2 = _mid(acc1.reshape(NC * N, PW), hs1, deg, b1.reshape(1, HG), W2)
    acc2 = _conv_kernel(hs2, src_p, dst_p)
    y = _final(acc2, hs2.reshape(NC, N, PW), deg, b2.reshape(1, HG),
               W_ih.T, W_hh.T, b_ih.reshape(1, 3 * HR),
               b_hh.reshape(1, 3 * HR), X_fut_seq.reshape(HOR, N, FNWP),
               Wd1[:HR], Wd1[HR:], bd1.reshape(1, HD), Wd2,
               bd2.reshape(1, 1))
    return y.reshape(1, HOR, N, 1)

# --- scband reference (transcript-rebuilt; emitter-appended) ---
"""Pipeline reference for scband-graph-gruforecaster-mh-65377992179788 (READ-ONLY COPY).

The authoritative reference and input builder live on the scoring server;
editing this copy changes nothing except your own understanding.
"""

import jax, jax.numpy as jnp
import numpy as np

B, W_LAGS, N, F_IN = 1, 8, 10000, 128
H_HOR, F_NWP = 4, 16
HG, HR, HD = 32, 128, 128
E = 160000


def setup_inputs(seed: int = 0) -> dict:
    key = jax.random.key(seed)
    ks = jax.random.split(key, 16)
    s = 0.05
    return {
        "X_seq": jax.random.normal(ks[0], (B, W_LAGS, N, F_IN), jnp.float32),
        "X_fut_seq": jax.random.normal(ks[1], (B, H_HOR, N, F_NWP), jnp.float32),
        "edge_index": jax.random.randint(ks[2], (2, E), 0, N, jnp.int32),
        "W1": jax.random.normal(ks[3], (F_IN, HG), jnp.float32) * s,
        "b1": jnp.zeros((HG,), jnp.float32),
        "W2": jax.random.normal(ks[4], (HG, HG), jnp.float32) * s,
        "b2": jnp.zeros((HG,), jnp.float32),
        "W_ih": jax.random.normal(ks[5], (3 * HR, HG), jnp.float32) * s,
        "W_hh": jax.random.normal(ks[6], (3 * HR, HR), jnp.float32) * s,
        "b_ih": jnp.zeros((3 * HR,), jnp.float32),
        "b_hh": jnp.zeros((3 * HR,), jnp.float32),
        "Wd1": jax.random.normal(ks[7], (HR + F_NWP, HD), jnp.float32) * s,
        "bd1": jnp.zeros((HD,), jnp.float32),
        "Wd2": jax.random.normal(ks[8], (HD, 1), jnp.float32) * s,
        "bd2": jnp.zeros((1,), jnp.float32),
    }


def _expand_edge_index(edge_index, num_graphs, nodes_per_graph):
    offs = (jnp.arange(num_graphs, dtype=edge_index.dtype) * nodes_per_graph)[:, None, None]
    big = edge_index[None, :, :] + offs  # [G, 2, E]
    return big.transpose(1, 0, 2).reshape(2, num_graphs * edge_index.shape[1])


def _gcn_conv(x, src, dst, Wt, b, num_nodes):
    # PyG GCNConv default: add self-loops, symmetric normalization, linear, scatter-add at dst
    loop = jnp.arange(num_nodes, dtype=src.dtype)
    src2 = jnp.concatenate([src, loop])
    dst2 = jnp.concatenate([dst, loop])
    deg = jnp.zeros((num_nodes,), jnp.float32).at[dst2].add(1.0)
    dinv = jnp.where(deg > 0, deg ** -0.5, 0.0)
    norm = dinv[src2] * dinv[dst2]
    h = x @ Wt
    msg = h[src2] * norm[:, None]
    out = jnp.zeros((num_nodes, h.shape[1]), h.dtype).at[dst2].add(msg)
    return out + b


def reference(X_seq, X_fut_seq, edge_index, W1, b1, W2, b2, W_ih, W_hh, b_ih, b_hh, Wd1, bd1, Wd2, bd2):
    Bb, Wl, Nn, _ = X_seq.shape
    G = Bb * Wl
    edge_big = _expand_edge_index(edge_index, G, Nn)
    src, dst = edge_big[0], edge_big[1]
    X_flat = X_seq.reshape(G * Nn, -1)
    Hh = jax.nn.relu(_gcn_conv(X_flat, src, dst, W1, b1, G * Nn))
    Hh = _gcn_conv(Hh, src, dst, W2, b2, G * Nn)
    H_seq = Hh.reshape(Bb, Wl, Nn, -1).transpose(0, 2, 1, 3).reshape(Bb * Nn, Wl, -1)
    xs = H_seq.transpose(1, 0, 2)  # [W, B*N, HG]
    h0 = jnp.zeros((Bb * Nn, HR), jnp.float32)

    def step(h, x):
        gi = x @ W_ih.T + b_ih
        gh = h @ W_hh.T + b_hh
        i_r, i_z, i_n = jnp.split(gi, 3, axis=-1)
        h_r, h_z, h_n = jnp.split(gh, 3, axis=-1)
        r = jax.nn.sigmoid(i_r + h_r)
        z = jax.nn.sigmoid(i_z + h_z)
        n = jnp.tanh(i_n + r * h_n)
        h_new = (1.0 - z) * n + z * h
        return h_new, None

    hT, _ = jax.lax.scan(step, h0, xs)
    hT = hT.reshape(Bb, Nn, HR)
    hT_H = jnp.broadcast_to(hT[:, None, :, :], (Bb, X_fut_seq.shape[1], Nn, HR))
    dec_in = jnp.concatenate([hT_H, X_fut_seq], axis=-1)
    zz = jax.nn.relu(dec_in @ Wd1 + bd1)
    yhat = zz @ Wd2 + bd2
    return yhat

if __name__ == "__main__":
    import jax
    _d = setup_inputs()
    print(jax.jit(kernel)(*tuple(_d.values())))

</pallas_src>

<mosaic_0001>
#map = affine_map<(d0, d1) -> (0, 0, 0)>
#map1 = affine_map<(d0, d1) -> (0, 0)>
module attributes {stable_mosaic.version = 14 : i64} {
  func.func @_deg_kernel(%arg0: i32, %arg1: i32, %arg2: memref<16x80x128xi32, #tpu.memory_space<hbm>>, %arg3: memref<10000x16xf32, #tpu.memory_space<hbm>>, %arg4: memref<80x128xi32, #tpu.memory_space<vmem>>, %arg5: memref<128x16xf32, #tpu.memory_space<vmem>>, %arg6: memref<626x16xf32, #tpu.memory_space<vmem>>, %arg7: memref<10016x16xf32, #tpu.memory_space<vmem_shared>>, %arg8: memref<!tpu.dma_semaphore, #tpu.memory_space<semaphore_mem>>) attributes {dimension_semantics = [#tpu.dimension_semantics<core_parallel>, #tpu.dimension_semantics<subcore_parallel>], iteration_bounds = array<i64: 2, 16>, scalar_prefetch = 0 : i64, scratch_operands = 5 : i64, tpu.core_type = #tpu.core_type<sc_vector_subcore>, window_params = [{transform_indices = #map}, {transform_indices = #map1}]} {
    "tpu.region"() ({
      %run_scoped3A = tpu.sem_alloc : memref<!tpu.dma_semaphore, #tpu.memory_space<semaphore_mem>>
      %dma_start3A_77 = arith.constant 0 : i32
      %dma_start3A_78 = arith.constant 0 : i32
      %dma_start3A_79 = tpu.memref_slice %arg2[%arg1, %dma_start3A_77, %dma_start3A_78] : memref<16x80x128xi32, #tpu.memory_space<hbm>> -> memref<1x80x128xi32, #tpu.memory_space<hbm>>
      %dma_start3A_80 = tpu.memref_squeeze %dma_start3A_79 : memref<1x80x128xi32, #tpu.memory_space<hbm>> -> memref<80x128xi32, #tpu.memory_space<hbm>>
      %dma_start3A_81 = arith.constant 0 : i32
      %dma_start3A_82 = arith.constant 0 : i32
      %dma_start3A_83 = tpu.memref_slice %arg2[%arg1, %dma_start3A_81, %dma_start3A_82] : memref<16x80x128xi32, #tpu.memory_space<hbm>> -> memref<1x80x128xi32, #tpu.memory_space<hbm>>
      %dma_start3A_84 = tpu.memref_squeeze %dma_start3A_83 : memref<1x80x128xi32, #tpu.memory_space<hbm>> -> memref<80x128xi32, #tpu.memory_space<hbm>>
      tpu.enqueue_dma source(%dma_start3A_84 : memref<80x128xi32, #tpu.memory_space<hbm>>) target(%arg4 : memref<80x128xi32, #tpu.memory_space<vmem>>) target_semaphore(%run_scoped3A : memref<!tpu.dma_semaphore, #tpu.memory_space<semaphore_mem>>)
      %dma_wait3A = arith.constant 0 : i32
      %dma_wait3A_85 = arith.constant 0 : i32
      %dma_wait3A_86 = tpu.memref_slice %arg2[%arg1, %dma_wait3A, %dma_wait3A_85] : memref<16x80x128xi32, #tpu.memory_space<hbm>> -> memref<1x80x128xi32, #tpu.memory_space<hbm>>
      %dma_wait3A_87 = tpu.memref_squeeze %dma_wait3A_86 : memref<1x80x128xi32, #tpu.memory_space<hbm>> -> memref<80x128xi32, #tpu.memory_space<hbm>>
      %dma_wait3A_88 = arith.constant 0 : i32
      %dma_wait3A_89 = arith.constant 0 : i32
      %dma_wait3A_90 = tpu.memref_slice %arg2[%arg1, %dma_wait3A_88, %dma_wait3A_89] : memref<16x80x128xi32, #tpu.memory_space<hbm>> -> memref<1x80x128xi32, #tpu.memory_space<hbm>>
      %dma_wait3A_91 = tpu.memref_squeeze %dma_wait3A_90 : memref<1x80x128xi32, #tpu.memory_space<hbm>> -> memref<80x128xi32, #tpu.memory_space<hbm>>
      tpu.wait_dma2 semaphore(%run_scoped3A : memref<!tpu.dma_semaphore, #tpu.memory_space<semaphore_mem>>) src(%dma_wait3A_91 : memref<80x128xi32, #tpu.memory_space<hbm>>) dst(%arg4 : memref<80x128xi32, #tpu.memory_space<vmem>>)
      tpu.yield
    }) : () -> ()
    %scan3A = arith.constant 0 : i32
    %scan3A_0 = arith.constant 0 : i32
    %scan3A_1 = arith.constant 128 : i32
    %scan3A_2 = arith.addi %scan3A_0, %scan3A_1 : i32
    %scan3A_3 = arith.constant 1 : i32
    scf.for %scan3A_77 = %scan3A_0 to %scan3A_2 step %scan3A_3  : i32 {
      %broadcast_in_dim3A = arith.constant 1.000000e+00 : f32
      %broadcast_in_dim3A_78 = vector.broadcast %broadcast_in_dim3A : f32 to vector<16xf32>
      %swap3A = arith.index_cast %scan3A_77 : i32 to index
      %swap3A_79 = arith.constant 0 : index
      %swap3A_80 = tpu.vector_load %arg5[%swap3A, %swap3A_79] {strides = array<i32>} : memref<128x16xf32, #tpu.memory_space<vmem>>, vector<1x16xf32>,
      %swap3A_81 = vector.shape_cast %swap3A_80 : vector<1x16xf32> to vector<16xf32>
      %swap3A_82 = vector.shape_cast %broadcast_in_dim3A_78 : vector<16xf32> to vector<1x16xf32>
      tpu.vector_store %arg5[%swap3A, %swap3A_79], %swap3A_82 {strides = array<i32>} : memref<128x16xf32, #tpu.memory_space<vmem>>, vector<1x16xf32>,
    }
    %scan3A_4 = arith.constant 128 : i32
    %scan3A_5 = arith.constant 0 : i32
    %scan3A_6 = arith.constant 0 : i32
    %scan3A_7 = arith.constant 626 : i32
    %scan3A_8 = arith.addi %scan3A_6, %scan3A_7 : i32
    %scan3A_9 = arith.constant 1 : i32
    scf.for %scan3A_77 = %scan3A_6 to %scan3A_8 step %scan3A_9  : i32 {
      %broadcast_in_dim3A = arith.constant 0.000000e+00 : f32
      %broadcast_in_dim3A_78 = vector.broadcast %broadcast_in_dim3A : f32 to vector<16xf32>
      %swap3A = arith.index_cast %scan3A_77 : i32 to index
      %swap3A_79 = arith.constant 0 : index
      %swap3A_80 = tpu.vector_load %arg6[%swap3A, %swap3A_79] {strides = array<i32>} : memref<626x16xf32, #tpu.memory_space<vmem>>, vector<1x16xf32>,
      %swap3A_81 = vector.shape_cast %swap3A_80 : vector<1x16xf32> to vector<16xf32>
      %swap3A_82 = vector.shape_cast %broadcast_in_dim3A_78 : vector<16xf32> to vector<1x16xf32>
      tpu.vector_store %arg6[%swap3A, %swap3A_79], %swap3A_82 {strides = array<i32>} : memref<626x16xf32, #tpu.memory_space<vmem>>, vector<1x16xf32>,
    }
    %scan3A_10 = arith.constant 626 : i32
    %mul3A = arith.constant 626 : i32
    %mul3A_11 = arith.muli %arg1, %mul3A : i32
    "tpu.region"() ({
      %run_scoped3A = tpu.sem_alloc : memref<!tpu.dma_semaphore, #tpu.memory_space<semaphore_mem>>
      %dma_start3A_77 = arith.constant 0 : i32
      %dma_start3A_78 = tpu.memref_slice %arg7[%mul3A_11, %dma_start3A_77] : memref<10016x16xf32, #tpu.memory_space<vmem_shared>> -> memref<626x16xf32, #tpu.memory_space<vmem_shared>>
      %dma_start3A_79 = arith.constant 0 : i32
      %dma_start3A_80 = tpu.memref_slice %arg7[%mul3A_11, %dma_start3A_79] : memref<10016x16xf32, #tpu.memory_space<vmem_shared>> -> memref<626x16xf32, #tpu.memory_space<vmem_shared>>
      tpu.enqueue_dma source(%arg6 : memref<626x16xf32, #tpu.memory_space<vmem>>) target(%dma_start3A_80 : memref<626x16xf32, #tpu.memory_space<vmem_shared>>) target_semaphore(%run_scoped3A : memref<!tpu.dma_semaphore, #tpu.memory_space<semaphore_mem>>)
      %dma_wait3A = arith.constant 0 : i32
      %dma_wait3A_81 = tpu.memref_slice %arg7[%mul3A_11, %dma_wait3A] : memref<10016x16xf32, #tpu.memory_space<vmem_shared>> -> memref<626x16xf32, #tpu.memory_space<vmem_shared>>
      %dma_wait3A_82 = arith.constant 0 : i32
      %dma_wait3A_83 = tpu.memref_slice %arg7[%mul3A_11, %dma_wait3A_82] : memref<10016x16xf32, #tpu.memory_space<vmem_shared>> -> memref<626x16xf32, #tpu.memory_space<vmem_shared>>
      tpu.wait_dma2 semaphore(%run_scoped3A : memref<!tpu.dma_semaphore, #tpu.memory_space<semaphore_mem>>) src(%arg6 : memref<626x16xf32, #tpu.memory_space<vmem>>) dst(%dma_wait3A_83 : memref<626x16xf32, #tpu.memory_space<vmem_shared>>)
      tpu.yield
    }) : () -> ()
    %barrier3A = arith.constant 0 : index
    tpu.barrier barrier_id(%barrier3A)
    %dma_start3A = arith.constant 0 : i32
    %dma_start3A_12 = arith.constant 0 : i32
    %dma_start3A_13 = tpu.memref_slice %arg4[%dma_start3A, %dma_start3A_12] : memref<80x128xi32, #tpu.memory_space<vmem>> -> memref<1x128xi32, #tpu.memory_space<vmem>>
    %dma_start3A_14 = tpu.memref_squeeze %dma_start3A_13 : memref<1x128xi32, #tpu.memory_space<vmem>> -> memref<128xi32, #tpu.memory_space<vmem>>
    %dma_start3A_15 = arith.constant 0 : i32
    %dma_start3A_16 = arith.constant 0 : i32
    %dma_start3A_17 = tpu.memref_slice %arg7[%dma_start3A_15, %dma_start3A_16] : memref<10016x16xf32, #tpu.memory_space<vmem_shared>> -> memref<10016x16xf32, #tpu.memory_space<vmem_shared>>
    tpu.enqueue_indirect_dma source(%arg5 : memref<128x16xf32, #tpu.memory_space<vmem>>) target(%dma_start3A_17 : memref<10016x16xf32, #tpu.memory_space<vmem_shared>>) offsets(%dma_start3A_14 : memref<128xi32, #tpu.memory_space<vmem>>) semaphore(%arg8 : memref<!tpu.dma_semaphore, #tpu.memory_space<semaphore_mem>>) {add = true}
    %dma_start3A_18 = arith.constant 1 : i32
    %dma_start3A_19 = arith.constant 0 : i32
    %dma_start3A_20 = tpu.memref_slice %arg4[%dma_start3A_18, %dma_start3A_19] : memref<80x128xi32, #tpu.memory_space<vmem>> -> memref<1x128xi32, #tpu.memory_space<vmem>>
    %dma_start3A_21 = tpu.memref_squeeze %dma_start3A_20 : memref<1x128xi32, #tpu.memory_space<vmem>> -> memref<128xi32, #tpu.memory_space<vmem>>
    %dma_start3A_22 = arith.constant 0 : i32
    %dma_start3A_23 = arith.constant 0 : i32
    %dma_start3A_24 = tpu.memref_slice %arg7[%dma_start3A_22, %dma_start3A_23] : memref<10016x16xf32, #tpu.memory_space<vmem_shared>> -> memref<10016x16xf32, #tpu.memory_space<vmem_shared>>
    tpu.enqueue_indirect_dma source(%arg5 : memref<128x16xf32, #tpu.memory_space<vmem>>) target(%dma_start3A_24 : memref<10016x16xf32, #tpu.memory_space<vmem_shared>>) offsets(%dma_start3A_21 : memref<128xi32, #tpu.memory_space<vmem>>) semaphore(%arg8 : memref<!tpu.dma_semaphore, #tpu.memory_space<semaphore_mem>>) {add = true}
    %dma_start3A_25 = arith.constant 2 : i32
    %dma_start3A_26 = arith.constant 0 : i32
    %dma_start3A_27 = tpu.memref_slice %arg4[%dma_start3A_25, %dma_start3A_26] : memref<80x128xi32, #tpu.memory_space<vmem>> -> memref<1x128xi32, #tpu.memory_space<vmem>>
    %dma_start3A_28 = tpu.memref_squeeze %dma_start3A_27 : memref<1x128xi32, #tpu.memory_space<vmem>> -> memref<128xi32, #tpu.memory_space<vmem>>
    %dma_start3A_29 = arith.constant 0 : i32
    %dma_start3A_30 = arith.constant 0 : i32
    %dma_start3A_31 = tpu.memref_slice %arg7[%dma_start3A_29, %dma_start3A_30] : memref<10016x16xf32, #tpu.memory_space<vmem_shared>> -> memref<10016x16xf32, #tpu.memory_space<vmem_shared>>
    tpu.enqueue_indirect_dma source(%arg5 : memref<128x16xf32, #tpu.memory_space<vmem>>) target(%dma_start3A_31 : memref<10016x16xf32, #tpu.memory_space<vmem_shared>>) offsets(%dma_start3A_28 : memref<128xi32, #tpu.memory_space<vmem>>) semaphore(%arg8 : memref<!tpu.dma_semaphore, #tpu.memory_space<semaphore_mem>>) {add = true}
    %dma_start3A_32 = arith.constant 3 : i32
    %dma_start3A_33 = arith.constant 0 : i32
    %dma_start3A_34 = tpu.memref_slice %arg4[%dma_start3A_32, %dma_start3A_33] : memref<80x128xi32, #tpu.memory_space<vmem>> -> memref<1x128xi32, #tpu.memory_space<vmem>>
    %dma_start3A_35 = tpu.memref_squeeze %dma_start3A_34 : memref<1x128xi32, #tpu.memory_space<vmem>> -> memref<128xi32, #tpu.memory_space<vmem>>
    %dma_start3A_36 = arith.constant 0 : i32
    %dma_start3A_37 = arith.constant 0 : i32
    %dma_start3A_38 = tpu.memref_slice %arg7[%dma_start3A_36, %dma_start3A_37] : memref<10016x16xf32, #tpu.memory_space<vmem_shared>> -> memref<10016x16xf32, #tpu.memory_space<vmem_shared>>
    tpu.enqueue_indirect_dma source(%arg5 : memref<128x16xf32, #tpu.memory_space<vmem>>) target(%dma_start3A_38 : memref<10016x16xf32, #tpu.memory_space<vmem_shared>>) offsets(%dma_start3A_35 : memref<128xi32, #tpu.memory_space<vmem>>) semaphore(%arg8 : memref<!tpu.dma_semaphore, #tpu.memory_space<semaphore_mem>>) {add = true}
    %dma_start3A_39 = arith.constant 4 : i32
    %dma_start3A_40 = arith.constant 0 : i32
    %dma_start3A_41 = tpu.memref_slice %arg4[%dma_start3A_39, %dma_start3A_40] : memref<80x128xi32, #tpu.memory_space<vmem>> -> memref<1x128xi32, #tpu.memory_space<vmem>>
    %dma_start3A_42 = tpu.memref_squeeze %dma_start3A_41 : memref<1x128xi32, #tpu.memory_space<vmem>> -> memref<128xi32, #tpu.memory_space<vmem>>
    %dma_start3A_43 = arith.constant 0 : i32
    %dma_start3A_44 = arith.constant 0 : i32
    %dma_start3A_45 = tpu.memref_slice %arg7[%dma_start3A_43, %dma_start3A_44] : memref<10016x16xf32, #tpu.memory_space<vmem_shared>> -> memref<10016x16xf32, #tpu.memory_space<vmem_shared>>
    tpu.enqueue_indirect_dma source(%arg5 : memref<128x16xf32, #tpu.memory_space<vmem>>) target(%dma_start3A_45 : memref<10016x16xf32, #tpu.memory_space<vmem_shared>>) offsets(%dma_start3A_42 : memref<128xi32, #tpu.memory_space<vmem>>) semaphore(%arg8 : memref<!tpu.dma_semaphore, #tpu.memory_space<semaphore_mem>>) {add = true}
    %dma_start3A_46 = arith.constant 5 : i32
    %dma_start3A_47 = arith.constant 0 : i32
    %dma_start3A_48 = tpu.memref_slice %arg4[%dma_start3A_46, %dma_start3A_47] : memref<80x128xi32, #tpu.memory_space<vmem>> -> memref<1x128xi32, #tpu.memory_space<vmem>>
    %dma_start3A_49 = tpu.memref_squeeze %dma_start3A_48 : memref<1x128xi32, #tpu.memory_space<vmem>> -> memref<128xi32, #tpu.memory_space<vmem>>
    %dma_start3A_50 = arith.constant 0 : i32
    %dma_start3A_51 = arith.constant 0 : i32
    %dma_start3A_52 = tpu.memref_slice %arg7[%dma_start3A_50, %dma_start3A_51] : memref<10016x16xf32, #tpu.memory_space<vmem_shared>> -> memref<10016x16xf32, #tpu.memory_space<vmem_shared>>
    tpu.enqueue_indirect_dma source(%arg5 : memref<128x16xf32, #tpu.memory_space<vmem>>) target(%dma_start3A_52 : memref<10016x16xf32, #tpu.memory_space<vmem_shared>>) offsets(%dma_start3A_49 : memref<128xi32, #tpu.memory_space<vmem>>) semaphore(%arg8 : memref<!tpu.dma_semaphore, #tpu.memory_space<semaphore_mem>>) {add = true}
    %dma_start3A_53 = arith.constant 6 : i32
    %dma_start3A_54 = arith.constant 0 : i32
    %dma_start3A_55 = tpu.memref_slice %arg4[%dma_start3A_53, %dma_start3A_54] : memref<80x128xi32, #tpu.memory_space<vmem>> -> memref<1x128xi32, #tpu.memory_space<vmem>>
    %dma_start3A_56 = tpu.memref_squeeze %dma_start3A_55 : memref<1x128xi32, #tpu.memory_space<vmem>> -> memref<128xi32, #tpu.memory_space<vmem>>
    %dma_start3A_57 = arith.constant 0 : i32
    %dma_start3A_58 = arith.constant 0 : i32
    %dma_start3A_59 = tpu.memref_slice %arg7[%dma_start3A_57, %dma_start3A_58] : memref<10016x16xf32, #tpu.memory_space<vmem_shared>> -> memref<10016x16xf32, #tpu.memory_space<vmem_shared>>
    tpu.enqueue_indirect_dma source(%arg5 : memref<128x16xf32, #tpu.memory_space<vmem>>) target(%dma_start3A_59 : memref<10016x16xf32, #tpu.memory_space<vmem_shared>>) offsets(%dma_start3A_56 : memref<128xi32, #tpu.memory_space<vmem>>) semaphore(%arg8 : memref<!tpu.dma_semaphore, #tpu.memory_space<semaphore_mem>>) {add = true}
    %dma_start3A_60 = arith.constant 7 : i32
    %dma_start3A_61 = arith.constant 0 : i32
    %dma_start3A_62 = tpu.memref_slice %arg4[%dma_start3A_60, %dma_start3A_61] : memref<80x128xi32, #tpu.memory_space<vmem>> -> memref<1x128xi32, #tpu.memory_space<vmem>>
    %dma_start3A_63 = tpu.memref_squeeze %dma_start3A_62 : memref<1x128xi32, #tpu.memory_space<vmem>> -> memref<128xi32, #tpu.memory_space<vmem>>
    %dma_start3A_64 = arith.constant 0 : i32
    %dma_start3A_65 = arith.constant 0 : i32
    %dma_start3A_66 = tpu.memref_slice %arg7[%dma_start3A_64, %dma_start3A_65] : memref<10016x16xf32, #tpu.memory_space<vmem_shared>> -> memref<10016x16xf32, #tpu.memory_space<vmem_shared>>
    tpu.enqueue_indirect_dma source(%arg5 : memref<128x16xf32, #tpu.memory_space<vmem>>) target(%dma_start3A_66 : memref<10016x16xf32, #tpu.memory_space<vmem_shared>>) offsets(%dma_start3A_63 : memref<128xi32, #tpu.memory_space<vmem>>) semaphore(%arg8 : memref<!tpu.dma_semaphore, #tpu.memory_space<semaphore_mem>>) {add = true}
    %scan3A_67 = arith.constant 0 : i32
    %scan3A_68 = arith.constant 0 : i32
    %scan3A_69 = arith.constant 80 : i32
    %scan3A_70 = arith.addi %scan3A_68, %scan3A_69 : i32
    %scan3A_71 = arith.constant 1 : i32
    scf.for %scan3A_77 = %scan3A_68 to %scan3A_70 step %scan3A_71  : i32 {
      %dma_wait3A = arith.constant 0 : i32
      %dma_wait3A_78 = tpu.memref_slice %arg4[%scan3A_77, %dma_wait3A] : memref<80x128xi32, #tpu.memory_space<vmem>> -> memref<1x128xi32, #tpu.memory_space<vmem>>
      %dma_wait3A_79 = tpu.memref_squeeze %dma_wait3A_78 : memref<1x128xi32, #tpu.memory_space<vmem>> -> memref<128xi32, #tpu.memory_space<vmem>>
      %dma_wait3A_80 = arith.constant 0 : i32
      %dma_wait3A_81 = arith.constant 0 : i32
      %dma_wait3A_82 = tpu.memref_slice %arg7[%dma_wait3A_80, %dma_wait3A_81] : memref<10016x16xf32, #tpu.memory_space<vmem_shared>> -> memref<10016x16xf32, #tpu.memory_space<vmem_shared>>
      tpu.wait_indirect_dma semaphore(%arg8 : memref<!tpu.dma_semaphore, #tpu.memory_space<semaphore_mem>>) src(%arg5 : memref<128x16xf32, #tpu.memory_space<vmem>>) dst(%dma_wait3A_82 : memref<10016x16xf32, #tpu.memory_space<vmem_shared>>)
      %add3A = arith.constant 8 : i32
      %add3A_83 = arith.addi %scan3A_77, %add3A : i32
      %lt3A_84 = arith.constant 80 : i32
      %lt3A_85 = arith.cmpi slt, %add3A_83, %lt3A_84 : i32
      %convert_element_type3A_86 = arith.extui %lt3A_85 : i1 to i32
      %cond3A_87 = arith.constant 0 : i32
      %cond3A_88 = arith.cmpi ne, %convert_element_type3A_86, %cond3A_87 : i32
      scf.if %cond3A_88 {
        %add3A_89 = arith.constant 8 : i32
        %add3A_90 = arith.addi %scan3A_77, %add3A_89 : i32
        %dma_start3A_91 = arith.constant 0 : i32
        %dma_start3A_92 = tpu.memref_slice %arg4[%add3A_90, %dma_start3A_91] : memref<80x128xi32, #tpu.memory_space<vmem>> -> memref<1x128xi32, #tpu.memory_space<vmem>>
        %dma_start3A_93 = tpu.memref_squeeze %dma_start3A_92 : memref<1x128xi32, #tpu.memory_space<vmem>> -> memref<128xi32, #tpu.memory_space<vmem>>
        %dma_start3A_94 = arith.constant 0 : i32
        %dma_start3A_95 = arith.constant 0 : i32
        %dma_start3A_96 = tpu.memref_slice %arg7[%dma_start3A_94, %dma_start3A_95] : memref<10016x16xf32, #tpu.memory_space<vmem_shared>> -> memref<10016x16xf32, #tpu.memory_space<vmem_shared>>
        tpu.enqueue_indirect_dma source(%arg5 : memref<128x16xf32, #tpu.memory_space<vmem>>) target(%dma_start3A_96 : memref<10016x16xf32, #tpu.memory_space<vmem_shared>>) offsets(%dma_start3A_93 : memref<128xi32, #tpu.memory_space<vmem>>) semaphore(%arg8 : memref<!tpu.dma_semaphore, #tpu.memory_space<semaphore_mem>>) {add = true}
      } else {
      }
    }
    %scan3A_72 = arith.constant 80 : i32
    %barrier3A_73 = arith.constant 0 : index
    tpu.barrier barrier_id(%barrier3A_73)
    %eq3A = arith.constant 0 : i32
    %eq3A_74 = arith.cmpi eq, %arg0, %eq3A : i32
    %lt3A = arith.constant 10 : i32
    %lt3A_75 = arith.cmpi slt, %arg1, %lt3A : i32
    %and3A = arith.andi %eq3A_74, %lt3A_75 : i1
    %convert_element_type3A = arith.extui %and3A : i1 to i32
    %cond3A = arith.constant 0 : i32
    %cond3A_76 = arith.cmpi ne, %convert_element_type3A, %cond3A : i32
    scf.if %cond3A_76 {
      %mul3A_77 = arith.constant 1000 : i32
      %mul3A_78 = arith.muli %arg1, %mul3A_77 : i32
      %mul3A_79 = arith.constant 1000 : i32
      %mul3A_80 = arith.muli %arg1, %mul3A_79 : i32
      "tpu.region"() ({
        %run_scoped3A = tpu.sem_alloc : memref<!tpu.dma_semaphore, #tpu.memory_space<semaphore_mem>>
        %dma_start3A_81 = arith.constant 0 : i32
        %dma_start3A_82 = tpu.memref_slice %arg3[%mul3A_80, %dma_start3A_81] : memref<10000x16xf32, #tpu.memory_space<hbm>> -> memref<1000x16xf32, #tpu.memory_space<hbm>>
        %dma_start3A_83 = arith.constant 0 : i32
        %dma_start3A_84 = tpu.memref_slice %arg7[%mul3A_78, %dma_start3A_83] : memref<10016x16xf32, #tpu.memory_space<vmem_shared>> -> memref<1000x16xf32, #tpu.memory_space<vmem_shared>>
        tpu.enqueue_dma source(%dma_start3A_84 : memref<1000x16xf32, #tpu.memory_space<vmem_shared>>) target(%dma_start3A_82 : memref<1000x16xf32, #tpu.memory_space<hbm>>) target_semaphore(%run_scoped3A : memref<!tpu.dma_semaphore, #tpu.memory_space<semaphore_mem>>)
        %dma_wait3A = arith.constant 0 : i32
        %dma_wait3A_85 = tpu.memref_slice %arg3[%mul3A_80, %dma_wait3A] : memref<10000x16xf32, #tpu.memory_space<hbm>> -> memref<1000x16xf32, #tpu.memory_space<hbm>>
        %dma_wait3A_86 = arith.constant 0 : i32
        %dma_wait3A_87 = tpu.memref_slice %arg7[%mul3A_78, %dma_wait3A_86] : memref<10016x16xf32, #tpu.memory_space<vmem_shared>> -> memref<1000x16xf32, #tpu.memory_space<vmem_shared>>
        tpu.wait_dma2 semaphore(%run_scoped3A : memref<!tpu.dma_semaphore, #tpu.memory_space<semaphore_mem>>) src(%dma_wait3A_87 : memref<1000x16xf32, #tpu.memory_space<vmem_shared>>) dst(%dma_wait3A_85 : memref<1000x16xf32, #tpu.memory_space<hbm>>)
        tpu.yield
      }) : () -> ()
    } else {
    }
    return
  }
}

#map = affine_map<(d0, d1) -> (0, 0)>
#map1 = affine_map<(d0, d1) -> (0, 0, 0)>
module attributes {stable_mosaic.version = 14 : i64} {
  func.func @_conv_kernel(%arg0: i32, %arg1: i32, %arg2: memref<20000x128xbf16, #tpu.memory_space<hbm>>, %arg3: memref<16x80x128xi32, #tpu.memory_space<hbm>>, %arg4: memref<16x80x128xi32, #tpu.memory_space<hbm>>, %arg5: memref<2x10000x128xbf16, #tpu.memory_space<hbm>>, %arg6: memref<40x128xi32, #tpu.memory_space<vmem>>, %arg7: memref<40x128xi32, #tpu.memory_space<vmem>>, %arg8: memref<4x128x128xbf16, #tpu.memory_space<vmem>>, %arg9: memref<10016x128xbf16, #tpu.memory_space<vmem_shared>>, %arg10: memref<!tpu.dma_semaphore, #tpu.memory_space<semaphore_mem>>, %arg11: memref<!tpu.dma_semaphore, #tpu.memory_space<semaphore_mem>>, %arg12: memref<!tpu.dma_semaphore, #tpu.memory_space<semaphore_mem>>, %arg13: memref<!tpu.dma_semaphore, #tpu.memory_space<semaphore_mem>>, %arg14: memref<!tpu.dma_semaphore, #tpu.memory_space<semaphore_mem>>, %arg15: memref<!tpu.dma_semaphore, #tpu.memory_space<semaphore_mem>>, %arg16: memref<!tpu.dma_semaphore, #tpu.memory_space<semaphore_mem>>, %arg17: memref<!tpu.dma_semaphore, #tpu.memory_space<semaphore_mem>>) attributes {dimension_semantics = [#tpu.dimension_semantics<core_parallel>, #tpu.dimension_semantics<subcore_parallel>], iteration_bounds = array<i64: 2, 16>, scalar_prefetch = 0 : i64, scratch_operands = 12 : i64, tpu.core_type = #tpu.core_type<sc_vector_subcore>, window_params = [{transform_indices = #map}, {transform_indices = #map1}, {transform_indices = #map1}, {transform_indices = #map1}]} {
    %mul3A = arith.constant 10000 : i32
    %mul3A_0 = arith.muli %arg0, %mul3A : i32
    %scan3A = arith.constant 0 : i32
    %scan3A_1 = arith.constant 0 : i32
    %scan3A_2 = arith.constant 128 : i32
    %scan3A_3 = arith.addi %scan3A_1, %scan3A_2 : i32
    %scan3A_4 = arith.constant 1 : i32
    scf.for %scan3A_150 = %scan3A_1 to %scan3A_3 step %scan3A_4  : i32 {
      %broadcast_in_dim3A = arith.constant 0.000000e+00 : bf16
      %broadcast_in_dim3A_151 = vector.broadcast %broadcast_in_dim3A : bf16 to vector<32xbf16>
      %swap3A = arith.constant 0 : i32
      %swap3A_152 = arith.index_cast %swap3A : i32 to index
      %swap3A_153 = arith.index_cast %scan3A_150 : i32 to index
      %swap3A_154 = arith.constant 0 : index
      %swap3A_155 = tpu.vector_load %arg8[%swap3A_152, %swap3A_153, %swap3A_154] {strides = array<i32>} : memref<4x128x128xbf16, #tpu.memory_space<vmem>>, vector<1x1x32xbf16>,
      %swap3A_156 = vector.shape_cast %swap3A_155 : vector<1x1x32xbf16> to vector<32xbf16>
      %swap3A_157 = vector.shape_cast %broadcast_in_dim3A_151 : vector<32xbf16> to vector<1x1x32xbf16>
      tpu.vector_store %arg8[%swap3A_152, %swap3A_153, %swap3A_154], %swap3A_157 {strides = array<i32>} : memref<4x128x128xbf16, #tpu.memory_space<vmem>>, vector<1x1x32xbf16>,
      %broadcast_in_dim3A_158 = arith.constant 0.000000e+00 : bf16
      %broadcast_in_dim3A_159 = vector.broadcast %broadcast_in_dim3A_158 : bf16 to vector<32xbf16>
      %swap3A_160 = arith.constant 0 : i32
      %swap3A_161 = arith.index_cast %swap3A_160 : i32 to index
      %swap3A_162 = arith.index_cast %scan3A_150 : i32 to index
      %swap3A_163 = arith.constant 32 : index
      %swap3A_164 = tpu.vector_load %arg8[%swap3A_161, %swap3A_162, %swap3A_163] {strides = array<i32>} : memref<4x128x128xbf16, #tpu.memory_space<vmem>>, vector<1x1x32xbf16>,
      %swap3A_165 = vector.shape_cast %swap3A_164 : vector<1x1x32xbf16> to vector<32xbf16>
      %swap3A_166 = vector.shape_cast %broadcast_in_dim3A_159 : vector<32xbf16> to vector<1x1x32xbf16>
      tpu.vector_store %arg8[%swap3A_161, %swap3A_162, %swap3A_163], %swap3A_166 {strides = array<i32>} : memref<4x128x128xbf16, #tpu.memory_space<vmem>>, vector<1x1x32xbf16>,
      %broadcast_in_dim3A_167 = arith.constant 0.000000e+00 : bf16
      %broadcast_in_dim3A_168 = vector.broadcast %broadcast_in_dim3A_167 : bf16 to vector<32xbf16>
      %swap3A_169 = arith.constant 0 : i32
      %swap3A_170 = arith.index_cast %swap3A_169 : i32 to index
      %swap3A_171 = arith.index_cast %scan3A_150 : i32 to index
      %swap3A_172 = arith.constant 64 : index
      %swap3A_173 = tpu.vector_load %arg8[%swap3A_170, %swap3A_171, %swap3A_172] {strides = array<i32>} : memref<4x128x128xbf16, #tpu.memory_space<vmem>>, vector<1x1x32xbf16>,
      %swap3A_174 = vector.shape_cast %swap3A_173 : vector<1x1x32xbf16> to vector<32xbf16>
      %swap3A_175 = vector.shape_cast %broadcast_in_dim3A_168 : vector<32xbf16> to vector<1x1x32xbf16>
      tpu.vector_store %arg8[%swap3A_170, %swap3A_171, %swap3A_172], %swap3A_175 {strides = array<i32>} : memref<4x128x128xbf16, #tpu.memory_space<vmem>>, vector<1x1x32xbf16>,
      %broadcast_in_dim3A_176 = arith.constant 0.000000e+00 : bf16
      %broadcast_in_dim3A_177 = vector.broadcast %broadcast_in_dim3A_176 : bf16 to vector<32xbf16>
      %swap3A_178 = arith.constant 0 : i32
      %swap3A_179 = arith.index_cast %swap3A_178 : i32 to index
      %swap3A_180 = arith.index_cast %scan3A_150 : i32 to index
      %swap3A_181 = arith.constant 96 : index
      %swap3A_182 = tpu.vector_load %arg8[%swap3A_179, %swap3A_180, %swap3A_181] {strides = array<i32>} : memref<4x128x128xbf16, #tpu.memory_space<vmem>>, vector<1x1x32xbf16>,
      %swap3A_183 = vector.shape_cast %swap3A_182 : vector<1x1x32xbf16> to vector<32xbf16>
      %swap3A_184 = vector.shape_cast %broadcast_in_dim3A_177 : vector<32xbf16> to vector<1x1x32xbf16>
      tpu.vector_store %arg8[%swap3A_179, %swap3A_180, %swap3A_181], %swap3A_184 {strides = array<i32>} : memref<4x128x128xbf16, #tpu.memory_space<vmem>>, vector<1x1x32xbf16>,
    }
    %scan3A_5 = arith.constant 128 : i32
    %mul3A_6 = arith.constant 626 : i32
    %mul3A_7 = arith.muli %arg1, %mul3A_6 : i32
    %add3A = arith.constant 0 : i32
    %add3A_8 = arith.addi %mul3A_7, %add3A : i32
    %run_scoped3A = arith.constant 0 : i32
    "tpu.region"() ({
      %run_scoped3A_150 = tpu.sem_alloc : memref<!tpu.dma_semaphore, #tpu.memory_space<semaphore_mem>>
      %dma_start3A_151 = arith.constant 0 : i32
      %dma_start3A_152 = arith.constant 0 : i32
      %dma_start3A_153 = tpu.memref_slice %arg8[%run_scoped3A, %dma_start3A_151, %dma_start3A_152] : memref<4x128x128xbf16, #tpu.memory_space<vmem>> -> memref<1x128x128xbf16, #tpu.memory_space<vmem>>
      %dma_start3A_154 = tpu.memref_squeeze %dma_start3A_153 : memref<1x128x128xbf16, #tpu.memory_space<vmem>> -> memref<128x128xbf16, #tpu.memory_space<vmem>>
      %dma_start3A_155 = arith.constant 0 : i32
      %dma_start3A_156 = tpu.memref_slice %arg9[%add3A_8, %dma_start3A_155] : memref<10016x128xbf16, #tpu.memory_space<vmem_shared>> -> memref<128x128xbf16, #tpu.memory_space<vmem_shared>>
      %dma_start3A_157 = arith.constant 0 : i32
      %dma_start3A_158 = tpu.memref_slice %arg9[%add3A_8, %dma_start3A_157] : memref<10016x128xbf16, #tpu.memory_space<vmem_shared>> -> memref<128x128xbf16, #tpu.memory_space<vmem_shared>>
      %dma_start3A_159 = arith.constant 0 : i32
      %dma_start3A_160 = arith.constant 0 : i32
      %dma_start3A_161 = tpu.memref_slice %arg8[%run_scoped3A, %dma_start3A_159, %dma_start3A_160] : memref<4x128x128xbf16, #tpu.memory_space<vmem>> -> memref<1x128x128xbf16, #tpu.memory_space<vmem>>
      %dma_start3A_162 = tpu.memref_squeeze %dma_start3A_161 : memref<1x128x128xbf16, #tpu.memory_space<vmem>> -> memref<128x128xbf16, #tpu.memory_space<vmem>>
      tpu.enqueue_dma source(%dma_start3A_162 : memref<128x128xbf16, #tpu.memory_space<vmem>>) target(%dma_start3A_158 : memref<128x128xbf16, #tpu.memory_space<vmem_shared>>) target_semaphore(%run_scoped3A_150 : memref<!tpu.dma_semaphore, #tpu.memory_space<semaphore_mem>>)
      %dma_wait3A_163 = arith.constant 0 : i32
      %dma_wait3A_164 = arith.constant 0 : i32
      %dma_wait3A_165 = tpu.memref_slice %arg8[%run_scoped3A, %dma_wait3A_163, %dma_wait3A_164] : memref<4x128x128xbf16, #tpu.memory_space<vmem>> -> memref<1x128x128xbf16, #tpu.memory_space<vmem>>
      %dma_wait3A_166 = tpu.memref_squeeze %dma_wait3A_165 : memref<1x128x128xbf16, #tpu.memory_space<vmem>> -> memref<128x128xbf16, #tpu.memory_space<vmem>>
      %dma_wait3A_167 = arith.constant 0 : i32
      %dma_wait3A_168 = tpu.memref_slice %arg9[%add3A_8, %dma_wait3A_167] : memref<10016x128xbf16, #tpu.memory_space<vmem_shared>> -> memref<128x128xbf16, #tpu.memory_space<vmem_shared>>
      %dma_wait3A_169 = arith.constant 0 : i32
      %dma_wait3A_170 = tpu.memref_slice %arg9[%add3A_8, %dma_wait3A_169] : memref<10016x128xbf16, #tpu.memory_space<vmem_shared>> -> memref<128x128xbf16, #tpu.memory_space<vmem_shared>>
      %dma_wait3A_171 = arith.constant 0 : i32
      %dma_wait3A_172 = arith.constant 0 : i32
      %dma_wait3A_173 = tpu.memref_slice %arg8[%run_scoped3A, %dma_wait3A_171, %dma_wait3A_172] : memref<4x128x128xbf16, #tpu.memory_space<vmem>> -> memref<1x128x128xbf16, #tpu.memory_space<vmem>>
      %dma_wait3A_174 = tpu.memref_squeeze %dma_wait3A_173 : memref<1x128x128xbf16, #tpu.memory_space<vmem>> -> memref<128x128xbf16, #tpu.memory_space<vmem>>
      tpu.wait_dma2 semaphore(%run_scoped3A_150 : memref<!tpu.dma_semaphore, #tpu.memory_space<semaphore_mem>>) src(%dma_wait3A_174 : memref<128x128xbf16, #tpu.memory_space<vmem>>) dst(%dma_wait3A_170 : memref<128x128xbf16, #tpu.memory_space<vmem_shared>>)
      tpu.yield
    }) : () -> ()
    %mul3A_9 = arith.constant 626 : i32
    %mul3A_10 = arith.muli %arg1, %mul3A_9 : i32
    %add3A_11 = arith.constant 128 : i32
    %add3A_12 = arith.addi %mul3A_10, %add3A_11 : i32
    %run_scoped3A_13 = arith.constant 0 : i32
    "tpu.region"() ({
      %run_scoped3A_150 = tpu.sem_alloc : memref<!tpu.dma_semaphore, #tpu.memory_space<semaphore_mem>>
      %dma_start3A_151 = arith.constant 0 : i32
      %dma_start3A_152 = arith.constant 0 : i32
      %dma_start3A_153 = tpu.memref_slice %arg8[%run_scoped3A_13, %dma_start3A_151, %dma_start3A_152] : memref<4x128x128xbf16, #tpu.memory_space<vmem>> -> memref<1x128x128xbf16, #tpu.memory_space<vmem>>
      %dma_start3A_154 = tpu.memref_squeeze %dma_start3A_153 : memref<1x128x128xbf16, #tpu.memory_space<vmem>> -> memref<128x128xbf16, #tpu.memory_space<vmem>>
      %dma_start3A_155 = arith.constant 0 : i32
      %dma_start3A_156 = tpu.memref_slice %arg9[%add3A_12, %dma_start3A_155] : memref<10016x128xbf16, #tpu.memory_space<vmem_shared>> -> memref<128x128xbf16, #tpu.memory_space<vmem_shared>>
      %dma_start3A_157 = arith.constant 0 : i32
      %dma_start3A_158 = tpu.memref_slice %arg9[%add3A_12, %dma_start3A_157] : memref<10016x128xbf16, #tpu.memory_space<vmem_shared>> -> memref<128x128xbf16, #tpu.memory_space<vmem_shared>>
      %dma_start3A_159 = arith.constant 0 : i32
      %dma_start3A_160 = arith.constant 0 : i32
      %dma_start3A_161 = tpu.memref_slice %arg8[%run_scoped3A_13, %dma_start3A_159, %dma_start3A_160] : memref<4x128x128xbf16, #tpu.memory_space<vmem>> -> memref<1x128x128xbf16, #tpu.memory_space<vmem>>
      %dma_start3A_162 = tpu.memref_squeeze %dma_start3A_161 : memref<1x128x128xbf16, #tpu.memory_space<vmem>> -> memref<128x128xbf16, #tpu.memory_space<vmem>>
      tpu.enqueue_dma source(%dma_start3A_162 : memref<128x128xbf16, #tpu.memory_space<vmem>>) target(%dma_start3A_158 : memref<128x128xbf16, #tpu.memory_space<vmem_shared>>) target_semaphore(%run_scoped3A_150 : memref<!tpu.dma_semaphore, #tpu.memory_space<semaphore_mem>>)
      %dma_wait3A_163 = arith.constant 0 : i32
      %dma_wait3A_164 = arith.constant 0 : i32
      %dma_wait3A_165 = tpu.memref_slice %arg8[%run_scoped3A_13, %dma_wait3A_163, %dma_wait3A_164] : memref<4x128x128xbf16, #tpu.memory_space<vmem>> -> memref<1x128x128xbf16, #tpu.memory_space<vmem>>
      %dma_wait3A_166 = tpu.memref_squeeze %dma_wait3A_165 : memref<1x128x128xbf16, #tpu.memory_space<vmem>> -> memref<128x128xbf16, #tpu.memory_space<vmem>>
      %dma_wait3A_167 = arith.constant 0 : i32
      %dma_wait3A_168 = tpu.memref_slice %arg9[%add3A_12, %dma_wait3A_167] : memref<10016x128xbf16, #tpu.memory_space<vmem_shared>> -> memref<128x128xbf16, #tpu.memory_space<vmem_shared>>
      %dma_wait3A_169 = arith.constant 0 : i32
      %dma_wait3A_170 = tpu.memref_slice %arg9[%add3A_12, %dma_wait3A_169] : memref<10016x128xbf16, #tpu.memory_space<vmem_shared>> -> memref<128x128xbf16, #tpu.memory_space<vmem_shared>>
      %dma_wait3A_171 = arith.constant 0 : i32
      %dma_wait3A_172 = arith.constant 0 : i32
      %dma_wait3A_173 = tpu.memref_slice %arg8[%run_scoped3A_13, %dma_wait3A_171, %dma_wait3A_172] : memref<4x128x128xbf16, #tpu.memory_space<vmem>> -> memref<1x128x128xbf16, #tpu.memory_space<vmem>>
      %dma_wait3A_174 = tpu.memref_squeeze %dma_wait3A_173 : memref<1x128x128xbf16, #tpu.memory_space<vmem>> -> memref<128x128xbf16, #tpu.memory_space<vmem>>
      tpu.wait_dma2 semaphore(%run_scoped3A_150 : memref<!tpu.dma_semaphore, #tpu.memory_space<semaphore_mem>>) src(%dma_wait3A_174 : memref<128x128xbf16, #tpu.memory_space<vmem>>) dst(%dma_wait3A_170 : memref<128x128xbf16, #tpu.memory_space<vmem_shared>>)
      tpu.yield
    }) : () -> ()
    %mul3A_14 = arith.constant 626 : i32
    %mul3A_15 = arith.muli %arg1, %mul3A_14 : i32
    %add3A_16 = arith.constant 256 : i32
    %add3A_17 = arith.addi %mul3A_15, %add3A_16 : i32
    %run_scoped3A_18 = arith.constant 0 : i32
    "tpu.region"() ({
      %run_scoped3A_150 = tpu.sem_alloc : memref<!tpu.dma_semaphore, #tpu.memory_space<semaphore_mem>>
      %dma_start3A_151 = arith.constant 0 : i32
      %dma_start3A_152 = arith.constant 0 : i32
      %dma_start3A_153 = tpu.memref_slice %arg8[%run_scoped3A_18, %dma_start3A_151, %dma_start3A_152] : memref<4x128x128xbf16, #tpu.memory_space<vmem>> -> memref<1x128x128xbf16, #tpu.memory_space<vmem>>
      %dma_start3A_154 = tpu.memref_squeeze %dma_start3A_153 : memref<1x128x128xbf16, #tpu.memory_space<vmem>> -> memref<128x128xbf16, #tpu.memory_space<vmem>>
      %dma_start3A_155 = arith.constant 0 : i32
      %dma_start3A_156 = tpu.memref_slice %arg9[%add3A_17, %dma_start3A_155] : memref<10016x128xbf16, #tpu.memory_space<vmem_shared>> -> memref<128x128xbf16, #tpu.memory_space<vmem_shared>>
      %dma_start3A_157 = arith.constant 0 : i32
      %dma_start3A_158 = tpu.memref_slice %arg9[%add3A_17, %dma_start3A_157] : memref<10016x128xbf16, #tpu.memory_space<vmem_shared>> -> memref<128x128xbf16, #tpu.memory_space<vmem_shared>>
      %dma_start3A_159 = arith.constant 0 : i32
      %dma_start3A_160 = arith.constant 0 : i32
      %dma_start3A_161 = tpu.memref_slice %arg8[%run_scoped3A_18, %dma_start3A_159, %dma_start3A_160] : memref<4x128x128xbf16, #tpu.memory_space<vmem>> -> memref<1x128x128xbf16, #tpu.memory_space<vmem>>
      %dma_start3A_162 = tpu.memref_squeeze %dma_start3A_161 : memref<1x128x128xbf16, #tpu.memory_space<vmem>> -> memref<128x128xbf16, #tpu.memory_space<vmem>>
      tpu.enqueue_dma source(%dma_start3A_162 : memref<128x128xbf16, #tpu.memory_space<vmem>>) target(%dma_start3A_158 : memref<128x128xbf16, #tpu.memory_space<vmem_shared>>) target_semaphore(%run_scoped3A_150 : memref<!tpu.dma_semaphore, #tpu.memory_space<semaphore_mem>>)
      %dma_wait3A_163 = arith.constant 0 : i32
      %dma_wait3A_164 = arith.constant 0 : i32
      %dma_wait3A_165 = tpu.memref_slice %arg8[%run_scoped3A_18, %dma_wait3A_163, %dma_wait3A_164] : memref<4x128x128xbf16, #tpu.memory_space<vmem>> -> memref<1x128x128xbf16, #tpu.memory_space<vmem>>
      %dma_wait3A_166 = tpu.memref_squeeze %dma_wait3A_165 : memref<1x128x128xbf16, #tpu.memory_space<vmem>> -> memref<128x128xbf16, #tpu.memory_space<vmem>>
      %dma_wait3A_167 = arith.constant 0 : i32
      %dma_wait3A_168 = tpu.memref_slice %arg9[%add3A_17, %dma_wait3A_167] : memref<10016x128xbf16, #tpu.memory_space<vmem_shared>> -> memref<128x128xbf16, #tpu.memory_space<vmem_shared>>
      %dma_wait3A_169 = arith.constant 0 : i32
      %dma_wait3A_170 = tpu.memref_slice %arg9[%add3A_17, %dma_wait3A_169] : memref<10016x128xbf16, #tpu.memory_space<vmem_shared>> -> memref<128x128xbf16, #tpu.memory_space<vmem_shared>>
      %dma_wait3A_171 = arith.constant 0 : i32
      %dma_wait3A_172 = arith.constant 0 : i32
      %dma_wait3A_173 = tpu.memref_slice %arg8[%run_scoped3A_18, %dma_wait3A_171, %dma_wait3A_172] : memref<4x128x128xbf16, #tpu.memory_space<vmem>> -> memref<1x128x128xbf16, #tpu.memory_space<vmem>>
      %dma_wait3A_174 = tpu.memref_squeeze %dma_wait3A_173 : memref<1x128x128xbf16, #tpu.memory_space<vmem>> -> memref<128x128xbf16, #tpu.memory_space<vmem>>
      tpu.wait_dma2 semaphore(%run_scoped3A_150 : memref<!tpu.dma_semaphore, #tpu.memory_space<semaphore_mem>>) src(%dma_wait3A_174 : memref<128x128xbf16, #tpu.memory_space<vmem>>) dst(%dma_wait3A_170 : memref<128x128xbf16, #tpu.memory_space<vmem_shared>>)
      tpu.yield
    }) : () -> ()
    %mul3A_19 = arith.constant 626 : i32
    %mul3A_20 = arith.muli %arg1, %mul3A_19 : i32
    %add3A_21 = arith.constant 384 : i32
    %add3A_22 = arith.addi %mul3A_20, %add3A_21 : i32
    %run_scoped3A_23 = arith.constant 0 : i32
    "tpu.region"() ({
      %run_scoped3A_150 = tpu.sem_alloc : memref<!tpu.dma_semaphore, #tpu.memory_space<semaphore_mem>>
      %dma_start3A_151 = arith.constant 0 : i32
      %dma_start3A_152 = arith.constant 0 : i32
      %dma_start3A_153 = tpu.memref_slice %arg8[%run_scoped3A_23, %dma_start3A_151, %dma_start3A_152] : memref<4x128x128xbf16, #tpu.memory_space<vmem>> -> memref<1x128x128xbf16, #tpu.memory_space<vmem>>
      %dma_start3A_154 = tpu.memref_squeeze %dma_start3A_153 : memref<1x128x128xbf16, #tpu.memory_space<vmem>> -> memref<128x128xbf16, #tpu.memory_space<vmem>>
      %dma_start3A_155 = arith.constant 0 : i32
      %dma_start3A_156 = tpu.memref_slice %arg9[%add3A_22, %dma_start3A_155] : memref<10016x128xbf16, #tpu.memory_space<vmem_shared>> -> memref<128x128xbf16, #tpu.memory_space<vmem_shared>>
      %dma_start3A_157 = arith.constant 0 : i32
      %dma_start3A_158 = tpu.memref_slice %arg9[%add3A_22, %dma_start3A_157] : memref<10016x128xbf16, #tpu.memory_space<vmem_shared>> -> memref<128x128xbf16, #tpu.memory_space<vmem_shared>>
      %dma_start3A_159 = arith.constant 0 : i32
      %dma_start3A_160 = arith.constant 0 : i32
      %dma_start3A_161 = tpu.memref_slice %arg8[%run_scoped3A_23, %dma_start3A_159, %dma_start3A_160] : memref<4x128x128xbf16, #tpu.memory_space<vmem>> -> memref<1x128x128xbf16, #tpu.memory_space<vmem>>
      %dma_start3A_162 = tpu.memref_squeeze %dma_start3A_161 : memref<1x128x128xbf16, #tpu.memory_space<vmem>> -> memref<128x128xbf16, #tpu.memory_space<vmem>>
      tpu.enqueue_dma source(%dma_start3A_162 : memref<128x128xbf16, #tpu.memory_space<vmem>>) target(%dma_start3A_158 : memref<128x128xbf16, #tpu.memory_space<vmem_shared>>) target_semaphore(%run_scoped3A_150 : memref<!tpu.dma_semaphore, #tpu.memory_space<semaphore_mem>>)
      %dma_wait3A_163 = arith.constant 0 : i32
      %dma_wait3A_164 = arith.constant 0 : i32
      %dma_wait3A_165 = tpu.memref_slice %arg8[%run_scoped3A_23, %dma_wait3A_163, %dma_wait3A_164] : memref<4x128x128xbf16, #tpu.memory_space<vmem>> -> memref<1x128x128xbf16, #tpu.memory_space<vmem>>
      %dma_wait3A_166 = tpu.memref_squeeze %dma_wait3A_165 : memref<1x128x128xbf16, #tpu.memory_space<vmem>> -> memref<128x128xbf16, #tpu.memory_space<vmem>>
      %dma_wait3A_167 = arith.constant 0 : i32
      %dma_wait3A_168 = tpu.memref_slice %arg9[%add3A_22, %dma_wait3A_167] : memref<10016x128xbf16, #tpu.memory_space<vmem_shared>> -> memref<128x128xbf16, #tpu.memory_space<vmem_shared>>
      %dma_wait3A_169 = arith.constant 0 : i32
      %dma_wait3A_170 = tpu.memref_slice %arg9[%add3A_22, %dma_wait3A_169] : memref<10016x128xbf16, #tpu.memory_space<vmem_shared>> -> memref<128x128xbf16, #tpu.memory_space<vmem_shared>>
      %dma_wait3A_171 = arith.constant 0 : i32
      %dma_wait3A_172 = arith.constant 0 : i32
      %dma_wait3A_173 = tpu.memref_slice %arg8[%run_scoped3A_23, %dma_wait3A_171, %dma_wait3A_172] : memref<4x128x128xbf16, #tpu.memory_space<vmem>> -> memref<1x128x128xbf16, #tpu.memory_space<vmem>>
      %dma_wait3A_174 = tpu.memref_squeeze %dma_wait3A_173 : memref<1x128x128xbf16, #tpu.memory_space<vmem>> -> memref<128x128xbf16, #tpu.memory_space<vmem>>
      tpu.wait_dma2 semaphore(%run_scoped3A_150 : memref<!tpu.dma_semaphore, #tpu.memory_space<semaphore_mem>>) src(%dma_wait3A_174 : memref<128x128xbf16, #tpu.memory_space<vmem>>) dst(%dma_wait3A_170 : memref<128x128xbf16, #tpu.memory_space<vmem_shared>>)
      tpu.yield
    }) : () -> ()
    %mul3A_24 = arith.constant 626 : i32
    %mul3A_25 = arith.muli %arg1, %mul3A_24 : i32
    %add3A_26 = arith.constant 512 : i32
    %add3A_27 = arith.addi %mul3A_25, %add3A_26 : i32
    %run_scoped3A_28 = arith.constant 0 : i32
    "tpu.region"() ({
      %run_scoped3A_150 = tpu.sem_alloc : memref<!tpu.dma_semaphore, #tpu.memory_space<semaphore_mem>>
      %dma_start3A_151 = arith.constant 0 : i32
      %dma_start3A_152 = arith.constant 0 : i32
      %dma_start3A_153 = tpu.memref_slice %arg8[%run_scoped3A_28, %dma_start3A_151, %dma_start3A_152] : memref<4x128x128xbf16, #tpu.memory_space<vmem>> -> memref<1x114x128xbf16, #tpu.memory_space<vmem>>
      %dma_start3A_154 = tpu.memref_squeeze %dma_start3A_153 : memref<1x114x128xbf16, #tpu.memory_space<vmem>> -> memref<114x128xbf16, #tpu.memory_space<vmem>>
      %dma_start3A_155 = arith.constant 0 : i32
      %dma_start3A_156 = tpu.memref_slice %arg9[%add3A_27, %dma_start3A_155] : memref<10016x128xbf16, #tpu.memory_space<vmem_shared>> -> memref<114x128xbf16, #tpu.memory_space<vmem_shared>>
      %dma_start3A_157 = arith.constant 0 : i32
      %dma_start3A_158 = tpu.memref_slice %arg9[%add3A_27, %dma_start3A_157] : memref<10016x128xbf16, #tpu.memory_space<vmem_shared>> -> memref<114x128xbf16, #tpu.memory_space<vmem_shared>>
      %dma_start3A_159 = arith.constant 0 : i32
      %dma_start3A_160 = arith.constant 0 : i32
      %dma_start3A_161 = tpu.memref_slice %arg8[%run_scoped3A_28, %dma_start3A_159, %dma_start3A_160] : memref<4x128x128xbf16, #tpu.memory_space<vmem>> -> memref<1x114x128xbf16, #tpu.memory_space<vmem>>
      %dma_start3A_162 = tpu.memref_squeeze %dma_start3A_161 : memref<1x114x128xbf16, #tpu.memory_space<vmem>> -> memref<114x128xbf16, #tpu.memory_space<vmem>>
      tpu.enqueue_dma source(%dma_start3A_162 : memref<114x128xbf16, #tpu.memory_space<vmem>>) target(%dma_start3A_158 : memref<114x128xbf16, #tpu.memory_space<vmem_shared>>) target_semaphore(%run_scoped3A_150 : memref<!tpu.dma_semaphore, #tpu.memory_space<semaphore_mem>>)
      %dma_wait3A_163 = arith.constant 0 : i32
      %dma_wait3A_164 = arith.constant 0 : i32
      %dma_wait3A_165 = tpu.memref_slice %arg8[%run_scoped3A_28, %dma_wait3A_163, %dma_wait3A_164] : memref<4x128x128xbf16, #tpu.memory_space<vmem>> -> memref<1x114x128xbf16, #tpu.memory_space<vmem>>
      %dma_wait3A_166 = tpu.memref_squeeze %dma_wait3A_165 : memref<1x114x128xbf16, #tpu.memory_space<vmem>> -> memref<114x128xbf16, #tpu.memory_space<vmem>>
      %dma_wait3A_167 = arith.constant 0 : i32
      %dma_wait3A_168 = tpu.memref_slice %arg9[%add3A_27, %dma_wait3A_167] : memref<10016x128xbf16, #tpu.memory_space<vmem_shared>> -> memref<114x128xbf16, #tpu.memory_space<vmem_shared>>
      %dma_wait3A_169 = arith.constant 0 : i32
      %dma_wait3A_170 = tpu.memref_slice %arg9[%add3A_27, %dma_wait3A_169] : memref<10016x128xbf16, #tpu.memory_space<vmem_shared>> -> memref<114x128xbf16, #tpu.memory_space<vmem_shared>>
      %dma_wait3A_171 = arith.constant 0 : i32
      %dma_wait3A_172 = arith.constant 0 : i32
      %dma_wait3A_173 = tpu.memref_slice %arg8[%run_scoped3A_28, %dma_wait3A_171, %dma_wait3A_172] : memref<4x128x128xbf16, #tpu.memory_space<vmem>> -> memref<1x114x128xbf16, #tpu.memory_space<vmem>>
      %dma_wait3A_174 = tpu.memref_squeeze %dma_wait3A_173 : memref<1x114x128xbf16, #tpu.memory_space<vmem>> -> memref<114x128xbf16, #tpu.memory_space<vmem>>
      tpu.wait_dma2 semaphore(%run_scoped3A_150 : memref<!tpu.dma_semaphore, #tpu.memory_space<semaphore_mem>>) src(%dma_wait3A_174 : memref<114x128xbf16, #tpu.memory_space<vmem>>) dst(%dma_wait3A_170 : memref<114x128xbf16, #tpu.memory_space<vmem_shared>>)
      tpu.yield
    }) : () -> ()
    %barrier3A = arith.constant 0 : index
    tpu.barrier barrier_id(%barrier3A)
    "tpu.region"() ({
      %run_scoped3A_150 = tpu.sem_alloc : memref<!tpu.dma_semaphore, #tpu.memory_space<semaphore_mem>>
      %dma_start3A_151 = arith.constant 0 : i32
      %dma_start3A_152 = arith.constant 0 : i32
      %dma_start3A_153 = tpu.memref_slice %arg3[%arg1, %dma_start3A_151, %dma_start3A_152] : memref<16x80x128xi32, #tpu.memory_space<hbm>> -> memref<1x40x128xi32, #tpu.memory_space<hbm>>
      %dma_start3A_154 = tpu.memref_squeeze %dma_start3A_153 : memref<1x40x128xi32, #tpu.memory_space<hbm>> -> memref<40x128xi32, #tpu.memory_space<hbm>>
      %dma_start3A_155 = arith.constant 0 : i32
      %dma_start3A_156 = arith.constant 0 : i32
      %dma_start3A_157 = tpu.memref_slice %arg3[%arg1, %dma_start3A_155, %dma_start3A_156] : memref<16x80x128xi32, #tpu.memory_space<hbm>> -> memref<1x40x128xi32, #tpu.memory_space<hbm>>
      %dma_start3A_158 = tpu.memref_squeeze %dma_start3A_157 : memref<1x40x128xi32, #tpu.memory_space<hbm>> -> memref<40x128xi32, #tpu.memory_space<hbm>>
      tpu.enqueue_dma source(%dma_start3A_158 : memref<40x128xi32, #tpu.memory_space<hbm>>) target(%arg7 : memref<40x128xi32, #tpu.memory_space<vmem>>) target_semaphore(%run_scoped3A_150 : memref<!tpu.dma_semaphore, #tpu.memory_space<semaphore_mem>>)
      %dma_wait3A_159 = arith.constant 0 : i32
      %dma_wait3A_160 = arith.constant 0 : i32
      %dma_wait3A_161 = tpu.memref_slice %arg3[%arg1, %dma_wait3A_159, %dma_wait3A_160] : memref<16x80x128xi32, #tpu.memory_space<hbm>> -> memref<1x40x128xi32, #tpu.memory_space<hbm>>
      %dma_wait3A_162 = tpu.memref_squeeze %dma_wait3A_161 : memref<1x40x128xi32, #tpu.memory_space<hbm>> -> memref<40x128xi32, #tpu.memory_space<hbm>>
      %dma_wait3A_163 = arith.constant 0 : i32
      %dma_wait3A_164 = arith.constant 0 : i32
      %dma_wait3A_165 = tpu.memref_slice %arg3[%arg1, %dma_wait3A_163, %dma_wait3A_164] : memref<16x80x128xi32, #tpu.memory_space<hbm>> -> memref<1x40x128xi32, #tpu.memory_space<hbm>>
      %dma_wait3A_166 = tpu.memref_squeeze %dma_wait3A_165 : memref<1x40x128xi32, #tpu.memory_space<hbm>> -> memref<40x128xi32, #tpu.memory_space<hbm>>
      tpu.wait_dma2 semaphore(%run_scoped3A_150 : memref<!tpu.dma_semaphore, #tpu.memory_space<semaphore_mem>>) src(%dma_wait3A_166 : memref<40x128xi32, #tpu.memory_space<hbm>>) dst(%arg7 : memref<40x128xi32, #tpu.memory_space<vmem>>)
      tpu.yield
    }) : () -> ()
    "tpu.region"() ({
      %run_scoped3A_150 = tpu.sem_alloc : memref<!tpu.dma_semaphore, #tpu.memory_space<semaphore_mem>>
      %dma_start3A_151 = arith.constant 0 : i32
      %dma_start3A_152 = arith.constant 0 : i32
      %dma_start3A_153 = tpu.memref_slice %arg4[%arg1, %dma_start3A_151, %dma_start3A_152] : memref<16x80x128xi32, #tpu.memory_space<hbm>> -> memref<1x40x128xi32, #tpu.memory_space<hbm>>
      %dma_start3A_154 = tpu.memref_squeeze %dma_start3A_153 : memref<1x40x128xi32, #tpu.memory_space<hbm>> -> memref<40x128xi32, #tpu.memory_space<hbm>>
      %dma_start3A_155 = arith.constant 0 : i32
      %dma_start3A_156 = arith.constant 0 : i32
      %dma_start3A_157 = tpu.memref_slice %arg4[%arg1, %dma_start3A_155, %dma_start3A_156] : memref<16x80x128xi32, #tpu.memory_space<hbm>> -> memref<1x40x128xi32, #tpu.memory_space<hbm>>
      %dma_start3A_158 = tpu.memref_squeeze %dma_start3A_157 : memref<1x40x128xi32, #tpu.memory_space<hbm>> -> memref<40x128xi32, #tpu.memory_space<hbm>>
      tpu.enqueue_dma source(%dma_start3A_158 : memref<40x128xi32, #tpu.memory_space<hbm>>) target(%arg6 : memref<40x128xi32, #tpu.memory_space<vmem>>) target_semaphore(%run_scoped3A_150 : memref<!tpu.dma_semaphore, #tpu.memory_space<semaphore_mem>>)
      %dma_wait3A_159 = arith.constant 0 : i32
      %dma_wait3A_160 = arith.constant 0 : i32
      %dma_wait3A_161 = tpu.memref_slice %arg4[%arg1, %dma_wait3A_159, %dma_wait3A_160] : memref<16x80x128xi32, #tpu.memory_space<hbm>> -> memref<1x40x128xi32, #tpu.memory_space<hbm>>
      %dma_wait3A_162 = tpu.memref_squeeze %dma_wait3A_161 : memref<1x40x128xi32, #tpu.memory_space<hbm>> -> memref<40x128xi32, #tpu.memory_space<hbm>>
      %dma_wait3A_163 = arith.constant 0 : i32
      %dma_wait3A_164 = arith.constant 0 : i32
      %dma_wait3A_165 = tpu.memref_slice %arg4[%arg1, %dma_wait3A_163, %dma_wait3A_164] : memref<16x80x128xi32, #tpu.memory_space<hbm>> -> memref<1x40x128xi32, #tpu.memory_space<hbm>>
      %dma_wait3A_166 = tpu.memref_squeeze %dma_wait3A_165 : memref<1x40x128xi32, #tpu.memory_space<hbm>> -> memref<40x128xi32, #tpu.memory_space<hbm>>
      tpu.wait_dma2 semaphore(%run_scoped3A_150 : memref<!tpu.dma_semaphore, #tpu.memory_space<semaphore_mem>>) src(%dma_wait3A_166 : memref<40x128xi32, #tpu.memory_space<hbm>>) dst(%arg6 : memref<40x128xi32, #tpu.memory_space<vmem>>)
      tpu.yield
    }) : () -> ()
    %scan3A_29 = arith.constant 0 : i32
    %scan3A_30 = arith.constant 0 : i32
    %scan3A_31 = arith.constant 40 : i32
    %scan3A_32 = arith.addi %scan3A_30, %scan3A_31 : i32
    %scan3A_33 = arith.constant 1 : i32
    scf.for %scan3A_150 = %scan3A_30 to %scan3A_32 step %scan3A_33  : i32 {
      %get3A = arith.index_cast %scan3A_150 : i32 to index
      %get3A_151 = arith.constant 0 : index
      %get3A_152 = tpu.vector_load %arg7[%get3A, %get3A_151] {strides = array<i32>} : memref<40x128xi32, #tpu.memory_space<vmem>>, vector<1x16xi32>,
      %get3A_153 = vector.shape_cast %get3A_152 : vector<1x16xi32> to vector<16xi32>
      %add3A_154 = vector.broadcast %mul3A_0 : i32 to vector<16xi32>
      %add3A_155 = arith.addi %get3A_153, %add3A_154 : vector<16xi32>
      %swap3A = arith.index_cast %scan3A_150 : i32 to index
      %swap3A_156 = arith.constant 0 : index
      %swap3A_157 = tpu.vector_load %arg7[%swap3A, %swap3A_156] {strides = array<i32>} : memref<40x128xi32, #tpu.memory_space<vmem>>, vector<1x16xi32>,
      %swap3A_158 = vector.shape_cast %swap3A_157 : vector<1x16xi32> to vector<16xi32>
      %swap3A_159 = vector.shape_cast %add3A_155 : vector<16xi32> to vector<1x16xi32>
      tpu.vector_store %arg7[%swap3A, %swap3A_156], %swap3A_159 {strides = array<i32>} : memref<40x128xi32, #tpu.memory_space<vmem>>, vector<1x16xi32>,
      %get3A_160 = arith.index_cast %scan3A_150 : i32 to index
      %get3A_161 = arith.constant 16 : index
      %get3A_162 = tpu.vector_load %arg7[%get3A_160, %get3A_161] {strides = array<i32>} : memref<40x128xi32, #tpu.memory_space<vmem>>, vector<1x16xi32>,
      %get3A_163 = vector.shape_cast %get3A_162 : vector<1x16xi32> to vector<16xi32>
      %add3A_164 = vector.broadcast %mul3A_0 : i32 to vector<16xi32>
      %add3A_165 = arith.addi %get3A_163, %add3A_164 : vector<16xi32>
      %swap3A_166 = arith.index_cast %scan3A_150 : i32 to index
      %swap3A_167 = arith.constant 16 : index
      %swap3A_168 = tpu.vector_load %arg7[%swap3A_166, %swap3A_167] {strides = array<i32>} : memref<40x128xi32, #tpu.memory_space<vmem>>, vector<1x16xi32>,
      %swap3A_169 = vector.shape_cast %swap3A_168 : vector<1x16xi32> to vector<16xi32>
      %swap3A_170 = vector.shape_cast %add3A_165 : vector<16xi32> to vector<1x16xi32>
      tpu.vector_store %arg7[%swap3A_166, %swap3A_167], %swap3A_170 {strides = array<i32>} : memref<40x128xi32, #tpu.memory_space<vmem>>, vector<1x16xi32>,
      %get3A_171 = arith.index_cast %scan3A_150 : i32 to index
      %get3A_172 = arith.constant 32 : index
      %get3A_173 = tpu.vector_load %arg7[%get3A_171, %get3A_172] {strides = array<i32>} : memref<40x128xi32, #tpu.memory_space<vmem>>, vector<1x16xi32>,
      %get3A_174 = vector.shape_cast %get3A_173 : vector<1x16xi32> to vector<16xi32>
      %add3A_175 = vector.broadcast %mul3A_0 : i32 to vector<16xi32>
      %add3A_176 = arith.addi %get3A_174, %add3A_175 : vector<16xi32>
      %swap3A_177 = arith.index_cast %scan3A_150 : i32 to index
      %swap3A_178 = arith.constant 32 : index
      %swap3A_179 = tpu.vector_load %arg7[%swap3A_177, %swap3A_178] {strides = array<i32>} : memref<40x128xi32, #tpu.memory_space<vmem>>, vector<1x16xi32>,
      %swap3A_180 = vector.shape_cast %swap3A_179 : vector<1x16xi32> to vector<16xi32>
      %swap3A_181 = vector.shape_cast %add3A_176 : vector<16xi32> to vector<1x16xi32>
      tpu.vector_store %arg7[%swap3A_177, %swap3A_178], %swap3A_181 {strides = array<i32>} : memref<40x128xi32, #tpu.memory_space<vmem>>, vector<1x16xi32>,
      %get3A_182 = arith.index_cast %scan3A_150 : i32 to index
      %get3A_183 = arith.constant 48 : index
      %get3A_184 = tpu.vector_load %arg7[%get3A_182, %get3A_183] {strides = array<i32>} : memref<40x128xi32, #tpu.memory_space<vmem>>, vector<1x16xi32>,
      %get3A_185 = vector.shape_cast %get3A_184 : vector<1x16xi32> to vector<16xi32>
      %add3A_186 = vector.broadcast %mul3A_0 : i32 to vector<16xi32>
      %add3A_187 = arith.addi %get3A_185, %add3A_186 : vector<16xi32>
      %swap3A_188 = arith.index_cast %scan3A_150 : i32 to index
      %swap3A_189 = arith.constant 48 : index
      %swap3A_190 = tpu.vector_load %arg7[%swap3A_188, %swap3A_189] {strides = array<i32>} : memref<40x128xi32, #tpu.memory_space<vmem>>, vector<1x16xi32>,
      %swap3A_191 = vector.shape_cast %swap3A_190 : vector<1x16xi32> to vector<16xi32>
      %swap3A_192 = vector.shape_cast %add3A_187 : vector<16xi32> to vector<1x16xi32>
      tpu.vector_store %arg7[%swap3A_188, %swap3A_189], %swap3A_192 {strides = array<i32>} : memref<40x128xi32, #tpu.memory_space<vmem>>, vector<1x16xi32>,
      %get3A_193 = arith.index_cast %scan3A_150 : i32 to index
      %get3A_194 = arith.constant 64 : index
      %get3A_195 = tpu.vector_load %arg7[%get3A_193, %get3A_194] {strides = array<i32>} : memref<40x128xi32, #tpu.memory_space<vmem>>, vector<1x16xi32>,
      %get3A_196 = vector.shape_cast %get3A_195 : vector<1x16xi32> to vector<16xi32>
      %add3A_197 = vector.broadcast %mul3A_0 : i32 to vector<16xi32>
      %add3A_198 = arith.addi %get3A_196, %add3A_197 : vector<16xi32>
      %swap3A_199 = arith.index_cast %scan3A_150 : i32 to index
      %swap3A_200 = arith.constant 64 : index
      %swap3A_201 = tpu.vector_load %arg7[%swap3A_199, %swap3A_200] {strides = array<i32>} : memref<40x128xi32, #tpu.memory_space<vmem>>, vector<1x16xi32>,
      %swap3A_202 = vector.shape_cast %swap3A_201 : vector<1x16xi32> to vector<16xi32>
      %swap3A_203 = vector.shape_cast %add3A_198 : vector<16xi32> to vector<1x16xi32>
      tpu.vector_store %arg7[%swap3A_199, %swap3A_200], %swap3A_203 {strides = array<i32>} : memref<40x128xi32, #tpu.memory_space<vmem>>, vector<1x16xi32>,
      %get3A_204 = arith.index_cast %scan3A_150 : i32 to index
      %get3A_205 = arith.constant 80 : index
      %get3A_206 = tpu.vector_load %arg7[%get3A_204, %get3A_205] {strides = array<i32>} : memref<40x128xi32, #tpu.memory_space<vmem>>, vector<1x16xi32>,
      %get3A_207 = vector.shape_cast %get3A_206 : vector<1x16xi32> to vector<16xi32>
      %add3A_208 = vector.broadcast %mul3A_0 : i32 to vector<16xi32>
      %add3A_209 = arith.addi %get3A_207, %add3A_208 : vector<16xi32>
      %swap3A_210 = arith.index_cast %scan3A_150 : i32 to index
      %swap3A_211 = arith.constant 80 : index
      %swap3A_212 = tpu.vector_load %arg7[%swap3A_210, %swap3A_211] {strides = array<i32>} : memref<40x128xi32, #tpu.memory_space<vmem>>, vector<1x16xi32>,
      %swap3A_213 = vector.shape_cast %swap3A_212 : vector<1x16xi32> to vector<16xi32>
      %swap3A_214 = vector.shape_cast %add3A_209 : vector<16xi32> to vector<1x16xi32>
      tpu.vector_store %arg7[%swap3A_210, %swap3A_211], %swap3A_214 {strides = array<i32>} : memref<40x128xi32, #tpu.memory_space<vmem>>, vector<1x16xi32>,
      %get3A_215 = arith.index_cast %scan3A_150 : i32 to index
      %get3A_216 = arith.constant 96 : index
      %get3A_217 = tpu.vector_load %arg7[%get3A_215, %get3A_216] {strides = array<i32>} : memref<40x128xi32, #tpu.memory_space<vmem>>, vector<1x16xi32>,
      %get3A_218 = vector.shape_cast %get3A_217 : vector<1x16xi32> to vector<16xi32>
      %add3A_219 = vector.broadcast %mul3A_0 : i32 to vector<16xi32>
      %add3A_220 = arith.addi %get3A_218, %add3A_219 : vector<16xi32>
      %swap3A_221 = arith.index_cast %scan3A_150 : i32 to index
      %swap3A_222 = arith.constant 96 : index
      %swap3A_223 = tpu.vector_load %arg7[%swap3A_221, %swap3A_222] {strides = array<i32>} : memref<40x128xi32, #tpu.memory_space<vmem>>, vector<1x16xi32>,
      %swap3A_224 = vector.shape_cast %swap3A_223 : vector<1x16xi32> to vector<16xi32>
      %swap3A_225 = vector.shape_cast %add3A_220 : vector<16xi32> to vector<1x16xi32>
      tpu.vector_store %arg7[%swap3A_221, %swap3A_222], %swap3A_225 {strides = array<i32>} : memref<40x128xi32, #tpu.memory_space<vmem>>, vector<1x16xi32>,
      %get3A_226 = arith.index_cast %scan3A_150 : i32 to index
      %get3A_227 = arith.constant 112 : index
      %get3A_228 = tpu.vector_load %arg7[%get3A_226, %get3A_227] {strides = array<i32>} : memref<40x128xi32, #tpu.memory_space<vmem>>, vector<1x16xi32>,
      %get3A_229 = vector.shape_cast %get3A_228 : vector<1x16xi32> to vector<16xi32>
      %add3A_230 = vector.broadcast %mul3A_0 : i32 to vector<16xi32>
      %add3A_231 = arith.addi %get3A_229, %add3A_230 : vector<16xi32>
      %swap3A_232 = arith.index_cast %scan3A_150 : i32 to index
      %swap3A_233 = arith.constant 112 : index
      %swap3A_234 = tpu.vector_load %arg7[%swap3A_232, %swap3A_233] {strides = array<i32>} : memref<40x128xi32, #tpu.memory_space<vmem>>, vector<1x16xi32>,
      %swap3A_235 = vector.shape_cast %swap3A_234 : vector<1x16xi32> to vector<16xi32>
      %swap3A_236 = vector.shape_cast %add3A_231 : vector<16xi32> to vector<1x16xi32>
      tpu.vector_store %arg7[%swap3A_232, %swap3A_233], %swap3A_236 {strides = array<i32>} : memref<40x128xi32, #tpu.memory_space<vmem>>, vector<1x16xi32>,
    }
    %scan3A_34 = arith.constant 40 : i32
    %dma_start3A = arith.constant 0 : i32
    %dma_start3A_35 = arith.constant 0 : i32
    %dma_start3A_36 = arith.constant 0 : i32
    %dma_start3A_37 = arith.constant 0 : i32
    %dma_start3A_38 = tpu.memref_slice %arg8[%dma_start3A_35, %dma_start3A_36, %dma_start3A_37] : memref<4x128x128xbf16, #tpu.memory_space<vmem>> -> memref<1x128x128xbf16, #tpu.memory_space<vmem>>
    %dma_start3A_39 = tpu.memref_squeeze %dma_start3A_38 : memref<1x128x128xbf16, #tpu.memory_space<vmem>> -> memref<128x128xbf16, #tpu.memory_space<vmem>>
    %dma_start3A_40 = arith.constant 0 : i32
    %dma_start3A_41 = tpu.memref_slice %arg7[%dma_start3A, %dma_start3A_40] : memref<40x128xi32, #tpu.memory_space<vmem>> -> memref<1x128xi32, #tpu.memory_space<vmem>>
    %dma_start3A_42 = tpu.memref_squeeze %dma_start3A_41 : memref<1x128xi32, #tpu.memory_space<vmem>> -> memref<128xi32, #tpu.memory_space<vmem>>
    %dma_start3A_43 = arith.constant 0 : i32
    %dma_start3A_44 = arith.constant 0 : i32
    %dma_start3A_45 = tpu.memref_slice %arg2[%dma_start3A_43, %dma_start3A_44] : memref<20000x128xbf16, #tpu.memory_space<hbm>> -> memref<20000x128xbf16, #tpu.memory_space<hbm>>
    tpu.enqueue_indirect_dma source(%dma_start3A_45 : memref<20000x128xbf16, #tpu.memory_space<hbm>>) target(%dma_start3A_39 : memref<128x128xbf16, #tpu.memory_space<vmem>>) offsets(%dma_start3A_42 : memref<128xi32, #tpu.memory_space<vmem>>) semaphore(%arg10 : memref<!tpu.dma_semaphore, #tpu.memory_space<semaphore_mem>>)
    %dma_start3A_46 = arith.constant 1 : i32
    %dma_start3A_47 = arith.constant 1 : i32
    %dma_start3A_48 = arith.constant 0 : i32
    %dma_start3A_49 = arith.constant 0 : i32
    %dma_start3A_50 = tpu.memref_slice %arg8[%dma_start3A_47, %dma_start3A_48, %dma_start3A_49] : memref<4x128x128xbf16, #tpu.memory_space<vmem>> -> memref<1x128x128xbf16, #tpu.memory_space<vmem>>
    %dma_start3A_51 = tpu.memref_squeeze %dma_start3A_50 : memref<1x128x128xbf16, #tpu.memory_space<vmem>> -> memref<128x128xbf16, #tpu.memory_space<vmem>>
    %dma_start3A_52 = arith.constant 0 : i32
    %dma_start3A_53 = tpu.memref_slice %arg7[%dma_start3A_46, %dma_start3A_52] : memref<40x128xi32, #tpu.memory_space<vmem>> -> memref<1x128xi32, #tpu.memory_space<vmem>>
    %dma_start3A_54 = tpu.memref_squeeze %dma_start3A_53 : memref<1x128xi32, #tpu.memory_space<vmem>> -> memref<128xi32, #tpu.memory_space<vmem>>
    %dma_start3A_55 = arith.constant 0 : i32
    %dma_start3A_56 = arith.constant 0 : i32
    %dma_start3A_57 = tpu.memref_slice %arg2[%dma_start3A_55, %dma_start3A_56] : memref<20000x128xbf16, #tpu.memory_space<hbm>> -> memref<20000x128xbf16, #tpu.memory_space<hbm>>
    tpu.enqueue_indirect_dma source(%dma_start3A_57 : memref<20000x128xbf16, #tpu.memory_space<hbm>>) target(%dma_start3A_51 : memref<128x128xbf16, #tpu.memory_space<vmem>>) offsets(%dma_start3A_54 : memref<128xi32, #tpu.memory_space<vmem>>) semaphore(%arg11 : memref<!tpu.dma_semaphore, #tpu.memory_space<semaphore_mem>>)
    %dma_start3A_58 = arith.constant 2 : i32
    %dma_start3A_59 = arith.constant 2 : i32
    %dma_start3A_60 = arith.constant 0 : i32
    %dma_start3A_61 = arith.constant 0 : i32
    %dma_start3A_62 = tpu.memref_slice %arg8[%dma_start3A_59, %dma_start3A_60, %dma_start3A_61] : memref<4x128x128xbf16, #tpu.memory_space<vmem>> -> memref<1x128x128xbf16, #tpu.memory_space<vmem>>
    %dma_start3A_63 = tpu.memref_squeeze %dma_start3A_62 : memref<1x128x128xbf16, #tpu.memory_space<vmem>> -> memref<128x128xbf16, #tpu.memory_space<vmem>>
    %dma_start3A_64 = arith.constant 0 : i32
    %dma_start3A_65 = tpu.memref_slice %arg7[%dma_start3A_58, %dma_start3A_64] : memref<40x128xi32, #tpu.memory_space<vmem>> -> memref<1x128xi32, #tpu.memory_space<vmem>>
    %dma_start3A_66 = tpu.memref_squeeze %dma_start3A_65 : memref<1x128xi32, #tpu.memory_space<vmem>> -> memref<128xi32, #tpu.memory_space<vmem>>
    %dma_start3A_67 = arith.constant 0 : i32
    %dma_start3A_68 = arith.constant 0 : i32
    %dma_start3A_69 = tpu.memref_slice %arg2[%dma_start3A_67, %dma_start3A_68] : memref<20000x128xbf16, #tpu.memory_space<hbm>> -> memref<20000x128xbf16, #tpu.memory_space<hbm>>
    tpu.enqueue_indirect_dma source(%dma_start3A_69 : memref<20000x128xbf16, #tpu.memory_space<hbm>>) target(%dma_start3A_63 : memref<128x128xbf16, #tpu.memory_space<vmem>>) offsets(%dma_start3A_66 : memref<128xi32, #tpu.memory_space<vmem>>) semaphore(%arg12 : memref<!tpu.dma_semaphore, #tpu.memory_space<semaphore_mem>>)
    %scan3A_70 = arith.constant 0 : i32
    %scan3A_71 = arith.constant 0 : i32
    %scan3A_72 = arith.constant 10 : i32
    %scan3A_73 = arith.addi %scan3A_71, %scan3A_72 : i32
    %scan3A_74 = arith.constant 1 : i32
    scf.for %scan3A_150 = %scan3A_71 to %scan3A_73 step %scan3A_74  : i32 {
      %mul3A_151 = arith.constant 4 : i32
      %mul3A_152 = arith.muli %scan3A_150, %mul3A_151 : i32
      %add3A_153 = arith.constant 0 : i32
      %add3A_154 = arith.addi %mul3A_152, %add3A_153 : i32
      %dma_wait3A_155 = arith.constant 0 : i32
      %dma_wait3A_156 = arith.constant 0 : i32
      %dma_wait3A_157 = arith.constant 0 : i32
      %dma_wait3A_158 = tpu.memref_slice %arg8[%dma_wait3A_155, %dma_wait3A_156, %dma_wait3A_157] : memref<4x128x128xbf16, #tpu.memory_space<vmem>> -> memref<1x128x128xbf16, #tpu.memory_space<vmem>>
      %dma_wait3A_159 = tpu.memref_squeeze %dma_wait3A_158 : memref<1x128x128xbf16, #tpu.memory_space<vmem>> -> memref<128x128xbf16, #tpu.memory_space<vmem>>
      %dma_wait3A_160 = arith.constant 0 : i32
      %dma_wait3A_161 = tpu.memref_slice %arg7[%add3A_154, %dma_wait3A_160] : memref<40x128xi32, #tpu.memory_space<vmem>> -> memref<1x128xi32, #tpu.memory_space<vmem>>
      %dma_wait3A_162 = tpu.memref_squeeze %dma_wait3A_161 : memref<1x128xi32, #tpu.memory_space<vmem>> -> memref<128xi32, #tpu.memory_space<vmem>>
      %dma_wait3A_163 = arith.constant 0 : i32
      %dma_wait3A_164 = arith.constant 0 : i32
      %dma_wait3A_165 = tpu.memref_slice %arg2[%dma_wait3A_163, %dma_wait3A_164] : memref<20000x128xbf16, #tpu.memory_space<hbm>> -> memref<20000x128xbf16, #tpu.memory_space<hbm>>
      tpu.wait_indirect_dma semaphore(%arg10 : memref<!tpu.dma_semaphore, #tpu.memory_space<semaphore_mem>>) src(%dma_wait3A_165 : memref<20000x128xbf16, #tpu.memory_space<hbm>>) dst(%dma_wait3A_159 : memref<128x128xbf16, #tpu.memory_space<vmem>>)
      %dma_start3A_166 = arith.constant 0 : i32
      %dma_start3A_167 = arith.constant 0 : i32
      %dma_start3A_168 = arith.constant 0 : i32
      %dma_start3A_169 = tpu.memref_slice %arg8[%dma_start3A_166, %dma_start3A_167, %dma_start3A_168] : memref<4x128x128xbf16, #tpu.memory_space<vmem>> -> memref<1x128x128xbf16, #tpu.memory_space<vmem>>
      %dma_start3A_170 = tpu.memref_squeeze %dma_start3A_169 : memref<1x128x128xbf16, #tpu.memory_space<vmem>> -> memref<128x128xbf16, #tpu.memory_space<vmem>>
      %dma_start3A_171 = arith.constant 0 : i32
      %dma_start3A_172 = tpu.memref_slice %arg6[%add3A_154, %dma_start3A_171] : memref<40x128xi32, #tpu.memory_space<vmem>> -> memref<1x128xi32, #tpu.memory_space<vmem>>
      %dma_start3A_173 = tpu.memref_squeeze %dma_start3A_172 : memref<1x128xi32, #tpu.memory_space<vmem>> -> memref<128xi32, #tpu.memory_space<vmem>>
      %dma_start3A_174 = arith.constant 0 : i32
      %dma_start3A_175 = arith.constant 0 : i32
      %dma_start3A_176 = tpu.memref_slice %arg9[%dma_start3A_174, %dma_start3A_175] : memref<10016x128xbf16, #tpu.memory_space<vmem_shared>> -> memref<10016x128xbf16, #tpu.memory_space<vmem_shared>>
      tpu.enqueue_indirect_dma source(%dma_start3A_170 : memref<128x128xbf16, #tpu.memory_space<vmem>>) target(%dma_start3A_176 : memref<10016x128xbf16, #tpu.memory_space<vmem_shared>>) offsets(%dma_start3A_173 : memref<128xi32, #tpu.memory_space<vmem>>) semaphore(%arg14 : memref<!tpu.dma_semaphore, #tpu.memory_space<semaphore_mem>>) {add = true}
      %ge3A = arith.constant 1 : i32
      %ge3A_177 = arith.cmpi sge, %add3A_154, %ge3A : i32
      %convert_element_type3A_178 = arith.extui %ge3A_177 : i1 to i32
      %cond3A_179 = arith.constant 0 : i32
      %cond3A_180 = arith.cmpi ne, %convert_element_type3A_178, %cond3A_179 : i32
      scf.if %cond3A_180 {
        %sub3A_309 = arith.constant 1 : i32
        %sub3A_310 = arith.subi %add3A_154, %sub3A_309 : i32
        %dma_wait3A_311 = arith.constant 3 : i32
        %dma_wait3A_312 = arith.constant 0 : i32
        %dma_wait3A_313 = arith.constant 0 : i32
        %dma_wait3A_314 = tpu.memref_slice %arg8[%dma_wait3A_311, %dma_wait3A_312, %dma_wait3A_313] : memref<4x128x128xbf16, #tpu.memory_space<vmem>> -> memref<1x128x128xbf16, #tpu.memory_space<vmem>>
        %dma_wait3A_315 = tpu.memref_squeeze %dma_wait3A_314 : memref<1x128x128xbf16, #tpu.memory_space<vmem>> -> memref<128x128xbf16, #tpu.memory_space<vmem>>
        %dma_wait3A_316 = arith.constant 0 : i32
        %dma_wait3A_317 = tpu.memref_slice %arg6[%sub3A_310, %dma_wait3A_316] : memref<40x128xi32, #tpu.memory_space<vmem>> -> memref<1x128xi32, #tpu.memory_space<vmem>>
        %dma_wait3A_318 = tpu.memref_squeeze %dma_wait3A_317 : memref<1x128xi32, #tpu.memory_space<vmem>> -> memref<128xi32, #tpu.memory_space<vmem>>
        %dma_wait3A_319 = arith.constant 0 : i32
        %dma_wait3A_320 = arith.constant 0 : i32
        %dma_wait3A_321 = tpu.memref_slice %arg9[%dma_wait3A_319, %dma_wait3A_320] : memref<10016x128xbf16, #tpu.memory_space<vmem_shared>> -> memref<10016x128xbf16, #tpu.memory_space<vmem_shared>>
        tpu.wait_indirect_dma semaphore(%arg17 : memref<!tpu.dma_semaphore, #tpu.memory_space<semaphore_mem>>) src(%dma_wait3A_315 : memref<128x128xbf16, #tpu.memory_space<vmem>>) dst(%dma_wait3A_321 : memref<10016x128xbf16, #tpu.memory_space<vmem_shared>>)
      } else {
      }
      %add3A_181 = arith.constant 4 : i32
      %add3A_182 = arith.addi %add3A_154, %add3A_181 : i32
      %sub3A = arith.constant 1 : i32
      %sub3A_183 = arith.subi %add3A_182, %sub3A : i32
      %lt3A_184 = arith.constant 40 : i32
      %lt3A_185 = arith.cmpi slt, %sub3A_183, %lt3A_184 : i32
      %convert_element_type3A_186 = arith.extui %lt3A_185 : i1 to i32
      %cond3A_187 = arith.constant 0 : i32
      %cond3A_188 = arith.cmpi ne, %convert_element_type3A_186, %cond3A_187 : i32
      scf.if %cond3A_188 {
        %add3A_309 = arith.constant 4 : i32
        %add3A_310 = arith.addi %add3A_154, %add3A_309 : i32
        %sub3A_311 = arith.constant 1 : i32
        %sub3A_312 = arith.subi %add3A_310, %sub3A_311 : i32
        %dma_start3A_313 = arith.constant 3 : i32
        %dma_start3A_314 = arith.constant 0 : i32
        %dma_start3A_315 = arith.constant 0 : i32
        %dma_start3A_316 = tpu.memref_slice %arg8[%dma_start3A_313, %dma_start3A_314, %dma_start3A_315] : memref<4x128x128xbf16, #tpu.memory_space<vmem>> -> memref<1x128x128xbf16, #tpu.memory_space<vmem>>
        %dma_start3A_317 = tpu.memref_squeeze %dma_start3A_316 : memref<1x128x128xbf16, #tpu.memory_space<vmem>> -> memref<128x128xbf16, #tpu.memory_space<vmem>>
        %dma_start3A_318 = arith.constant 0 : i32
        %dma_start3A_319 = tpu.memref_slice %arg7[%sub3A_312, %dma_start3A_318] : memref<40x128xi32, #tpu.memory_space<vmem>> -> memref<1x128xi32, #tpu.memory_space<vmem>>
        %dma_start3A_320 = tpu.memref_squeeze %dma_start3A_319 : memref<1x128xi32, #tpu.memory_space<vmem>> -> memref<128xi32, #tpu.memory_space<vmem>>
        %dma_start3A_321 = arith.constant 0 : i32
        %dma_start3A_322 = arith.constant 0 : i32
        %dma_start3A_323 = tpu.memref_slice %arg2[%dma_start3A_321, %dma_start3A_322] : memref<20000x128xbf16, #tpu.memory_space<hbm>> -> memref<20000x128xbf16, #tpu.memory_space<hbm>>
        tpu.enqueue_indirect_dma source(%dma_start3A_323 : memref<20000x128xbf16, #tpu.memory_space<hbm>>) target(%dma_start3A_317 : memref<128x128xbf16, #tpu.memory_space<vmem>>) offsets(%dma_start3A_320 : memref<128xi32, #tpu.memory_space<vmem>>) semaphore(%arg13 : memref<!tpu.dma_semaphore, #tpu.memory_space<semaphore_mem>>)
      } else {
      }
      %mul3A_189 = arith.constant 4 : i32
      %mul3A_190 = arith.muli %scan3A_150, %mul3A_189 : i32
      %add3A_191 = arith.constant 1 : i32
      %add3A_192 = arith.addi %mul3A_190, %add3A_191 : i32
      %dma_wait3A_193 = arith.constant 1 : i32
      %dma_wait3A_194 = arith.constant 0 : i32
      %dma_wait3A_195 = arith.constant 0 : i32
      %dma_wait3A_196 = tpu.memref_slice %arg8[%dma_wait3A_193, %dma_wait3A_194, %dma_wait3A_195] : memref<4x128x128xbf16, #tpu.memory_space<vmem>> -> memref<1x128x128xbf16, #tpu.memory_space<vmem>>
      %dma_wait3A_197 = tpu.memref_squeeze %dma_wait3A_196 : memref<1x128x128xbf16, #tpu.memory_space<vmem>> -> memref<128x128xbf16, #tpu.memory_space<vmem>>
      %dma_wait3A_198 = arith.constant 0 : i32
      %dma_wait3A_199 = tpu.memref_slice %arg7[%add3A_192, %dma_wait3A_198] : memref<40x128xi32, #tpu.memory_space<vmem>> -> memref<1x128xi32, #tpu.memory_space<vmem>>
      %dma_wait3A_200 = tpu.memref_squeeze %dma_wait3A_199 : memref<1x128xi32, #tpu.memory_space<vmem>> -> memref<128xi32, #tpu.memory_space<vmem>>
      %dma_wait3A_201 = arith.constant 0 : i32
      %dma_wait3A_202 = arith.constant 0 : i32
      %dma_wait3A_203 = tpu.memref_slice %arg2[%dma_wait3A_201, %dma_wait3A_202] : memref<20000x128xbf16, #tpu.memory_space<hbm>> -> memref<20000x128xbf16, #tpu.memory_space<hbm>>
      tpu.wait_indirect_dma semaphore(%arg11 : memref<!tpu.dma_semaphore, #tpu.memory_space<semaphore_mem>>) src(%dma_wait3A_203 : memref<20000x128xbf16, #tpu.memory_space<hbm>>) dst(%dma_wait3A_197 : memref<128x128xbf16, #tpu.memory_space<vmem>>)
      %dma_start3A_204 = arith.constant 1 : i32
      %dma_start3A_205 = arith.constant 0 : i32
      %dma_start3A_206 = arith.constant 0 : i32
      %dma_start3A_207 = tpu.memref_slice %arg8[%dma_start3A_204, %dma_start3A_205, %dma_start3A_206] : memref<4x128x128xbf16, #tpu.memory_space<vmem>> -> memref<1x128x128xbf16, #tpu.memory_space<vmem>>
      %dma_start3A_208 = tpu.memref_squeeze %dma_start3A_207 : memref<1x128x128xbf16, #tpu.memory_space<vmem>> -> memref<128x128xbf16, #tpu.memory_space<vmem>>
      %dma_start3A_209 = arith.constant 0 : i32
      %dma_start3A_210 = tpu.memref_slice %arg6[%add3A_192, %dma_start3A_209] : memref<40x128xi32, #tpu.memory_space<vmem>> -> memref<1x128xi32, #tpu.memory_space<vmem>>
      %dma_start3A_211 = tpu.memref_squeeze %dma_start3A_210 : memref<1x128xi32, #tpu.memory_space<vmem>> -> memref<128xi32, #tpu.memory_space<vmem>>
      %dma_start3A_212 = arith.constant 0 : i32
      %dma_start3A_213 = arith.constant 0 : i32
      %dma_start3A_214 = tpu.memref_slice %arg9[%dma_start3A_212, %dma_start3A_213] : memref<10016x128xbf16, #tpu.memory_space<vmem_shared>> -> memref<10016x128xbf16, #tpu.memory_space<vmem_shared>>
      tpu.enqueue_indirect_dma source(%dma_start3A_208 : memref<128x128xbf16, #tpu.memory_space<vmem>>) target(%dma_start3A_214 : memref<10016x128xbf16, #tpu.memory_space<vmem_shared>>) offsets(%dma_start3A_211 : memref<128xi32, #tpu.memory_space<vmem>>) semaphore(%arg15 : memref<!tpu.dma_semaphore, #tpu.memory_space<semaphore_mem>>) {add = true}
      %ge3A_215 = arith.constant 1 : i32
      %ge3A_216 = arith.cmpi sge, %add3A_192, %ge3A_215 : i32
      %convert_element_type3A_217 = arith.extui %ge3A_216 : i1 to i32
      %cond3A_218 = arith.constant 0 : i32
      %cond3A_219 = arith.cmpi ne, %convert_element_type3A_217, %cond3A_218 : i32
      scf.if %cond3A_219 {
        %sub3A_309 = arith.constant 1 : i32
        %sub3A_310 = arith.subi %add3A_192, %sub3A_309 : i32
        %dma_wait3A_311 = arith.constant 0 : i32
        %dma_wait3A_312 = arith.constant 0 : i32
        %dma_wait3A_313 = arith.constant 0 : i32
        %dma_wait3A_314 = tpu.memref_slice %arg8[%dma_wait3A_311, %dma_wait3A_312, %dma_wait3A_313] : memref<4x128x128xbf16, #tpu.memory_space<vmem>> -> memref<1x128x128xbf16, #tpu.memory_space<vmem>>
        %dma_wait3A_315 = tpu.memref_squeeze %dma_wait3A_314 : memref<1x128x128xbf16, #tpu.memory_space<vmem>> -> memref<128x128xbf16, #tpu.memory_space<vmem>>
        %dma_wait3A_316 = arith.constant 0 : i32
        %dma_wait3A_317 = tpu.memref_slice %arg6[%sub3A_310, %dma_wait3A_316] : memref<40x128xi32, #tpu.memory_space<vmem>> -> memref<1x128xi32, #tpu.memory_space<vmem>>
        %dma_wait3A_318 = tpu.memref_squeeze %dma_wait3A_317 : memref<1x128xi32, #tpu.memory_space<vmem>> -> memref<128xi32, #tpu.memory_space<vmem>>
        %dma_wait3A_319 = arith.constant 0 : i32
        %dma_wait3A_320 = arith.constant 0 : i32
        %dma_wait3A_321 = tpu.memref_slice %arg9[%dma_wait3A_319, %dma_wait3A_320] : memref<10016x128xbf16, #tpu.memory_space<vmem_shared>> -> memref<10016x128xbf16, #tpu.memory_space<vmem_shared>>
        tpu.wait_indirect_dma semaphore(%arg14 : memref<!tpu.dma_semaphore, #tpu.memory_space<semaphore_mem>>) src(%dma_wait3A_315 : memref<128x128xbf16, #tpu.memory_space<vmem>>) dst(%dma_wait3A_321 : memref<10016x128xbf16, #tpu.memory_space<vmem_shared>>)
      } else {
      }
      %add3A_220 = arith.constant 4 : i32
      %add3A_221 = arith.addi %add3A_192, %add3A_220 : i32
      %sub3A_222 = arith.constant 1 : i32
      %sub3A_223 = arith.subi %add3A_221, %sub3A_222 : i32
      %lt3A_224 = arith.constant 40 : i32
      %lt3A_225 = arith.cmpi slt, %sub3A_223, %lt3A_224 : i32
      %convert_element_type3A_226 = arith.extui %lt3A_225 : i1 to i32
      %cond3A_227 = arith.constant 0 : i32
      %cond3A_228 = arith.cmpi ne, %convert_element_type3A_226, %cond3A_227 : i32
      scf.if %cond3A_228 {
        %add3A_309 = arith.constant 4 : i32
        %add3A_310 = arith.addi %add3A_192, %add3A_309 : i32
        %sub3A_311 = arith.constant 1 : i32
        %sub3A_312 = arith.subi %add3A_310, %sub3A_311 : i32
        %dma_start3A_313 = arith.constant 0 : i32
        %dma_start3A_314 = arith.constant 0 : i32
        %dma_start3A_315 = arith.constant 0 : i32
        %dma_start3A_316 = tpu.memref_slice %arg8[%dma_start3A_313, %dma_start3A_314, %dma_start3A_315] : memref<4x128x128xbf16, #tpu.memory_space<vmem>> -> memref<1x128x128xbf16, #tpu.memory_space<vmem>>
        %dma_start3A_317 = tpu.memref_squeeze %dma_start3A_316 : memref<1x128x128xbf16, #tpu.memory_space<vmem>> -> memref<128x128xbf16, #tpu.memory_space<vmem>>
        %dma_start3A_318 = arith.constant 0 : i32
        %dma_start3A_319 = tpu.memref_slice %arg7[%sub3A_312, %dma_start3A_318] : memref<40x128xi32, #tpu.memory_space<vmem>> -> memref<1x128xi32, #tpu.memory_space<vmem>>
        %dma_start3A_320 = tpu.memref_squeeze %dma_start3A_319 : memref<1x128xi32, #tpu.memory_space<vmem>> -> memref<128xi32, #tpu.memory_space<vmem>>
        %dma_start3A_321 = arith.constant 0 : i32
        %dma_start3A_322 = arith.constant 0 : i32
        %dma_start3A_323 = tpu.memref_slice %arg2[%dma_start3A_321, %dma_start3A_322] : memref<20000x128xbf16, #tpu.memory_space<hbm>> -> memref<20000x128xbf16, #tpu.memory_space<hbm>>
        tpu.enqueue_indirect_dma source(%dma_start3A_323 : memref<20000x128xbf16, #tpu.memory_space<hbm>>) target(%dma_start3A_317 : memref<128x128xbf16, #tpu.memory_space<vmem>>) offsets(%dma_start3A_320 : memref<128xi32, #tpu.memory_space<vmem>>) semaphore(%arg10 : memref<!tpu.dma_semaphore, #tpu.memory_space<semaphore_mem>>)
      } else {
      }
      %mul3A_229 = arith.constant 4 : i32
      %mul3A_230 = arith.muli %scan3A_150, %mul3A_229 : i32
      %add3A_231 = arith.constant 2 : i32
      %add3A_232 = arith.addi %mul3A_230, %add3A_231 : i32
      %dma_wait3A_233 = arith.constant 2 : i32
      %dma_wait3A_234 = arith.constant 0 : i32
      %dma_wait3A_235 = arith.constant 0 : i32
      %dma_wait3A_236 = tpu.memref_slice %arg8[%dma_wait3A_233, %dma_wait3A_234, %dma_wait3A_235] : memref<4x128x128xbf16, #tpu.memory_space<vmem>> -> memref<1x128x128xbf16, #tpu.memory_space<vmem>>
      %dma_wait3A_237 = tpu.memref_squeeze %dma_wait3A_236 : memref<1x128x128xbf16, #tpu.memory_space<vmem>> -> memref<128x128xbf16, #tpu.memory_space<vmem>>
      %dma_wait3A_238 = arith.constant 0 : i32
      %dma_wait3A_239 = tpu.memref_slice %arg7[%add3A_232, %dma_wait3A_238] : memref<40x128xi32, #tpu.memory_space<vmem>> -> memref<1x128xi32, #tpu.memory_space<vmem>>
      %dma_wait3A_240 = tpu.memref_squeeze %dma_wait3A_239 : memref<1x128xi32, #tpu.memory_space<vmem>> -> memref<128xi32, #tpu.memory_space<vmem>>
      %dma_wait3A_241 = arith.constant 0 : i32
      %dma_wait3A_242 = arith.constant 0 : i32
      %dma_wait3A_243 = tpu.memref_slice %arg2[%dma_wait3A_241, %dma_wait3A_242] : memref<20000x128xbf16, #tpu.memory_space<hbm>> -> memref<20000x128xbf16, #tpu.memory_space<hbm>>
      tpu.wait_indirect_dma semaphore(%arg12 : memref<!tpu.dma_semaphore, #tpu.memory_space<semaphore_mem>>) src(%dma_wait3A_243 : memref<20000x128xbf16, #tpu.memory_space<hbm>>) dst(%dma_wait3A_237 : memref<128x128xbf16, #tpu.memory_space<vmem>>)
      %dma_start3A_244 = arith.constant 2 : i32
      %dma_start3A_245 = arith.constant 0 : i32
      %dma_start3A_246 = arith.constant 0 : i32
      %dma_start3A_247 = tpu.memref_slice %arg8[%dma_start3A_244, %dma_start3A_245, %dma_start3A_246] : memref<4x128x128xbf16, #tpu.memory_space<vmem>> -> memref<1x128x128xbf16, #tpu.memory_space<vmem>>
      %dma_start3A_248 = tpu.memref_squeeze %dma_start3A_247 : memref<1x128x128xbf16, #tpu.memory_space<vmem>> -> memref<128x128xbf16, #tpu.memory_space<vmem>>
      %dma_start3A_249 = arith.constant 0 : i32
      %dma_start3A_250 = tpu.memref_slice %arg6[%add3A_232, %dma_start3A_249] : memref<40x128xi32, #tpu.memory_space<vmem>> -> memref<1x128xi32, #tpu.memory_space<vmem>>
      %dma_start3A_251 = tpu.memref_squeeze %dma_start3A_250 : memref<1x128xi32, #tpu.memory_space<vmem>> -> memref<128xi32, #tpu.memory_space<vmem>>
      %dma_start3A_252 = arith.constant 0 : i32
      %dma_start3A_253 = arith.constant 0 : i32
      %dma_start3A_254 = tpu.memref_slice %arg9[%dma_start3A_252, %dma_start3A_253] : memref<10016x128xbf16, #tpu.memory_space<vmem_shared>> -> memref<10016x128xbf16, #tpu.memory_space<vmem_shared>>
      tpu.enqueue_indirect_dma source(%dma_start3A_248 : memref<128x128xbf16, #tpu.memory_space<vmem>>) target(%dma_start3A_254 : memref<10016x128xbf16, #tpu.memory_space<vmem_shared>>) offsets(%dma_start3A_251 : memref<128xi32, #tpu.memory_space<vmem>>) semaphore(%arg16 : memref<!tpu.dma_semaphore, #tpu.memory_space<semaphore_mem>>) {add = true}
      %ge3A_255 = arith.constant 1 : i32
      %ge3A_256 = arith.cmpi sge, %add3A_232, %ge3A_255 : i32
      %convert_element_type3A_257 = arith.extui %ge3A_256 : i1 to i32
      %cond3A_258 = arith.constant 0 : i32
      %cond3A_259 = arith.cmpi ne, %convert_element_type3A_257, %cond3A_258 : i32
      scf.if %cond3A_259 {
        %sub3A_309 = arith.constant 1 : i32
        %sub3A_310 = arith.subi %add3A_232, %sub3A_309 : i32
        %dma_wait3A_311 = arith.constant 1 : i32
        %dma_wait3A_312 = arith.constant 0 : i32
        %dma_wait3A_313 = arith.constant 0 : i32
        %dma_wait3A_314 = tpu.memref_slice %arg8[%dma_wait3A_311, %dma_wait3A_312, %dma_wait3A_313] : memref<4x128x128xbf16, #tpu.memory_space<vmem>> -> memref<1x128x128xbf16, #tpu.memory_space<vmem>>
        %dma_wait3A_315 = tpu.memref_squeeze %dma_wait3A_314 : memref<1x128x128xbf16, #tpu.memory_space<vmem>> -> memref<128x128xbf16, #tpu.memory_space<vmem>>
        %dma_wait3A_316 = arith.constant 0 : i32
        %dma_wait3A_317 = tpu.memref_slice %arg6[%sub3A_310, %dma_wait3A_316] : memref<40x128xi32, #tpu.memory_space<vmem>> -> memref<1x128xi32, #tpu.memory_space<vmem>>
        %dma_wait3A_318 = tpu.memref_squeeze %dma_wait3A_317 : memref<1x128xi32, #tpu.memory_space<vmem>> -> memref<128xi32, #tpu.memory_space<vmem>>
        %dma_wait3A_319 = arith.constant 0 : i32
        %dma_wait3A_320 = arith.constant 0 : i32
        %dma_wait3A_321 = tpu.memref_slice %arg9[%dma_wait3A_319, %dma_wait3A_320] : memref<10016x128xbf16, #tpu.memory_space<vmem_shared>> -> memref<10016x128xbf16, #tpu.memory_space<vmem_shared>>
        tpu.wait_indirect_dma semaphore(%arg15 : memref<!tpu.dma_semaphore, #tpu.memory_space<semaphore_mem>>) src(%dma_wait3A_315 : memref<128x128xbf16, #tpu.memory_space<vmem>>) dst(%dma_wait3A_321 : memref<10016x128xbf16, #tpu.memory_space<vmem_shared>>)
      } else {
      }
      %add3A_260 = arith.constant 4 : i32
      %add3A_261 = arith.addi %add3A_232, %add3A_260 : i32
      %sub3A_262 = arith.constant 1 : i32
      %sub3A_263 = arith.subi %add3A_261, %sub3A_262 : i32
      %lt3A_264 = arith.constant 40 : i32
      %lt3A_265 = arith.cmpi slt, %sub3A_263, %lt3A_264 : i32
      %convert_element_type3A_266 = arith.extui %lt3A_265 : i1 to i32
      %cond3A_267 = arith.constant 0 : i32
      %cond3A_268 = arith.cmpi ne, %convert_element_type3A_266, %cond3A_267 : i32
      scf.if %cond3A_268 {
        %add3A_309 = arith.constant 4 : i32
        %add3A_310 = arith.addi %add3A_232, %add3A_309 : i32
        %sub3A_311 = arith.constant 1 : i32
        %sub3A_312 = arith.subi %add3A_310, %sub3A_311 : i32
        %dma_start3A_313 = arith.constant 1 : i32
        %dma_start3A_314 = arith.constant 0 : i32
        %dma_start3A_315 = arith.constant 0 : i32
        %dma_start3A_316 = tpu.memref_slice %arg8[%dma_start3A_313, %dma_start3A_314, %dma_start3A_315] : memref<4x128x128xbf16, #tpu.memory_space<vmem>> -> memref<1x128x128xbf16, #tpu.memory_space<vmem>>
        %dma_start3A_317 = tpu.memref_squeeze %dma_start3A_316 : memref<1x128x128xbf16, #tpu.memory_space<vmem>> -> memref<128x128xbf16, #tpu.memory_space<vmem>>
        %dma_start3A_318 = arith.constant 0 : i32
        %dma_start3A_319 = tpu.memref_slice %arg7[%sub3A_312, %dma_start3A_318] : memref<40x128xi32, #tpu.memory_space<vmem>> -> memref<1x128xi32, #tpu.memory_space<vmem>>
        %dma_start3A_320 = tpu.memref_squeeze %dma_start3A_319 : memref<1x128xi32, #tpu.memory_space<vmem>> -> memref<128xi32, #tpu.memory_space<vmem>>
        %dma_start3A_321 = arith.constant 0 : i32
        %dma_start3A_322 = arith.constant 0 : i32
        %dma_start3A_323 = tpu.memref_slice %arg2[%dma_start3A_321, %dma_start3A_322] : memref<20000x128xbf16, #tpu.memory_space<hbm>> -> memref<20000x128xbf16, #tpu.memory_space<hbm>>
        tpu.enqueue_indirect_dma source(%dma_start3A_323 : memref<20000x128xbf16, #tpu.memory_space<hbm>>) target(%dma_start3A_317 : memref<128x128xbf16, #tpu.memory_space<vmem>>) offsets(%dma_start3A_320 : memref<128xi32, #tpu.memory_space<vmem>>) semaphore(%arg11 : memref<!tpu.dma_semaphore, #tpu.memory_space<semaphore_mem>>)
      } else {
      }
      %mul3A_269 = arith.constant 4 : i32
      %mul3A_270 = arith.muli %scan3A_150, %mul3A_269 : i32
      %add3A_271 = arith.constant 3 : i32
      %add3A_272 = arith.addi %mul3A_270, %add3A_271 : i32
      %dma_wait3A_273 = arith.constant 3 : i32
      %dma_wait3A_274 = arith.constant 0 : i32
      %dma_wait3A_275 = arith.constant 0 : i32
      %dma_wait3A_276 = tpu.memref_slice %arg8[%dma_wait3A_273, %dma_wait3A_274, %dma_wait3A_275] : memref<4x128x128xbf16, #tpu.memory_space<vmem>> -> memref<1x128x128xbf16, #tpu.memory_space<vmem>>
      %dma_wait3A_277 = tpu.memref_squeeze %dma_wait3A_276 : memref<1x128x128xbf16, #tpu.memory_space<vmem>> -> memref<128x128xbf16, #tpu.memory_space<vmem>>
      %dma_wait3A_278 = arith.constant 0 : i32
      %dma_wait3A_279 = tpu.memref_slice %arg7[%add3A_272, %dma_wait3A_278] : memref<40x128xi32, #tpu.memory_space<vmem>> -> memref<1x128xi32, #tpu.memory_space<vmem>>
      %dma_wait3A_280 = tpu.memref_squeeze %dma_wait3A_279 : memref<1x128xi32, #tpu.memory_space<vmem>> -> memref<128xi32, #tpu.memory_space<vmem>>
      %dma_wait3A_281 = arith.constant 0 : i32
      %dma_wait3A_282 = arith.constant 0 : i32
      %dma_wait3A_283 = tpu.memref_slice %arg2[%dma_wait3A_281, %dma_wait3A_282] : memref<20000x128xbf16, #tpu.memory_space<hbm>> -> memref<20000x128xbf16, #tpu.memory_space<hbm>>
      tpu.wait_indirect_dma semaphore(%arg13 : memref<!tpu.dma_semaphore, #tpu.memory_space<semaphore_mem>>) src(%dma_wait3A_283 : memref<20000x128xbf16, #tpu.memory_space<hbm>>) dst(%dma_wait3A_277 : memref<128x128xbf16, #tpu.memory_space<vmem>>)
      %dma_start3A_284 = arith.constant 3 : i32
      %dma_start3A_285 = arith.constant 0 : i32
      %dma_start3A_286 = arith.constant 0 : i32
      %dma_start3A_287 = tpu.memref_slice %arg8[%dma_start3A_284, %dma_start3A_285, %dma_start3A_286] : memref<4x128x128xbf16, #tpu.memory_space<vmem>> -> memref<1x128x128xbf16, #tpu.memory_space<vmem>>
      %dma_start3A_288 = tpu.memref_squeeze %dma_start3A_287 : memref<1x128x128xbf16, #tpu.memory_space<vmem>> -> memref<128x128xbf16, #tpu.memory_space<vmem>>
      %dma_start3A_289 = arith.constant 0 : i32
      %dma_start3A_290 = tpu.memref_slice %arg6[%add3A_272, %dma_start3A_289] : memref<40x128xi32, #tpu.memory_space<vmem>> -> memref<1x128xi32, #tpu.memory_space<vmem>>
      %dma_start3A_291 = tpu.memref_squeeze %dma_start3A_290 : memref<1x128xi32, #tpu.memory_space<vmem>> -> memref<128xi32, #tpu.memory_space<vmem>>
      %dma_start3A_292 = arith.constant 0 : i32
      %dma_start3A_293 = arith.constant 0 : i32
      %dma_start3A_294 = tpu.memref_slice %arg9[%dma_start3A_292, %dma_start3A_293] : memref<10016x128xbf16, #tpu.memory_space<vmem_shared>> -> memref<10016x128xbf16, #tpu.memory_space<vmem_shared>>
      tpu.enqueue_indirect_dma source(%dma_start3A_288 : memref<128x128xbf16, #tpu.memory_space<vmem>>) target(%dma_start3A_294 : memref<10016x128xbf16, #tpu.memory_space<vmem_shared>>) offsets(%dma_start3A_291 : memref<128xi32, #tpu.memory_space<vmem>>) semaphore(%arg17 : memref<!tpu.dma_semaphore, #tpu.memory_space<semaphore_mem>>) {add = true}
      %ge3A_295 = arith.constant 1 : i32
      %ge3A_296 = arith.cmpi sge, %add3A_272, %ge3A_295 : i32
      %convert_element_type3A_297 = arith.extui %ge3A_296 : i1 to i32
      %cond3A_298 = arith.constant 0 : i32
      %cond3A_299 = arith.cmpi ne, %convert_element_type3A_297, %cond3A_298 : i32
      scf.if %cond3A_299 {
        %sub3A_309 = arith.constant 1 : i32
        %sub3A_310 = arith.subi %add3A_272, %sub3A_309 : i32
        %dma_wait3A_311 = arith.constant 2 : i32
        %dma_wait3A_312 = arith.constant 0 : i32
        %dma_wait3A_313 = arith.constant 0 : i32
        %dma_wait3A_314 = tpu.memref_slice %arg8[%dma_wait3A_311, %dma_wait3A_312, %dma_wait3A_313] : memref<4x128x128xbf16, #tpu.memory_space<vmem>> -> memref<1x128x128xbf16, #tpu.memory_space<vmem>>
        %dma_wait3A_315 = tpu.memref_squeeze %dma_wait3A_314 : memref<1x128x128xbf16, #tpu.memory_space<vmem>> -> memref<128x128xbf16, #tpu.memory_space<vmem>>
        %dma_wait3A_316 = arith.constant 0 : i32
        %dma_wait3A_317 = tpu.memref_slice %arg6[%sub3A_310, %dma_wait3A_316] : memref<40x128xi32, #tpu.memory_space<vmem>> -> memref<1x128xi32, #tpu.memory_space<vmem>>
        %dma_wait3A_318 = tpu.memref_squeeze %dma_wait3A_317 : memref<1x128xi32, #tpu.memory_space<vmem>> -> memref<128xi32, #tpu.memory_space<vmem>>
        %dma_wait3A_319 = arith.constant 0 : i32
        %dma_wait3A_320 = arith.constant 0 : i32
        %dma_wait3A_321 = tpu.memref_slice %arg9[%dma_wait3A_319, %dma_wait3A_320] : memref<10016x128xbf16, #tpu.memory_space<vmem_shared>> -> memref<10016x128xbf16, #tpu.memory_space<vmem_shared>>
        tpu.wait_indirect_dma semaphore(%arg16 : memref<!tpu.dma_semaphore, #tpu.memory_space<semaphore_mem>>) src(%dma_wait3A_315 : memref<128x128xbf16, #tpu.memory_space<vmem>>) dst(%dma_wait3A_321 : memref<10016x128xbf16, #tpu.memory_space<vmem_shared>>)
      } else {
      }
      %add3A_300 = arith.constant 4 : i32
      %add3A_301 = arith.addi %add3A_272, %add3A_300 : i32
      %sub3A_302 = arith.constant 1 : i32
      %sub3A_303 = arith.subi %add3A_301, %sub3A_302 : i32
      %lt3A_304 = arith.constant 40 : i32
      %lt3A_305 = arith.cmpi slt, %sub3A_303, %lt3A_304 : i32
      %convert_element_type3A_306 = arith.extui %lt3A_305 : i1 to i32
      %cond3A_307 = arith.constant 0 : i32
      %cond3A_308 = arith.cmpi ne, %convert_element_type3A_306, %cond3A_307 : i32
      scf.if %cond3A_308 {
        %add3A_309 = arith.constant 4 : i32
        %add3A_310 = arith.addi %add3A_272, %add3A_309 : i32
        %sub3A_311 = arith.constant 1 : i32
        %sub3A_312 = arith.subi %add3A_310, %sub3A_311 : i32
        %dma_start3A_313 = arith.constant 2 : i32
        %dma_start3A_314 = arith.constant 0 : i32
        %dma_start3A_315 = arith.constant 0 : i32
        %dma_start3A_316 = tpu.memref_slice %arg8[%dma_start3A_313, %dma_start3A_314, %dma_start3A_315] : memref<4x128x128xbf16, #tpu.memory_space<vmem>> -> memref<1x128x128xbf16, #tpu.memory_space<vmem>>
        %dma_start3A_317 = tpu.memref_squeeze %dma_start3A_316 : memref<1x128x128xbf16, #tpu.memory_space<vmem>> -> memref<128x128xbf16, #tpu.memory_space<vmem>>
        %dma_start3A_318 = arith.constant 0 : i32
        %dma_start3A_319 = tpu.memref_slice %arg7[%sub3A_312, %dma_start3A_318] : memref<40x128xi32, #tpu.memory_space<vmem>> -> memref<1x128xi32, #tpu.memory_space<vmem>>
        %dma_start3A_320 = tpu.memref_squeeze %dma_start3A_319 : memref<1x128xi32, #tpu.memory_space<vmem>> -> memref<128xi32, #tpu.memory_space<vmem>>
        %dma_start3A_321 = arith.constant 0 : i32
        %dma_start3A_322 = arith.constant 0 : i32
        %dma_start3A_323 = tpu.memref_slice %arg2[%dma_start3A_321, %dma_start3A_322] : memref<20000x128xbf16, #tpu.memory_space<hbm>> -> memref<20000x128xbf16, #tpu.memory_space<hbm>>
        tpu.enqueue_indirect_dma source(%dma_start3A_323 : memref<20000x128xbf16, #tpu.memory_space<hbm>>) target(%dma_start3A_317 : memref<128x128xbf16, #tpu.memory_space<vmem>>) offsets(%dma_start3A_320 : memref<128xi32, #tpu.memory_space<vmem>>) semaphore(%arg12 : memref<!tpu.dma_semaphore, #tpu.memory_space<semaphore_mem>>)
      } else {
      }
    }
    %scan3A_75 = arith.constant 10 : i32
    %dma_wait3A = arith.constant 3 : i32
    %dma_wait3A_76 = arith.constant 39 : i32
    %dma_wait3A_77 = arith.constant 0 : i32
    %dma_wait3A_78 = arith.constant 0 : i32
    %dma_wait3A_79 = tpu.memref_slice %arg8[%dma_wait3A, %dma_wait3A_77, %dma_wait3A_78] : memref<4x128x128xbf16, #tpu.memory_space<vmem>> -> memref<1x128x128xbf16, #tpu.memory_space<vmem>>
    %dma_wait3A_80 = tpu.memref_squeeze %dma_wait3A_79 : memref<1x128x128xbf16, #tpu.memory_space<vmem>> -> memref<128x128xbf16, #tpu.memory_space<vmem>>
    %dma_wait3A_81 = arith.constant 0 : i32
    %dma_wait3A_82 = tpu.memref_slice %arg6[%dma_wait3A_76, %dma_wait3A_81] : memref<40x128xi32, #tpu.memory_space<vmem>> -> memref<1x128xi32, #tpu.memory_space<vmem>>
    %dma_wait3A_83 = tpu.memref_squeeze %dma_wait3A_82 : memref<1x128xi32, #tpu.memory_space<vmem>> -> memref<128xi32, #tpu.memory_space<vmem>>
    %dma_wait3A_84 = arith.constant 0 : i32
    %dma_wait3A_85 = arith.constant 0 : i32
    %dma_wait3A_86 = tpu.memref_slice %arg9[%dma_wait3A_84, %dma_wait3A_85] : memref<10016x128xbf16, #tpu.memory_space<vmem_shared>> -> memref<10016x128xbf16, #tpu.memory_space<vmem_shared>>
    tpu.wait_indirect_dma semaphore(%arg17 : memref<!tpu.dma_semaphore, #tpu.memory_space<semaphore_mem>>) src(%dma_wait3A_80 : memref<128x128xbf16, #tpu.memory_space<vmem>>) dst(%dma_wait3A_86 : memref<10016x128xbf16, #tpu.memory_space<vmem_shared>>)
    "tpu.region"() ({
      %run_scoped3A_150 = tpu.sem_alloc : memref<!tpu.dma_semaphore, #tpu.memory_space<semaphore_mem>>
      %dma_start3A_151 = arith.constant 40 : i32
      %dma_start3A_152 = arith.constant 0 : i32
      %dma_start3A_153 = tpu.memref_slice %arg3[%arg1, %dma_start3A_151, %dma_start3A_152] : memref<16x80x128xi32, #tpu.memory_space<hbm>> -> memref<1x40x128xi32, #tpu.memory_space<hbm>>
      %dma_start3A_154 = tpu.memref_squeeze %dma_start3A_153 : memref<1x40x128xi32, #tpu.memory_space<hbm>> -> memref<40x128xi32, #tpu.memory_space<hbm>>
      %dma_start3A_155 = arith.constant 40 : i32
      %dma_start3A_156 = arith.constant 0 : i32
      %dma_start3A_157 = tpu.memref_slice %arg3[%arg1, %dma_start3A_155, %dma_start3A_156] : memref<16x80x128xi32, #tpu.memory_space<hbm>> -> memref<1x40x128xi32, #tpu.memory_space<hbm>>
      %dma_start3A_158 = tpu.memref_squeeze %dma_start3A_157 : memref<1x40x128xi32, #tpu.memory_space<hbm>> -> memref<40x128xi32, #tpu.memory_space<hbm>>
      tpu.enqueue_dma source(%dma_start3A_158 : memref<40x128xi32, #tpu.memory_space<hbm>>) target(%arg7 : memref<40x128xi32, #tpu.memory_space<vmem>>) target_semaphore(%run_scoped3A_150 : memref<!tpu.dma_semaphore, #tpu.memory_space<semaphore_mem>>)
      %dma_wait3A_159 = arith.constant 40 : i32
      %dma_wait3A_160 = arith.constant 0 : i32
      %dma_wait3A_161 = tpu.memref_slice %arg3[%arg1, %dma_wait3A_159, %dma_wait3A_160] : memref<16x80x128xi32, #tpu.memory_space<hbm>> -> memref<1x40x128xi32, #tpu.memory_space<hbm>>
      %dma_wait3A_162 = tpu.memref_squeeze %dma_wait3A_161 : memref<1x40x128xi32, #tpu.memory_space<hbm>> -> memref<40x128xi32, #tpu.memory_space<hbm>>
      %dma_wait3A_163 = arith.constant 40 : i32
      %dma_wait3A_164 = arith.constant 0 : i32
      %dma_wait3A_165 = tpu.memref_slice %arg3[%arg1, %dma_wait3A_163, %dma_wait3A_164] : memref<16x80x128xi32, #tpu.memory_space<hbm>> -> memref<1x40x128xi32, #tpu.memory_space<hbm>>
      %dma_wait3A_166 = tpu.memref_squeeze %dma_wait3A_165 : memref<1x40x128xi32, #tpu.memory_space<hbm>> -> memref<40x128xi32, #tpu.memory_space<hbm>>
      tpu.wait_dma2 semaphore(%run_scoped3A_150 : memref<!tpu.dma_semaphore, #tpu.memory_space<semaphore_mem>>) src(%dma_wait3A_166 : memref<40x128xi32, #tpu.memory_space<hbm>>) dst(%arg7 : memref<40x128xi32, #tpu.memory_space<vmem>>)
      tpu.yield
    }) : () -> ()
    "tpu.region"() ({
      %run_scoped3A_150 = tpu.sem_alloc : memref<!tpu.dma_semaphore, #tpu.memory_space<semaphore_mem>>
      %dma_start3A_151 = arith.constant 40 : i32
      %dma_start3A_152 = arith.constant 0 : i32
      %dma_start3A_153 = tpu.memref_slice %arg4[%arg1, %dma_start3A_151, %dma_start3A_152] : memref<16x80x128xi32, #tpu.memory_space<hbm>> -> memref<1x40x128xi32, #tpu.memory_space<hbm>>
      %dma_start3A_154 = tpu.memref_squeeze %dma_start3A_153 : memref<1x40x128xi32, #tpu.memory_space<hbm>> -> memref<40x128xi32, #tpu.memory_space<hbm>>
      %dma_start3A_155 = arith.constant 40 : i32
      %dma_start3A_156 = arith.constant 0 : i32
      %dma_start3A_157 = tpu.memref_slice %arg4[%arg1, %dma_start3A_155, %dma_start3A_156] : memref<16x80x128xi32, #tpu.memory_space<hbm>> -> memref<1x40x128xi32, #tpu.memory_space<hbm>>
      %dma_start3A_158 = tpu.memref_squeeze %dma_start3A_157 : memref<1x40x128xi32, #tpu.memory_space<hbm>> -> memref<40x128xi32, #tpu.memory_space<hbm>>
      tpu.enqueue_dma source(%dma_start3A_158 : memref<40x128xi32, #tpu.memory_space<hbm>>) target(%arg6 : memref<40x128xi32, #tpu.memory_space<vmem>>) target_semaphore(%run_scoped3A_150 : memref<!tpu.dma_semaphore, #tpu.memory_space<semaphore_mem>>)
      %dma_wait3A_159 = arith.constant 40 : i32
      %dma_wait3A_160 = arith.constant 0 : i32
      %dma_wait3A_161 = tpu.memref_slice %arg4[%arg1, %dma_wait3A_159, %dma_wait3A_160] : memref<16x80x128xi32, #tpu.memory_space<hbm>> -> memref<1x40x128xi32, #tpu.memory_space<hbm>>
      %dma_wait3A_162 = tpu.memref_squeeze %dma_wait3A_161 : memref<1x40x128xi32, #tpu.memory_space<hbm>> -> memref<40x128xi32, #tpu.memory_space<hbm>>
      %dma_wait3A_163 = arith.constant 40 : i32
      %dma_wait3A_164 = arith.constant 0 : i32
      %dma_wait3A_165 = tpu.memref_slice %arg4[%arg1, %dma_wait3A_163, %dma_wait3A_164] : memref<16x80x128xi32, #tpu.memory_space<hbm>> -> memref<1x40x128xi32, #tpu.memory_space<hbm>>
      %dma_wait3A_166 = tpu.memref_squeeze %dma_wait3A_165 : memref<1x40x128xi32, #tpu.memory_space<hbm>> -> memref<40x128xi32, #tpu.memory_space<hbm>>
      tpu.wait_dma2 semaphore(%run_scoped3A_150 : memref<!tpu.dma_semaphore, #tpu.memory_space<semaphore_mem>>) src(%dma_wait3A_166 : memref<40x128xi32, #tpu.memory_space<hbm>>) dst(%arg6 : memref<40x128xi32, #tpu.memory_space<vmem>>)
      tpu.yield
    }) : () -> ()
    %scan3A_87 = arith.constant 0 : i32
    %scan3A_88 = arith.constant 0 : i32
    %scan3A_89 = arith.constant 40 : i32
    %scan3A_90 = arith.addi %scan3A_88, %scan3A_89 : i32
    %scan3A_91 = arith.constant 1 : i32
    scf.for %scan3A_150 = %scan3A_88 to %scan3A_90 step %scan3A_91  : i32 {
      %get3A = arith.index_cast %scan3A_150 : i32 to index
      %get3A_151 = arith.constant 0 : index
      %get3A_152 = tpu.vector_load %arg7[%get3A, %get3A_151] {strides = array<i32>} : memref<40x128xi32, #tpu.memory_space<vmem>>, vector<1x16xi32>,
      %get3A_153 = vector.shape_cast %get3A_152 : vector<1x16xi32> to vector<16xi32>
      %add3A_154 = vector.broadcast %mul3A_0 : i32 to vector<16xi32>
      %add3A_155 = arith.addi %get3A_153, %add3A_154 : vector<16xi32>
      %swap3A = arith.index_cast %scan3A_150 : i32 to index
      %swap3A_156 = arith.constant 0 : index
      %swap3A_157 = tpu.vector_load %arg7[%swap3A, %swap3A_156] {strides = array<i32>} : memref<40x128xi32, #tpu.memory_space<vmem>>, vector<1x16xi32>,
      %swap3A_158 = vector.shape_cast %swap3A_157 : vector<1x16xi32> to vector<16xi32>
      %swap3A_159 = vector.shape_cast %add3A_155 : vector<16xi32> to vector<1x16xi32>
      tpu.vector_store %arg7[%swap3A, %swap3A_156], %swap3A_159 {strides = array<i32>} : memref<40x128xi32, #tpu.memory_space<vmem>>, vector<1x16xi32>,
      %get3A_160 = arith.index_cast %scan3A_150 : i32 to index
      %get3A_161 = arith.constant 16 : index
      %get3A_162 = tpu.vector_load %arg7[%get3A_160, %get3A_161] {strides = array<i32>} : memref<40x128xi32, #tpu.memory_space<vmem>>, vector<1x16xi32>,
      %get3A_163 = vector.shape_cast %get3A_162 : vector<1x16xi32> to vector<16xi32>
      %add3A_164 = vector.broadcast %mul3A_0 : i32 to vector<16xi32>
      %add3A_165 = arith.addi %get3A_163, %add3A_164 : vector<16xi32>
      %swap3A_166 = arith.index_cast %scan3A_150 : i32 to index
      %swap3A_167 = arith.constant 16 : index
      %swap3A_168 = tpu.vector_load %arg7[%swap3A_166, %swap3A_167] {strides = array<i32>} : memref<40x128xi32, #tpu.memory_space<vmem>>, vector<1x16xi32>,
      %swap3A_169 = vector.shape_cast %swap3A_168 : vector<1x16xi32> to vector<16xi32>
      %swap3A_170 = vector.shape_cast %add3A_165 : vector<16xi32> to vector<1x16xi32>
      tpu.vector_store %arg7[%swap3A_166, %swap3A_167], %swap3A_170 {strides = array<i32>} : memref<40x128xi32, #tpu.memory_space<vmem>>, vector<1x16xi32>,
      %get3A_171 = arith.index_cast %scan3A_150 : i32 to index
      %get3A_172 = arith.constant 32 : index
      %get3A_173 = tpu.vector_load %arg7[%get3A_171, %get3A_172] {strides = array<i32>} : memref<40x128xi32, #tpu.memory_space<vmem>>, vector<1x16xi32>,
      %get3A_174 = vector.shape_cast %get3A_173 : vector<1x16xi32> to vector<16xi32>
      %add3A_175 = vector.broadcast %mul3A_0 : i32 to vector<16xi32>
      %add3A_176 = arith.addi %get3A_174, %add3A_175 : vector<16xi32>
      %swap3A_177 = arith.index_cast %scan3A_150 : i32 to index
      %swap3A_178 = arith.constant 32 : index
      %swap3A_179 = tpu.vector_load %arg7[%swap3A_177, %swap3A_178] {strides = array<i32>} : memref<40x128xi32, #tpu.memory_space<vmem>>, vector<1x16xi32>,
      %swap3A_180 = vector.shape_cast %swap3A_179 : vector<1x16xi32> to vector<16xi32>
      %swap3A_181 = vector.shape_cast %add3A_176 : vector<16xi32> to vector<1x16xi32>
      tpu.vector_store %arg7[%swap3A_177, %swap3A_178], %swap3A_181 {strides = array<i32>} : memref<40x128xi32, #tpu.memory_space<vmem>>, vector<1x16xi32>,
      %get3A_182 = arith.index_cast %scan3A_150 : i32 to index
      %get3A_183 = arith.constant 48 : index
      %get3A_184 = tpu.vector_load %arg7[%get3A_182, %get3A_183] {strides = array<i32>} : memref<40x128xi32, #tpu.memory_space<vmem>>, vector<1x16xi32>,
      %get3A_185 = vector.shape_cast %get3A_184 : vector<1x16xi32> to vector<16xi32>
      %add3A_186 = vector.broadcast %mul3A_0 : i32 to vector<16xi32>
      %add3A_187 = arith.addi %get3A_185, %add3A_186 : vector<16xi32>
      %swap3A_188 = arith.index_cast %scan3A_150 : i32 to index
      %swap3A_189 = arith.constant 48 : index
      %swap3A_190 = tpu.vector_load %arg7[%swap3A_188, %swap3A_189] {strides = array<i32>} : memref<40x128xi32, #tpu.memory_space<vmem>>, vector<1x16xi32>,
      %swap3A_191 = vector.shape_cast %swap3A_190 : vector<1x16xi32> to vector<16xi32>
      %swap3A_192 = vector.shape_cast %add3A_187 : vector<16xi32> to vector<1x16xi32>
      tpu.vector_store %arg7[%swap3A_188, %swap3A_189], %swap3A_192 {strides = array<i32>} : memref<40x128xi32, #tpu.memory_space<vmem>>, vector<1x16xi32>,
      %get3A_193 = arith.index_cast %scan3A_150 : i32 to index
      %get3A_194 = arith.constant 64 : index
      %get3A_195 = tpu.vector_load %arg7[%get3A_193, %get3A_194] {strides = array<i32>} : memref<40x128xi32, #tpu.memory_space<vmem>>, vector<1x16xi32>,
      %get3A_196 = vector.shape_cast %get3A_195 : vector<1x16xi32> to vector<16xi32>
      %add3A_197 = vector.broadcast %mul3A_0 : i32 to vector<16xi32>
      %add3A_198 = arith.addi %get3A_196, %add3A_197 : vector<16xi32>
      %swap3A_199 = arith.index_cast %scan3A_150 : i32 to index
      %swap3A_200 = arith.constant 64 : index
      %swap3A_201 = tpu.vector_load %arg7[%swap3A_199, %swap3A_200] {strides = array<i32>} : memref<40x128xi32, #tpu.memory_space<vmem>>, vector<1x16xi32>,
      %swap3A_202 = vector.shape_cast %swap3A_201 : vector<1x16xi32> to vector<16xi32>
      %swap3A_203 = vector.shape_cast %add3A_198 : vector<16xi32> to vector<1x16xi32>
      tpu.vector_store %arg7[%swap3A_199, %swap3A_200], %swap3A_203 {strides = array<i32>} : memref<40x128xi32, #tpu.memory_space<vmem>>, vector<1x16xi32>,
      %get3A_204 = arith.index_cast %scan3A_150 : i32 to index
      %get3A_205 = arith.constant 80 : index
      %get3A_206 = tpu.vector_load %arg7[%get3A_204, %get3A_205] {strides = array<i32>} : memref<40x128xi32, #tpu.memory_space<vmem>>, vector<1x16xi32>,
      %get3A_207 = vector.shape_cast %get3A_206 : vector<1x16xi32> to vector<16xi32>
      %add3A_208 = vector.broadcast %mul3A_0 : i32 to vector<16xi32>
      %add3A_209 = arith.addi %get3A_207, %add3A_208 : vector<16xi32>
      %swap3A_210 = arith.index_cast %scan3A_150 : i32 to index
      %swap3A_211 = arith.constant 80 : index
      %swap3A_212 = tpu.vector_load %arg7[%swap3A_210, %swap3A_211] {strides = array<i32>} : memref<40x128xi32, #tpu.memory_space<vmem>>, vector<1x16xi32>,
      %swap3A_213 = vector.shape_cast %swap3A_212 : vector<1x16xi32> to vector<16xi32>
      %swap3A_214 = vector.shape_cast %add3A_209 : vector<16xi32> to vector<1x16xi32>
      tpu.vector_store %arg7[%swap3A_210, %swap3A_211], %swap3A_214 {strides = array<i32>} : memref<40x128xi32, #tpu.memory_space<vmem>>, vector<1x16xi32>,
      %get3A_215 = arith.index_cast %scan3A_150 : i32 to index
      %get3A_216 = arith.constant 96 : index
      %get3A_217 = tpu.vector_load %arg7[%get3A_215, %get3A_216] {strides = array<i32>} : memref<40x128xi32, #tpu.memory_space<vmem>>, vector<1x16xi32>,
      %get3A_218 = vector.shape_cast %get3A_217 : vector<1x16xi32> to vector<16xi32>
      %add3A_219 = vector.broadcast %mul3A_0 : i32 to vector<16xi32>
      %add3A_220 = arith.addi %get3A_218, %add3A_219 : vector<16xi32>
      %swap3A_221 = arith.index_cast %scan3A_150 : i32 to index
      %swap3A_222 = arith.constant 96 : index
      %swap3A_223 = tpu.vector_load %arg7[%swap3A_221, %swap3A_222] {strides = array<i32>} : memref<40x128xi32, #tpu.memory_space<vmem>>, vector<1x16xi32>,
      %swap3A_224 = vector.shape_cast %swap3A_223 : vector<1x16xi32> to vector<16xi32>
      %swap3A_225 = vector.shape_cast %add3A_220 : vector<16xi32> to vector<1x16xi32>
      tpu.vector_store %arg7[%swap3A_221, %swap3A_222], %swap3A_225 {strides = array<i32>} : memref<40x128xi32, #tpu.memory_space<vmem>>, vector<1x16xi32>,
      %get3A_226 = arith.index_cast %scan3A_150 : i32 to index
      %get3A_227 = arith.constant 112 : index
      %get3A_228 = tpu.vector_load %arg7[%get3A_226, %get3A_227] {strides = array<i32>} : memref<40x128xi32, #tpu.memory_space<vmem>>, vector<1x16xi32>,
      %get3A_229 = vector.shape_cast %get3A_228 : vector<1x16xi32> to vector<16xi32>
      %add3A_230 = vector.broadcast %mul3A_0 : i32 to vector<16xi32>
      %add3A_231 = arith.addi %get3A_229, %add3A_230 : vector<16xi32>
      %swap3A_232 = arith.index_cast %scan3A_150 : i32 to index
      %swap3A_233 = arith.constant 112 : index
      %swap3A_234 = tpu.vector_load %arg7[%swap3A_232, %swap3A_233] {strides = array<i32>} : memref<40x128xi32, #tpu.memory_space<vmem>>, vector<1x16xi32>,
      %swap3A_235 = vector.shape_cast %swap3A_234 : vector<1x16xi32> to vector<16xi32>
      %swap3A_236 = vector.shape_cast %add3A_231 : vector<16xi32> to vector<1x16xi32>
      tpu.vector_store %arg7[%swap3A_232, %swap3A_233], %swap3A_236 {strides = array<i32>} : memref<40x128xi32, #tpu.memory_space<vmem>>, vector<1x16xi32>,
    }
    %scan3A_92 = arith.constant 40 : i32
    %dma_start3A_93 = arith.constant 0 : i32
    %dma_start3A_94 = arith.constant 0 : i32
    %dma_start3A_95 = arith.constant 0 : i32
    %dma_start3A_96 = arith.constant 0 : i32
    %dma_start3A_97 = tpu.memref_slice %arg8[%dma_start3A_94, %dma_start3A_95, %dma_start3A_96] : memref<4x128x128xbf16, #tpu.memory_space<vmem>> -> memref<1x128x128xbf16, #tpu.memory_space<vmem>>
    %dma_start3A_98 = tpu.memref_squeeze %dma_start3A_97 : memref<1x128x128xbf16, #tpu.memory_space<vmem>> -> memref<128x128xbf16, #tpu.memory_space<vmem>>
    %dma_start3A_99 = arith.constant 0 : i32
    %dma_start3A_100 = tpu.memref_slice %arg7[%dma_start3A_93, %dma_start3A_99] : memref<40x128xi32, #tpu.memory_space<vmem>> -> memref<1x128xi32, #tpu.memory_space<vmem>>
    %dma_start3A_101 = tpu.memref_squeeze %dma_start3A_100 : memref<1x128xi32, #tpu.memory_space<vmem>> -> memref<128xi32, #tpu.memory_space<vmem>>
    %dma_start3A_102 = arith.constant 0 : i32
    %dma_start3A_103 = arith.constant 0 : i32
    %dma_start3A_104 = tpu.memref_slice %arg2[%dma_start3A_102, %dma_start3A_103] : memref<20000x128xbf16, #tpu.memory_space<hbm>> -> memref<20000x128xbf16, #tpu.memory_space<hbm>>
    tpu.enqueue_indirect_dma source(%dma_start3A_104 : memref<20000x128xbf16, #tpu.memory_space<hbm>>) target(%dma_start3A_98 : memref<128x128xbf16, #tpu.memory_space<vmem>>) offsets(%dma_start3A_101 : memref<128xi32, #tpu.memory_space<vmem>>) semaphore(%arg10 : memref<!tpu.dma_semaphore, #tpu.memory_space<semaphore_mem>>)
    %dma_start3A_105 = arith.constant 1 : i32
    %dma_start3A_106 = arith.constant 1 : i32
    %dma_start3A_107 = arith.constant 0 : i32
    %dma_start3A_108 = arith.constant 0 : i32
    %dma_start3A_109 = tpu.memref_slice %arg8[%dma_start3A_106, %dma_start3A_107, %dma_start3A_108] : memref<4x128x128xbf16, #tpu.memory_space<vmem>> -> memref<1x128x128xbf16, #tpu.memory_space<vmem>>
    %dma_start3A_110 = tpu.memref_squeeze %dma_start3A_109 : memref<1x128x128xbf16, #tpu.memory_space<vmem>> -> memref<128x128xbf16, #tpu.memory_space<vmem>>
    %dma_start3A_111 = arith.constant 0 : i32
    %dma_start3A_112 = tpu.memref_slice %arg7[%dma_start3A_105, %dma_start3A_111] : memref<40x128xi32, #tpu.memory_space<vmem>> -> memref<1x128xi32, #tpu.memory_space<vmem>>
    %dma_start3A_113 = tpu.memref_squeeze %dma_start3A_112 : memref<1x128xi32, #tpu.memory_space<vmem>> -> memref<128xi32, #tpu.memory_space<vmem>>
    %dma_start3A_114 = arith.constant 0 : i32
    %dma_start3A_115 = arith.constant 0 : i32
    %dma_start3A_116 = tpu.memref_slice %arg2[%dma_start3A_114, %dma_start3A_115] : memref<20000x128xbf16, #tpu.memory_space<hbm>> -> memref<20000x128xbf16, #tpu.memory_space<hbm>>
    tpu.enqueue_indirect_dma source(%dma_start3A_116 : memref<20000x128xbf16, #tpu.memory_space<hbm>>) target(%dma_start3A_110 : memref<128x128xbf16, #tpu.memory_space<vmem>>) offsets(%dma_start3A_113 : memref<128xi32, #tpu.memory_space<vmem>>) semaphore(%arg11 : memref<!tpu.dma_semaphore, #tpu.memory_space<semaphore_mem>>)
    %dma_start3A_117 = arith.constant 2 : i32
    %dma_start3A_118 = arith.constant 2 : i32
    %dma_start3A_119 = arith.constant 0 : i32
    %dma_start3A_120 = arith.constant 0 : i32
    %dma_start3A_121 = tpu.memref_slice %arg8[%dma_start3A_118, %dma_start3A_119, %dma_start3A_120] : memref<4x128x128xbf16, #tpu.memory_space<vmem>> -> memref<1x128x128xbf16, #tpu.memory_space<vmem>>
    %dma_start3A_122 = tpu.memref_squeeze %dma_start3A_121 : memref<1x128x128xbf16, #tpu.memory_space<vmem>> -> memref<128x128xbf16, #tpu.memory_space<vmem>>
    %dma_start3A_123 = arith.constant 0 : i32
    %dma_start3A_124 = tpu.memref_slice %arg7[%dma_start3A_117, %dma_start3A_123] : memref<40x128xi32, #tpu.memory_space<vmem>> -> memref<1x128xi32, #tpu.memory_space<vmem>>
    %dma_start3A_125 = tpu.memref_squeeze %dma_start3A_124 : memref<1x128xi32, #tpu.memory_space<vmem>> -> memref<128xi32, #tpu.memory_space<vmem>>
    %dma_start3A_126 = arith.constant 0 : i32
    %dma_start3A_127 = arith.constant 0 : i32
    %dma_start3A_128 = tpu.memref_slice %arg2[%dma_start3A_126, %dma_start3A_127] : memref<20000x128xbf16, #tpu.memory_space<hbm>> -> memref<20000x128xbf16, #tpu.memory_space<hbm>>
    tpu.enqueue_indirect_dma source(%dma_start3A_128 : memref<20000x128xbf16, #tpu.memory_space<hbm>>) target(%dma_start3A_122 : memref<128x128xbf16, #tpu.memory_space<vmem>>) offsets(%dma_start3A_125 : memref<128xi32, #tpu.memory_space<vmem>>) semaphore(%arg12 : memref<!tpu.dma_semaphore, #tpu.memory_space<semaphore_mem>>)
    %scan3A_129 = arith.constant 0 : i32
    %scan3A_130 = arith.constant 0 : i32
    %scan3A_131 = arith.constant 10 : i32
    %scan3A_132 = arith.addi %scan3A_130, %scan3A_131 : i32
    %scan3A_133 = arith.constant 1 : i32
    scf.for %scan3A_150 = %scan3A_130 to %scan3A_132 step %scan3A_133  : i32 {
      %mul3A_151 = arith.constant 4 : i32
      %mul3A_152 = arith.muli %scan3A_150, %mul3A_151 : i32
      %add3A_153 = arith.constant 0 : i32
      %add3A_154 = arith.addi %mul3A_152, %add3A_153 : i32
      %dma_wait3A_155 = arith.constant 0 : i32
      %dma_wait3A_156 = arith.constant 0 : i32
      %dma_wait3A_157 = arith.constant 0 : i32
      %dma_wait3A_158 = tpu.memref_slice %arg8[%dma_wait3A_155, %dma_wait3A_156, %dma_wait3A_157] : memref<4x128x128xbf16, #tpu.memory_space<vmem>> -> memref<1x128x128xbf16, #tpu.memory_space<vmem>>
      %dma_wait3A_159 = tpu.memref_squeeze %dma_wait3A_158 : memref<1x128x128xbf16, #tpu.memory_space<vmem>> -> memref<128x128xbf16, #tpu.memory_space<vmem>>
      %dma_wait3A_160 = arith.constant 0 : i32
      %dma_wait3A_161 = tpu.memref_slice %arg7[%add3A_154, %dma_wait3A_160] : memref<40x128xi32, #tpu.memory_space<vmem>> -> memref<1x128xi32, #tpu.memory_space<vmem>>
      %dma_wait3A_162 = tpu.memref_squeeze %dma_wait3A_161 : memref<1x128xi32, #tpu.memory_space<vmem>> -> memref<128xi32, #tpu.memory_space<vmem>>
      %dma_wait3A_163 = arith.constant 0 : i32
      %dma_wait3A_164 = arith.constant 0 : i32
      %dma_wait3A_165 = tpu.memref_slice %arg2[%dma_wait3A_163, %dma_wait3A_164] : memref<20000x128xbf16, #tpu.memory_space<hbm>> -> memref<20000x128xbf16, #tpu.memory_space<hbm>>
      tpu.wait_indirect_dma semaphore(%arg10 : memref<!tpu.dma_semaphore, #tpu.memory_space<semaphore_mem>>) src(%dma_wait3A_165 : memref<20000x128xbf16, #tpu.memory_space<hbm>>) dst(%dma_wait3A_159 : memref<128x128xbf16, #tpu.memory_space<vmem>>)
      %dma_start3A_166 = arith.constant 0 : i32
      %dma_start3A_167 = arith.constant 0 : i32
      %dma_start3A_168 = arith.constant 0 : i32
      %dma_start3A_169 = tpu.memref_slice %arg8[%dma_start3A_166, %dma_start3A_167, %dma_start3A_168] : memref<4x128x128xbf16, #tpu.memory_space<vmem>> -> memref<1x128x128xbf16, #tpu.memory_space<vmem>>
      %dma_start3A_170 = tpu.memref_squeeze %dma_start3A_169 : memref<1x128x128xbf16, #tpu.memory_space<vmem>> -> memref<128x128xbf16, #tpu.memory_space<vmem>>
      %dma_start3A_171 = arith.constant 0 : i32
      %dma_start3A_172 = tpu.memref_slice %arg6[%add3A_154, %dma_start3A_171] : memref<40x128xi32, #tpu.memory_space<vmem>> -> memref<1x128xi32, #tpu.memory_space<vmem>>
      %dma_start3A_173 = tpu.memref_squeeze %dma_start3A_172 : memref<1x128xi32, #tpu.memory_space<vmem>> -> memref<128xi32, #tpu.memory_space<vmem>>
      %dma_start3A_174 = arith.constant 0 : i32
      %dma_start3A_175 = arith.constant 0 : i32
      %dma_start3A_176 = tpu.memref_slice %arg9[%dma_start3A_174, %dma_start3A_175] : memref<10016x128xbf16, #tpu.memory_space<vmem_shared>> -> memref<10016x128xbf16, #tpu.memory_space<vmem_shared>>
      tpu.enqueue_indirect_dma source(%dma_start3A_170 : memref<128x128xbf16, #tpu.memory_space<vmem>>) target(%dma_start3A_176 : memref<10016x128xbf16, #tpu.memory_space<vmem_shared>>) offsets(%dma_start3A_173 : memref<128xi32, #tpu.memory_space<vmem>>) semaphore(%arg14 : memref<!tpu.dma_semaphore, #tpu.memory_space<semaphore_mem>>) {add = true}
      %ge3A = arith.constant 1 : i32
      %ge3A_177 = arith.cmpi sge, %add3A_154, %ge3A : i32
      %convert_element_type3A_178 = arith.extui %ge3A_177 : i1 to i32
      %cond3A_179 = arith.constant 0 : i32
      %cond3A_180 = arith.cmpi ne, %convert_element_type3A_178, %cond3A_179 : i32
      scf.if %cond3A_180 {
        %sub3A_309 = arith.constant 1 : i32
        %sub3A_310 = arith.subi %add3A_154, %sub3A_309 : i32
        %dma_wait3A_311 = arith.constant 3 : i32
        %dma_wait3A_312 = arith.constant 0 : i32
        %dma_wait3A_313 = arith.constant 0 : i32
        %dma_wait3A_314 = tpu.memref_slice %arg8[%dma_wait3A_311, %dma_wait3A_312, %dma_wait3A_313] : memref<4x128x128xbf16, #tpu.memory_space<vmem>> -> memref<1x128x128xbf16, #tpu.memory_space<vmem>>
        %dma_wait3A_315 = tpu.memref_squeeze %dma_wait3A_314 : memref<1x128x128xbf16, #tpu.memory_space<vmem>> -> memref<128x128xbf16, #tpu.memory_space<vmem>>
        %dma_wait3A_316 = arith.constant 0 : i32
        %dma_wait3A_317 = tpu.memref_slice %arg6[%sub3A_310, %dma_wait3A_316] : memref<40x128xi32, #tpu.memory_space<vmem>> -> memref<1x128xi32, #tpu.memory_space<vmem>>
        %dma_wait3A_318 = tpu.memref_squeeze %dma_wait3A_317 : memref<1x128xi32, #tpu.memory_space<vmem>> -> memref<128xi32, #tpu.memory_space<vmem>>
        %dma_wait3A_319 = arith.constant 0 : i32
        %dma_wait3A_320 = arith.constant 0 : i32
        %dma_wait3A_321 = tpu.memref_slice %arg9[%dma_wait3A_319, %dma_wait3A_320] : memref<10016x128xbf16, #tpu.memory_space<vmem_shared>> -> memref<10016x128xbf16, #tpu.memory_space<vmem_shared>>
        tpu.wait_indirect_dma semaphore(%arg17 : memref<!tpu.dma_semaphore, #tpu.memory_space<semaphore_mem>>) src(%dma_wait3A_315 : memref<128x128xbf16, #tpu.memory_space<vmem>>) dst(%dma_wait3A_321 : memref<10016x128xbf16, #tpu.memory_space<vmem_shared>>)
      } else {
      }
      %add3A_181 = arith.constant 4 : i32
      %add3A_182 = arith.addi %add3A_154, %add3A_181 : i32
      %sub3A = arith.constant 1 : i32
      %sub3A_183 = arith.subi %add3A_182, %sub3A : i32
      %lt3A_184 = arith.constant 40 : i32
      %lt3A_185 = arith.cmpi slt, %sub3A_183, %lt3A_184 : i32
      %convert_element_type3A_186 = arith.extui %lt3A_185 : i1 to i32
      %cond3A_187 = arith.constant 0 : i32
      %cond3A_188 = arith.cmpi ne, %convert_element_type3A_186, %cond3A_187 : i32
      scf.if %cond3A_188 {
        %add3A_309 = arith.constant 4 : i32
        %add3A_310 = arith.addi %add3A_154, %add3A_309 : i32
        %sub3A_311 = arith.constant 1 : i32
        %sub3A_312 = arith.subi %add3A_310, %sub3A_311 : i32
        %dma_start3A_313 = arith.constant 3 : i32
        %dma_start3A_314 = arith.constant 0 : i32
        %dma_start3A_315 = arith.constant 0 : i32
        %dma_start3A_316 = tpu.memref_slice %arg8[%dma_start3A_313, %dma_start3A_314, %dma_start3A_315] : memref<4x128x128xbf16, #tpu.memory_space<vmem>> -> memref<1x128x128xbf16, #tpu.memory_space<vmem>>
        %dma_start3A_317 = tpu.memref_squeeze %dma_start3A_316 : memref<1x128x128xbf16, #tpu.memory_space<vmem>> -> memref<128x128xbf16, #tpu.memory_space<vmem>>
        %dma_start3A_318 = arith.constant 0 : i32
        %dma_start3A_319 = tpu.memref_slice %arg7[%sub3A_312, %dma_start3A_318] : memref<40x128xi32, #tpu.memory_space<vmem>> -> memref<1x128xi32, #tpu.memory_space<vmem>>
        %dma_start3A_320 = tpu.memref_squeeze %dma_start3A_319 : memref<1x128xi32, #tpu.memory_space<vmem>> -> memref<128xi32, #tpu.memory_space<vmem>>
        %dma_start3A_321 = arith.constant 0 : i32
        %dma_start3A_322 = arith.constant 0 : i32
        %dma_start3A_323 = tpu.memref_slice %arg2[%dma_start3A_321, %dma_start3A_322] : memref<20000x128xbf16, #tpu.memory_space<hbm>> -> memref<20000x128xbf16, #tpu.memory_space<hbm>>
        tpu.enqueue_indirect_dma source(%dma_start3A_323 : memref<20000x128xbf16, #tpu.memory_space<hbm>>) target(%dma_start3A_317 : memref<128x128xbf16, #tpu.memory_space<vmem>>) offsets(%dma_start3A_320 : memref<128xi32, #tpu.memory_space<vmem>>) semaphore(%arg13 : memref<!tpu.dma_semaphore, #tpu.memory_space<semaphore_mem>>)
      } else {
      }
      %mul3A_189 = arith.constant 4 : i32
      %mul3A_190 = arith.muli %scan3A_150, %mul3A_189 : i32
      %add3A_191 = arith.constant 1 : i32
      %add3A_192 = arith.addi %mul3A_190, %add3A_191 : i32
      %dma_wait3A_193 = arith.constant 1 : i32
      %dma_wait3A_194 = arith.constant 0 : i32
      %dma_wait3A_195 = arith.constant 0 : i32
      %dma_wait3A_196 = tpu.memref_slice %arg8[%dma_wait3A_193, %dma_wait3A_194, %dma_wait3A_195] : memref<4x128x128xbf16, #tpu.memory_space<vmem>> -> memref<1x128x128xbf16, #tpu.memory_space<vmem>>
      %dma_wait3A_197 = tpu.memref_squeeze %dma_wait3A_196 : memref<1x128x128xbf16, #tpu.memory_space<vmem>> -> memref<128x128xbf16, #tpu.memory_space<vmem>>
      %dma_wait3A_198 = arith.constant 0 : i32
      %dma_wait3A_199 = tpu.memref_slice %arg7[%add3A_192, %dma_wait3A_198] : memref<40x128xi32, #tpu.memory_space<vmem>> -> memref<1x128xi32, #tpu.memory_space<vmem>>
      %dma_wait3A_200 = tpu.memref_squeeze %dma_wait3A_199 : memref<1x128xi32, #tpu.memory_space<vmem>> -> memref<128xi32, #tpu.memory_space<vmem>>
      %dma_wait3A_201 = arith.constant 0 : i32
      %dma_wait3A_202 = arith.constant 0 : i32
      %dma_wait3A_203 = tpu.memref_slice %arg2[%dma_wait3A_201, %dma_wait3A_202] : memref<20000x128xbf16, #tpu.memory_space<hbm>> -> memref<20000x128xbf16, #tpu.memory_space<hbm>>
      tpu.wait_indirect_dma semaphore(%arg11 : memref<!tpu.dma_semaphore, #tpu.memory_space<semaphore_mem>>) src(%dma_wait3A_203 : memref<20000x128xbf16, #tpu.memory_space<hbm>>) dst(%dma_wait3A_197 : memref<128x128xbf16, #tpu.memory_space<vmem>>)
      %dma_start3A_204 = arith.constant 1 : i32
      %dma_start3A_205 = arith.constant 0 : i32
      %dma_start3A_206 = arith.constant 0 : i32
      %dma_start3A_207 = tpu.memref_slice %arg8[%dma_start3A_204, %dma_start3A_205, %dma_start3A_206] : memref<4x128x128xbf16, #tpu.memory_space<vmem>> -> memref<1x128x128xbf16, #tpu.memory_space<vmem>>
      %dma_start3A_208 = tpu.memref_squeeze %dma_start3A_207 : memref<1x128x128xbf16, #tpu.memory_space<vmem>> -> memref<128x128xbf16, #tpu.memory_space<vmem>>
      %dma_start3A_209 = arith.constant 0 : i32
      %dma_start3A_210 = tpu.memref_slice %arg6[%add3A_192, %dma_start3A_209] : memref<40x128xi32, #tpu.memory_space<vmem>> -> memref<1x128xi32, #tpu.memory_space<vmem>>
      %dma_start3A_211 = tpu.memref_squeeze %dma_start3A_210 : memref<1x128xi32, #tpu.memory_space<vmem>> -> memref<128xi32, #tpu.memory_space<vmem>>
      %dma_start3A_212 = arith.constant 0 : i32
      %dma_start3A_213 = arith.constant 0 : i32
      %dma_start3A_214 = tpu.memref_slice %arg9[%dma_start3A_212, %dma_start3A_213] : memref<10016x128xbf16, #tpu.memory_space<vmem_shared>> -> memref<10016x128xbf16, #tpu.memory_space<vmem_shared>>
      tpu.enqueue_indirect_dma source(%dma_start3A_208 : memref<128x128xbf16, #tpu.memory_space<vmem>>) target(%dma_start3A_214 : memref<10016x128xbf16, #tpu.memory_space<vmem_shared>>) offsets(%dma_start3A_211 : memref<128xi32, #tpu.memory_space<vmem>>) semaphore(%arg15 : memref<!tpu.dma_semaphore, #tpu.memory_space<semaphore_mem>>) {add = true}
      %ge3A_215 = arith.constant 1 : i32
      %ge3A_216 = arith.cmpi sge, %add3A_192, %ge3A_215 : i32
      %convert_element_type3A_217 = arith.extui %ge3A_216 : i1 to i32
      %cond3A_218 = arith.constant 0 : i32
      %cond3A_219 = arith.cmpi ne, %convert_element_type3A_217, %cond3A_218 : i32
      scf.if %cond3A_219 {
        %sub3A_309 = arith.constant 1 : i32
        %sub3A_310 = arith.subi %add3A_192, %sub3A_309 : i32
        %dma_wait3A_311 = arith.constant 0 : i32
        %dma_wait3A_312 = arith.constant 0 : i32
        %dma_wait3A_313 = arith.constant 0 : i32
        %dma_wait3A_314 = tpu.memref_slice %arg8[%dma_wait3A_311, %dma_wait3A_312, %dma_wait3A_313] : memref<4x128x128xbf16, #tpu.memory_space<vmem>> -> memref<1x128x128xbf16, #tpu.memory_space<vmem>>
        %dma_wait3A_315 = tpu.memref_squeeze %dma_wait3A_314 : memref<1x128x128xbf16, #tpu.memory_space<vmem>> -> memref<128x128xbf16, #tpu.memory_space<vmem>>
        %dma_wait3A_316 = arith.constant 0 : i32
        %dma_wait3A_317 = tpu.memref_slice %arg6[%sub3A_310, %dma_wait3A_316] : memref<40x128xi32, #tpu.memory_space<vmem>> -> memref<1x128xi32, #tpu.memory_space<vmem>>
        %dma_wait3A_318 = tpu.memref_squeeze %dma_wait3A_317 : memref<1x128xi32, #tpu.memory_space<vmem>> -> memref<128xi32, #tpu.memory_space<vmem>>
        %dma_wait3A_319 = arith.constant 0 : i32
        %dma_wait3A_320 = arith.constant 0 : i32
        %dma_wait3A_321 = tpu.memref_slice %arg9[%dma_wait3A_319, %dma_wait3A_320] : memref<10016x128xbf16, #tpu.memory_space<vmem_shared>> -> memref<10016x128xbf16, #tpu.memory_space<vmem_shared>>
        tpu.wait_indirect_dma semaphore(%arg14 : memref<!tpu.dma_semaphore, #tpu.memory_space<semaphore_mem>>) src(%dma_wait3A_315 : memref<128x128xbf16, #tpu.memory_space<vmem>>) dst(%dma_wait3A_321 : memref<10016x128xbf16, #tpu.memory_space<vmem_shared>>)
      } else {
      }
      %add3A_220 = arith.constant 4 : i32
      %add3A_221 = arith.addi %add3A_192, %add3A_220 : i32
      %sub3A_222 = arith.constant 1 : i32
      %sub3A_223 = arith.subi %add3A_221, %sub3A_222 : i32
      %lt3A_224 = arith.constant 40 : i32
      %lt3A_225 = arith.cmpi slt, %sub3A_223, %lt3A_224 : i32
      %convert_element_type3A_226 = arith.extui %lt3A_225 : i1 to i32
      %cond3A_227 = arith.constant 0 : i32
      %cond3A_228 = arith.cmpi ne, %convert_element_type3A_226, %cond3A_227 : i32
      scf.if %cond3A_228 {
        %add3A_309 = arith.constant 4 : i32
        %add3A_310 = arith.addi %add3A_192, %add3A_309 : i32
        %sub3A_311 = arith.constant 1 : i32
        %sub3A_312 = arith.subi %add3A_310, %sub3A_311 : i32
        %dma_start3A_313 = arith.constant 0 : i32
        %dma_start3A_314 = arith.constant 0 : i32
        %dma_start3A_315 = arith.constant 0 : i32
        %dma_start3A_316 = tpu.memref_slice %arg8[%dma_start3A_313, %dma_start3A_314, %dma_start3A_315] : memref<4x128x128xbf16, #tpu.memory_space<vmem>> -> memref<1x128x128xbf16, #tpu.memory_space<vmem>>
        %dma_start3A_317 = tpu.memref_squeeze %dma_start3A_316 : memref<1x128x128xbf16, #tpu.memory_space<vmem>> -> memref<128x128xbf16, #tpu.memory_space<vmem>>
        %dma_start3A_318 = arith.constant 0 : i32
        %dma_start3A_319 = tpu.memref_slice %arg7[%sub3A_312, %dma_start3A_318] : memref<40x128xi32, #tpu.memory_space<vmem>> -> memref<1x128xi32, #tpu.memory_space<vmem>>
        %dma_start3A_320 = tpu.memref_squeeze %dma_start3A_319 : memref<1x128xi32, #tpu.memory_space<vmem>> -> memref<128xi32, #tpu.memory_space<vmem>>
        %dma_start3A_321 = arith.constant 0 : i32
        %dma_start3A_322 = arith.constant 0 : i32
        %dma_start3A_323 = tpu.memref_slice %arg2[%dma_start3A_321, %dma_start3A_322] : memref<20000x128xbf16, #tpu.memory_space<hbm>> -> memref<20000x128xbf16, #tpu.memory_space<hbm>>
        tpu.enqueue_indirect_dma source(%dma_start3A_323 : memref<20000x128xbf16, #tpu.memory_space<hbm>>) target(%dma_start3A_317 : memref<128x128xbf16, #tpu.memory_space<vmem>>) offsets(%dma_start3A_320 : memref<128xi32, #tpu.memory_space<vmem>>) semaphore(%arg10 : memref<!tpu.dma_semaphore, #tpu.memory_space<semaphore_mem>>)
      } else {
      }
      %mul3A_229 = arith.constant 4 : i32
      %mul3A_230 = arith.muli %scan3A_150, %mul3A_229 : i32
      %add3A_231 = arith.constant 2 : i32
      %add3A_232 = arith.addi %mul3A_230, %add3A_231 : i32
      %dma_wait3A_233 = arith.constant 2 : i32
      %dma_wait3A_234 = arith.constant 0 : i32
      %dma_wait3A_235 = arith.constant 0 : i32
      %dma_wait3A_236 = tpu.memref_slice %arg8[%dma_wait3A_233, %dma_wait3A_234, %dma_wait3A_235] : memref<4x128x128xbf16, #tpu.memory_space<vmem>> -> memref<1x128x128xbf16, #tpu.memory_space<vmem>>
      %dma_wait3A_237 = tpu.memref_squeeze %dma_wait3A_236 : memref<1x128x128xbf16, #tpu.memory_space<vmem>> -> memref<128x128xbf16, #tpu.memory_space<vmem>>
      %dma_wait3A_238 = arith.constant 0 : i32
      %dma_wait3A_239 = tpu.memref_slice %arg7[%add3A_232, %dma_wait3A_238] : memref<40x128xi32, #tpu.memory_space<vmem>> -> memref<1x128xi32, #tpu.memory_space<vmem>>
      %dma_wait3A_240 = tpu.memref_squeeze %dma_wait3A_239 : memref<1x128xi32, #tpu.memory_space<vmem>> -> memref<128xi32, #tpu.memory_space<vmem>>
      %dma_wait3A_241 = arith.constant 0 : i32
      %dma_wait3A_242 = arith.constant 0 : i32
      %dma_wait3A_243 = tpu.memref_slice %arg2[%dma_wait3A_241, %dma_wait3A_242] : memref<20000x128xbf16, #tpu.memory_space<hbm>> -> memref<20000x128xbf16, #tpu.memory_space<hbm>>
      tpu.wait_indirect_dma semaphore(%arg12 : memref<!tpu.dma_semaphore, #tpu.memory_space<semaphore_mem>>) src(%dma_wait3A_243 : memref<20000x128xbf16, #tpu.memory_space<hbm>>) dst(%dma_wait3A_237 : memref<128x128xbf16, #tpu.memory_space<vmem>>)
      %dma_start3A_244 = arith.constant 2 : i32
      %dma_start3A_245 = arith.constant 0 : i32
      %dma_start3A_246 = arith.constant 0 : i32
      %dma_start3A_247 = tpu.memref_slice %arg8[%dma_start3A_244, %dma_start3A_245, %dma_start3A_246] : memref<4x128x128xbf16, #tpu.memory_space<vmem>> -> memref<1x128x128xbf16, #tpu.memory_space<vmem>>
      %dma_start3A_248 = tpu.memref_squeeze %dma_start3A_247 : memref<1x128x128xbf16, #tpu.memory_space<vmem>> -> memref<128x128xbf16, #tpu.memory_space<vmem>>
      %dma_start3A_249 = arith.constant 0 : i32
      %dma_start3A_250 = tpu.memref_slice %arg6[%add3A_232, %dma_start3A_249] : memref<40x128xi32, #tpu.memory_space<vmem>> -> memref<1x128xi32, #tpu.memory_space<vmem>>
      %dma_start3A_251 = tpu.memref_squeeze %dma_start3A_250 : memref<1x128xi32, #tpu.memory_space<vmem>> -> memref<128xi32, #tpu.memory_space<vmem>>
      %dma_start3A_252 = arith.constant 0 : i32
      %dma_start3A_253 = arith.constant 0 : i32
      %dma_start3A_254 = tpu.memref_slice %arg9[%dma_start3A_252, %dma_start3A_253] : memref<10016x128xbf16, #tpu.memory_space<vmem_shared>> -> memref<10016x128xbf16, #tpu.memory_space<vmem_shared>>
      tpu.enqueue_indirect_dma source(%dma_start3A_248 : memref<128x128xbf16, #tpu.memory_space<vmem>>) target(%dma_start3A_254 : memref<10016x128xbf16, #tpu.memory_space<vmem_shared>>) offsets(%dma_start3A_251 : memref<128xi32, #tpu.memory_space<vmem>>) semaphore(%arg16 : memref<!tpu.dma_semaphore, #tpu.memory_space<semaphore_mem>>) {add = true}
      %ge3A_255 = arith.constant 1 : i32
      %ge3A_256 = arith.cmpi sge, %add3A_232, %ge3A_255 : i32
      %convert_element_type3A_257 = arith.extui %ge3A_256 : i1 to i32
      %cond3A_258 = arith.constant 0 : i32
      %cond3A_259 = arith.cmpi ne, %convert_element_type3A_257, %cond3A_258 : i32
      scf.if %cond3A_259 {
        %sub3A_309 = arith.constant 1 : i32
        %sub3A_310 = arith.subi %add3A_232, %sub3A_309 : i32
        %dma_wait3A_311 = arith.constant 1 : i32
        %dma_wait3A_312 = arith.constant 0 : i32
        %dma_wait3A_313 = arith.constant 0 : i32
        %dma_wait3A_314 = tpu.memref_slice %arg8[%dma_wait3A_311, %dma_wait3A_312, %dma_wait3A_313] : memref<4x128x128xbf16, #tpu.memory_space<vmem>> -> memref<1x128x128xbf16, #tpu.memory_space<vmem>>
        %dma_wait3A_315 = tpu.memref_squeeze %dma_wait3A_314 : memref<1x128x128xbf16, #tpu.memory_space<vmem>> -> memref<128x128xbf16, #tpu.memory_space<vmem>>
        %dma_wait3A_316 = arith.constant 0 : i32
        %dma_wait3A_317 = tpu.memref_slice %arg6[%sub3A_310, %dma_wait3A_316] : memref<40x128xi32, #tpu.memory_space<vmem>> -> memref<1x128xi32, #tpu.memory_space<vmem>>
        %dma_wait3A_318 = tpu.memref_squeeze %dma_wait3A_317 : memref<1x128xi32, #tpu.memory_space<vmem>> -> memref<128xi32, #tpu.memory_space<vmem>>
        %dma_wait3A_319 = arith.constant 0 : i32
        %dma_wait3A_320 = arith.constant 0 : i32
        %dma_wait3A_321 = tpu.memref_slice %arg9[%dma_wait3A_319, %dma_wait3A_320] : memref<10016x128xbf16, #tpu.memory_space<vmem_shared>> -> memref<10016x128xbf16, #tpu.memory_space<vmem_shared>>
        tpu.wait_indirect_dma semaphore(%arg15 : memref<!tpu.dma_semaphore, #tpu.memory_space<semaphore_mem>>) src(%dma_wait3A_315 : memref<128x128xbf16, #tpu.memory_space<vmem>>) dst(%dma_wait3A_321 : memref<10016x128xbf16, #tpu.memory_space<vmem_shared>>)
      } else {
      }
      %add3A_260 = arith.constant 4 : i32
      %add3A_261 = arith.addi %add3A_232, %add3A_260 : i32
      %sub3A_262 = arith.constant 1 : i32
      %sub3A_263 = arith.subi %add3A_261, %sub3A_262 : i32
      %lt3A_264 = arith.constant 40 : i32
      %lt3A_265 = arith.cmpi slt, %sub3A_263, %lt3A_264 : i32
      %convert_element_type3A_266 = arith.extui %lt3A_265 : i1 to i32
      %cond3A_267 = arith.constant 0 : i32
      %cond3A_268 = arith.cmpi ne, %convert_element_type3A_266, %cond3A_267 : i32
      scf.if %cond3A_268 {
        %add3A_309 = arith.constant 4 : i32
        %add3A_310 = arith.addi %add3A_232, %add3A_309 : i32
        %sub3A_311 = arith.constant 1 : i32
        %sub3A_312 = arith.subi %add3A_310, %sub3A_311 : i32
        %dma_start3A_313 = arith.constant 1 : i32
        %dma_start3A_314 = arith.constant 0 : i32
        %dma_start3A_315 = arith.constant 0 : i32
        %dma_start3A_316 = tpu.memref_slice %arg8[%dma_start3A_313, %dma_start3A_314, %dma_start3A_315] : memref<4x128x128xbf16, #tpu.memory_space<vmem>> -> memref<1x128x128xbf16, #tpu.memory_space<vmem>>
        %dma_start3A_317 = tpu.memref_squeeze %dma_start3A_316 : memref<1x128x128xbf16, #tpu.memory_space<vmem>> -> memref<128x128xbf16, #tpu.memory_space<vmem>>
        %dma_start3A_318 = arith.constant 0 : i32
        %dma_start3A_319 = tpu.memref_slice %arg7[%sub3A_312, %dma_start3A_318] : memref<40x128xi32, #tpu.memory_space<vmem>> -> memref<1x128xi32, #tpu.memory_space<vmem>>
        %dma_start3A_320 = tpu.memref_squeeze %dma_start3A_319 : memref<1x128xi32, #tpu.memory_space<vmem>> -> memref<128xi32, #tpu.memory_space<vmem>>
        %dma_start3A_321 = arith.constant 0 : i32
        %dma_start3A_322 = arith.constant 0 : i32
        %dma_start3A_323 = tpu.memref_slice %arg2[%dma_start3A_321, %dma_start3A_322] : memref<20000x128xbf16, #tpu.memory_space<hbm>> -> memref<20000x128xbf16, #tpu.memory_space<hbm>>
        tpu.enqueue_indirect_dma source(%dma_start3A_323 : memref<20000x128xbf16, #tpu.memory_space<hbm>>) target(%dma_start3A_317 : memref<128x128xbf16, #tpu.memory_space<vmem>>) offsets(%dma_start3A_320 : memref<128xi32, #tpu.memory_space<vmem>>) semaphore(%arg11 : memref<!tpu.dma_semaphore, #tpu.memory_space<semaphore_mem>>)
      } else {
      }
      %mul3A_269 = arith.constant 4 : i32
      %mul3A_270 = arith.muli %scan3A_150, %mul3A_269 : i32
      %add3A_271 = arith.constant 3 : i32
      %add3A_272 = arith.addi %mul3A_270, %add3A_271 : i32
      %dma_wait3A_273 = arith.constant 3 : i32
      %dma_wait3A_274 = arith.constant 0 : i32
      %dma_wait3A_275 = arith.constant 0 : i32
      %dma_wait3A_276 = tpu.memref_slice %arg8[%dma_wait3A_273, %dma_wait3A_274, %dma_wait3A_275] : memref<4x128x128xbf16, #tpu.memory_space<vmem>> -> memref<1x128x128xbf16, #tpu.memory_space<vmem>>
      %dma_wait3A_277 = tpu.memref_squeeze %dma_wait3A_276 : memref<1x128x128xbf16, #tpu.memory_space<vmem>> -> memref<128x128xbf16, #tpu.memory_space<vmem>>
      %dma_wait3A_278 = arith.constant 0 : i32
      %dma_wait3A_279 = tpu.memref_slice %arg7[%add3A_272, %dma_wait3A_278] : memref<40x128xi32, #tpu.memory_space<vmem>> -> memref<1x128xi32, #tpu.memory_space<vmem>>
      %dma_wait3A_280 = tpu.memref_squeeze %dma_wait3A_279 : memref<1x128xi32, #tpu.memory_space<vmem>> -> memref<128xi32, #tpu.memory_space<vmem>>
      %dma_wait3A_281 = arith.constant 0 : i32
      %dma_wait3A_282 = arith.constant 0 : i32
      %dma_wait3A_283 = tpu.memref_slice %arg2[%dma_wait3A_281, %dma_wait3A_282] : memref<20000x128xbf16, #tpu.memory_space<hbm>> -> memref<20000x128xbf16, #tpu.memory_space<hbm>>
      tpu.wait_indirect_dma semaphore(%arg13 : memref<!tpu.dma_semaphore, #tpu.memory_space<semaphore_mem>>) src(%dma_wait3A_283 : memref<20000x128xbf16, #tpu.memory_space<hbm>>) dst(%dma_wait3A_277 : memref<128x128xbf16, #tpu.memory_space<vmem>>)
      %dma_start3A_284 = arith.constant 3 : i32
      %dma_start3A_285 = arith.constant 0 : i32
      %dma_start3A_286 = arith.constant 0 : i32
      %dma_start3A_287 = tpu.memref_slice %arg8[%dma_start3A_284, %dma_start3A_285, %dma_start3A_286] : memref<4x128x128xbf16, #tpu.memory_space<vmem>> -> memref<1x128x128xbf16, #tpu.memory_space<vmem>>
      %dma_start3A_288 = tpu.memref_squeeze %dma_start3A_287 : memref<1x128x128xbf16, #tpu.memory_space<vmem>> -> memref<128x128xbf16, #tpu.memory_space<vmem>>
      %dma_start3A_289 = arith.constant 0 : i32
      %dma_start3A_290 = tpu.memref_slice %arg6[%add3A_272, %dma_start3A_289] : memref<40x128xi32, #tpu.memory_space<vmem>> -> memref<1x128xi32, #tpu.memory_space<vmem>>
      %dma_start3A_291 = tpu.memref_squeeze %dma_start3A_290 : memref<1x128xi32, #tpu.memory_space<vmem>> -> memref<128xi32, #tpu.memory_space<vmem>>
      %dma_start3A_292 = arith.constant 0 : i32
      %dma_start3A_293 = arith.constant 0 : i32
      %dma_start3A_294 = tpu.memref_slice %arg9[%dma_start3A_292, %dma_start3A_293] : memref<10016x128xbf16, #tpu.memory_space<vmem_shared>> -> memref<10016x128xbf16, #tpu.memory_space<vmem_shared>>
      tpu.enqueue_indirect_dma source(%dma_start3A_288 : memref<128x128xbf16, #tpu.memory_space<vmem>>) target(%dma_start3A_294 : memref<10016x128xbf16, #tpu.memory_space<vmem_shared>>) offsets(%dma_start3A_291 : memref<128xi32, #tpu.memory_space<vmem>>) semaphore(%arg17 : memref<!tpu.dma_semaphore, #tpu.memory_space<semaphore_mem>>) {add = true}
      %ge3A_295 = arith.constant 1 : i32
      %ge3A_296 = arith.cmpi sge, %add3A_272, %ge3A_295 : i32
      %convert_element_type3A_297 = arith.extui %ge3A_296 : i1 to i32
      %cond3A_298 = arith.constant 0 : i32
      %cond3A_299 = arith.cmpi ne, %convert_element_type3A_297, %cond3A_298 : i32
      scf.if %cond3A_299 {
        %sub3A_309 = arith.constant 1 : i32
        %sub3A_310 = arith.subi %add3A_272, %sub3A_309 : i32
        %dma_wait3A_311 = arith.constant 2 : i32
        %dma_wait3A_312 = arith.constant 0 : i32
        %dma_wait3A_313 = arith.constant 0 : i32
        %dma_wait3A_314 = tpu.memref_slice %arg8[%dma_wait3A_311, %dma_wait3A_312, %dma_wait3A_313] : memref<4x128x128xbf16, #tpu.memory_space<vmem>> -> memref<1x128x128xbf16, #tpu.memory_space<vmem>>
        %dma_wait3A_315 = tpu.memref_squeeze %dma_wait3A_314 : memref<1x128x128xbf16, #tpu.memory_space<vmem>> -> memref<128x128xbf16, #tpu.memory_space<vmem>>
        %dma_wait3A_316 = arith.constant 0 : i32
        %dma_wait3A_317 = tpu.memref_slice %arg6[%sub3A_310, %dma_wait3A_316] : memref<40x128xi32, #tpu.memory_space<vmem>> -> memref<1x128xi32, #tpu.memory_space<vmem>>
        %dma_wait3A_318 = tpu.memref_squeeze %dma_wait3A_317 : memref<1x128xi32, #tpu.memory_space<vmem>> -> memref<128xi32, #tpu.memory_space<vmem>>
        %dma_wait3A_319 = arith.constant 0 : i32
        %dma_wait3A_320 = arith.constant 0 : i32
        %dma_wait3A_321 = tpu.memref_slice %arg9[%dma_wait3A_319, %dma_wait3A_320] : memref<10016x128xbf16, #tpu.memory_space<vmem_shared>> -> memref<10016x128xbf16, #tpu.memory_space<vmem_shared>>
        tpu.wait_indirect_dma semaphore(%arg16 : memref<!tpu.dma_semaphore, #tpu.memory_space<semaphore_mem>>) src(%dma_wait3A_315 : memref<128x128xbf16, #tpu.memory_space<vmem>>) dst(%dma_wait3A_321 : memref<10016x128xbf16, #tpu.memory_space<vmem_shared>>)
      } else {
      }
      %add3A_300 = arith.constant 4 : i32
      %add3A_301 = arith.addi %add3A_272, %add3A_300 : i32
      %sub3A_302 = arith.constant 1 : i32
      %sub3A_303 = arith.subi %add3A_301, %sub3A_302 : i32
      %lt3A_304 = arith.constant 40 : i32
      %lt3A_305 = arith.cmpi slt, %sub3A_303, %lt3A_304 : i32
      %convert_element_type3A_306 = arith.extui %lt3A_305 : i1 to i32
      %cond3A_307 = arith.constant 0 : i32
      %cond3A_308 = arith.cmpi ne, %convert_element_type3A_306, %cond3A_307 : i32
      scf.if %cond3A_308 {
        %add3A_309 = arith.constant 4 : i32
        %add3A_310 = arith.addi %add3A_272, %add3A_309 : i32
        %sub3A_311 = arith.constant 1 : i32
        %sub3A_312 = arith.subi %add3A_310, %sub3A_311 : i32
        %dma_start3A_313 = arith.constant 2 : i32
        %dma_start3A_314 = arith.constant 0 : i32
        %dma_start3A_315 = arith.constant 0 : i32
        %dma_start3A_316 = tpu.memref_slice %arg8[%dma_start3A_313, %dma_start3A_314, %dma_start3A_315] : memref<4x128x128xbf16, #tpu.memory_space<vmem>> -> memref<1x128x128xbf16, #tpu.memory_space<vmem>>
        %dma_start3A_317 = tpu.memref_squeeze %dma_start3A_316 : memref<1x128x128xbf16, #tpu.memory_space<vmem>> -> memref<128x128xbf16, #tpu.memory_space<vmem>>
        %dma_start3A_318 = arith.constant 0 : i32
        %dma_start3A_319 = tpu.memref_slice %arg7[%sub3A_312, %dma_start3A_318] : memref<40x128xi32, #tpu.memory_space<vmem>> -> memref<1x128xi32, #tpu.memory_space<vmem>>
        %dma_start3A_320 = tpu.memref_squeeze %dma_start3A_319 : memref<1x128xi32, #tpu.memory_space<vmem>> -> memref<128xi32, #tpu.memory_space<vmem>>
        %dma_start3A_321 = arith.constant 0 : i32
        %dma_start3A_322 = arith.constant 0 : i32
        %dma_start3A_323 = tpu.memref_slice %arg2[%dma_start3A_321, %dma_start3A_322] : memref<20000x128xbf16, #tpu.memory_space<hbm>> -> memref<20000x128xbf16, #tpu.memory_space<hbm>>
        tpu.enqueue_indirect_dma source(%dma_start3A_323 : memref<20000x128xbf16, #tpu.memory_space<hbm>>) target(%dma_start3A_317 : memref<128x128xbf16, #tpu.memory_space<vmem>>) offsets(%dma_start3A_320 : memref<128xi32, #tpu.memory_space<vmem>>) semaphore(%arg12 : memref<!tpu.dma_semaphore, #tpu.memory_space<semaphore_mem>>)
      } else {
      }
    }
    %scan3A_134 = arith.constant 10 : i32
    %dma_wait3A_135 = arith.constant 3 : i32
    %dma_wait3A_136 = arith.constant 39 : i32
    %dma_wait3A_137 = arith.constant 0 : i32
    %dma_wait3A_138 = arith.constant 0 : i32
    %dma_wait3A_139 = tpu.memref_slice %arg8[%dma_wait3A_135, %dma_wait3A_137, %dma_wait3A_138] : memref<4x128x128xbf16, #tpu.memory_space<vmem>> -> memref<1x128x128xbf16, #tpu.memory_space<vmem>>
    %dma_wait3A_140 = tpu.memref_squeeze %dma_wait3A_139 : memref<1x128x128xbf16, #tpu.memory_space<vmem>> -> memref<128x128xbf16, #tpu.memory_space<vmem>>
    %dma_wait3A_141 = arith.constant 0 : i32
    %dma_wait3A_142 = tpu.memref_slice %arg6[%dma_wait3A_136, %dma_wait3A_141] : memref<40x128xi32, #tpu.memory_space<vmem>> -> memref<1x128xi32, #tpu.memory_space<vmem>>
    %dma_wait3A_143 = tpu.memref_squeeze %dma_wait3A_142 : memref<1x128xi32, #tpu.memory_space<vmem>> -> memref<128xi32, #tpu.memory_space<vmem>>
    %dma_wait3A_144 = arith.constant 0 : i32
    %dma_wait3A_145 = arith.constant 0 : i32
    %dma_wait3A_146 = tpu.memref_slice %arg9[%dma_wait3A_144, %dma_wait3A_145] : memref<10016x128xbf16, #tpu.memory_space<vmem_shared>> -> memref<10016x128xbf16, #tpu.memory_space<vmem_shared>>
    tpu.wait_indirect_dma semaphore(%arg17 : memref<!tpu.dma_semaphore, #tpu.memory_space<semaphore_mem>>) src(%dma_wait3A_140 : memref<128x128xbf16, #tpu.memory_space<vmem>>) dst(%dma_wait3A_146 : memref<10016x128xbf16, #tpu.memory_space<vmem_shared>>)
    %barrier3A_147 = arith.constant 0 : index
    tpu.barrier barrier_id(%barrier3A_147)
    %lt3A = arith.constant 10 : i32
    %lt3A_148 = arith.cmpi slt, %arg1, %lt3A : i32
    %convert_element_type3A = arith.extui %lt3A_148 : i1 to i32
    %cond3A = arith.constant 0 : i32
    %cond3A_149 = arith.cmpi ne, %convert_element_type3A, %cond3A : i32
    scf.if %cond3A_149 {
      %mul3A_150 = arith.constant 1000 : i32
      %mul3A_151 = arith.muli %arg1, %mul3A_150 : i32
      %mul3A_152 = arith.constant 1000 : i32
      %mul3A_153 = arith.muli %arg1, %mul3A_152 : i32
      "tpu.region"() ({
        %run_scoped3A_154 = tpu.sem_alloc : memref<!tpu.dma_semaphore, #tpu.memory_space<semaphore_mem>>
        %dma_start3A_155 = arith.constant 0 : i32
        %dma_start3A_156 = tpu.memref_slice %arg5[%arg0, %mul3A_153, %dma_start3A_155] : memref<2x10000x128xbf16, #tpu.memory_space<hbm>> -> memref<1x1000x128xbf16, #tpu.memory_space<hbm>>
        %dma_start3A_157 = tpu.memref_squeeze %dma_start3A_156 : memref<1x1000x128xbf16, #tpu.memory_space<hbm>> -> memref<1000x128xbf16, #tpu.memory_space<hbm>>
        %dma_start3A_158 = arith.constant 0 : i32
        %dma_start3A_159 = tpu.memref_slice %arg9[%mul3A_151, %dma_start3A_158] : memref<10016x128xbf16, #tpu.memory_space<vmem_shared>> -> memref<1000x128xbf16, #tpu.memory_space<vmem_shared>>
        tpu.enqueue_dma source(%dma_start3A_159 : memref<1000x128xbf16, #tpu.memory_space<vmem_shared>>) target(%dma_start3A_157 : memref<1000x128xbf16, #tpu.memory_space<hbm>>) target_semaphore(%run_scoped3A_154 : memref<!tpu.dma_semaphore, #tpu.memory_space<semaphore_mem>>)
        %dma_wait3A_160 = arith.constant 0 : i32
        %dma_wait3A_161 = tpu.memref_slice %arg5[%arg0, %mul3A_153, %dma_wait3A_160] : memref<2x10000x128xbf16, #tpu.memory_space<hbm>> -> memref<1x1000x128xbf16, #tpu.memory_space<hbm>>
        %dma_wait3A_162 = tpu.memref_squeeze %dma_wait3A_161 : memref<1x1000x128xbf16, #tpu.memory_space<hbm>> -> memref<1000x128xbf16, #tpu.memory_space<hbm>>
        %dma_wait3A_163 = arith.constant 0 : i32
        %dma_wait3A_164 = tpu.memref_slice %arg9[%mul3A_151, %dma_wait3A_163] : memref<10016x128xbf16, #tpu.memory_space<vmem_shared>> -> memref<1000x128xbf16, #tpu.memory_space<vmem_shared>>
        tpu.wait_dma2 semaphore(%run_scoped3A_154 : memref<!tpu.dma_semaphore, #tpu.memory_space<semaphore_mem>>) src(%dma_wait3A_164 : memref<1000x128xbf16, #tpu.memory_space<vmem_shared>>) dst(%dma_wait3A_162 : memref<1000x128xbf16, #tpu.memory_space<hbm>>)
        tpu.yield
      }) : () -> ()
    } else {
    }
    return
  }
}

#map = affine_map<(d0, d1) -> (0, 0)>
#map1 = affine_map<(d0, d1) -> (0, 0, 0)>
module attributes {stable_mosaic.version = 14 : i64} {
  func.func @_conv_kernel(%arg0: i32, %arg1: i32, %arg2: memref<20000x128xbf16, #tpu.memory_space<hbm>>, %arg3: memref<16x80x128xi32, #tpu.memory_space<hbm>>, %arg4: memref<16x80x128xi32, #tpu.memory_space<hbm>>, %arg5: memref<2x10000x128xbf16, #tpu.memory_space<hbm>>, %arg6: memref<40x128xi32, #tpu.memory_space<vmem>>, %arg7: memref<40x128xi32, #tpu.memory_space<vmem>>, %arg8: memref<4x128x128xbf16, #tpu.memory_space<vmem>>, %arg9: memref<10016x128xbf16, #tpu.memory_space<vmem_shared>>, %arg10: memref<!tpu.dma_semaphore, #tpu.memory_space<semaphore_mem>>, %arg11: memref<!tpu.dma_semaphore, #tpu.memory_space<semaphore_mem>>, %arg12: memref<!tpu.dma_semaphore, #tpu.memory_space<semaphore_mem>>, %arg13: memref<!tpu.dma_semaphore, #tpu.memory_space<semaphore_mem>>, %arg14: memref<!tpu.dma_semaphore, #tpu.memory_space<semaphore_mem>>, %arg15: memref<!tpu.dma_semaphore, #tpu.memory_space<semaphore_mem>>, %arg16: memref<!tpu.dma_semaphore, #tpu.memory_space<semaphore_mem>>, %arg17: memref<!tpu.dma_semaphore, #tpu.memory_space<semaphore_mem>>) attributes {dimension_semantics = [#tpu.dimension_semantics<core_parallel>, #tpu.dimension_semantics<subcore_parallel>], iteration_bounds = array<i64: 2, 16>, scalar_prefetch = 0 : i64, scratch_operands = 12 : i64, tpu.core_type = #tpu.core_type<sc_vector_subcore>, window_params = [{transform_indices = #map}, {transform_indices = #map1}, {transform_indices = #map1}, {transform_indices = #map1}]} {
    %mul3A = arith.constant 10000 : i32
    %mul3A_0 = arith.muli %arg0, %mul3A : i32
    %scan3A = arith.constant 0 : i32
    %scan3A_1 = arith.constant 0 : i32
    %scan3A_2 = arith.constant 128 : i32
    %scan3A_3 = arith.addi %scan3A_1, %scan3A_2 : i32
    %scan3A_4 = arith.constant 1 : i32
    scf.for %scan3A_150 = %scan3A_1 to %scan3A_3 step %scan3A_4  : i32 {
      %broadcast_in_dim3A = arith.constant 0.000000e+00 : bf16
      %broadcast_in_dim3A_151 = vector.broadcast %broadcast_in_dim3A : bf16 to vector<32xbf16>
      %swap3A = arith.constant 0 : i32
      %swap3A_152 = arith.index_cast %swap3A : i32 to index
      %swap3A_153 = arith.index_cast %scan3A_150 : i32 to index
      %swap3A_154 = arith.constant 0 : index
      %swap3A_155 = tpu.vector_load %arg8[%swap3A_152, %swap3A_153, %swap3A_154] {strides = array<i32>} : memref<4x128x128xbf16, #tpu.memory_space<vmem>>, vector<1x1x32xbf16>,
      %swap3A_156 = vector.shape_cast %swap3A_155 : vector<1x1x32xbf16> to vector<32xbf16>
      %swap3A_157 = vector.shape_cast %broadcast_in_dim3A_151 : vector<32xbf16> to vector<1x1x32xbf16>
      tpu.vector_store %arg8[%swap3A_152, %swap3A_153, %swap3A_154], %swap3A_157 {strides = array<i32>} : memref<4x128x128xbf16, #tpu.memory_space<vmem>>, vector<1x1x32xbf16>,
      %broadcast_in_dim3A_158 = arith.constant 0.000000e+00 : bf16
      %broadcast_in_dim3A_159 = vector.broadcast %broadcast_in_dim3A_158 : bf16 to vector<32xbf16>
      %swap3A_160 = arith.constant 0 : i32
      %swap3A_161 = arith.index_cast %swap3A_160 : i32 to index
      %swap3A_162 = arith.index_cast %scan3A_150 : i32 to index
      %swap3A_163 = arith.constant 32 : index
      %swap3A_164 = tpu.vector_load %arg8[%swap3A_161, %swap3A_162, %swap3A_163] {strides = array<i32>} : memref<4x128x128xbf16, #tpu.memory_space<vmem>>, vector<1x1x32xbf16>,
      %swap3A_165 = vector.shape_cast %swap3A_164 : vector<1x1x32xbf16> to vector<32xbf16>
      %swap3A_166 = vector.shape_cast %broadcast_in_dim3A_159 : vector<32xbf16> to vector<1x1x32xbf16>
      tpu.vector_store %arg8[%swap3A_161, %swap3A_162, %swap3A_163], %swap3A_166 {strides = array<i32>} : memref<4x128x128xbf16, #tpu.memory_space<vmem>>, vector<1x1x32xbf16>,
      %broadcast_in_dim3A_167 = arith.constant 0.000000e+00 : bf16
      %broadcast_in_dim3A_168 = vector.broadcast %broadcast_in_dim3A_167 : bf16 to vector<32xbf16>
      %swap3A_169 = arith.constant 0 : i32
      %swap3A_170 = arith.index_cast %swap3A_169 : i32 to index
      %swap3A_171 = arith.index_cast %scan3A_150 : i32 to index
      %swap3A_172 = arith.constant 64 : index
      %swap3A_173 = tpu.vector_load %arg8[%swap3A_170, %swap3A_171, %swap3A_172] {strides = array<i32>} : memref<4x128x128xbf16, #tpu.memory_space<vmem>>, vector<1x1x32xbf16>,
      %swap3A_174 = vector.shape_cast %swap3A_173 : vector<1x1x32xbf16> to vector<32xbf16>
      %swap3A_175 = vector.shape_cast %broadcast_in_dim3A_168 : vector<32xbf16> to vector<1x1x32xbf16>
      tpu.vector_store %arg8[%swap3A_170, %swap3A_171, %swap3A_172], %swap3A_175 {strides = array<i32>} : memref<4x128x128xbf16, #tpu.memory_space<vmem>>, vector<1x1x32xbf16>,
      %broadcast_in_dim3A_176 = arith.constant 0.000000e+00 : bf16
      %broadcast_in_dim3A_177 = vector.broadcast %broadcast_in_dim3A_176 : bf16 to vector<32xbf16>
      %swap3A_178 = arith.constant 0 : i32
      %swap3A_179 = arith.index_cast %swap3A_178 : i32 to index
      %swap3A_180 = arith.index_cast %scan3A_150 : i32 to index
      %swap3A_181 = arith.constant 96 : index
      %swap3A_182 = tpu.vector_load %arg8[%swap3A_179, %swap3A_180, %swap3A_181] {strides = array<i32>} : memref<4x128x128xbf16, #tpu.memory_space<vmem>>, vector<1x1x32xbf16>,
      %swap3A_183 = vector.shape_cast %swap3A_182 : vector<1x1x32xbf16> to vector<32xbf16>
      %swap3A_184 = vector.shape_cast %broadcast_in_dim3A_177 : vector<32xbf16> to vector<1x1x32xbf16>
      tpu.vector_store %arg8[%swap3A_179, %swap3A_180, %swap3A_181], %swap3A_184 {strides = array<i32>} : memref<4x128x128xbf16, #tpu.memory_space<vmem>>, vector<1x1x32xbf16>,
    }
    %scan3A_5 = arith.constant 128 : i32
    %mul3A_6 = arith.constant 626 : i32
    %mul3A_7 = arith.muli %arg1, %mul3A_6 : i32
    %add3A = arith.constant 0 : i32
    %add3A_8 = arith.addi %mul3A_7, %add3A : i32
    %run_scoped3A = arith.constant 0 : i32
    "tpu.region"() ({
      %run_scoped3A_150 = tpu.sem_alloc : memref<!tpu.dma_semaphore, #tpu.memory_space<semaphore_mem>>
      %dma_start3A_151 = arith.constant 0 : i32
      %dma_start3A_152 = arith.constant 0 : i32
      %dma_start3A_153 = tpu.memref_slice %arg8[%run_scoped3A, %dma_start3A_151, %dma_start3A_152] : memref<4x128x128xbf16, #tpu.memory_space<vmem>> -> memref<1x128x128xbf16, #tpu.memory_space<vmem>>
      %dma_start3A_154 = tpu.memref_squeeze %dma_start3A_153 : memref<1x128x128xbf16, #tpu.memory_space<vmem>> -> memref<128x128xbf16, #tpu.memory_space<vmem>>
      %dma_start3A_155 = arith.constant 0 : i32
      %dma_start3A_156 = tpu.memref_slice %arg9[%add3A_8, %dma_start3A_155] : memref<10016x128xbf16, #tpu.memory_space<vmem_shared>> -> memref<128x128xbf16, #tpu.memory_space<vmem_shared>>
      %dma_start3A_157 = arith.constant 0 : i32
      %dma_start3A_158 = tpu.memref_slice %arg9[%add3A_8, %dma_start3A_157] : memref<10016x128xbf16, #tpu.memory_space<vmem_shared>> -> memref<128x128xbf16, #tpu.memory_space<vmem_shared>>
      %dma_start3A_159 = arith.constant 0 : i32
      %dma_start3A_160 = arith.constant 0 : i32
      %dma_start3A_161 = tpu.memref_slice %arg8[%run_scoped3A, %dma_start3A_159, %dma_start3A_160] : memref<4x128x128xbf16, #tpu.memory_space<vmem>> -> memref<1x128x128xbf16, #tpu.memory_space<vmem>>
      %dma_start3A_162 = tpu.memref_squeeze %dma_start3A_161 : memref<1x128x128xbf16, #tpu.memory_space<vmem>> -> memref<128x128xbf16, #tpu.memory_space<vmem>>
      tpu.enqueue_dma source(%dma_start3A_162 : memref<128x128xbf16, #tpu.memory_space<vmem>>) target(%dma_start3A_158 : memref<128x128xbf16, #tpu.memory_space<vmem_shared>>) target_semaphore(%run_scoped3A_150 : memref<!tpu.dma_semaphore, #tpu.memory_space<semaphore_mem>>)
      %dma_wait3A_163 = arith.constant 0 : i32
      %dma_wait3A_164 = arith.constant 0 : i32
      %dma_wait3A_165 = tpu.memref_slice %arg8[%run_scoped3A, %dma_wait3A_163, %dma_wait3A_164] : memref<4x128x128xbf16, #tpu.memory_space<vmem>> -> memref<1x128x128xbf16, #tpu.memory_space<vmem>>
      %dma_wait3A_166 = tpu.memref_squeeze %dma_wait3A_165 : memref<1x128x128xbf16, #tpu.memory_space<vmem>> -> memref<128x128xbf16, #tpu.memory_space<vmem>>
      %dma_wait3A_167 = arith.constant 0 : i32
      %dma_wait3A_168 = tpu.memref_slice %arg9[%add3A_8, %dma_wait3A_167] : memref<10016x128xbf16, #tpu.memory_space<vmem_shared>> -> memref<128x128xbf16, #tpu.memory_space<vmem_shared>>
      %dma_wait3A_169 = arith.constant 0 : i32
      %dma_wait3A_170 = tpu.memref_slice %arg9[%add3A_8, %dma_wait3A_169] : memref<10016x128xbf16, #tpu.memory_space<vmem_shared>> -> memref<128x128xbf16, #tpu.memory_space<vmem_shared>>
      %dma_wait3A_171 = arith.constant 0 : i32
      %dma_wait3A_172 = arith.constant 0 : i32
      %dma_wait3A_173 = tpu.memref_slice %arg8[%run_scoped3A, %dma_wait3A_171, %dma_wait3A_172] : memref<4x128x128xbf16, #tpu.memory_space<vmem>> -> memref<1x128x128xbf16, #tpu.memory_space<vmem>>
      %dma_wait3A_174 = tpu.memref_squeeze %dma_wait3A_173 : memref<1x128x128xbf16, #tpu.memory_space<vmem>> -> memref<128x128xbf16, #tpu.memory_space<vmem>>
      tpu.wait_dma2 semaphore(%run_scoped3A_150 : memref<!tpu.dma_semaphore, #tpu.memory_space<semaphore_mem>>) src(%dma_wait3A_174 : memref<128x128xbf16, #tpu.memory_space<vmem>>) dst(%dma_wait3A_170 : memref<128x128xbf16, #tpu.memory_space<vmem_shared>>)
      tpu.yield
    }) : () -> ()
    %mul3A_9 = arith.constant 626 : i32
    %mul3A_10 = arith.muli %arg1, %mul3A_9 : i32
    %add3A_11 = arith.constant 128 : i32
    %add3A_12 = arith.addi %mul3A_10, %add3A_11 : i32
    %run_scoped3A_13 = arith.constant 0 : i32
    "tpu.region"() ({
      %run_scoped3A_150 = tpu.sem_alloc : memref<!tpu.dma_semaphore, #tpu.memory_space<semaphore_mem>>
      %dma_start3A_151 = arith.constant 0 : i32
      %dma_start3A_152 = arith.constant 0 : i32
      %dma_start3A_153 = tpu.memref_slice %arg8[%run_scoped3A_13, %dma_start3A_151, %dma_start3A_152] : memref<4x128x128xbf16, #tpu.memory_space<vmem>> -> memref<1x128x128xbf16, #tpu.memory_space<vmem>>
      %dma_start3A_154 = tpu.memref_squeeze %dma_start3A_153 : memref<1x128x128xbf16, #tpu.memory_space<vmem>> -> memref<128x128xbf16, #tpu.memory_space<vmem>>
      %dma_start3A_155 = arith.constant 0 : i32
      %dma_start3A_156 = tpu.memref_slice %arg9[%add3A_12, %dma_start3A_155] : memref<10016x128xbf16, #tpu.memory_space<vmem_shared>> -> memref<128x128xbf16, #tpu.memory_space<vmem_shared>>
      %dma_start3A_157 = arith.constant 0 : i32
      %dma_start3A_158 = tpu.memref_slice %arg9[%add3A_12, %dma_start3A_157] : memref<10016x128xbf16, #tpu.memory_space<vmem_shared>> -> memref<128x128xbf16, #tpu.memory_space<vmem_shared>>
      %dma_start3A_159 = arith.constant 0 : i32
      %dma_start3A_160 = arith.constant 0 : i32
      %dma_start3A_161 = tpu.memref_slice %arg8[%run_scoped3A_13, %dma_start3A_159, %dma_start3A_160] : memref<4x128x128xbf16, #tpu.memory_space<vmem>> -> memref<1x128x128xbf16, #tpu.memory_space<vmem>>
      %dma_start3A_162 = tpu.memref_squeeze %dma_start3A_161 : memref<1x128x128xbf16, #tpu.memory_space<vmem>> -> memref<128x128xbf16, #tpu.memory_space<vmem>>
      tpu.enqueue_dma source(%dma_start3A_162 : memref<128x128xbf16, #tpu.memory_space<vmem>>) target(%dma_start3A_158 : memref<128x128xbf16, #tpu.memory_space<vmem_shared>>) target_semaphore(%run_scoped3A_150 : memref<!tpu.dma_semaphore, #tpu.memory_space<semaphore_mem>>)
      %dma_wait3A_163 = arith.constant 0 : i32
      %dma_wait3A_164 = arith.constant 0 : i32
      %dma_wait3A_165 = tpu.memref_slice %arg8[%run_scoped3A_13, %dma_wait3A_163, %dma_wait3A_164] : memref<4x128x128xbf16, #tpu.memory_space<vmem>> -> memref<1x128x128xbf16, #tpu.memory_space<vmem>>
      %dma_wait3A_166 = tpu.memref_squeeze %dma_wait3A_165 : memref<1x128x128xbf16, #tpu.memory_space<vmem>> -> memref<128x128xbf16, #tpu.memory_space<vmem>>
      %dma_wait3A_167 = arith.constant 0 : i32
      %dma_wait3A_168 = tpu.memref_slice %arg9[%add3A_12, %dma_wait3A_167] : memref<10016x128xbf16, #tpu.memory_space<vmem_shared>> -> memref<128x128xbf16, #tpu.memory_space<vmem_shared>>
      %dma_wait3A_169 = arith.constant 0 : i32
      %dma_wait3A_170 = tpu.memref_slice %arg9[%add3A_12, %dma_wait3A_169] : memref<10016x128xbf16, #tpu.memory_space<vmem_shared>> -> memref<128x128xbf16, #tpu.memory_space<vmem_shared>>
      %dma_wait3A_171 = arith.constant 0 : i32
      %dma_wait3A_172 = arith.constant 0 : i32
      %dma_wait3A_173 = tpu.memref_slice %arg8[%run_scoped3A_13, %dma_wait3A_171, %dma_wait3A_172] : memref<4x128x128xbf16, #tpu.memory_space<vmem>> -> memref<1x128x128xbf16, #tpu.memory_space<vmem>>
      %dma_wait3A_174 = tpu.memref_squeeze %dma_wait3A_173 : memref<1x128x128xbf16, #tpu.memory_space<vmem>> -> memref<128x128xbf16, #tpu.memory_space<vmem>>
      tpu.wait_dma2 semaphore(%run_scoped3A_150 : memref<!tpu.dma_semaphore, #tpu.memory_space<semaphore_mem>>) src(%dma_wait3A_174 : memref<128x128xbf16, #tpu.memory_space<vmem>>) dst(%dma_wait3A_170 : memref<128x128xbf16, #tpu.memory_space<vmem_shared>>)
      tpu.yield
    }) : () -> ()
    %mul3A_14 = arith.constant 626 : i32
    %mul3A_15 = arith.muli %arg1, %mul3A_14 : i32
    %add3A_16 = arith.constant 256 : i32
    %add3A_17 = arith.addi %mul3A_15, %add3A_16 : i32
    %run_scoped3A_18 = arith.constant 0 : i32
    "tpu.region"() ({
      %run_scoped3A_150 = tpu.sem_alloc : memref<!tpu.dma_semaphore, #tpu.memory_space<semaphore_mem>>
      %dma_start3A_151 = arith.constant 0 : i32
      %dma_start3A_152 = arith.constant 0 : i32
      %dma_start3A_153 = tpu.memref_slice %arg8[%run_scoped3A_18, %dma_start3A_151, %dma_start3A_152] : memref<4x128x128xbf16, #tpu.memory_space<vmem>> -> memref<1x128x128xbf16, #tpu.memory_space<vmem>>
      %dma_start3A_154 = tpu.memref_squeeze %dma_start3A_153 : memref<1x128x128xbf16, #tpu.memory_space<vmem>> -> memref<128x128xbf16, #tpu.memory_space<vmem>>
      %dma_start3A_155 = arith.constant 0 : i32
      %dma_start3A_156 = tpu.memref_slice %arg9[%add3A_17, %dma_start3A_155] : memref<10016x128xbf16, #tpu.memory_space<vmem_shared>> -> memref<128x128xbf16, #tpu.memory_space<vmem_shared>>
      %dma_start3A_157 = arith.constant 0 : i32
      %dma_start3A_158 = tpu.memref_slice %arg9[%add3A_17, %dma_start3A_157] : memref<10016x128xbf16, #tpu.memory_space<vmem_shared>> -> memref<128x128xbf16, #tpu.memory_space<vmem_shared>>
      %dma_start3A_159 = arith.constant 0 : i32
      %dma_start3A_160 = arith.constant 0 : i32
      %dma_start3A_161 = tpu.memref_slice %arg8[%run_scoped3A_18, %dma_start3A_159, %dma_start3A_160] : memref<4x128x128xbf16, #tpu.memory_space<vmem>> -> memref<1x128x128xbf16, #tpu.memory_space<vmem>>
      %dma_start3A_162 = tpu.memref_squeeze %dma_start3A_161 : memref<1x128x128xbf16, #tpu.memory_space<vmem>> -> memref<128x128xbf16, #tpu.memory_space<vmem>>
      tpu.enqueue_dma source(%dma_start3A_162 : memref<128x128xbf16, #tpu.memory_space<vmem>>) target(%dma_start3A_158 : memref<128x128xbf16, #tpu.memory_space<vmem_shared>>) target_semaphore(%run_scoped3A_150 : memref<!tpu.dma_semaphore, #tpu.memory_space<semaphore_mem>>)
      %dma_wait3A_163 = arith.constant 0 : i32
      %dma_wait3A_164 = arith.constant 0 : i32
      %dma_wait3A_165 = tpu.memref_slice %arg8[%run_scoped3A_18, %dma_wait3A_163, %dma_wait3A_164] : memref<4x128x128xbf16, #tpu.memory_space<vmem>> -> memref<1x128x128xbf16, #tpu.memory_space<vmem>>
      %dma_wait3A_166 = tpu.memref_squeeze %dma_wait3A_165 : memref<1x128x128xbf16, #tpu.memory_space<vmem>> -> memref<128x128xbf16, #tpu.memory_space<vmem>>
      %dma_wait3A_167 = arith.constant 0 : i32
      %dma_wait3A_168 = tpu.memref_slice %arg9[%add3A_17, %dma_wait3A_167] : memref<10016x128xbf16, #tpu.memory_space<vmem_shared>> -> memref<128x128xbf16, #tpu.memory_space<vmem_shared>>
      %dma_wait3A_169 = arith.constant 0 : i32
      %dma_wait3A_170 = tpu.memref_slice %arg9[%add3A_17, %dma_wait3A_169] : memref<10016x128xbf16, #tpu.memory_space<vmem_shared>> -> memref<128x128xbf16, #tpu.memory_space<vmem_shared>>
      %dma_wait3A_171 = arith.constant 0 : i32
      %dma_wait3A_172 = arith.constant 0 : i32
      %dma_wait3A_173 = tpu.memref_slice %arg8[%run_scoped3A_18, %dma_wait3A_171, %dma_wait3A_172] : memref<4x128x128xbf16, #tpu.memory_space<vmem>> -> memref<1x128x128xbf16, #tpu.memory_space<vmem>>
      %dma_wait3A_174 = tpu.memref_squeeze %dma_wait3A_173 : memref<1x128x128xbf16, #tpu.memory_space<vmem>> -> memref<128x128xbf16, #tpu.memory_space<vmem>>
      tpu.wait_dma2 semaphore(%run_scoped3A_150 : memref<!tpu.dma_semaphore, #tpu.memory_space<semaphore_mem>>) src(%dma_wait3A_174 : memref<128x128xbf16, #tpu.memory_space<vmem>>) dst(%dma_wait3A_170 : memref<128x128xbf16, #tpu.memory_space<vmem_shared>>)
      tpu.yield
    }) : () -> ()
    %mul3A_19 = arith.constant 626 : i32
    %mul3A_20 = arith.muli %arg1, %mul3A_19 : i32
    %add3A_21 = arith.constant 384 : i32
    %add3A_22 = arith.addi %mul3A_20, %add3A_21 : i32
    %run_scoped3A_23 = arith.constant 0 : i32
    "tpu.region"() ({
      %run_scoped3A_150 = tpu.sem_alloc : memref<!tpu.dma_semaphore, #tpu.memory_space<semaphore_mem>>
      %dma_start3A_151 = arith.constant 0 : i32
      %dma_start3A_152 = arith.constant 0 : i32
      %dma_start3A_153 = tpu.memref_slice %arg8[%run_scoped3A_23, %dma_start3A_151, %dma_start3A_152] : memref<4x128x128xbf16, #tpu.memory_space<vmem>> -> memref<1x128x128xbf16, #tpu.memory_space<vmem>>
      %dma_start3A_154 = tpu.memref_squeeze %dma_start3A_153 : memref<1x128x128xbf16, #tpu.memory_space<vmem>> -> memref<128x128xbf16, #tpu.memory_space<vmem>>
      %dma_start3A_155 = arith.constant 0 : i32
      %dma_start3A_156 = tpu.memref_slice %arg9[%add3A_22, %dma_start3A_155] : memref<10016x128xbf16, #tpu.memory_space<vmem_shared>> -> memref<128x128xbf16, #tpu.memory_space<vmem_shared>>
      %dma_start3A_157 = arith.constant 0 : i32
      %dma_start3A_158 = tpu.memref_slice %arg9[%add3A_22, %dma_start3A_157] : memref<10016x128xbf16, #tpu.memory_space<vmem_shared>> -> memref<128x128xbf16, #tpu.memory_space<vmem_shared>>
      %dma_start3A_159 = arith.constant 0 : i32
      %dma_start3A_160 = arith.constant 0 : i32
      %dma_start3A_161 = tpu.memref_slice %arg8[%run_scoped3A_23, %dma_start3A_159, %dma_start3A_160] : memref<4x128x128xbf16, #tpu.memory_space<vmem>> -> memref<1x128x128xbf16, #tpu.memory_space<vmem>>
      %dma_start3A_162 = tpu.memref_squeeze %dma_start3A_161 : memref<1x128x128xbf16, #tpu.memory_space<vmem>> -> memref<128x128xbf16, #tpu.memory_space<vmem>>
      tpu.enqueue_dma source(%dma_start3A_162 : memref<128x128xbf16, #tpu.memory_space<vmem>>) target(%dma_start3A_158 : memref<128x128xbf16, #tpu.memory_space<vmem_shared>>) target_semaphore(%run_scoped3A_150 : memref<!tpu.dma_semaphore, #tpu.memory_space<semaphore_mem>>)
      %dma_wait3A_163 = arith.constant 0 : i32
      %dma_wait3A_164 = arith.constant 0 : i32
      %dma_wait3A_165 = tpu.memref_slice %arg8[%run_scoped3A_23, %dma_wait3A_163, %dma_wait3A_164] : memref<4x128x128xbf16, #tpu.memory_space<vmem>> -> memref<1x128x128xbf16, #tpu.memory_space<vmem>>
      %dma_wait3A_166 = tpu.memref_squeeze %dma_wait3A_165 : memref<1x128x128xbf16, #tpu.memory_space<vmem>> -> memref<128x128xbf16, #tpu.memory_space<vmem>>
      %dma_wait3A_167 = arith.constant 0 : i32
      %dma_wait3A_168 = tpu.memref_slice %arg9[%add3A_22, %dma_wait3A_167] : memref<10016x128xbf16, #tpu.memory_space<vmem_shared>> -> memref<128x128xbf16, #tpu.memory_space<vmem_shared>>
      %dma_wait3A_169 = arith.constant 0 : i32
      %dma_wait3A_170 = tpu.memref_slice %arg9[%add3A_22, %dma_wait3A_169] : memref<10016x128xbf16, #tpu.memory_space<vmem_shared>> -> memref<128x128xbf16, #tpu.memory_space<vmem_shared>>
      %dma_wait3A_171 = arith.constant 0 : i32
      %dma_wait3A_172 = arith.constant 0 : i32
      %dma_wait3A_173 = tpu.memref_slice %arg8[%run_scoped3A_23, %dma_wait3A_171, %dma_wait3A_172] : memref<4x128x128xbf16, #tpu.memory_space<vmem>> -> memref<1x128x128xbf16, #tpu.memory_space<vmem>>
      %dma_wait3A_174 = tpu.memref_squeeze %dma_wait3A_173 : memref<1x128x128xbf16, #tpu.memory_space<vmem>> -> memref<128x128xbf16, #tpu.memory_space<vmem>>
      tpu.wait_dma2 semaphore(%run_scoped3A_150 : memref<!tpu.dma_semaphore, #tpu.memory_space<semaphore_mem>>) src(%dma_wait3A_174 : memref<128x128xbf16, #tpu.memory_space<vmem>>) dst(%dma_wait3A_170 : memref<128x128xbf16, #tpu.memory_space<vmem_shared>>)
      tpu.yield
    }) : () -> ()
    %mul3A_24 = arith.constant 626 : i32
    %mul3A_25 = arith.muli %arg1, %mul3A_24 : i32
    %add3A_26 = arith.constant 512 : i32
    %add3A_27 = arith.addi %mul3A_25, %add3A_26 : i32
    %run_scoped3A_28 = arith.constant 0 : i32
    "tpu.region"() ({
      %run_scoped3A_150 = tpu.sem_alloc : memref<!tpu.dma_semaphore, #tpu.memory_space<semaphore_mem>>
      %dma_start3A_151 = arith.constant 0 : i32
      %dma_start3A_152 = arith.constant 0 : i32
      %dma_start3A_153 = tpu.memref_slice %arg8[%run_scoped3A_28, %dma_start3A_151, %dma_start3A_152] : memref<4x128x128xbf16, #tpu.memory_space<vmem>> -> memref<1x114x128xbf16, #tpu.memory_space<vmem>>
      %dma_start3A_154 = tpu.memref_squeeze %dma_start3A_153 : memref<1x114x128xbf16, #tpu.memory_space<vmem>> -> memref<114x128xbf16, #tpu.memory_space<vmem>>
      %dma_start3A_155 = arith.constant 0 : i32
      %dma_start3A_156 = tpu.memref_slice %arg9[%add3A_27, %dma_start3A_155] : memref<10016x128xbf16, #tpu.memory_space<vmem_shared>> -> memref<114x128xbf16, #tpu.memory_space<vmem_shared>>
      %dma_start3A_157 = arith.constant 0 : i32
      %dma_start3A_158 = tpu.memref_slice %arg9[%add3A_27, %dma_start3A_157] : memref<10016x128xbf16, #tpu.memory_space<vmem_shared>> -> memref<114x128xbf16, #tpu.memory_space<vmem_shared>>
      %dma_start3A_159 = arith.constant 0 : i32
      %dma_start3A_160 = arith.constant 0 : i32
      %dma_start3A_161 = tpu.memref_slice %arg8[%run_scoped3A_28, %dma_start3A_159, %dma_start3A_160] : memref<4x128x128xbf16, #tpu.memory_space<vmem>> -> memref<1x114x128xbf16, #tpu.memory_space<vmem>>
      %dma_start3A_162 = tpu.memref_squeeze %dma_start3A_161 : memref<1x114x128xbf16, #tpu.memory_space<vmem>> -> memref<114x128xbf16, #tpu.memory_space<vmem>>
      tpu.enqueue_dma source(%dma_start3A_162 : memref<114x128xbf16, #tpu.memory_space<vmem>>) target(%dma_start3A_158 : memref<114x128xbf16, #tpu.memory_space<vmem_shared>>) target_semaphore(%run_scoped3A_150 : memref<!tpu.dma_semaphore, #tpu.memory_space<semaphore_mem>>)
      %dma_wait3A_163 = arith.constant 0 : i32
      %dma_wait3A_164 = arith.constant 0 : i32
      %dma_wait3A_165 = tpu.memref_slice %arg8[%run_scoped3A_28, %dma_wait3A_163, %dma_wait3A_164] : memref<4x128x128xbf16, #tpu.memory_space<vmem>> -> memref<1x114x128xbf16, #tpu.memory_space<vmem>>
      %dma_wait3A_166 = tpu.memref_squeeze %dma_wait3A_165 : memref<1x114x128xbf16, #tpu.memory_space<vmem>> -> memref<114x128xbf16, #tpu.memory_space<vmem>>
      %dma_wait3A_167 = arith.constant 0 : i32
      %dma_wait3A_168 = tpu.memref_slice %arg9[%add3A_27, %dma_wait3A_167] : memref<10016x128xbf16, #tpu.memory_space<vmem_shared>> -> memref<114x128xbf16, #tpu.memory_space<vmem_shared>>
      %dma_wait3A_169 = arith.constant 0 : i32
      %dma_wait3A_170 = tpu.memref_slice %arg9[%add3A_27, %dma_wait3A_169] : memref<10016x128xbf16, #tpu.memory_space<vmem_shared>> -> memref<114x128xbf16, #tpu.memory_space<vmem_shared>>
      %dma_wait3A_171 = arith.constant 0 : i32
      %dma_wait3A_172 = arith.constant 0 : i32
      %dma_wait3A_173 = tpu.memref_slice %arg8[%run_scoped3A_28, %dma_wait3A_171, %dma_wait3A_172] : memref<4x128x128xbf16, #tpu.memory_space<vmem>> -> memref<1x114x128xbf16, #tpu.memory_space<vmem>>
      %dma_wait3A_174 = tpu.memref_squeeze %dma_wait3A_173 : memref<1x114x128xbf16, #tpu.memory_space<vmem>> -> memref<114x128xbf16, #tpu.memory_space<vmem>>
      tpu.wait_dma2 semaphore(%run_scoped3A_150 : memref<!tpu.dma_semaphore, #tpu.memory_space<semaphore_mem>>) src(%dma_wait3A_174 : memref<114x128xbf16, #tpu.memory_space<vmem>>) dst(%dma_wait3A_170 : memref<114x128xbf16, #tpu.memory_space<vmem_shared>>)
      tpu.yield
    }) : () -> ()
    %barrier3A = arith.constant 0 : index
    tpu.barrier barrier_id(%barrier3A)
    "tpu.region"() ({
      %run_scoped3A_150 = tpu.sem_alloc : memref<!tpu.dma_semaphore, #tpu.memory_space<semaphore_mem>>
      %dma_start3A_151 = arith.constant 0 : i32
      %dma_start3A_152 = arith.constant 0 : i32
      %dma_start3A_153 = tpu.memref_slice %arg3[%arg1, %dma_start3A_151, %dma_start3A_152] : memref<16x80x128xi32, #tpu.memory_space<hbm>> -> memref<1x40x128xi32, #tpu.memory_space<hbm>>
      %dma_start3A_154 = tpu.memref_squeeze %dma_start3A_153 : memref<1x40x128xi32, #tpu.memory_space<hbm>> -> memref<40x128xi32, #tpu.memory_space<hbm>>
      %dma_start3A_155 = arith.constant 0 : i32
      %dma_start3A_156 = arith.constant 0 : i32
      %dma_start3A_157 = tpu.memref_slice %arg3[%arg1, %dma_start3A_155, %dma_start3A_156] : memref<16x80x128xi32, #tpu.memory_space<hbm>> -> memref<1x40x128xi32, #tpu.memory_space<hbm>>
      %dma_start3A_158 = tpu.memref_squeeze %dma_start3A_157 : memref<1x40x128xi32, #tpu.memory_space<hbm>> -> memref<40x128xi32, #tpu.memory_space<hbm>>
      tpu.enqueue_dma source(%dma_start3A_158 : memref<40x128xi32, #tpu.memory_space<hbm>>) target(%arg7 : memref<40x128xi32, #tpu.memory_space<vmem>>) target_semaphore(%run_scoped3A_150 : memref<!tpu.dma_semaphore, #tpu.memory_space<semaphore_mem>>)
      %dma_wait3A_159 = arith.constant 0 : i32
      %dma_wait3A_160 = arith.constant 0 : i32
      %dma_wait3A_161 = tpu.memref_slice %arg3[%arg1, %dma_wait3A_159, %dma_wait3A_160] : memref<16x80x128xi32, #tpu.memory_space<hbm>> -> memref<1x40x128xi32, #tpu.memory_space<hbm>>
      %dma_wait3A_162 = tpu.memref_squeeze %dma_wait3A_161 : memref<1x40x128xi32, #tpu.memory_space<hbm>> -> memref<40x128xi32, #tpu.memory_space<hbm>>
      %dma_wait3A_163 = arith.constant 0 : i32
      %dma_wait3A_164 = arith.constant 0 : i32
      %dma_wait3A_165 = tpu.memref_slice %arg3[%arg1, %dma_wait3A_163, %dma_wait3A_164] : memref<16x80x128xi32, #tpu.memory_space<hbm>> -> memref<1x40x128xi32, #tpu.memory_space<hbm>>
      %dma_wait3A_166 = tpu.memref_squeeze %dma_wait3A_165 : memref<1x40x128xi32, #tpu.memory_space<hbm>> -> memref<40x128xi32, #tpu.memory_space<hbm>>
      tpu.wait_dma2 semaphore(%run_scoped3A_150 : memref<!tpu.dma_semaphore, #tpu.memory_space<semaphore_mem>>) src(%dma_wait3A_166 : memref<40x128xi32, #tpu.memory_space<hbm>>) dst(%arg7 : memref<40x128xi32, #tpu.memory_space<vmem>>)
      tpu.yield
    }) : () -> ()
    "tpu.region"() ({
      %run_scoped3A_150 = tpu.sem_alloc : memref<!tpu.dma_semaphore, #tpu.memory_space<semaphore_mem>>
      %dma_start3A_151 = arith.constant 0 : i32
      %dma_start3A_152 = arith.constant 0 : i32
      %dma_start3A_153 = tpu.memref_slice %arg4[%arg1, %dma_start3A_151, %dma_start3A_152] : memref<16x80x128xi32, #tpu.memory_space<hbm>> -> memref<1x40x128xi32, #tpu.memory_space<hbm>>
      %dma_start3A_154 = tpu.memref_squeeze %dma_start3A_153 : memref<1x40x128xi32, #tpu.memory_space<hbm>> -> memref<40x128xi32, #tpu.memory_space<hbm>>
      %dma_start3A_155 = arith.constant 0 : i32
      %dma_start3A_156 = arith.constant 0 : i32
      %dma_start3A_157 = tpu.memref_slice %arg4[%arg1, %dma_start3A_155, %dma_start3A_156] : memref<16x80x128xi32, #tpu.memory_space<hbm>> -> memref<1x40x128xi32, #tpu.memory_space<hbm>>
      %dma_start3A_158 = tpu.memref_squeeze %dma_start3A_157 : memref<1x40x128xi32, #tpu.memory_space<hbm>> -> memref<40x128xi32, #tpu.memory_space<hbm>>
      tpu.enqueue_dma source(%dma_start3A_158 : memref<40x128xi32, #tpu.memory_space<hbm>>) target(%arg6 : memref<40x128xi32, #tpu.memory_space<vmem>>) target_semaphore(%run_scoped3A_150 : memref<!tpu.dma_semaphore, #tpu.memory_space<semaphore_mem>>)
      %dma_wait3A_159 = arith.constant 0 : i32
      %dma_wait3A_160 = arith.constant 0 : i32
      %dma_wait3A_161 = tpu.memref_slice %arg4[%arg1, %dma_wait3A_159, %dma_wait3A_160] : memref<16x80x128xi32, #tpu.memory_space<hbm>> -> memref<1x40x128xi32, #tpu.memory_space<hbm>>
      %dma_wait3A_162 = tpu.memref_squeeze %dma_wait3A_161 : memref<1x40x128xi32, #tpu.memory_space<hbm>> -> memref<40x128xi32, #tpu.memory_space<hbm>>
      %dma_wait3A_163 = arith.constant 0 : i32
      %dma_wait3A_164 = arith.constant 0 : i32
      %dma_wait3A_165 = tpu.memref_slice %arg4[%arg1, %dma_wait3A_163, %dma_wait3A_164] : memref<16x80x128xi32, #tpu.memory_space<hbm>> -> memref<1x40x128xi32, #tpu.memory_space<hbm>>
      %dma_wait3A_166 = tpu.memref_squeeze %dma_wait3A_165 : memref<1x40x128xi32, #tpu.memory_space<hbm>> -> memref<40x128xi32, #tpu.memory_space<hbm>>
      tpu.wait_dma2 semaphore(%run_scoped3A_150 : memref<!tpu.dma_semaphore, #tpu.memory_space<semaphore_mem>>) src(%dma_wait3A_166 : memref<40x128xi32, #tpu.memory_space<hbm>>) dst(%arg6 : memref<40x128xi32, #tpu.memory_space<vmem>>)
      tpu.yield
    }) : () -> ()
    %scan3A_29 = arith.constant 0 : i32
    %scan3A_30 = arith.constant 0 : i32
    %scan3A_31 = arith.constant 40 : i32
    %scan3A_32 = arith.addi %scan3A_30, %scan3A_31 : i32
    %scan3A_33 = arith.constant 1 : i32
    scf.for %scan3A_150 = %scan3A_30 to %scan3A_32 step %scan3A_33  : i32 {
      %get3A = arith.index_cast %scan3A_150 : i32 to index
      %get3A_151 = arith.constant 0 : index
      %get3A_152 = tpu.vector_load %arg7[%get3A, %get3A_151] {strides = array<i32>} : memref<40x128xi32, #tpu.memory_space<vmem>>, vector<1x16xi32>,
      %get3A_153 = vector.shape_cast %get3A_152 : vector<1x16xi32> to vector<16xi32>
      %add3A_154 = vector.broadcast %mul3A_0 : i32 to vector<16xi32>
      %add3A_155 = arith.addi %get3A_153, %add3A_154 : vector<16xi32>
      %swap3A = arith.index_cast %scan3A_150 : i32 to index
      %swap3A_156 = arith.constant 0 : index
      %swap3A_157 = tpu.vector_load %arg7[%swap3A, %swap3A_156] {strides = array<i32>} : memref<40x128xi32, #tpu.memory_space<vmem>>, vector<1x16xi32>,
      %swap3A_158 = vector.shape_cast %swap3A_157 : vector<1x16xi32> to vector<16xi32>
      %swap3A_159 = vector.shape_cast %add3A_155 : vector<16xi32> to vector<1x16xi32>
      tpu.vector_store %arg7[%swap3A, %swap3A_156], %swap3A_159 {strides = array<i32>} : memref<40x128xi32, #tpu.memory_space<vmem>>, vector<1x16xi32>,
      %get3A_160 = arith.index_cast %scan3A_150 : i32 to index
      %get3A_161 = arith.constant 16 : index
      %get3A_162 = tpu.vector_load %arg7[%get3A_160, %get3A_161] {strides = array<i32>} : memref<40x128xi32, #tpu.memory_space<vmem>>, vector<1x16xi32>,
      %get3A_163 = vector.shape_cast %get3A_162 : vector<1x16xi32> to vector<16xi32>
      %add3A_164 = vector.broadcast %mul3A_0 : i32 to vector<16xi32>
      %add3A_165 = arith.addi %get3A_163, %add3A_164 : vector<16xi32>
      %swap3A_166 = arith.index_cast %scan3A_150 : i32 to index
      %swap3A_167 = arith.constant 16 : index
      %swap3A_168 = tpu.vector_load %arg7[%swap3A_166, %swap3A_167] {strides = array<i32>} : memref<40x128xi32, #tpu.memory_space<vmem>>, vector<1x16xi32>,
      %swap3A_169 = vector.shape_cast %swap3A_168 : vector<1x16xi32> to vector<16xi32>
      %swap3A_170 = vector.shape_cast %add3A_165 : vector<16xi32> to vector<1x16xi32>
      tpu.vector_store %arg7[%swap3A_166, %swap3A_167], %swap3A_170 {strides = array<i32>} : memref<40x128xi32, #tpu.memory_space<vmem>>, vector<1x16xi32>,
      %get3A_171 = arith.index_cast %scan3A_150 : i32 to index
      %get3A_172 = arith.constant 32 : index
      %get3A_173 = tpu.vector_load %arg7[%get3A_171, %get3A_172] {strides = array<i32>} : memref<40x128xi32, #tpu.memory_space<vmem>>, vector<1x16xi32>,
      %get3A_174 = vector.shape_cast %get3A_173 : vector<1x16xi32> to vector<16xi32>
      %add3A_175 = vector.broadcast %mul3A_0 : i32 to vector<16xi32>
      %add3A_176 = arith.addi %get3A_174, %add3A_175 : vector<16xi32>
      %swap3A_177 = arith.index_cast %scan3A_150 : i32 to index
      %swap3A_178 = arith.constant 32 : index
      %swap3A_179 = tpu.vector_load %arg7[%swap3A_177, %swap3A_178] {strides = array<i32>} : memref<40x128xi32, #tpu.memory_space<vmem>>, vector<1x16xi32>,
      %swap3A_180 = vector.shape_cast %swap3A_179 : vector<1x16xi32> to vector<16xi32>
      %swap3A_181 = vector.shape_cast %add3A_176 : vector<16xi32> to vector<1x16xi32>
      tpu.vector_store %arg7[%swap3A_177, %swap3A_178], %swap3A_181 {strides = array<i32>} : memref<40x128xi32, #tpu.memory_space<vmem>>, vector<1x16xi32>,
      %get3A_182 = arith.index_cast %scan3A_150 : i32 to index
      %get3A_183 = arith.constant 48 : index
      %get3A_184 = tpu.vector_load %arg7[%get3A_182, %get3A_183] {strides = array<i32>} : memref<40x128xi32, #tpu.memory_space<vmem>>, vector<1x16xi32>,
      %get3A_185 = vector.shape_cast %get3A_184 : vector<1x16xi32> to vector<16xi32>
      %add3A_186 = vector.broadcast %mul3A_0 : i32 to vector<16xi32>
      %add3A_187 = arith.addi %get3A_185, %add3A_186 : vector<16xi32>
      %swap3A_188 = arith.index_cast %scan3A_150 : i32 to index
      %swap3A_189 = arith.constant 48 : index
      %swap3A_190 = tpu.vector_load %arg7[%swap3A_188, %swap3A_189] {strides = array<i32>} : memref<40x128xi32, #tpu.memory_space<vmem>>, vector<1x16xi32>,
      %swap3A_191 = vector.shape_cast %swap3A_190 : vector<1x16xi32> to vector<16xi32>
      %swap3A_192 = vector.shape_cast %add3A_187 : vector<16xi32> to vector<1x16xi32>
      tpu.vector_store %arg7[%swap3A_188, %swap3A_189], %swap3A_192 {strides = array<i32>} : memref<40x128xi32, #tpu.memory_space<vmem>>, vector<1x16xi32>,
      %get3A_193 = arith.index_cast %scan3A_150 : i32 to index
      %get3A_194 = arith.constant 64 : index
      %get3A_195 = tpu.vector_load %arg7[%get3A_193, %get3A_194] {strides = array<i32>} : memref<40x128xi32, #tpu.memory_space<vmem>>, vector<1x16xi32>,
      %get3A_196 = vector.shape_cast %get3A_195 : vector<1x16xi32> to vector<16xi32>
      %add3A_197 = vector.broadcast %mul3A_0 : i32 to vector<16xi32>
      %add3A_198 = arith.addi %get3A_196, %add3A_197 : vector<16xi32>
      %swap3A_199 = arith.index_cast %scan3A_150 : i32 to index
      %swap3A_200 = arith.constant 64 : index
      %swap3A_201 = tpu.vector_load %arg7[%swap3A_199, %swap3A_200] {strides = array<i32>} : memref<40x128xi32, #tpu.memory_space<vmem>>, vector<1x16xi32>,
      %swap3A_202 = vector.shape_cast %swap3A_201 : vector<1x16xi32> to vector<16xi32>
      %swap3A_203 = vector.shape_cast %add3A_198 : vector<16xi32> to vector<1x16xi32>
      tpu.vector_store %arg7[%swap3A_199, %swap3A_200], %swap3A_203 {strides = array<i32>} : memref<40x128xi32, #tpu.memory_space<vmem>>, vector<1x16xi32>,
      %get3A_204 = arith.index_cast %scan3A_150 : i32 to index
      %get3A_205 = arith.constant 80 : index
      %get3A_206 = tpu.vector_load %arg7[%get3A_204, %get3A_205] {strides = array<i32>} : memref<40x128xi32, #tpu.memory_space<vmem>>, vector<1x16xi32>,
      %get3A_207 = vector.shape_cast %get3A_206 : vector<1x16xi32> to vector<16xi32>
      %add3A_208 = vector.broadcast %mul3A_0 : i32 to vector<16xi32>
      %add3A_209 = arith.addi %get3A_207, %add3A_208 : vector<16xi32>
      %swap3A_210 = arith.index_cast %scan3A_150 : i32 to index
      %swap3A_211 = arith.constant 80 : index
      %swap3A_212 = tpu.vector_load %arg7[%swap3A_210, %swap3A_211] {strides = array<i32>} : memref<40x128xi32, #tpu.memory_space<vmem>>, vector<1x16xi32>,
      %swap3A_213 = vector.shape_cast %swap3A_212 : vector<1x16xi32> to vector<16xi32>
      %swap3A_214 = vector.shape_cast %add3A_209 : vector<16xi32> to vector<1x16xi32>
      tpu.vector_store %arg7[%swap3A_210, %swap3A_211], %swap3A_214 {strides = array<i32>} : memref<40x128xi32, #tpu.memory_space<vmem>>, vector<1x16xi32>,
      %get3A_215 = arith.index_cast %scan3A_150 : i32 to index
      %get3A_216 = arith.constant 96 : index
      %get3A_217 = tpu.vector_load %arg7[%get3A_215, %get3A_216] {strides = array<i32>} : memref<40x128xi32, #tpu.memory_space<vmem>>, vector<1x16xi32>,
      %get3A_218 = vector.shape_cast %get3A_217 : vector<1x16xi32> to vector<16xi32>
      %add3A_219 = vector.broadcast %mul3A_0 : i32 to vector<16xi32>
      %add3A_220 = arith.addi %get3A_218, %add3A_219 : vector<16xi32>
      %swap3A_221 = arith.index_cast %scan3A_150 : i32 to index
      %swap3A_222 = arith.constant 96 : index
      %swap3A_223 = tpu.vector_load %arg7[%swap3A_221, %swap3A_222] {strides = array<i32>} : memref<40x128xi32, #tpu.memory_space<vmem>>, vector<1x16xi32>,
      %swap3A_224 = vector.shape_cast %swap3A_223 : vector<1x16xi32> to vector<16xi32>
      %swap3A_225 = vector.shape_cast %add3A_220 : vector<16xi32> to vector<1x16xi32>
      tpu.vector_store %arg7[%swap3A_221, %swap3A_222], %swap3A_225 {strides = array<i32>} : memref<40x128xi32, #tpu.memory_space<vmem>>, vector<1x16xi32>,
      %get3A_226 = arith.index_cast %scan3A_150 : i32 to index
      %get3A_227 = arith.constant 112 : index
      %get3A_228 = tpu.vector_load %arg7[%get3A_226, %get3A_227] {strides = array<i32>} : memref<40x128xi32, #tpu.memory_space<vmem>>, vector<1x16xi32>,
      %get3A_229 = vector.shape_cast %get3A_228 : vector<1x16xi32> to vector<16xi32>
      %add3A_230 = vector.broadcast %mul3A_0 : i32 to vector<16xi32>
      %add3A_231 = arith.addi %get3A_229, %add3A_230 : vector<16xi32>
      %swap3A_232 = arith.index_cast %scan3A_150 : i32 to index
      %swap3A_233 = arith.constant 112 : index
      %swap3A_234 = tpu.vector_load %arg7[%swap3A_232, %swap3A_233] {strides = array<i32>} : memref<40x128xi32, #tpu.memory_space<vmem>>, vector<1x16xi32>,
      %swap3A_235 = vector.shape_cast %swap3A_234 : vector<1x16xi32> to vector<16xi32>
      %swap3A_236 = vector.shape_cast %add3A_231 : vector<16xi32> to vector<1x16xi32>
      tpu.vector_store %arg7[%swap3A_232, %swap3A_233], %swap3A_236 {strides = array<i32>} : memref<40x128xi32, #tpu.memory_space<vmem>>, vector<1x16xi32>,
    }
    %scan3A_34 = arith.constant 40 : i32
    %dma_start3A = arith.constant 0 : i32
    %dma_start3A_35 = arith.constant 0 : i32
    %dma_start3A_36 = arith.constant 0 : i32
    %dma_start3A_37 = arith.constant 0 : i32
    %dma_start3A_38 = tpu.memref_slice %arg8[%dma_start3A_35, %dma_start3A_36, %dma_start3A_37] : memref<4x128x128xbf16, #tpu.memory_space<vmem>> -> memref<1x128x128xbf16, #tpu.memory_space<vmem>>
    %dma_start3A_39 = tpu.memref_squeeze %dma_start3A_38 : memref<1x128x128xbf16, #tpu.memory_space<vmem>> -> memref<128x128xbf16, #tpu.memory_space<vmem>>
    %dma_start3A_40 = arith.constant 0 : i32
    %dma_start3A_41 = tpu.memref_slice %arg7[%dma_start3A, %dma_start3A_40] : memref<40x128xi32, #tpu.memory_space<vmem>> -> memref<1x128xi32, #tpu.memory_space<vmem>>
    %dma_start3A_42 = tpu.memref_squeeze %dma_start3A_41 : memref<1x128xi32, #tpu.memory_space<vmem>> -> memref<128xi32, #tpu.memory_space<vmem>>
    %dma_start3A_43 = arith.constant 0 : i32
    %dma_start3A_44 = arith.constant 0 : i32
    %dma_start3A_45 = tpu.memref_slice %arg2[%dma_start3A_43, %dma_start3A_44] : memref<20000x128xbf16, #tpu.memory_space<hbm>> -> memref<20000x128xbf16, #tpu.memory_space<hbm>>
    tpu.enqueue_indirect_dma source(%dma_start3A_45 : memref<20000x128xbf16, #tpu.memory_space<hbm>>) target(%dma_start3A_39 : memref<128x128xbf16, #tpu.memory_space<vmem>>) offsets(%dma_start3A_42 : memref<128xi32, #tpu.memory_space<vmem>>) semaphore(%arg10 : memref<!tpu.dma_semaphore, #tpu.memory_space<semaphore_mem>>)
    %dma_start3A_46 = arith.constant 1 : i32
    %dma_start3A_47 = arith.constant 1 : i32
    %dma_start3A_48 = arith.constant 0 : i32
    %dma_start3A_49 = arith.constant 0 : i32
    %dma_start3A_50 = tpu.memref_slice %arg8[%dma_start3A_47, %dma_start3A_48, %dma_start3A_49] : memref<4x128x128xbf16, #tpu.memory_space<vmem>> -> memref<1x128x128xbf16, #tpu.memory_space<vmem>>
    %dma_start3A_51 = tpu.memref_squeeze %dma_start3A_50 : memref<1x128x128xbf16, #tpu.memory_space<vmem>> -> memref<128x128xbf16, #tpu.memory_space<vmem>>
    %dma_start3A_52 = arith.constant 0 : i32
    %dma_start3A_53 = tpu.memref_slice %arg7[%dma_start3A_46, %dma_start3A_52] : memref<40x128xi32, #tpu.memory_space<vmem>> -> memref<1x128xi32, #tpu.memory_space<vmem>>
    %dma_start3A_54 = tpu.memref_squeeze %dma_start3A_53 : memref<1x128xi32, #tpu.memory_space<vmem>> -> memref<128xi32, #tpu.memory_space<vmem>>
    %dma_start3A_55 = arith.constant 0 : i32
    %dma_start3A_56 = arith.constant 0 : i32
    %dma_start3A_57 = tpu.memref_slice %arg2[%dma_start3A_55, %dma_start3A_56] : memref<20000x128xbf16, #tpu.memory_space<hbm>> -> memref<20000x128xbf16, #tpu.memory_space<hbm>>
    tpu.enqueue_indirect_dma source(%dma_start3A_57 : memref<20000x128xbf16, #tpu.memory_space<hbm>>) target(%dma_start3A_51 : memref<128x128xbf16, #tpu.memory_space<vmem>>) offsets(%dma_start3A_54 : memref<128xi32, #tpu.memory_space<vmem>>) semaphore(%arg11 : memref<!tpu.dma_semaphore, #tpu.memory_space<semaphore_mem>>)
    %dma_start3A_58 = arith.constant 2 : i32
    %dma_start3A_59 = arith.constant 2 : i32
    %dma_start3A_60 = arith.constant 0 : i32
    %dma_start3A_61 = arith.constant 0 : i32
    %dma_start3A_62 = tpu.memref_slice %arg8[%dma_start3A_59, %dma_start3A_60, %dma_start3A_61] : memref<4x128x128xbf16, #tpu.memory_space<vmem>> -> memref<1x128x128xbf16, #tpu.memory_space<vmem>>
    %dma_start3A_63 = tpu.memref_squeeze %dma_start3A_62 : memref<1x128x128xbf16, #tpu.memory_space<vmem>> -> memref<128x128xbf16, #tpu.memory_space<vmem>>
    %dma_start3A_64 = arith.constant 0 : i32
    %dma_start3A_65 = tpu.memref_slice %arg7[%dma_start3A_58, %dma_start3A_64] : memref<40x128xi32, #tpu.memory_space<vmem>> -> memref<1x128xi32, #tpu.memory_space<vmem>>
    %dma_start3A_66 = tpu.memref_squeeze %dma_start3A_65 : memref<1x128xi32, #tpu.memory_space<vmem>> -> memref<128xi32, #tpu.memory_space<vmem>>
    %dma_start3A_67 = arith.constant 0 : i32
    %dma_start3A_68 = arith.constant 0 : i32
    %dma_start3A_69 = tpu.memref_slice %arg2[%dma_start3A_67, %dma_start3A_68] : memref<20000x128xbf16, #tpu.memory_space<hbm>> -> memref<20000x128xbf16, #tpu.memory_space<hbm>>
    tpu.enqueue_indirect_dma source(%dma_start3A_69 : memref<20000x128xbf16, #tpu.memory_space<hbm>>) target(%dma_start3A_63 : memref<128x128xbf16, #tpu.memory_space<vmem>>) offsets(%dma_start3A_66 : memref<128xi32, #tpu.memory_space<vmem>>) semaphore(%arg12 : memref<!tpu.dma_semaphore, #tpu.memory_space<semaphore_mem>>)
    %scan3A_70 = arith.constant 0 : i32
    %scan3A_71 = arith.constant 0 : i32
    %scan3A_72 = arith.constant 10 : i32
    %scan3A_73 = arith.addi %scan3A_71, %scan3A_72 : i32
    %scan3A_74 = arith.constant 1 : i32
    scf.for %scan3A_150 = %scan3A_71 to %scan3A_73 step %scan3A_74  : i32 {
      %mul3A_151 = arith.constant 4 : i32
      %mul3A_152 = arith.muli %scan3A_150, %mul3A_151 : i32
      %add3A_153 = arith.constant 0 : i32
      %add3A_154 = arith.addi %mul3A_152, %add3A_153 : i32
      %dma_wait3A_155 = arith.constant 0 : i32
      %dma_wait3A_156 = arith.constant 0 : i32
      %dma_wait3A_157 = arith.constant 0 : i32
      %dma_wait3A_158 = tpu.memref_slice %arg8[%dma_wait3A_155, %dma_wait3A_156, %dma_wait3A_157] : memref<4x128x128xbf16, #tpu.memory_space<vmem>> -> memref<1x128x128xbf16, #tpu.memory_space<vmem>>
      %dma_wait3A_159 = tpu.memref_squeeze %dma_wait3A_158 : memref<1x128x128xbf16, #tpu.memory_space<vmem>> -> memref<128x128xbf16, #tpu.memory_space<vmem>>
      %dma_wait3A_160 = arith.constant 0 : i32
      %dma_wait3A_161 = tpu.memref_slice %arg7[%add3A_154, %dma_wait3A_160] : memref<40x128xi32, #tpu.memory_space<vmem>> -> memref<1x128xi32, #tpu.memory_space<vmem>>
      %dma_wait3A_162 = tpu.memref_squeeze %dma_wait3A_161 : memref<1x128xi32, #tpu.memory_space<vmem>> -> memref<128xi32, #tpu.memory_space<vmem>>
      %dma_wait3A_163 = arith.constant 0 : i32
      %dma_wait3A_164 = arith.constant 0 : i32
      %dma_wait3A_165 = tpu.memref_slice %arg2[%dma_wait3A_163, %dma_wait3A_164] : memref<20000x128xbf16, #tpu.memory_space<hbm>> -> memref<20000x128xbf16, #tpu.memory_space<hbm>>
      tpu.wait_indirect_dma semaphore(%arg10 : memref<!tpu.dma_semaphore, #tpu.memory_space<semaphore_mem>>) src(%dma_wait3A_165 : memref<20000x128xbf16, #tpu.memory_space<hbm>>) dst(%dma_wait3A_159 : memref<128x128xbf16, #tpu.memory_space<vmem>>)
      %dma_start3A_166 = arith.constant 0 : i32
      %dma_start3A_167 = arith.constant 0 : i32
      %dma_start3A_168 = arith.constant 0 : i32
      %dma_start3A_169 = tpu.memref_slice %arg8[%dma_start3A_166, %dma_start3A_167, %dma_start3A_168] : memref<4x128x128xbf16, #tpu.memory_space<vmem>> -> memref<1x128x128xbf16, #tpu.memory_space<vmem>>
      %dma_start3A_170 = tpu.memref_squeeze %dma_start3A_169 : memref<1x128x128xbf16, #tpu.memory_space<vmem>> -> memref<128x128xbf16, #tpu.memory_space<vmem>>
      %dma_start3A_171 = arith.constant 0 : i32
      %dma_start3A_172 = tpu.memref_slice %arg6[%add3A_154, %dma_start3A_171] : memref<40x128xi32, #tpu.memory_space<vmem>> -> memref<1x128xi32, #tpu.memory_space<vmem>>
      %dma_start3A_173 = tpu.memref_squeeze %dma_start3A_172 : memref<1x128xi32, #tpu.memory_space<vmem>> -> memref<128xi32, #tpu.memory_space<vmem>>
      %dma_start3A_174 = arith.constant 0 : i32
      %dma_start3A_175 = arith.constant 0 : i32
      %dma_start3A_176 = tpu.memref_slice %arg9[%dma_start3A_174, %dma_start3A_175] : memref<10016x128xbf16, #tpu.memory_space<vmem_shared>> -> memref<10016x128xbf16, #tpu.memory_space<vmem_shared>>
      tpu.enqueue_indirect_dma source(%dma_start3A_170 : memref<128x128xbf16, #tpu.memory_space<vmem>>) target(%dma_start3A_176 : memref<10016x128xbf16, #tpu.memory_space<vmem_shared>>) offsets(%dma_start3A_173 : memref<128xi32, #tpu.memory_space<vmem>>) semaphore(%arg14 : memref<!tpu.dma_semaphore, #tpu.memory_space<semaphore_mem>>) {add = true}
      %ge3A = arith.constant 1 : i32
      %ge3A_177 = arith.cmpi sge, %add3A_154, %ge3A : i32
      %convert_element_type3A_178 = arith.extui %ge3A_177 : i1 to i32
      %cond3A_179 = arith.constant 0 : i32
      %cond3A_180 = arith.cmpi ne, %convert_element_type3A_178, %cond3A_179 : i32
      scf.if %cond3A_180 {
        %sub3A_309 = arith.constant 1 : i32
        %sub3A_310 = arith.subi %add3A_154, %sub3A_309 : i32
        %dma_wait3A_311 = arith.constant 3 : i32
        %dma_wait3A_312 = arith.constant 0 : i32
        %dma_wait3A_313 = arith.constant 0 : i32
        %dma_wait3A_314 = tpu.memref_slice %arg8[%dma_wait3A_311, %dma_wait3A_312, %dma_wait3A_313] : memref<4x128x128xbf16, #tpu.memory_space<vmem>> -> memref<1x128x128xbf16, #tpu.memory_space<vmem>>
        %dma_wait3A_315 = tpu.memref_squeeze %dma_wait3A_314 : memref<1x128x128xbf16, #tpu.memory_space<vmem>> -> memref<128x128xbf16, #tpu.memory_space<vmem>>
        %dma_wait3A_316 = arith.constant 0 : i32
        %dma_wait3A_317 = tpu.memref_slice %arg6[%sub3A_310, %dma_wait3A_316] : memref<40x128xi32, #tpu.memory_space<vmem>> -> memref<1x128xi32, #tpu.memory_space<vmem>>
        %dma_wait3A_318 = tpu.memref_squeeze %dma_wait3A_317 : memref<1x128xi32, #tpu.memory_space<vmem>> -> memref<128xi32, #tpu.memory_space<vmem>>
        %dma_wait3A_319 = arith.constant 0 : i32
        %dma_wait3A_320 = arith.constant 0 : i32
        %dma_wait3A_321 = tpu.memref_slice %arg9[%dma_wait3A_319, %dma_wait3A_320] : memref<10016x128xbf16, #tpu.memory_space<vmem_shared>> -> memref<10016x128xbf16, #tpu.memory_space<vmem_shared>>
        tpu.wait_indirect_dma semaphore(%arg17 : memref<!tpu.dma_semaphore, #tpu.memory_space<semaphore_mem>>) src(%dma_wait3A_315 : memref<128x128xbf16, #tpu.memory_space<vmem>>) dst(%dma_wait3A_321 : memref<10016x128xbf16, #tpu.memory_space<vmem_shared>>)
      } else {
      }
      %add3A_181 = arith.constant 4 : i32
      %add3A_182 = arith.addi %add3A_154, %add3A_181 : i32
      %sub3A = arith.constant 1 : i32
      %sub3A_183 = arith.subi %add3A_182, %sub3A : i32
      %lt3A_184 = arith.constant 40 : i32
      %lt3A_185 = arith.cmpi slt, %sub3A_183, %lt3A_184 : i32
      %convert_element_type3A_186 = arith.extui %lt3A_185 : i1 to i32
      %cond3A_187 = arith.constant 0 : i32
      %cond3A_188 = arith.cmpi ne, %convert_element_type3A_186, %cond3A_187 : i32
      scf.if %cond3A_188 {
        %add3A_309 = arith.constant 4 : i32
        %add3A_310 = arith.addi %add3A_154, %add3A_309 : i32
        %sub3A_311 = arith.constant 1 : i32
        %sub3A_312 = arith.subi %add3A_310, %sub3A_311 : i32
        %dma_start3A_313 = arith.constant 3 : i32
        %dma_start3A_314 = arith.constant 0 : i32
        %dma_start3A_315 = arith.constant 0 : i32
        %dma_start3A_316 = tpu.memref_slice %arg8[%dma_start3A_313, %dma_start3A_314, %dma_start3A_315] : memref<4x128x128xbf16, #tpu.memory_space<vmem>> -> memref<1x128x128xbf16, #tpu.memory_space<vmem>>
        %dma_start3A_317 = tpu.memref_squeeze %dma_start3A_316 : memref<1x128x128xbf16, #tpu.memory_space<vmem>> -> memref<128x128xbf16, #tpu.memory_space<vmem>>
        %dma_start3A_318 = arith.constant 0 : i32
        %dma_start3A_319 = tpu.memref_slice %arg7[%sub3A_312, %dma_start3A_318] : memref<40x128xi32, #tpu.memory_space<vmem>> -> memref<1x128xi32, #tpu.memory_space<vmem>>
        %dma_start3A_320 = tpu.memref_squeeze %dma_start3A_319 : memref<1x128xi32, #tpu.memory_space<vmem>> -> memref<128xi32, #tpu.memory_space<vmem>>
        %dma_start3A_321 = arith.constant 0 : i32
        %dma_start3A_322 = arith.constant 0 : i32
        %dma_start3A_323 = tpu.memref_slice %arg2[%dma_start3A_321, %dma_start3A_322] : memref<20000x128xbf16, #tpu.memory_space<hbm>> -> memref<20000x128xbf16, #tpu.memory_space<hbm>>
        tpu.enqueue_indirect_dma source(%dma_start3A_323 : memref<20000x128xbf16, #tpu.memory_space<hbm>>) target(%dma_start3A_317 : memref<128x128xbf16, #tpu.memory_space<vmem>>) offsets(%dma_start3A_320 : memref<128xi32, #tpu.memory_space<vmem>>) semaphore(%arg13 : memref<!tpu.dma_semaphore, #tpu.memory_space<semaphore_mem>>)
      } else {
      }
      %mul3A_189 = arith.constant 4 : i32
      %mul3A_190 = arith.muli %scan3A_150, %mul3A_189 : i32
      %add3A_191 = arith.constant 1 : i32
      %add3A_192 = arith.addi %mul3A_190, %add3A_191 : i32
      %dma_wait3A_193 = arith.constant 1 : i32
      %dma_wait3A_194 = arith.constant 0 : i32
      %dma_wait3A_195 = arith.constant 0 : i32
      %dma_wait3A_196 = tpu.memref_slice %arg8[%dma_wait3A_193, %dma_wait3A_194, %dma_wait3A_195] : memref<4x128x128xbf16, #tpu.memory_space<vmem>> -> memref<1x128x128xbf16, #tpu.memory_space<vmem>>
      %dma_wait3A_197 = tpu.memref_squeeze %dma_wait3A_196 : memref<1x128x128xbf16, #tpu.memory_space<vmem>> -> memref<128x128xbf16, #tpu.memory_space<vmem>>
      %dma_wait3A_198 = arith.constant 0 : i32
      %dma_wait3A_199 = tpu.memref_slice %arg7[%add3A_192, %dma_wait3A_198] : memref<40x128xi32, #tpu.memory_space<vmem>> -> memref<1x128xi32, #tpu.memory_space<vmem>>
      %dma_wait3A_200 = tpu.memref_squeeze %dma_wait3A_199 : memref<1x128xi32, #tpu.memory_space<vmem>> -> memref<128xi32, #tpu.memory_space<vmem>>
      %dma_wait3A_201 = arith.constant 0 : i32
      %dma_wait3A_202 = arith.constant 0 : i32
      %dma_wait3A_203 = tpu.memref_slice %arg2[%dma_wait3A_201, %dma_wait3A_202] : memref<20000x128xbf16, #tpu.memory_space<hbm>> -> memref<20000x128xbf16, #tpu.memory_space<hbm>>
      tpu.wait_indirect_dma semaphore(%arg11 : memref<!tpu.dma_semaphore, #tpu.memory_space<semaphore_mem>>) src(%dma_wait3A_203 : memref<20000x128xbf16, #tpu.memory_space<hbm>>) dst(%dma_wait3A_197 : memref<128x128xbf16, #tpu.memory_space<vmem>>)
      %dma_start3A_204 = arith.constant 1 : i32
      %dma_start3A_205 = arith.constant 0 : i32
      %dma_start3A_206 = arith.constant 0 : i32
      %dma_start3A_207 = tpu.memref_slice %arg8[%dma_start3A_204, %dma_start3A_205, %dma_start3A_206] : memref<4x128x128xbf16, #tpu.memory_space<vmem>> -> memref<1x128x128xbf16, #tpu.memory_space<vmem>>
      %dma_start3A_208 = tpu.memref_squeeze %dma_start3A_207 : memref<1x128x128xbf16, #tpu.memory_space<vmem>> -> memref<128x128xbf16, #tpu.memory_space<vmem>>
      %dma_start3A_209 = arith.constant 0 : i32
      %dma_start3A_210 = tpu.memref_slice %arg6[%add3A_192, %dma_start3A_209] : memref<40x128xi32, #tpu.memory_space<vmem>> -> memref<1x128xi32, #tpu.memory_space<vmem>>
      %dma_start3A_211 = tpu.memref_squeeze %dma_start3A_210 : memref<1x128xi32, #tpu.memory_space<vmem>> -> memref<128xi32, #tpu.memory_space<vmem>>
      %dma_start3A_212 = arith.constant 0 : i32
      %dma_start3A_213 = arith.constant 0 : i32
      %dma_start3A_214 = tpu.memref_slice %arg9[%dma_start3A_212, %dma_start3A_213] : memref<10016x128xbf16, #tpu.memory_space<vmem_shared>> -> memref<10016x128xbf16, #tpu.memory_space<vmem_shared>>
      tpu.enqueue_indirect_dma source(%dma_start3A_208 : memref<128x128xbf16, #tpu.memory_space<vmem>>) target(%dma_start3A_214 : memref<10016x128xbf16, #tpu.memory_space<vmem_shared>>) offsets(%dma_start3A_211 : memref<128xi32, #tpu.memory_space<vmem>>) semaphore(%arg15 : memref<!tpu.dma_semaphore, #tpu.memory_space<semaphore_mem>>) {add = true}
      %ge3A_215 = arith.constant 1 : i32
      %ge3A_216 = arith.cmpi sge, %add3A_192, %ge3A_215 : i32
      %convert_element_type3A_217 = arith.extui %ge3A_216 : i1 to i32
      %cond3A_218 = arith.constant 0 : i32
      %cond3A_219 = arith.cmpi ne, %convert_element_type3A_217, %cond3A_218 : i32
      scf.if %cond3A_219 {
        %sub3A_309 = arith.constant 1 : i32
        %sub3A_310 = arith.subi %add3A_192, %sub3A_309 : i32
        %dma_wait3A_311 = arith.constant 0 : i32
        %dma_wait3A_312 = arith.constant 0 : i32
        %dma_wait3A_313 = arith.constant 0 : i32
        %dma_wait3A_314 = tpu.memref_slice %arg8[%dma_wait3A_311, %dma_wait3A_312, %dma_wait3A_313] : memref<4x128x128xbf16, #tpu.memory_space<vmem>> -> memref<1x128x128xbf16, #tpu.memory_space<vmem>>
        %dma_wait3A_315 = tpu.memref_squeeze %dma_wait3A_314 : memref<1x128x128xbf16, #tpu.memory_space<vmem>> -> memref<128x128xbf16, #tpu.memory_space<vmem>>
        %dma_wait3A_316 = arith.constant 0 : i32
        %dma_wait3A_317 = tpu.memref_slice %arg6[%sub3A_310, %dma_wait3A_316] : memref<40x128xi32, #tpu.memory_space<vmem>> -> memref<1x128xi32, #tpu.memory_space<vmem>>
        %dma_wait3A_318 = tpu.memref_squeeze %dma_wait3A_317 : memref<1x128xi32, #tpu.memory_space<vmem>> -> memref<128xi32, #tpu.memory_space<vmem>>
        %dma_wait3A_319 = arith.constant 0 : i32
        %dma_wait3A_320 = arith.constant 0 : i32
        %dma_wait3A_321 = tpu.memref_slice %arg9[%dma_wait3A_319, %dma_wait3A_320] : memref<10016x128xbf16, #tpu.memory_space<vmem_shared>> -> memref<10016x128xbf16, #tpu.memory_space<vmem_shared>>
        tpu.wait_indirect_dma semaphore(%arg14 : memref<!tpu.dma_semaphore, #tpu.memory_space<semaphore_mem>>) src(%dma_wait3A_315 : memref<128x128xbf16, #tpu.memory_space<vmem>>) dst(%dma_wait3A_321 : memref<10016x128xbf16, #tpu.memory_space<vmem_shared>>)
      } else {
      }
      %add3A_220 = arith.constant 4 : i32
      %add3A_221 = arith.addi %add3A_192, %add3A_220 : i32
      %sub3A_222 = arith.constant 1 : i32
      %sub3A_223 = arith.subi %add3A_221, %sub3A_222 : i32
      %lt3A_224 = arith.constant 40 : i32
      %lt3A_225 = arith.cmpi slt, %sub3A_223, %lt3A_224 : i32
      %convert_element_type3A_226 = arith.extui %lt3A_225 : i1 to i32
      %cond3A_227 = arith.constant 0 : i32
      %cond3A_228 = arith.cmpi ne, %convert_element_type3A_226, %cond3A_227 : i32
      scf.if %cond3A_228 {
        %add3A_309 = arith.constant 4 : i32
        %add3A_310 = arith.addi %add3A_192, %add3A_309 : i32
        %sub3A_311 = arith.constant 1 : i32
        %sub3A_312 = arith.subi %add3A_310, %sub3A_311 : i32
        %dma_start3A_313 = arith.constant 0 : i32
        %dma_start3A_314 = arith.constant 0 : i32
        %dma_start3A_315 = arith.constant 0 : i32
        %dma_start3A_316 = tpu.memref_slice %arg8[%dma_start3A_313, %dma_start3A_314, %dma_start3A_315] : memref<4x128x128xbf16, #tpu.memory_space<vmem>> -> memref<1x128x128xbf16, #tpu.memory_space<vmem>>
        %dma_start3A_317 = tpu.memref_squeeze %dma_start3A_316 : memref<1x128x128xbf16, #tpu.memory_space<vmem>> -> memref<128x128xbf16, #tpu.memory_space<vmem>>
        %dma_start3A_318 = arith.constant 0 : i32
        %dma_start3A_319 = tpu.memref_slice %arg7[%sub3A_312, %dma_start3A_318] : memref<40x128xi32, #tpu.memory_space<vmem>> -> memref<1x128xi32, #tpu.memory_space<vmem>>
        %dma_start3A_320 = tpu.memref_squeeze %dma_start3A_319 : memref<1x128xi32, #tpu.memory_space<vmem>> -> memref<128xi32, #tpu.memory_space<vmem>>
        %dma_start3A_321 = arith.constant 0 : i32
        %dma_start3A_322 = arith.constant 0 : i32
        %dma_start3A_323 = tpu.memref_slice %arg2[%dma_start3A_321, %dma_start3A_322] : memref<20000x128xbf16, #tpu.memory_space<hbm>> -> memref<20000x128xbf16, #tpu.memory_space<hbm>>
        tpu.enqueue_indirect_dma source(%dma_start3A_323 : memref<20000x128xbf16, #tpu.memory_space<hbm>>) target(%dma_start3A_317 : memref<128x128xbf16, #tpu.memory_space<vmem>>) offsets(%dma_start3A_320 : memref<128xi32, #tpu.memory_space<vmem>>) semaphore(%arg10 : memref<!tpu.dma_semaphore, #tpu.memory_space<semaphore_mem>>)
      } else {
      }
      %mul3A_229 = arith.constant 4 : i32
      %mul3A_230 = arith.muli %scan3A_150, %mul3A_229 : i32
      %add3A_231 = arith.constant 2 : i32
      %add3A_232 = arith.addi %mul3A_230, %add3A_231 : i32
      %dma_wait3A_233 = arith.constant 2 : i32
      %dma_wait3A_234 = arith.constant 0 : i32
      %dma_wait3A_235 = arith.constant 0 : i32
      %dma_wait3A_236 = tpu.memref_slice %arg8[%dma_wait3A_233, %dma_wait3A_234, %dma_wait3A_235] : memref<4x128x128xbf16, #tpu.memory_space<vmem>> -> memref<1x128x128xbf16, #tpu.memory_space<vmem>>
      %dma_wait3A_237 = tpu.memref_squeeze %dma_wait3A_236 : memref<1x128x128xbf16, #tpu.memory_space<vmem>> -> memref<128x128xbf16, #tpu.memory_space<vmem>>
      %dma_wait3A_238 = arith.constant 0 : i32
      %dma_wait3A_239 = tpu.memref_slice %arg7[%add3A_232, %dma_wait3A_238] : memref<40x128xi32, #tpu.memory_space<vmem>> -> memref<1x128xi32, #tpu.memory_space<vmem>>
      %dma_wait3A_240 = tpu.memref_squeeze %dma_wait3A_239 : memref<1x128xi32, #tpu.memory_space<vmem>> -> memref<128xi32, #tpu.memory_space<vmem>>
      %dma_wait3A_241 = arith.constant 0 : i32
      %dma_wait3A_242 = arith.constant 0 : i32
      %dma_wait3A_243 = tpu.memref_slice %arg2[%dma_wait3A_241, %dma_wait3A_242] : memref<20000x128xbf16, #tpu.memory_space<hbm>> -> memref<20000x128xbf16, #tpu.memory_space<hbm>>
      tpu.wait_indirect_dma semaphore(%arg12 : memref<!tpu.dma_semaphore, #tpu.memory_space<semaphore_mem>>) src(%dma_wait3A_243 : memref<20000x128xbf16, #tpu.memory_space<hbm>>) dst(%dma_wait3A_237 : memref<128x128xbf16, #tpu.memory_space<vmem>>)
      %dma_start3A_244 = arith.constant 2 : i32
      %dma_start3A_245 = arith.constant 0 : i32
      %dma_start3A_246 = arith.constant 0 : i32
      %dma_start3A_247 = tpu.memref_slice %arg8[%dma_start3A_244, %dma_start3A_245, %dma_start3A_246] : memref<4x128x128xbf16, #tpu.memory_space<vmem>> -> memref<1x128x128xbf16, #tpu.memory_space<vmem>>
      %dma_start3A_248 = tpu.memref_squeeze %dma_start3A_247 : memref<1x128x128xbf16, #tpu.memory_space<vmem>> -> memref<128x128xbf16, #tpu.memory_space<vmem>>
      %dma_start3A_249 = arith.constant 0 : i32
      %dma_start3A_250 = tpu.memref_slice %arg6[%add3A_232, %dma_start3A_249] : memref<40x128xi32, #tpu.memory_space<vmem>> -> memref<1x128xi32, #tpu.memory_space<vmem>>
      %dma_start3A_251 = tpu.memref_squeeze %dma_start3A_250 : memref<1x128xi32, #tpu.memory_space<vmem>> -> memref<128xi32, #tpu.memory_space<vmem>>
      %dma_start3A_252 = arith.constant 0 : i32
      %dma_start3A_253 = arith.constant 0 : i32
      %dma_start3A_254 = tpu.memref_slice %arg9[%dma_start3A_252, %dma_start3A_253] : memref<10016x128xbf16, #tpu.memory_space<vmem_shared>> -> memref<10016x128xbf16, #tpu.memory_space<vmem_shared>>
      tpu.enqueue_indirect_dma source(%dma_start3A_248 : memref<128x128xbf16, #tpu.memory_space<vmem>>) target(%dma_start3A_254 : memref<10016x128xbf16, #tpu.memory_space<vmem_shared>>) offsets(%dma_start3A_251 : memref<128xi32, #tpu.memory_space<vmem>>) semaphore(%arg16 : memref<!tpu.dma_semaphore, #tpu.memory_space<semaphore_mem>>) {add = true}
      %ge3A_255 = arith.constant 1 : i32
      %ge3A_256 = arith.cmpi sge, %add3A_232, %ge3A_255 : i32
      %convert_element_type3A_257 = arith.extui %ge3A_256 : i1 to i32
      %cond3A_258 = arith.constant 0 : i32
      %cond3A_259 = arith.cmpi ne, %convert_element_type3A_257, %cond3A_258 : i32
      scf.if %cond3A_259 {
        %sub3A_309 = arith.constant 1 : i32
        %sub3A_310 = arith.subi %add3A_232, %sub3A_309 : i32
        %dma_wait3A_311 = arith.constant 1 : i32
        %dma_wait3A_312 = arith.constant 0 : i32
        %dma_wait3A_313 = arith.constant 0 : i32
        %dma_wait3A_314 = tpu.memref_slice %arg8[%dma_wait3A_311, %dma_wait3A_312, %dma_wait3A_313] : memref<4x128x128xbf16, #tpu.memory_space<vmem>> -> memref<1x128x128xbf16, #tpu.memory_space<vmem>>
        %dma_wait3A_315 = tpu.memref_squeeze %dma_wait3A_314 : memref<1x128x128xbf16, #tpu.memory_space<vmem>> -> memref<128x128xbf16, #tpu.memory_space<vmem>>
        %dma_wait3A_316 = arith.constant 0 : i32
        %dma_wait3A_317 = tpu.memref_slice %arg6[%sub3A_310, %dma_wait3A_316] : memref<40x128xi32, #tpu.memory_space<vmem>> -> memref<1x128xi32, #tpu.memory_space<vmem>>
        %dma_wait3A_318 = tpu.memref_squeeze %dma_wait3A_317 : memref<1x128xi32, #tpu.memory_space<vmem>> -> memref<128xi32, #tpu.memory_space<vmem>>
        %dma_wait3A_319 = arith.constant 0 : i32
        %dma_wait3A_320 = arith.constant 0 : i32
        %dma_wait3A_321 = tpu.memref_slice %arg9[%dma_wait3A_319, %dma_wait3A_320] : memref<10016x128xbf16, #tpu.memory_space<vmem_shared>> -> memref<10016x128xbf16, #tpu.memory_space<vmem_shared>>
        tpu.wait_indirect_dma semaphore(%arg15 : memref<!tpu.dma_semaphore, #tpu.memory_space<semaphore_mem>>) src(%dma_wait3A_315 : memref<128x128xbf16, #tpu.memory_space<vmem>>) dst(%dma_wait3A_321 : memref<10016x128xbf16, #tpu.memory_space<vmem_shared>>)
      } else {
      }
      %add3A_260 = arith.constant 4 : i32
      %add3A_261 = arith.addi %add3A_232, %add3A_260 : i32
      %sub3A_262 = arith.constant 1 : i32
      %sub3A_263 = arith.subi %add3A_261, %sub3A_262 : i32
      %lt3A_264 = arith.constant 40 : i32
      %lt3A_265 = arith.cmpi slt, %sub3A_263, %lt3A_264 : i32
      %convert_element_type3A_266 = arith.extui %lt3A_265 : i1 to i32
      %cond3A_267 = arith.constant 0 : i32
      %cond3A_268 = arith.cmpi ne, %convert_element_type3A_266, %cond3A_267 : i32
      scf.if %cond3A_268 {
        %add3A_309 = arith.constant 4 : i32
        %add3A_310 = arith.addi %add3A_232, %add3A_309 : i32
        %sub3A_311 = arith.constant 1 : i32
        %sub3A_312 = arith.subi %add3A_310, %sub3A_311 : i32
        %dma_start3A_313 = arith.constant 1 : i32
        %dma_start3A_314 = arith.constant 0 : i32
        %dma_start3A_315 = arith.constant 0 : i32
        %dma_start3A_316 = tpu.memref_slice %arg8[%dma_start3A_313, %dma_start3A_314, %dma_start3A_315] : memref<4x128x128xbf16, #tpu.memory_space<vmem>> -> memref<1x128x128xbf16, #tpu.memory_space<vmem>>
        %dma_start3A_317 = tpu.memref_squeeze %dma_start3A_316 : memref<1x128x128xbf16, #tpu.memory_space<vmem>> -> memref<128x128xbf16, #tpu.memory_space<vmem>>
        %dma_start3A_318 = arith.constant 0 : i32
        %dma_start3A_319 = tpu.memref_slice %arg7[%sub3A_312, %dma_start3A_318] : memref<40x128xi32, #tpu.memory_space<vmem>> -> memref<1x128xi32, #tpu.memory_space<vmem>>
        %dma_start3A_320 = tpu.memref_squeeze %dma_start3A_319 : memref<1x128xi32, #tpu.memory_space<vmem>> -> memref<128xi32, #tpu.memory_space<vmem>>
        %dma_start3A_321 = arith.constant 0 : i32
        %dma_start3A_322 = arith.constant 0 : i32
        %dma_start3A_323 = tpu.memref_slice %arg2[%dma_start3A_321, %dma_start3A_322] : memref<20000x128xbf16, #tpu.memory_space<hbm>> -> memref<20000x128xbf16, #tpu.memory_space<hbm>>
        tpu.enqueue_indirect_dma source(%dma_start3A_323 : memref<20000x128xbf16, #tpu.memory_space<hbm>>) target(%dma_start3A_317 : memref<128x128xbf16, #tpu.memory_space<vmem>>) offsets(%dma_start3A_320 : memref<128xi32, #tpu.memory_space<vmem>>) semaphore(%arg11 : memref<!tpu.dma_semaphore, #tpu.memory_space<semaphore_mem>>)
      } else {
      }
      %mul3A_269 = arith.constant 4 : i32
      %mul3A_270 = arith.muli %scan3A_150, %mul3A_269 : i32
      %add3A_271 = arith.constant 3 : i32
      %add3A_272 = arith.addi %mul3A_270, %add3A_271 : i32
      %dma_wait3A_273 = arith.constant 3 : i32
      %dma_wait3A_274 = arith.constant 0 : i32
      %dma_wait3A_275 = arith.constant 0 : i32
      %dma_wait3A_276 = tpu.memref_slice %arg8[%dma_wait3A_273, %dma_wait3A_274, %dma_wait3A_275] : memref<4x128x128xbf16, #tpu.memory_space<vmem>> -> memref<1x128x128xbf16, #tpu.memory_space<vmem>>
      %dma_wait3A_277 = tpu.memref_squeeze %dma_wait3A_276 : memref<1x128x128xbf16, #tpu.memory_space<vmem>> -> memref<128x128xbf16, #tpu.memory_space<vmem>>
      %dma_wait3A_278 = arith.constant 0 : i32
      %dma_wait3A_279 = tpu.memref_slice %arg7[%add3A_272, %dma_wait3A_278] : memref<40x128xi32, #tpu.memory_space<vmem>> -> memref<1x128xi32, #tpu.memory_space<vmem>>
      %dma_wait3A_280 = tpu.memref_squeeze %dma_wait3A_279 : memref<1x128xi32, #tpu.memory_space<vmem>> -> memref<128xi32, #tpu.memory_space<vmem>>
      %dma_wait3A_281 = arith.constant 0 : i32
      %dma_wait3A_282 = arith.constant 0 : i32
      %dma_wait3A_283 = tpu.memref_slice %arg2[%dma_wait3A_281, %dma_wait3A_282] : memref<20000x128xbf16, #tpu.memory_space<hbm>> -> memref<20000x128xbf16, #tpu.memory_space<hbm>>
      tpu.wait_indirect_dma semaphore(%arg13 : memref<!tpu.dma_semaphore, #tpu.memory_space<semaphore_mem>>) src(%dma_wait3A_283 : memref<20000x128xbf16, #tpu.memory_space<hbm>>) dst(%dma_wait3A_277 : memref<128x128xbf16, #tpu.memory_space<vmem>>)
      %dma_start3A_284 = arith.constant 3 : i32
      %dma_start3A_285 = arith.constant 0 : i32
      %dma_start3A_286 = arith.constant 0 : i32
      %dma_start3A_287 = tpu.memref_slice %arg8[%dma_start3A_284, %dma_start3A_285, %dma_start3A_286] : memref<4x128x128xbf16, #tpu.memory_space<vmem>> -> memref<1x128x128xbf16, #tpu.memory_space<vmem>>
      %dma_start3A_288 = tpu.memref_squeeze %dma_start3A_287 : memref<1x128x128xbf16, #tpu.memory_space<vmem>> -> memref<128x128xbf16, #tpu.memory_space<vmem>>
      %dma_start3A_289 = arith.constant 0 : i32
      %dma_start3A_290 = tpu.memref_slice %arg6[%add3A_272, %dma_start3A_289] : memref<40x128xi32, #tpu.memory_space<vmem>> -> memref<1x128xi32, #tpu.memory_space<vmem>>
      %dma_start3A_291 = tpu.memref_squeeze %dma_start3A_290 : memref<1x128xi32, #tpu.memory_space<vmem>> -> memref<128xi32, #tpu.memory_space<vmem>>
      %dma_start3A_292 = arith.constant 0 : i32
      %dma_start3A_293 = arith.constant 0 : i32
      %dma_start3A_294 = tpu.memref_slice %arg9[%dma_start3A_292, %dma_start3A_293] : memref<10016x128xbf16, #tpu.memory_space<vmem_shared>> -> memref<10016x128xbf16, #tpu.memory_space<vmem_shared>>
      tpu.enqueue_indirect_dma source(%dma_start3A_288 : memref<128x128xbf16, #tpu.memory_space<vmem>>) target(%dma_start3A_294 : memref<10016x128xbf16, #tpu.memory_space<vmem_shared>>) offsets(%dma_start3A_291 : memref<128xi32, #tpu.memory_space<vmem>>) semaphore(%arg17 : memref<!tpu.dma_semaphore, #tpu.memory_space<semaphore_mem>>) {add = true}
      %ge3A_295 = arith.constant 1 : i32
      %ge3A_296 = arith.cmpi sge, %add3A_272, %ge3A_295 : i32
      %convert_element_type3A_297 = arith.extui %ge3A_296 : i1 to i32
      %cond3A_298 = arith.constant 0 : i32
      %cond3A_299 = arith.cmpi ne, %convert_element_type3A_297, %cond3A_298 : i32
      scf.if %cond3A_299 {
        %sub3A_309 = arith.constant 1 : i32
        %sub3A_310 = arith.subi %add3A_272, %sub3A_309 : i32
        %dma_wait3A_311 = arith.constant 2 : i32
        %dma_wait3A_312 = arith.constant 0 : i32
        %dma_wait3A_313 = arith.constant 0 : i32
        %dma_wait3A_314 = tpu.memref_slice %arg8[%dma_wait3A_311, %dma_wait3A_312, %dma_wait3A_313] : memref<4x128x128xbf16, #tpu.memory_space<vmem>> -> memref<1x128x128xbf16, #tpu.memory_space<vmem>>
        %dma_wait3A_315 = tpu.memref_squeeze %dma_wait3A_314 : memref<1x128x128xbf16, #tpu.memory_space<vmem>> -> memref<128x128xbf16, #tpu.memory_space<vmem>>
        %dma_wait3A_316 = arith.constant 0 : i32
        %dma_wait3A_317 = tpu.memref_slice %arg6[%sub3A_310, %dma_wait3A_316] : memref<40x128xi32, #tpu.memory_space<vmem>> -> memref<1x128xi32, #tpu.memory_space<vmem>>
        %dma_wait3A_318 = tpu.memref_squeeze %dma_wait3A_317 : memref<1x128xi32, #tpu.memory_space<vmem>> -> memref<128xi32, #tpu.memory_space<vmem>>
        %dma_wait3A_319 = arith.constant 0 : i32
        %dma_wait3A_320 = arith.constant 0 : i32
        %dma_wait3A_321 = tpu.memref_slice %arg9[%dma_wait3A_319, %dma_wait3A_320] : memref<10016x128xbf16, #tpu.memory_space<vmem_shared>> -> memref<10016x128xbf16, #tpu.memory_space<vmem_shared>>
        tpu.wait_indirect_dma semaphore(%arg16 : memref<!tpu.dma_semaphore, #tpu.memory_space<semaphore_mem>>) src(%dma_wait3A_315 : memref<128x128xbf16, #tpu.memory_space<vmem>>) dst(%dma_wait3A_321 : memref<10016x128xbf16, #tpu.memory_space<vmem_shared>>)
      } else {
      }
      %add3A_300 = arith.constant 4 : i32
      %add3A_301 = arith.addi %add3A_272, %add3A_300 : i32
      %sub3A_302 = arith.constant 1 : i32
      %sub3A_303 = arith.subi %add3A_301, %sub3A_302 : i32
      %lt3A_304 = arith.constant 40 : i32
      %lt3A_305 = arith.cmpi slt, %sub3A_303, %lt3A_304 : i32
      %convert_element_type3A_306 = arith.extui %lt3A_305 : i1 to i32
      %cond3A_307 = arith.constant 0 : i32
      %cond3A_308 = arith.cmpi ne, %convert_element_type3A_306, %cond3A_307 : i32
      scf.if %cond3A_308 {
        %add3A_309 = arith.constant 4 : i32
        %add3A_310 = arith.addi %add3A_272, %add3A_309 : i32
        %sub3A_311 = arith.constant 1 : i32
        %sub3A_312 = arith.subi %add3A_310, %sub3A_311 : i32
        %dma_start3A_313 = arith.constant 2 : i32
        %dma_start3A_314 = arith.constant 0 : i32
        %dma_start3A_315 = arith.constant 0 : i32
        %dma_start3A_316 = tpu.memref_slice %arg8[%dma_start3A_313, %dma_start3A_314, %dma_start3A_315] : memref<4x128x128xbf16, #tpu.memory_space<vmem>> -> memref<1x128x128xbf16, #tpu.memory_space<vmem>>
        %dma_start3A_317 = tpu.memref_squeeze %dma_start3A_316 : memref<1x128x128xbf16, #tpu.memory_space<vmem>> -> memref<128x128xbf16, #tpu.memory_space<vmem>>
        %dma_start3A_318 = arith.constant 0 : i32
        %dma_start3A_319 = tpu.memref_slice %arg7[%sub3A_312, %dma_start3A_318] : memref<40x128xi32, #tpu.memory_space<vmem>> -> memref<1x128xi32, #tpu.memory_space<vmem>>
        %dma_start3A_320 = tpu.memref_squeeze %dma_start3A_319 : memref<1x128xi32, #tpu.memory_space<vmem>> -> memref<128xi32, #tpu.memory_space<vmem>>
        %dma_start3A_321 = arith.constant 0 : i32
        %dma_start3A_322 = arith.constant 0 : i32
        %dma_start3A_323 = tpu.memref_slice %arg2[%dma_start3A_321, %dma_start3A_322] : memref<20000x128xbf16, #tpu.memory_space<hbm>> -> memref<20000x128xbf16, #tpu.memory_space<hbm>>
        tpu.enqueue_indirect_dma source(%dma_start3A_323 : memref<20000x128xbf16, #tpu.memory_space<hbm>>) target(%dma_start3A_317 : memref<128x128xbf16, #tpu.memory_space<vmem>>) offsets(%dma_start3A_320 : memref<128xi32, #tpu.memory_space<vmem>>) semaphore(%arg12 : memref<!tpu.dma_semaphore, #tpu.memory_space<semaphore_mem>>)
      } else {
      }
    }
    %scan3A_75 = arith.constant 10 : i32
    %dma_wait3A = arith.constant 3 : i32
    %dma_wait3A_76 = arith.constant 39 : i32
    %dma_wait3A_77 = arith.constant 0 : i32
    %dma_wait3A_78 = arith.constant 0 : i32
    %dma_wait3A_79 = tpu.memref_slice %arg8[%dma_wait3A, %dma_wait3A_77, %dma_wait3A_78] : memref<4x128x128xbf16, #tpu.memory_space<vmem>> -> memref<1x128x128xbf16, #tpu.memory_space<vmem>>
    %dma_wait3A_80 = tpu.memref_squeeze %dma_wait3A_79 : memref<1x128x128xbf16, #tpu.memory_space<vmem>> -> memref<128x128xbf16, #tpu.memory_space<vmem>>
    %dma_wait3A_81 = arith.constant 0 : i32
    %dma_wait3A_82 = tpu.memref_slice %arg6[%dma_wait3A_76, %dma_wait3A_81] : memref<40x128xi32, #tpu.memory_space<vmem>> -> memref<1x128xi32, #tpu.memory_space<vmem>>
    %dma_wait3A_83 = tpu.memref_squeeze %dma_wait3A_82 : memref<1x128xi32, #tpu.memory_space<vmem>> -> memref<128xi32, #tpu.memory_space<vmem>>
    %dma_wait3A_84 = arith.constant 0 : i32
    %dma_wait3A_85 = arith.constant 0 : i32
    %dma_wait3A_86 = tpu.memref_slice %arg9[%dma_wait3A_84, %dma_wait3A_85] : memref<10016x128xbf16, #tpu.memory_space<vmem_shared>> -> memref<10016x128xbf16, #tpu.memory_space<vmem_shared>>
    tpu.wait_indirect_dma semaphore(%arg17 : memref<!tpu.dma_semaphore, #tpu.memory_space<semaphore_mem>>) src(%dma_wait3A_80 : memref<128x128xbf16, #tpu.memory_space<vmem>>) dst(%dma_wait3A_86 : memref<10016x128xbf16, #tpu.memory_space<vmem_shared>>)
    "tpu.region"() ({
      %run_scoped3A_150 = tpu.sem_alloc : memref<!tpu.dma_semaphore, #tpu.memory_space<semaphore_mem>>
      %dma_start3A_151 = arith.constant 40 : i32
      %dma_start3A_152 = arith.constant 0 : i32
      %dma_start3A_153 = tpu.memref_slice %arg3[%arg1, %dma_start3A_151, %dma_start3A_152] : memref<16x80x128xi32, #tpu.memory_space<hbm>> -> memref<1x40x128xi32, #tpu.memory_space<hbm>>
      %dma_start3A_154 = tpu.memref_squeeze %dma_start3A_153 : memref<1x40x128xi32, #tpu.memory_space<hbm>> -> memref<40x128xi32, #tpu.memory_space<hbm>>
      %dma_start3A_155 = arith.constant 40 : i32
      %dma_start3A_156 = arith.constant 0 : i32
      %dma_start3A_157 = tpu.memref_slice %arg3[%arg1, %dma_start3A_155, %dma_start3A_156] : memref<16x80x128xi32, #tpu.memory_space<hbm>> -> memref<1x40x128xi32, #tpu.memory_space<hbm>>
      %dma_start3A_158 = tpu.memref_squeeze %dma_start3A_157 : memref<1x40x128xi32, #tpu.memory_space<hbm>> -> memref<40x128xi32, #tpu.memory_space<hbm>>
      tpu.enqueue_dma source(%dma_start3A_158 : memref<40x128xi32, #tpu.memory_space<hbm>>) target(%arg7 : memref<40x128xi32, #tpu.memory_space<vmem>>) target_semaphore(%run_scoped3A_150 : memref<!tpu.dma_semaphore, #tpu.memory_space<semaphore_mem>>)
      %dma_wait3A_159 = arith.constant 40 : i32
      %dma_wait3A_160 = arith.constant 0 : i32
      %dma_wait3A_161 = tpu.memref_slice %arg3[%arg1, %dma_wait3A_159, %dma_wait3A_160] : memref<16x80x128xi32, #tpu.memory_space<hbm>> -> memref<1x40x128xi32, #tpu.memory_space<hbm>>
      %dma_wait3A_162 = tpu.memref_squeeze %dma_wait3A_161 : memref<1x40x128xi32, #tpu.memory_space<hbm>> -> memref<40x128xi32, #tpu.memory_space<hbm>>
      %dma_wait3A_163 = arith.constant 40 : i32
      %dma_wait3A_164 = arith.constant 0 : i32
      %dma_wait3A_165 = tpu.memref_slice %arg3[%arg1, %dma_wait3A_163, %dma_wait3A_164] : memref<16x80x128xi32, #tpu.memory_space<hbm>> -> memref<1x40x128xi32, #tpu.memory_space<hbm>>
      %dma_wait3A_166 = tpu.memref_squeeze %dma_wait3A_165 : memref<1x40x128xi32, #tpu.memory_space<hbm>> -> memref<40x128xi32, #tpu.memory_space<hbm>>
      tpu.wait_dma2 semaphore(%run_scoped3A_150 : memref<!tpu.dma_semaphore, #tpu.memory_space<semaphore_mem>>) src(%dma_wait3A_166 : memref<40x128xi32, #tpu.memory_space<hbm>>) dst(%arg7 : memref<40x128xi32, #tpu.memory_space<vmem>>)
      tpu.yield
    }) : () -> ()
    "tpu.region"() ({
      %run_scoped3A_150 = tpu.sem_alloc : memref<!tpu.dma_semaphore, #tpu.memory_space<semaphore_mem>>
      %dma_start3A_151 = arith.constant 40 : i32
      %dma_start3A_152 = arith.constant 0 : i32
      %dma_start3A_153 = tpu.memref_slice %arg4[%arg1, %dma_start3A_151, %dma_start3A_152] : memref<16x80x128xi32, #tpu.memory_space<hbm>> -> memref<1x40x128xi32, #tpu.memory_space<hbm>>
      %dma_start3A_154 = tpu.memref_squeeze %dma_start3A_153 : memref<1x40x128xi32, #tpu.memory_space<hbm>> -> memref<40x128xi32, #tpu.memory_space<hbm>>
      %dma_start3A_155 = arith.constant 40 : i32
      %dma_start3A_156 = arith.constant 0 : i32
      %dma_start3A_157 = tpu.memref_slice %arg4[%arg1, %dma_start3A_155, %dma_start3A_156] : memref<16x80x128xi32, #tpu.memory_space<hbm>> -> memref<1x40x128xi32, #tpu.memory_space<hbm>>
      %dma_start3A_158 = tpu.memref_squeeze %dma_start3A_157 : memref<1x40x128xi32, #tpu.memory_space<hbm>> -> memref<40x128xi32, #tpu.memory_space<hbm>>
      tpu.enqueue_dma source(%dma_start3A_158 : memref<40x128xi32, #tpu.memory_space<hbm>>) target(%arg6 : memref<40x128xi32, #tpu.memory_space<vmem>>) target_semaphore(%run_scoped3A_150 : memref<!tpu.dma_semaphore, #tpu.memory_space<semaphore_mem>>)
      %dma_wait3A_159 = arith.constant 40 : i32
      %dma_wait3A_160 = arith.constant 0 : i32
      %dma_wait3A_161 = tpu.memref_slice %arg4[%arg1, %dma_wait3A_159, %dma_wait3A_160] : memref<16x80x128xi32, #tpu.memory_space<hbm>> -> memref<1x40x128xi32, #tpu.memory_space<hbm>>
      %dma_wait3A_162 = tpu.memref_squeeze %dma_wait3A_161 : memref<1x40x128xi32, #tpu.memory_space<hbm>> -> memref<40x128xi32, #tpu.memory_space<hbm>>
      %dma_wait3A_163 = arith.constant 40 : i32
      %dma_wait3A_164 = arith.constant 0 : i32
      %dma_wait3A_165 = tpu.memref_slice %arg4[%arg1, %dma_wait3A_163, %dma_wait3A_164] : memref<16x80x128xi32, #tpu.memory_space<hbm>> -> memref<1x40x128xi32, #tpu.memory_space<hbm>>
      %dma_wait3A_166 = tpu.memref_squeeze %dma_wait3A_165 : memref<1x40x128xi32, #tpu.memory_space<hbm>> -> memref<40x128xi32, #tpu.memory_space<hbm>>
      tpu.wait_dma2 semaphore(%run_scoped3A_150 : memref<!tpu.dma_semaphore, #tpu.memory_space<semaphore_mem>>) src(%dma_wait3A_166 : memref<40x128xi32, #tpu.memory_space<hbm>>) dst(%arg6 : memref<40x128xi32, #tpu.memory_space<vmem>>)
      tpu.yield
    }) : () -> ()
    %scan3A_87 = arith.constant 0 : i32
    %scan3A_88 = arith.constant 0 : i32
    %scan3A_89 = arith.constant 40 : i32
    %scan3A_90 = arith.addi %scan3A_88, %scan3A_89 : i32
    %scan3A_91 = arith.constant 1 : i32
    scf.for %scan3A_150 = %scan3A_88 to %scan3A_90 step %scan3A_91  : i32 {
      %get3A = arith.index_cast %scan3A_150 : i32 to index
      %get3A_151 = arith.constant 0 : index
      %get3A_152 = tpu.vector_load %arg7[%get3A, %get3A_151] {strides = array<i32>} : memref<40x128xi32, #tpu.memory_space<vmem>>, vector<1x16xi32>,
      %get3A_153 = vector.shape_cast %get3A_152 : vector<1x16xi32> to vector<16xi32>
      %add3A_154 = vector.broadcast %mul3A_0 : i32 to vector<16xi32>
      %add3A_155 = arith.addi %get3A_153, %add3A_154 : vector<16xi32>
      %swap3A = arith.index_cast %scan3A_150 : i32 to index
      %swap3A_156 = arith.constant 0 : index
      %swap3A_157 = tpu.vector_load %arg7[%swap3A, %swap3A_156] {strides = array<i32>} : memref<40x128xi32, #tpu.memory_space<vmem>>, vector<1x16xi32>,
      %swap3A_158 = vector.shape_cast %swap3A_157 : vector<1x16xi32> to vector<16xi32>
      %swap3A_159 = vector.shape_cast %add3A_155 : vector<16xi32> to vector<1x16xi32>
      tpu.vector_store %arg7[%swap3A, %swap3A_156], %swap3A_159 {strides = array<i32>} : memref<40x128xi32, #tpu.memory_space<vmem>>, vector<1x16xi32>,
      %get3A_160 = arith.index_cast %scan3A_150 : i32 to index
      %get3A_161 = arith.constant 16 : index
      %get3A_162 = tpu.vector_load %arg7[%get3A_160, %get3A_161] {strides = array<i32>} : memref<40x128xi32, #tpu.memory_space<vmem>>, vector<1x16xi32>,
      %get3A_163 = vector.shape_cast %get3A_162 : vector<1x16xi32> to vector<16xi32>
      %add3A_164 = vector.broadcast %mul3A_0 : i32 to vector<16xi32>
      %add3A_165 = arith.addi %get3A_163, %add3A_164 : vector<16xi32>
      %swap3A_166 = arith.index_cast %scan3A_150 : i32 to index
      %swap3A_167 = arith.constant 16 : index
      %swap3A_168 = tpu.vector_load %arg7[%swap3A_166, %swap3A_167] {strides = array<i32>} : memref<40x128xi32, #tpu.memory_space<vmem>>, vector<1x16xi32>,
      %swap3A_169 = vector.shape_cast %swap3A_168 : vector<1x16xi32> to vector<16xi32>
      %swap3A_170 = vector.shape_cast %add3A_165 : vector<16xi32> to vector<1x16xi32>
      tpu.vector_store %arg7[%swap3A_166, %swap3A_167], %swap3A_170 {strides = array<i32>} : memref<40x128xi32, #tpu.memory_space<vmem>>, vector<1x16xi32>,
      %get3A_171 = arith.index_cast %scan3A_150 : i32 to index
      %get3A_172 = arith.constant 32 : index
      %get3A_173 = tpu.vector_load %arg7[%get3A_171, %get3A_172] {strides = array<i32>} : memref<40x128xi32, #tpu.memory_space<vmem>>, vector<1x16xi32>,
      %get3A_174 = vector.shape_cast %get3A_173 : vector<1x16xi32> to vector<16xi32>
      %add3A_175 = vector.broadcast %mul3A_0 : i32 to vector<16xi32>
      %add3A_176 = arith.addi %get3A_174, %add3A_175 : vector<16xi32>
      %swap3A_177 = arith.index_cast %scan3A_150 : i32 to index
      %swap3A_178 = arith.constant 32 : index
      %swap3A_179 = tpu.vector_load %arg7[%swap3A_177, %swap3A_178] {strides = array<i32>} : memref<40x128xi32, #tpu.memory_space<vmem>>, vector<1x16xi32>,
      %swap3A_180 = vector.shape_cast %swap3A_179 : vector<1x16xi32> to vector<16xi32>
      %swap3A_181 = vector.shape_cast %add3A_176 : vector<16xi32> to vector<1x16xi32>
      tpu.vector_store %arg7[%swap3A_177, %swap3A_178], %swap3A_181 {strides = array<i32>} : memref<40x128xi32, #tpu.memory_space<vmem>>, vector<1x16xi32>,
      %get3A_182 = arith.index_cast %scan3A_150 : i32 to index
      %get3A_183 = arith.constant 48 : index
      %get3A_184 = tpu.vector_load %arg7[%get3A_182, %get3A_183] {strides = array<i32>} : memref<40x128xi32, #tpu.memory_space<vmem>>, vector<1x16xi32>,
      %get3A_185 = vector.shape_cast %get3A_184 : vector<1x16xi32> to vector<16xi32>
      %add3A_186 = vector.broadcast %mul3A_0 : i32 to vector<16xi32>
      %add3A_187 = arith.addi %get3A_185, %add3A_186 : vector<16xi32>
      %swap3A_188 = arith.index_cast %scan3A_150 : i32 to index
      %swap3A_189 = arith.constant 48 : index
      %swap3A_190 = tpu.vector_load %arg7[%swap3A_188, %swap3A_189] {strides = array<i32>} : memref<40x128xi32, #tpu.memory_space<vmem>>, vector<1x16xi32>,
      %swap3A_191 = vector.shape_cast %swap3A_190 : vector<1x16xi32> to vector<16xi32>
      %swap3A_192 = vector.shape_cast %add3A_187 : vector<16xi32> to vector<1x16xi32>
      tpu.vector_store %arg7[%swap3A_188, %swap3A_189], %swap3A_192 {strides = array<i32>} : memref<40x128xi32, #tpu.memory_space<vmem>>, vector<1x16xi32>,
      %get3A_193 = arith.index_cast %scan3A_150 : i32 to index
      %get3A_194 = arith.constant 64 : index
      %get3A_195 = tpu.vector_load %arg7[%get3A_193, %get3A_194] {strides = array<i32>} : memref<40x128xi32, #tpu.memory_space<vmem>>, vector<1x16xi32>,
      %get3A_196 = vector.shape_cast %get3A_195 : vector<1x16xi32> to vector<16xi32>
      %add3A_197 = vector.broadcast %mul3A_0 : i32 to vector<16xi32>
      %add3A_198 = arith.addi %get3A_196, %add3A_197 : vector<16xi32>
      %swap3A_199 = arith.index_cast %scan3A_150 : i32 to index
      %swap3A_200 = arith.constant 64 : index
      %swap3A_201 = tpu.vector_load %arg7[%swap3A_199, %swap3A_200] {strides = array<i32>} : memref<40x128xi32, #tpu.memory_space<vmem>>, vector<1x16xi32>,
      %swap3A_202 = vector.shape_cast %swap3A_201 : vector<1x16xi32> to vector<16xi32>
      %swap3A_203 = vector.shape_cast %add3A_198 : vector<16xi32> to vector<1x16xi32>
      tpu.vector_store %arg7[%swap3A_199, %swap3A_200], %swap3A_203 {strides = array<i32>} : memref<40x128xi32, #tpu.memory_space<vmem>>, vector<1x16xi32>,
      %get3A_204 = arith.index_cast %scan3A_150 : i32 to index
      %get3A_205 = arith.constant 80 : index
      %get3A_206 = tpu.vector_load %arg7[%get3A_204, %get3A_205] {strides = array<i32>} : memref<40x128xi32, #tpu.memory_space<vmem>>, vector<1x16xi32>,
      %get3A_207 = vector.shape_cast %get3A_206 : vector<1x16xi32> to vector<16xi32>
      %add3A_208 = vector.broadcast %mul3A_0 : i32 to vector<16xi32>
      %add3A_209 = arith.addi %get3A_207, %add3A_208 : vector<16xi32>
      %swap3A_210 = arith.index_cast %scan3A_150 : i32 to index
      %swap3A_211 = arith.constant 80 : index
      %swap3A_212 = tpu.vector_load %arg7[%swap3A_210, %swap3A_211] {strides = array<i32>} : memref<40x128xi32, #tpu.memory_space<vmem>>, vector<1x16xi32>,
      %swap3A_213 = vector.shape_cast %swap3A_212 : vector<1x16xi32> to vector<16xi32>
      %swap3A_214 = vector.shape_cast %add3A_209 : vector<16xi32> to vector<1x16xi32>
      tpu.vector_store %arg7[%swap3A_210, %swap3A_211], %swap3A_214 {strides = array<i32>} : memref<40x128xi32, #tpu.memory_space<vmem>>, vector<1x16xi32>,
      %get3A_215 = arith.index_cast %scan3A_150 : i32 to index
      %get3A_216 = arith.constant 96 : index
      %get3A_217 = tpu.vector_load %arg7[%get3A_215, %get3A_216] {strides = array<i32>} : memref<40x128xi32, #tpu.memory_space<vmem>>, vector<1x16xi32>,
      %get3A_218 = vector.shape_cast %get3A_217 : vector<1x16xi32> to vector<16xi32>
      %add3A_219 = vector.broadcast %mul3A_0 : i32 to vector<16xi32>
      %add3A_220 = arith.addi %get3A_218, %add3A_219 : vector<16xi32>
      %swap3A_221 = arith.index_cast %scan3A_150 : i32 to index
      %swap3A_222 = arith.constant 96 : index
      %swap3A_223 = tpu.vector_load %arg7[%swap3A_221, %swap3A_222] {strides = array<i32>} : memref<40x128xi32, #tpu.memory_space<vmem>>, vector<1x16xi32>,
      %swap3A_224 = vector.shape_cast %swap3A_223 : vector<1x16xi32> to vector<16xi32>
      %swap3A_225 = vector.shape_cast %add3A_220 : vector<16xi32> to vector<1x16xi32>
      tpu.vector_store %arg7[%swap3A_221, %swap3A_222], %swap3A_225 {strides = array<i32>} : memref<40x128xi32, #tpu.memory_space<vmem>>, vector<1x16xi32>,
      %get3A_226 = arith.index_cast %scan3A_150 : i32 to index
      %get3A_227 = arith.constant 112 : index
      %get3A_228 = tpu.vector_load %arg7[%get3A_226, %get3A_227] {strides = array<i32>} : memref<40x128xi32, #tpu.memory_space<vmem>>, vector<1x16xi32>,
      %get3A_229 = vector.shape_cast %get3A_228 : vector<1x16xi32> to vector<16xi32>
      %add3A_230 = vector.broadcast %mul3A_0 : i32 to vector<16xi32>
      %add3A_231 = arith.addi %get3A_229, %add3A_230 : vector<16xi32>
      %swap3A_232 = arith.index_cast %scan3A_150 : i32 to index
      %swap3A_233 = arith.constant 112 : index
      %swap3A_234 = tpu.vector_load %arg7[%swap3A_232, %swap3A_233] {strides = array<i32>} : memref<40x128xi32, #tpu.memory_space<vmem>>, vector<1x16xi32>,
      %swap3A_235 = vector.shape_cast %swap3A_234 : vector<1x16xi32> to vector<16xi32>
      %swap3A_236 = vector.shape_cast %add3A_231 : vector<16xi32> to vector<1x16xi32>
      tpu.vector_store %arg7[%swap3A_232, %swap3A_233], %swap3A_236 {strides = array<i32>} : memref<40x128xi32, #tpu.memory_space<vmem>>, vector<1x16xi32>,
    }
    %scan3A_92 = arith.constant 40 : i32
    %dma_start3A_93 = arith.constant 0 : i32
    %dma_start3A_94 = arith.constant 0 : i32
    %dma_start3A_95 = arith.constant 0 : i32
    %dma_start3A_96 = arith.constant 0 : i32
    %dma_start3A_97 = tpu.memref_slice %arg8[%dma_start3A_94, %dma_start3A_95, %dma_start3A_96] : memref<4x128x128xbf16, #tpu.memory_space<vmem>> -> memref<1x128x128xbf16, #tpu.memory_space<vmem>>
    %dma_start3A_98 = tpu.memref_squeeze %dma_start3A_97 : memref<1x128x128xbf16, #tpu.memory_space<vmem>> -> memref<128x128xbf16, #tpu.memory_space<vmem>>
    %dma_start3A_99 = arith.constant 0 : i32
    %dma_start3A_100 = tpu.memref_slice %arg7[%dma_start3A_93, %dma_start3A_99] : memref<40x128xi32, #tpu.memory_space<vmem>> -> memref<1x128xi32, #tpu.memory_space<vmem>>
    %dma_start3A_101 = tpu.memref_squeeze %dma_start3A_100 : memref<1x128xi32, #tpu.memory_space<vmem>> -> memref<128xi32, #tpu.memory_space<vmem>>
    %dma_start3A_102 = arith.constant 0 : i32
    %dma_start3A_103 = arith.constant 0 : i32
    %dma_start3A_104 = tpu.memref_slice %arg2[%dma_start3A_102, %dma_start3A_103] : memref<20000x128xbf16, #tpu.memory_space<hbm>> -> memref<20000x128xbf16, #tpu.memory_space<hbm>>
    tpu.enqueue_indirect_dma source(%dma_start3A_104 : memref<20000x128xbf16, #tpu.memory_space<hbm>>) target(%dma_start3A_98 : memref<128x128xbf16, #tpu.memory_space<vmem>>) offsets(%dma_start3A_101 : memref<128xi32, #tpu.memory_space<vmem>>) semaphore(%arg10 : memref<!tpu.dma_semaphore, #tpu.memory_space<semaphore_mem>>)
    %dma_start3A_105 = arith.constant 1 : i32
    %dma_start3A_106 = arith.constant 1 : i32
    %dma_start3A_107 = arith.constant 0 : i32
    %dma_start3A_108 = arith.constant 0 : i32
    %dma_start3A_109 = tpu.memref_slice %arg8[%dma_start3A_106, %dma_start3A_107, %dma_start3A_108] : memref<4x128x128xbf16, #tpu.memory_space<vmem>> -> memref<1x128x128xbf16, #tpu.memory_space<vmem>>
    %dma_start3A_110 = tpu.memref_squeeze %dma_start3A_109 : memref<1x128x128xbf16, #tpu.memory_space<vmem>> -> memref<128x128xbf16, #tpu.memory_space<vmem>>
    %dma_start3A_111 = arith.constant 0 : i32
    %dma_start3A_112 = tpu.memref_slice %arg7[%dma_start3A_105, %dma_start3A_111] : memref<40x128xi32, #tpu.memory_space<vmem>> -> memref<1x128xi32, #tpu.memory_space<vmem>>
    %dma_start3A_113 = tpu.memref_squeeze %dma_start3A_112 : memref<1x128xi32, #tpu.memory_space<vmem>> -> memref<128xi32, #tpu.memory_space<vmem>>
    %dma_start3A_114 = arith.constant 0 : i32
    %dma_start3A_115 = arith.constant 0 : i32
    %dma_start3A_116 = tpu.memref_slice %arg2[%dma_start3A_114, %dma_start3A_115] : memref<20000x128xbf16, #tpu.memory_space<hbm>> -> memref<20000x128xbf16, #tpu.memory_space<hbm>>
    tpu.enqueue_indirect_dma source(%dma_start3A_116 : memref<20000x128xbf16, #tpu.memory_space<hbm>>) target(%dma_start3A_110 : memref<128x128xbf16, #tpu.memory_space<vmem>>) offsets(%dma_start3A_113 : memref<128xi32, #tpu.memory_space<vmem>>) semaphore(%arg11 : memref<!tpu.dma_semaphore, #tpu.memory_space<semaphore_mem>>)
    %dma_start3A_117 = arith.constant 2 : i32
    %dma_start3A_118 = arith.constant 2 : i32
    %dma_start3A_119 = arith.constant 0 : i32
    %dma_start3A_120 = arith.constant 0 : i32
    %dma_start3A_121 = tpu.memref_slice %arg8[%dma_start3A_118, %dma_start3A_119, %dma_start3A_120] : memref<4x128x128xbf16, #tpu.memory_space<vmem>> -> memref<1x128x128xbf16, #tpu.memory_space<vmem>>
    %dma_start3A_122 = tpu.memref_squeeze %dma_start3A_121 : memref<1x128x128xbf16, #tpu.memory_space<vmem>> -> memref<128x128xbf16, #tpu.memory_space<vmem>>
    %dma_start3A_123 = arith.constant 0 : i32
    %dma_start3A_124 = tpu.memref_slice %arg7[%dma_start3A_117, %dma_start3A_123] : memref<40x128xi32, #tpu.memory_space<vmem>> -> memref<1x128xi32, #tpu.memory_space<vmem>>
    %dma_start3A_125 = tpu.memref_squeeze %dma_start3A_124 : memref<1x128xi32, #tpu.memory_space<vmem>> -> memref<128xi32, #tpu.memory_space<vmem>>
    %dma_start3A_126 = arith.constant 0 : i32
    %dma_start3A_127 = arith.constant 0 : i32
    %dma_start3A_128 = tpu.memref_slice %arg2[%dma_start3A_126, %dma_start3A_127] : memref<20000x128xbf16, #tpu.memory_space<hbm>> -> memref<20000x128xbf16, #tpu.memory_space<hbm>>
    tpu.enqueue_indirect_dma source(%dma_start3A_128 : memref<20000x128xbf16, #tpu.memory_space<hbm>>) target(%dma_start3A_122 : memref<128x128xbf16, #tpu.memory_space<vmem>>) offsets(%dma_start3A_125 : memref<128xi32, #tpu.memory_space<vmem>>) semaphore(%arg12 : memref<!tpu.dma_semaphore, #tpu.memory_space<semaphore_mem>>)
    %scan3A_129 = arith.constant 0 : i32
    %scan3A_130 = arith.constant 0 : i32
    %scan3A_131 = arith.constant 10 : i32
    %scan3A_132 = arith.addi %scan3A_130, %scan3A_131 : i32
    %scan3A_133 = arith.constant 1 : i32
    scf.for %scan3A_150 = %scan3A_130 to %scan3A_132 step %scan3A_133  : i32 {
      %mul3A_151 = arith.constant 4 : i32
      %mul3A_152 = arith.muli %scan3A_150, %mul3A_151 : i32
      %add3A_153 = arith.constant 0 : i32
      %add3A_154 = arith.addi %mul3A_152, %add3A_153 : i32
      %dma_wait3A_155 = arith.constant 0 : i32
      %dma_wait3A_156 = arith.constant 0 : i32
      %dma_wait3A_157 = arith.constant 0 : i32
      %dma_wait3A_158 = tpu.memref_slice %arg8[%dma_wait3A_155, %dma_wait3A_156, %dma_wait3A_157] : memref<4x128x128xbf16, #tpu.memory_space<vmem>> -> memref<1x128x128xbf16, #tpu.memory_space<vmem>>
      %dma_wait3A_159 = tpu.memref_squeeze %dma_wait3A_158 : memref<1x128x128xbf16, #tpu.memory_space<vmem>> -> memref<128x128xbf16, #tpu.memory_space<vmem>>
      %dma_wait3A_160 = arith.constant 0 : i32
      %dma_wait3A_161 = tpu.memref_slice %arg7[%add3A_154, %dma_wait3A_160] : memref<40x128xi32, #tpu.memory_space<vmem>> -> memref<1x128xi32, #tpu.memory_space<vmem>>
      %dma_wait3A_162 = tpu.memref_squeeze %dma_wait3A_161 : memref<1x128xi32, #tpu.memory_space<vmem>> -> memref<128xi32, #tpu.memory_space<vmem>>
      %dma_wait3A_163 = arith.constant 0 : i32
      %dma_wait3A_164 = arith.constant 0 : i32
      %dma_wait3A_165 = tpu.memref_slice %arg2[%dma_wait3A_163, %dma_wait3A_164] : memref<20000x128xbf16, #tpu.memory_space<hbm>> -> memref<20000x128xbf16, #tpu.memory_space<hbm>>
      tpu.wait_indirect_dma semaphore(%arg10 : memref<!tpu.dma_semaphore, #tpu.memory_space<semaphore_mem>>) src(%dma_wait3A_165 : memref<20000x128xbf16, #tpu.memory_space<hbm>>) dst(%dma_wait3A_159 : memref<128x128xbf16, #tpu.memory_space<vmem>>)
      %dma_start3A_166 = arith.constant 0 : i32
      %dma_start3A_167 = arith.constant 0 : i32
      %dma_start3A_168 = arith.constant 0 : i32
      %dma_start3A_169 = tpu.memref_slice %arg8[%dma_start3A_166, %dma_start3A_167, %dma_start3A_168] : memref<4x128x128xbf16, #tpu.memory_space<vmem>> -> memref<1x128x128xbf16, #tpu.memory_space<vmem>>
      %dma_start3A_170 = tpu.memref_squeeze %dma_start3A_169 : memref<1x128x128xbf16, #tpu.memory_space<vmem>> -> memref<128x128xbf16, #tpu.memory_space<vmem>>
      %dma_start3A_171 = arith.constant 0 : i32
      %dma_start3A_172 = tpu.memref_slice %arg6[%add3A_154, %dma_start3A_171] : memref<40x128xi32, #tpu.memory_space<vmem>> -> memref<1x128xi32, #tpu.memory_space<vmem>>
      %dma_start3A_173 = tpu.memref_squeeze %dma_start3A_172 : memref<1x128xi32, #tpu.memory_space<vmem>> -> memref<128xi32, #tpu.memory_space<vmem>>
      %dma_start3A_174 = arith.constant 0 : i32
      %dma_start3A_175 = arith.constant 0 : i32
      %dma_start3A_176 = tpu.memref_slice %arg9[%dma_start3A_174, %dma_start3A_175] : memref<10016x128xbf16, #tpu.memory_space<vmem_shared>> -> memref<10016x128xbf16, #tpu.memory_space<vmem_shared>>
      tpu.enqueue_indirect_dma source(%dma_start3A_170 : memref<128x128xbf16, #tpu.memory_space<vmem>>) target(%dma_start3A_176 : memref<10016x128xbf16, #tpu.memory_space<vmem_shared>>) offsets(%dma_start3A_173 : memref<128xi32, #tpu.memory_space<vmem>>) semaphore(%arg14 : memref<!tpu.dma_semaphore, #tpu.memory_space<semaphore_mem>>) {add = true}
      %ge3A = arith.constant 1 : i32
      %ge3A_177 = arith.cmpi sge, %add3A_154, %ge3A : i32
      %convert_element_type3A_178 = arith.extui %ge3A_177 : i1 to i32
      %cond3A_179 = arith.constant 0 : i32
      %cond3A_180 = arith.cmpi ne, %convert_element_type3A_178, %cond3A_179 : i32
      scf.if %cond3A_180 {
        %sub3A_309 = arith.constant 1 : i32
        %sub3A_310 = arith.subi %add3A_154, %sub3A_309 : i32
        %dma_wait3A_311 = arith.constant 3 : i32
        %dma_wait3A_312 = arith.constant 0 : i32
        %dma_wait3A_313 = arith.constant 0 : i32
        %dma_wait3A_314 = tpu.memref_slice %arg8[%dma_wait3A_311, %dma_wait3A_312, %dma_wait3A_313] : memref<4x128x128xbf16, #tpu.memory_space<vmem>> -> memref<1x128x128xbf16, #tpu.memory_space<vmem>>
        %dma_wait3A_315 = tpu.memref_squeeze %dma_wait3A_314 : memref<1x128x128xbf16, #tpu.memory_space<vmem>> -> memref<128x128xbf16, #tpu.memory_space<vmem>>
        %dma_wait3A_316 = arith.constant 0 : i32
        %dma_wait3A_317 = tpu.memref_slice %arg6[%sub3A_310, %dma_wait3A_316] : memref<40x128xi32, #tpu.memory_space<vmem>> -> memref<1x128xi32, #tpu.memory_space<vmem>>
        %dma_wait3A_318 = tpu.memref_squeeze %dma_wait3A_317 : memref<1x128xi32, #tpu.memory_space<vmem>> -> memref<128xi32, #tpu.memory_space<vmem>>
        %dma_wait3A_319 = arith.constant 0 : i32
        %dma_wait3A_320 = arith.constant 0 : i32
        %dma_wait3A_321 = tpu.memref_slice %arg9[%dma_wait3A_319, %dma_wait3A_320] : memref<10016x128xbf16, #tpu.memory_space<vmem_shared>> -> memref<10016x128xbf16, #tpu.memory_space<vmem_shared>>
        tpu.wait_indirect_dma semaphore(%arg17 : memref<!tpu.dma_semaphore, #tpu.memory_space<semaphore_mem>>) src(%dma_wait3A_315 : memref<128x128xbf16, #tpu.memory_space<vmem>>) dst(%dma_wait3A_321 : memref<10016x128xbf16, #tpu.memory_space<vmem_shared>>)
      } else {
      }
      %add3A_181 = arith.constant 4 : i32
      %add3A_182 = arith.addi %add3A_154, %add3A_181 : i32
      %sub3A = arith.constant 1 : i32
      %sub3A_183 = arith.subi %add3A_182, %sub3A : i32
      %lt3A_184 = arith.constant 40 : i32
      %lt3A_185 = arith.cmpi slt, %sub3A_183, %lt3A_184 : i32
      %convert_element_type3A_186 = arith.extui %lt3A_185 : i1 to i32
      %cond3A_187 = arith.constant 0 : i32
      %cond3A_188 = arith.cmpi ne, %convert_element_type3A_186, %cond3A_187 : i32
      scf.if %cond3A_188 {
        %add3A_309 = arith.constant 4 : i32
        %add3A_310 = arith.addi %add3A_154, %add3A_309 : i32
        %sub3A_311 = arith.constant 1 : i32
        %sub3A_312 = arith.subi %add3A_310, %sub3A_311 : i32
        %dma_start3A_313 = arith.constant 3 : i32
        %dma_start3A_314 = arith.constant 0 : i32
        %dma_start3A_315 = arith.constant 0 : i32
        %dma_start3A_316 = tpu.memref_slice %arg8[%dma_start3A_313, %dma_start3A_314, %dma_start3A_315] : memref<4x128x128xbf16, #tpu.memory_space<vmem>> -> memref<1x128x128xbf16, #tpu.memory_space<vmem>>
        %dma_start3A_317 = tpu.memref_squeeze %dma_start3A_316 : memref<1x128x128xbf16, #tpu.memory_space<vmem>> -> memref<128x128xbf16, #tpu.memory_space<vmem>>
        %dma_start3A_318 = arith.constant 0 : i32
        %dma_start3A_319 = tpu.memref_slice %arg7[%sub3A_312, %dma_start3A_318] : memref<40x128xi32, #tpu.memory_space<vmem>> -> memref<1x128xi32, #tpu.memory_space<vmem>>
        %dma_start3A_320 = tpu.memref_squeeze %dma_start3A_319 : memref<1x128xi32, #tpu.memory_space<vmem>> -> memref<128xi32, #tpu.memory_space<vmem>>
        %dma_start3A_321 = arith.constant 0 : i32
        %dma_start3A_322 = arith.constant 0 : i32
        %dma_start3A_323 = tpu.memref_slice %arg2[%dma_start3A_321, %dma_start3A_322] : memref<20000x128xbf16, #tpu.memory_space<hbm>> -> memref<20000x128xbf16, #tpu.memory_space<hbm>>
        tpu.enqueue_indirect_dma source(%dma_start3A_323 : memref<20000x128xbf16, #tpu.memory_space<hbm>>) target(%dma_start3A_317 : memref<128x128xbf16, #tpu.memory_space<vmem>>) offsets(%dma_start3A_320 : memref<128xi32, #tpu.memory_space<vmem>>) semaphore(%arg13 : memref<!tpu.dma_semaphore, #tpu.memory_space<semaphore_mem>>)
      } else {
      }
      %mul3A_189 = arith.constant 4 : i32
      %mul3A_190 = arith.muli %scan3A_150, %mul3A_189 : i32
      %add3A_191 = arith.constant 1 : i32
      %add3A_192 = arith.addi %mul3A_190, %add3A_191 : i32
      %dma_wait3A_193 = arith.constant 1 : i32
      %dma_wait3A_194 = arith.constant 0 : i32
      %dma_wait3A_195 = arith.constant 0 : i32
      %dma_wait3A_196 = tpu.memref_slice %arg8[%dma_wait3A_193, %dma_wait3A_194, %dma_wait3A_195] : memref<4x128x128xbf16, #tpu.memory_space<vmem>> -> memref<1x128x128xbf16, #tpu.memory_space<vmem>>
      %dma_wait3A_197 = tpu.memref_squeeze %dma_wait3A_196 : memref<1x128x128xbf16, #tpu.memory_space<vmem>> -> memref<128x128xbf16, #tpu.memory_space<vmem>>
      %dma_wait3A_198 = arith.constant 0 : i32
      %dma_wait3A_199 = tpu.memref_slice %arg7[%add3A_192, %dma_wait3A_198] : memref<40x128xi32, #tpu.memory_space<vmem>> -> memref<1x128xi32, #tpu.memory_space<vmem>>
      %dma_wait3A_200 = tpu.memref_squeeze %dma_wait3A_199 : memref<1x128xi32, #tpu.memory_space<vmem>> -> memref<128xi32, #tpu.memory_space<vmem>>
      %dma_wait3A_201 = arith.constant 0 : i32
      %dma_wait3A_202 = arith.constant 0 : i32
      %dma_wait3A_203 = tpu.memref_slice %arg2[%dma_wait3A_201, %dma_wait3A_202] : memref<20000x128xbf16, #tpu.memory_space<hbm>> -> memref<20000x128xbf16, #tpu.memory_space<hbm>>
      tpu.wait_indirect_dma semaphore(%arg11 : memref<!tpu.dma_semaphore, #tpu.memory_space<semaphore_mem>>) src(%dma_wait3A_203 : memref<20000x128xbf16, #tpu.memory_space<hbm>>) dst(%dma_wait3A_197 : memref<128x128xbf16, #tpu.memory_space<vmem>>)
      %dma_start3A_204 = arith.constant 1 : i32
      %dma_start3A_205 = arith.constant 0 : i32
      %dma_start3A_206 = arith.constant 0 : i32
      %dma_start3A_207 = tpu.memref_slice %arg8[%dma_start3A_204, %dma_start3A_205, %dma_start3A_206] : memref<4x128x128xbf16, #tpu.memory_space<vmem>> -> memref<1x128x128xbf16, #tpu.memory_space<vmem>>
      %dma_start3A_208 = tpu.memref_squeeze %dma_start3A_207 : memref<1x128x128xbf16, #tpu.memory_space<vmem>> -> memref<128x128xbf16, #tpu.memory_space<vmem>>
      %dma_start3A_209 = arith.constant 0 : i32
      %dma_start3A_210 = tpu.memref_slice %arg6[%add3A_192, %dma_start3A_209] : memref<40x128xi32, #tpu.memory_space<vmem>> -> memref<1x128xi32, #tpu.memory_space<vmem>>
      %dma_start3A_211 = tpu.memref_squeeze %dma_start3A_210 : memref<1x128xi32, #tpu.memory_space<vmem>> -> memref<128xi32, #tpu.memory_space<vmem>>
      %dma_start3A_212 = arith.constant 0 : i32
      %dma_start3A_213 = arith.constant 0 : i32
      %dma_start3A_214 = tpu.memref_slice %arg9[%dma_start3A_212, %dma_start3A_213] : memref<10016x128xbf16, #tpu.memory_space<vmem_shared>> -> memref<10016x128xbf16, #tpu.memory_space<vmem_shared>>
      tpu.enqueue_indirect_dma source(%dma_start3A_208 : memref<128x128xbf16, #tpu.memory_space<vmem>>) target(%dma_start3A_214 : memref<10016x128xbf16, #tpu.memory_space<vmem_shared>>) offsets(%dma_start3A_211 : memref<128xi32, #tpu.memory_space<vmem>>) semaphore(%arg15 : memref<!tpu.dma_semaphore, #tpu.memory_space<semaphore_mem>>) {add = true}
      %ge3A_215 = arith.constant 1 : i32
      %ge3A_216 = arith.cmpi sge, %add3A_192, %ge3A_215 : i32
      %convert_element_type3A_217 = arith.extui %ge3A_216 : i1 to i32
      %cond3A_218 = arith.constant 0 : i32
      %cond3A_219 = arith.cmpi ne, %convert_element_type3A_217, %cond3A_218 : i32
      scf.if %cond3A_219 {
        %sub3A_309 = arith.constant 1 : i32
        %sub3A_310 = arith.subi %add3A_192, %sub3A_309 : i32
        %dma_wait3A_311 = arith.constant 0 : i32
        %dma_wait3A_312 = arith.constant 0 : i32
        %dma_wait3A_313 = arith.constant 0 : i32
        %dma_wait3A_314 = tpu.memref_slice %arg8[%dma_wait3A_311, %dma_wait3A_312, %dma_wait3A_313] : memref<4x128x128xbf16, #tpu.memory_space<vmem>> -> memref<1x128x128xbf16, #tpu.memory_space<vmem>>
        %dma_wait3A_315 = tpu.memref_squeeze %dma_wait3A_314 : memref<1x128x128xbf16, #tpu.memory_space<vmem>> -> memref<128x128xbf16, #tpu.memory_space<vmem>>
        %dma_wait3A_316 = arith.constant 0 : i32
        %dma_wait3A_317 = tpu.memref_slice %arg6[%sub3A_310, %dma_wait3A_316] : memref<40x128xi32, #tpu.memory_space<vmem>> -> memref<1x128xi32, #tpu.memory_space<vmem>>
        %dma_wait3A_318 = tpu.memref_squeeze %dma_wait3A_317 : memref<1x128xi32, #tpu.memory_space<vmem>> -> memref<128xi32, #tpu.memory_space<vmem>>
        %dma_wait3A_319 = arith.constant 0 : i32
        %dma_wait3A_320 = arith.constant 0 : i32
        %dma_wait3A_321 = tpu.memref_slice %arg9[%dma_wait3A_319, %dma_wait3A_320] : memref<10016x128xbf16, #tpu.memory_space<vmem_shared>> -> memref<10016x128xbf16, #tpu.memory_space<vmem_shared>>
        tpu.wait_indirect_dma semaphore(%arg14 : memref<!tpu.dma_semaphore, #tpu.memory_space<semaphore_mem>>) src(%dma_wait3A_315 : memref<128x128xbf16, #tpu.memory_space<vmem>>) dst(%dma_wait3A_321 : memref<10016x128xbf16, #tpu.memory_space<vmem_shared>>)
      } else {
      }
      %add3A_220 = arith.constant 4 : i32
      %add3A_221 = arith.addi %add3A_192, %add3A_220 : i32
      %sub3A_222 = arith.constant 1 : i32
      %sub3A_223 = arith.subi %add3A_221, %sub3A_222 : i32
      %lt3A_224 = arith.constant 40 : i32
      %lt3A_225 = arith.cmpi slt, %sub3A_223, %lt3A_224 : i32
      %convert_element_type3A_226 = arith.extui %lt3A_225 : i1 to i32
      %cond3A_227 = arith.constant 0 : i32
      %cond3A_228 = arith.cmpi ne, %convert_element_type3A_226, %cond3A_227 : i32
      scf.if %cond3A_228 {
        %add3A_309 = arith.constant 4 : i32
        %add3A_310 = arith.addi %add3A_192, %add3A_309 : i32
        %sub3A_311 = arith.constant 1 : i32
        %sub3A_312 = arith.subi %add3A_310, %sub3A_311 : i32
        %dma_start3A_313 = arith.constant 0 : i32
        %dma_start3A_314 = arith.constant 0 : i32
        %dma_start3A_315 = arith.constant 0 : i32
        %dma_start3A_316 = tpu.memref_slice %arg8[%dma_start3A_313, %dma_start3A_314, %dma_start3A_315] : memref<4x128x128xbf16, #tpu.memory_space<vmem>> -> memref<1x128x128xbf16, #tpu.memory_space<vmem>>
        %dma_start3A_317 = tpu.memref_squeeze %dma_start3A_316 : memref<1x128x128xbf16, #tpu.memory_space<vmem>> -> memref<128x128xbf16, #tpu.memory_space<vmem>>
        %dma_start3A_318 = arith.constant 0 : i32
        %dma_start3A_319 = tpu.memref_slice %arg7[%sub3A_312, %dma_start3A_318] : memref<40x128xi32, #tpu.memory_space<vmem>> -> memref<1x128xi32, #tpu.memory_space<vmem>>
        %dma_start3A_320 = tpu.memref_squeeze %dma_start3A_319 : memref<1x128xi32, #tpu.memory_space<vmem>> -> memref<128xi32, #tpu.memory_space<vmem>>
        %dma_start3A_321 = arith.constant 0 : i32
        %dma_start3A_322 = arith.constant 0 : i32
        %dma_start3A_323 = tpu.memref_slice %arg2[%dma_start3A_321, %dma_start3A_322] : memref<20000x128xbf16, #tpu.memory_space<hbm>> -> memref<20000x128xbf16, #tpu.memory_space<hbm>>
        tpu.enqueue_indirect_dma source(%dma_start3A_323 : memref<20000x128xbf16, #tpu.memory_space<hbm>>) target(%dma_start3A_317 : memref<128x128xbf16, #tpu.memory_space<vmem>>) offsets(%dma_start3A_320 : memref<128xi32, #tpu.memory_space<vmem>>) semaphore(%arg10 : memref<!tpu.dma_semaphore, #tpu.memory_space<semaphore_mem>>)
      } else {
      }
      %mul3A_229 = arith.constant 4 : i32
      %mul3A_230 = arith.muli %scan3A_150, %mul3A_229 : i32
      %add3A_231 = arith.constant 2 : i32
      %add3A_232 = arith.addi %mul3A_230, %add3A_231 : i32
      %dma_wait3A_233 = arith.constant 2 : i32
      %dma_wait3A_234 = arith.constant 0 : i32
      %dma_wait3A_235 = arith.constant 0 : i32
      %dma_wait3A_236 = tpu.memref_slice %arg8[%dma_wait3A_233, %dma_wait3A_234, %dma_wait3A_235] : memref<4x128x128xbf16, #tpu.memory_space<vmem>> -> memref<1x128x128xbf16, #tpu.memory_space<vmem>>
      %dma_wait3A_237 = tpu.memref_squeeze %dma_wait3A_236 : memref<1x128x128xbf16, #tpu.memory_space<vmem>> -> memref<128x128xbf16, #tpu.memory_space<vmem>>
      %dma_wait3A_238 = arith.constant 0 : i32
      %dma_wait3A_239 = tpu.memref_slice %arg7[%add3A_232, %dma_wait3A_238] : memref<40x128xi32, #tpu.memory_space<vmem>> -> memref<1x128xi32, #tpu.memory_space<vmem>>
      %dma_wait3A_240 = tpu.memref_squeeze %dma_wait3A_239 : memref<1x128xi32, #tpu.memory_space<vmem>> -> memref<128xi32, #tpu.memory_space<vmem>>
      %dma_wait3A_241 = arith.constant 0 : i32
      %dma_wait3A_242 = arith.constant 0 : i32
      %dma_wait3A_243 = tpu.memref_slice %arg2[%dma_wait3A_241, %dma_wait3A_242] : memref<20000x128xbf16, #tpu.memory_space<hbm>> -> memref<20000x128xbf16, #tpu.memory_space<hbm>>
      tpu.wait_indirect_dma semaphore(%arg12 : memref<!tpu.dma_semaphore, #tpu.memory_space<semaphore_mem>>) src(%dma_wait3A_243 : memref<20000x128xbf16, #tpu.memory_space<hbm>>) dst(%dma_wait3A_237 : memref<128x128xbf16, #tpu.memory_space<vmem>>)
      %dma_start3A_244 = arith.constant 2 : i32
      %dma_start3A_245 = arith.constant 0 : i32
      %dma_start3A_246 = arith.constant 0 : i32
      %dma_start3A_247 = tpu.memref_slice %arg8[%dma_start3A_244, %dma_start3A_245, %dma_start3A_246] : memref<4x128x128xbf16, #tpu.memory_space<vmem>> -> memref<1x128x128xbf16, #tpu.memory_space<vmem>>
      %dma_start3A_248 = tpu.memref_squeeze %dma_start3A_247 : memref<1x128x128xbf16, #tpu.memory_space<vmem>> -> memref<128x128xbf16, #tpu.memory_space<vmem>>
      %dma_start3A_249 = arith.constant 0 : i32
      %dma_start3A_250 = tpu.memref_slice %arg6[%add3A_232, %dma_start3A_249] : memref<40x128xi32, #tpu.memory_space<vmem>> -> memref<1x128xi32, #tpu.memory_space<vmem>>
      %dma_start3A_251 = tpu.memref_squeeze %dma_start3A_250 : memref<1x128xi32, #tpu.memory_space<vmem>> -> memref<128xi32, #tpu.memory_space<vmem>>
      %dma_start3A_252 = arith.constant 0 : i32
      %dma_start3A_253 = arith.constant 0 : i32
      %dma_start3A_254 = tpu.memref_slice %arg9[%dma_start3A_252, %dma_start3A_253] : memref<10016x128xbf16, #tpu.memory_space<vmem_shared>> -> memref<10016x128xbf16, #tpu.memory_space<vmem_shared>>
      tpu.enqueue_indirect_dma source(%dma_start3A_248 : memref<128x128xbf16, #tpu.memory_space<vmem>>) target(%dma_start3A_254 : memref<10016x128xbf16, #tpu.memory_space<vmem_shared>>) offsets(%dma_start3A_251 : memref<128xi32, #tpu.memory_space<vmem>>) semaphore(%arg16 : memref<!tpu.dma_semaphore, #tpu.memory_space<semaphore_mem>>) {add = true}
      %ge3A_255 = arith.constant 1 : i32
      %ge3A_256 = arith.cmpi sge, %add3A_232, %ge3A_255 : i32
      %convert_element_type3A_257 = arith.extui %ge3A_256 : i1 to i32
      %cond3A_258 = arith.constant 0 : i32
      %cond3A_259 = arith.cmpi ne, %convert_element_type3A_257, %cond3A_258 : i32
      scf.if %cond3A_259 {
        %sub3A_309 = arith.constant 1 : i32
        %sub3A_310 = arith.subi %add3A_232, %sub3A_309 : i32
        %dma_wait3A_311 = arith.constant 1 : i32
        %dma_wait3A_312 = arith.constant 0 : i32
        %dma_wait3A_313 = arith.constant 0 : i32
        %dma_wait3A_314 = tpu.memref_slice %arg8[%dma_wait3A_311, %dma_wait3A_312, %dma_wait3A_313] : memref<4x128x128xbf16, #tpu.memory_space<vmem>> -> memref<1x128x128xbf16, #tpu.memory_space<vmem>>
        %dma_wait3A_315 = tpu.memref_squeeze %dma_wait3A_314 : memref<1x128x128xbf16, #tpu.memory_space<vmem>> -> memref<128x128xbf16, #tpu.memory_space<vmem>>
        %dma_wait3A_316 = arith.constant 0 : i32
        %dma_wait3A_317 = tpu.memref_slice %arg6[%sub3A_310, %dma_wait3A_316] : memref<40x128xi32, #tpu.memory_space<vmem>> -> memref<1x128xi32, #tpu.memory_space<vmem>>
        %dma_wait3A_318 = tpu.memref_squeeze %dma_wait3A_317 : memref<1x128xi32, #tpu.memory_space<vmem>> -> memref<128xi32, #tpu.memory_space<vmem>>
        %dma_wait3A_319 = arith.constant 0 : i32
        %dma_wait3A_320 = arith.constant 0 : i32
        %dma_wait3A_321 = tpu.memref_slice %arg9[%dma_wait3A_319, %dma_wait3A_320] : memref<10016x128xbf16, #tpu.memory_space<vmem_shared>> -> memref<10016x128xbf16, #tpu.memory_space<vmem_shared>>
        tpu.wait_indirect_dma semaphore(%arg15 : memref<!tpu.dma_semaphore, #tpu.memory_space<semaphore_mem>>) src(%dma_wait3A_315 : memref<128x128xbf16, #tpu.memory_space<vmem>>) dst(%dma_wait3A_321 : memref<10016x128xbf16, #tpu.memory_space<vmem_shared>>)
      } else {
      }
      %add3A_260 = arith.constant 4 : i32
      %add3A_261 = arith.addi %add3A_232, %add3A_260 : i32
      %sub3A_262 = arith.constant 1 : i32
      %sub3A_263 = arith.subi %add3A_261, %sub3A_262 : i32
      %lt3A_264 = arith.constant 40 : i32
      %lt3A_265 = arith.cmpi slt, %sub3A_263, %lt3A_264 : i32
      %convert_element_type3A_266 = arith.extui %lt3A_265 : i1 to i32
      %cond3A_267 = arith.constant 0 : i32
      %cond3A_268 = arith.cmpi ne, %convert_element_type3A_266, %cond3A_267 : i32
      scf.if %cond3A_268 {
        %add3A_309 = arith.constant 4 : i32
        %add3A_310 = arith.addi %add3A_232, %add3A_309 : i32
        %sub3A_311 = arith.constant 1 : i32
        %sub3A_312 = arith.subi %add3A_310, %sub3A_311 : i32
        %dma_start3A_313 = arith.constant 1 : i32
        %dma_start3A_314 = arith.constant 0 : i32
        %dma_start3A_315 = arith.constant 0 : i32
        %dma_start3A_316 = tpu.memref_slice %arg8[%dma_start3A_313, %dma_start3A_314, %dma_start3A_315] : memref<4x128x128xbf16, #tpu.memory_space<vmem>> -> memref<1x128x128xbf16, #tpu.memory_space<vmem>>
        %dma_start3A_317 = tpu.memref_squeeze %dma_start3A_316 : memref<1x128x128xbf16, #tpu.memory_space<vmem>> -> memref<128x128xbf16, #tpu.memory_space<vmem>>
        %dma_start3A_318 = arith.constant 0 : i32
        %dma_start3A_319 = tpu.memref_slice %arg7[%sub3A_312, %dma_start3A_318] : memref<40x128xi32, #tpu.memory_space<vmem>> -> memref<1x128xi32, #tpu.memory_space<vmem>>
        %dma_start3A_320 = tpu.memref_squeeze %dma_start3A_319 : memref<1x128xi32, #tpu.memory_space<vmem>> -> memref<128xi32, #tpu.memory_space<vmem>>
        %dma_start3A_321 = arith.constant 0 : i32
        %dma_start3A_322 = arith.constant 0 : i32
        %dma_start3A_323 = tpu.memref_slice %arg2[%dma_start3A_321, %dma_start3A_322] : memref<20000x128xbf16, #tpu.memory_space<hbm>> -> memref<20000x128xbf16, #tpu.memory_space<hbm>>
        tpu.enqueue_indirect_dma source(%dma_start3A_323 : memref<20000x128xbf16, #tpu.memory_space<hbm>>) target(%dma_start3A_317 : memref<128x128xbf16, #tpu.memory_space<vmem>>) offsets(%dma_start3A_320 : memref<128xi32, #tpu.memory_space<vmem>>) semaphore(%arg11 : memref<!tpu.dma_semaphore, #tpu.memory_space<semaphore_mem>>)
      } else {
      }
      %mul3A_269 = arith.constant 4 : i32
      %mul3A_270 = arith.muli %scan3A_150, %mul3A_269 : i32
      %add3A_271 = arith.constant 3 : i32
      %add3A_272 = arith.addi %mul3A_270, %add3A_271 : i32
      %dma_wait3A_273 = arith.constant 3 : i32
      %dma_wait3A_274 = arith.constant 0 : i32
      %dma_wait3A_275 = arith.constant 0 : i32
      %dma_wait3A_276 = tpu.memref_slice %arg8[%dma_wait3A_273, %dma_wait3A_274, %dma_wait3A_275] : memref<4x128x128xbf16, #tpu.memory_space<vmem>> -> memref<1x128x128xbf16, #tpu.memory_space<vmem>>
      %dma_wait3A_277 = tpu.memref_squeeze %dma_wait3A_276 : memref<1x128x128xbf16, #tpu.memory_space<vmem>> -> memref<128x128xbf16, #tpu.memory_space<vmem>>
      %dma_wait3A_278 = arith.constant 0 : i32
      %dma_wait3A_279 = tpu.memref_slice %arg7[%add3A_272, %dma_wait3A_278] : memref<40x128xi32, #tpu.memory_space<vmem>> -> memref<1x128xi32, #tpu.memory_space<vmem>>
      %dma_wait3A_280 = tpu.memref_squeeze %dma_wait3A_279 : memref<1x128xi32, #tpu.memory_space<vmem>> -> memref<128xi32, #tpu.memory_space<vmem>>
      %dma_wait3A_281 = arith.constant 0 : i32
      %dma_wait3A_282 = arith.constant 0 : i32
      %dma_wait3A_283 = tpu.memref_slice %arg2[%dma_wait3A_281, %dma_wait3A_282] : memref<20000x128xbf16, #tpu.memory_space<hbm>> -> memref<20000x128xbf16, #tpu.memory_space<hbm>>
      tpu.wait_indirect_dma semaphore(%arg13 : memref<!tpu.dma_semaphore, #tpu.memory_space<semaphore_mem>>) src(%dma_wait3A_283 : memref<20000x128xbf16, #tpu.memory_space<hbm>>) dst(%dma_wait3A_277 : memref<128x128xbf16, #tpu.memory_space<vmem>>)
      %dma_start3A_284 = arith.constant 3 : i32
      %dma_start3A_285 = arith.constant 0 : i32
      %dma_start3A_286 = arith.constant 0 : i32
      %dma_start3A_287 = tpu.memref_slice %arg8[%dma_start3A_284, %dma_start3A_285, %dma_start3A_286] : memref<4x128x128xbf16, #tpu.memory_space<vmem>> -> memref<1x128x128xbf16, #tpu.memory_space<vmem>>
      %dma_start3A_288 = tpu.memref_squeeze %dma_start3A_287 : memref<1x128x128xbf16, #tpu.memory_space<vmem>> -> memref<128x128xbf16, #tpu.memory_space<vmem>>
      %dma_start3A_289 = arith.constant 0 : i32
      %dma_start3A_290 = tpu.memref_slice %arg6[%add3A_272, %dma_start3A_289] : memref<40x128xi32, #tpu.memory_space<vmem>> -> memref<1x128xi32, #tpu.memory_space<vmem>>
      %dma_start3A_291 = tpu.memref_squeeze %dma_start3A_290 : memref<1x128xi32, #tpu.memory_space<vmem>> -> memref<128xi32, #tpu.memory_space<vmem>>
      %dma_start3A_292 = arith.constant 0 : i32
      %dma_start3A_293 = arith.constant 0 : i32
      %dma_start3A_294 = tpu.memref_slice %arg9[%dma_start3A_292, %dma_start3A_293] : memref<10016x128xbf16, #tpu.memory_space<vmem_shared>> -> memref<10016x128xbf16, #tpu.memory_space<vmem_shared>>
      tpu.enqueue_indirect_dma source(%dma_start3A_288 : memref<128x128xbf16, #tpu.memory_space<vmem>>) target(%dma_start3A_294 : memref<10016x128xbf16, #tpu.memory_space<vmem_shared>>) offsets(%dma_start3A_291 : memref<128xi32, #tpu.memory_space<vmem>>) semaphore(%arg17 : memref<!tpu.dma_semaphore, #tpu.memory_space<semaphore_mem>>) {add = true}
      %ge3A_295 = arith.constant 1 : i32
      %ge3A_296 = arith.cmpi sge, %add3A_272, %ge3A_295 : i32
      %convert_element_type3A_297 = arith.extui %ge3A_296 : i1 to i32
      %cond3A_298 = arith.constant 0 : i32
      %cond3A_299 = arith.cmpi ne, %convert_element_type3A_297, %cond3A_298 : i32
      scf.if %cond3A_299 {
        %sub3A_309 = arith.constant 1 : i32
        %sub3A_310 = arith.subi %add3A_272, %sub3A_309 : i32
        %dma_wait3A_311 = arith.constant 2 : i32
        %dma_wait3A_312 = arith.constant 0 : i32
        %dma_wait3A_313 = arith.constant 0 : i32
        %dma_wait3A_314 = tpu.memref_slice %arg8[%dma_wait3A_311, %dma_wait3A_312, %dma_wait3A_313] : memref<4x128x128xbf16, #tpu.memory_space<vmem>> -> memref<1x128x128xbf16, #tpu.memory_space<vmem>>
        %dma_wait3A_315 = tpu.memref_squeeze %dma_wait3A_314 : memref<1x128x128xbf16, #tpu.memory_space<vmem>> -> memref<128x128xbf16, #tpu.memory_space<vmem>>
        %dma_wait3A_316 = arith.constant 0 : i32
        %dma_wait3A_317 = tpu.memref_slice %arg6[%sub3A_310, %dma_wait3A_316] : memref<40x128xi32, #tpu.memory_space<vmem>> -> memref<1x128xi32, #tpu.memory_space<vmem>>
        %dma_wait3A_318 = tpu.memref_squeeze %dma_wait3A_317 : memref<1x128xi32, #tpu.memory_space<vmem>> -> memref<128xi32, #tpu.memory_space<vmem>>
        %dma_wait3A_319 = arith.constant 0 : i32
        %dma_wait3A_320 = arith.constant 0 : i32
        %dma_wait3A_321 = tpu.memref_slice %arg9[%dma_wait3A_319, %dma_wait3A_320] : memref<10016x128xbf16, #tpu.memory_space<vmem_shared>> -> memref<10016x128xbf16, #tpu.memory_space<vmem_shared>>
        tpu.wait_indirect_dma semaphore(%arg16 : memref<!tpu.dma_semaphore, #tpu.memory_space<semaphore_mem>>) src(%dma_wait3A_315 : memref<128x128xbf16, #tpu.memory_space<vmem>>) dst(%dma_wait3A_321 : memref<10016x128xbf16, #tpu.memory_space<vmem_shared>>)
      } else {
      }
      %add3A_300 = arith.constant 4 : i32
      %add3A_301 = arith.addi %add3A_272, %add3A_300 : i32
      %sub3A_302 = arith.constant 1 : i32
      %sub3A_303 = arith.subi %add3A_301, %sub3A_302 : i32
      %lt3A_304 = arith.constant 40 : i32
      %lt3A_305 = arith.cmpi slt, %sub3A_303, %lt3A_304 : i32
      %convert_element_type3A_306 = arith.extui %lt3A_305 : i1 to i32
      %cond3A_307 = arith.constant 0 : i32
      %cond3A_308 = arith.cmpi ne, %convert_element_type3A_306, %cond3A_307 : i32
      scf.if %cond3A_308 {
        %add3A_309 = arith.constant 4 : i32
        %add3A_310 = arith.addi %add3A_272, %add3A_309 : i32
        %sub3A_311 = arith.constant 1 : i32
        %sub3A_312 = arith.subi %add3A_310, %sub3A_311 : i32
        %dma_start3A_313 = arith.constant 2 : i32
        %dma_start3A_314 = arith.constant 0 : i32
        %dma_start3A_315 = arith.constant 0 : i32
        %dma_start3A_316 = tpu.memref_slice %arg8[%dma_start3A_313, %dma_start3A_314, %dma_start3A_315] : memref<4x128x128xbf16, #tpu.memory_space<vmem>> -> memref<1x128x128xbf16, #tpu.memory_space<vmem>>
        %dma_start3A_317 = tpu.memref_squeeze %dma_start3A_316 : memref<1x128x128xbf16, #tpu.memory_space<vmem>> -> memref<128x128xbf16, #tpu.memory_space<vmem>>
        %dma_start3A_318 = arith.constant 0 : i32
        %dma_start3A_319 = tpu.memref_slice %arg7[%sub3A_312, %dma_start3A_318] : memref<40x128xi32, #tpu.memory_space<vmem>> -> memref<1x128xi32, #tpu.memory_space<vmem>>
        %dma_start3A_320 = tpu.memref_squeeze %dma_start3A_319 : memref<1x128xi32, #tpu.memory_space<vmem>> -> memref<128xi32, #tpu.memory_space<vmem>>
        %dma_start3A_321 = arith.constant 0 : i32
        %dma_start3A_322 = arith.constant 0 : i32
        %dma_start3A_323 = tpu.memref_slice %arg2[%dma_start3A_321, %dma_start3A_322] : memref<20000x128xbf16, #tpu.memory_space<hbm>> -> memref<20000x128xbf16, #tpu.memory_space<hbm>>
        tpu.enqueue_indirect_dma source(%dma_start3A_323 : memref<20000x128xbf16, #tpu.memory_space<hbm>>) target(%dma_start3A_317 : memref<128x128xbf16, #tpu.memory_space<vmem>>) offsets(%dma_start3A_320 : memref<128xi32, #tpu.memory_space<vmem>>) semaphore(%arg12 : memref<!tpu.dma_semaphore, #tpu.memory_space<semaphore_mem>>)
      } else {
      }
    }
    %scan3A_134 = arith.constant 10 : i32
    %dma_wait3A_135 = arith.constant 3 : i32
    %dma_wait3A_136 = arith.constant 39 : i32
    %dma_wait3A_137 = arith.constant 0 : i32
    %dma_wait3A_138 = arith.constant 0 : i32
    %dma_wait3A_139 = tpu.memref_slice %arg8[%dma_wait3A_135, %dma_wait3A_137, %dma_wait3A_138] : memref<4x128x128xbf16, #tpu.memory_space<vmem>> -> memref<1x128x128xbf16, #tpu.memory_space<vmem>>
    %dma_wait3A_140 = tpu.memref_squeeze %dma_wait3A_139 : memref<1x128x128xbf16, #tpu.memory_space<vmem>> -> memref<128x128xbf16, #tpu.memory_space<vmem>>
    %dma_wait3A_141 = arith.constant 0 : i32
    %dma_wait3A_142 = tpu.memref_slice %arg6[%dma_wait3A_136, %dma_wait3A_141] : memref<40x128xi32, #tpu.memory_space<vmem>> -> memref<1x128xi32, #tpu.memory_space<vmem>>
    %dma_wait3A_143 = tpu.memref_squeeze %dma_wait3A_142 : memref<1x128xi32, #tpu.memory_space<vmem>> -> memref<128xi32, #tpu.memory_space<vmem>>
    %dma_wait3A_144 = arith.constant 0 : i32
    %dma_wait3A_145 = arith.constant 0 : i32
    %dma_wait3A_146 = tpu.memref_slice %arg9[%dma_wait3A_144, %dma_wait3A_145] : memref<10016x128xbf16, #tpu.memory_space<vmem_shared>> -> memref<10016x128xbf16, #tpu.memory_space<vmem_shared>>
    tpu.wait_indirect_dma semaphore(%arg17 : memref<!tpu.dma_semaphore, #tpu.memory_space<semaphore_mem>>) src(%dma_wait3A_140 : memref<128x128xbf16, #tpu.memory_space<vmem>>) dst(%dma_wait3A_146 : memref<10016x128xbf16, #tpu.memory_space<vmem_shared>>)
    %barrier3A_147 = arith.constant 0 : index
    tpu.barrier barrier_id(%barrier3A_147)
    %lt3A = arith.constant 10 : i32
    %lt3A_148 = arith.cmpi slt, %arg1, %lt3A : i32
    %convert_element_type3A = arith.extui %lt3A_148 : i1 to i32
    %cond3A = arith.constant 0 : i32
    %cond3A_149 = arith.cmpi ne, %convert_element_type3A, %cond3A : i32
    scf.if %cond3A_149 {
      %mul3A_150 = arith.constant 1000 : i32
      %mul3A_151 = arith.muli %arg1, %mul3A_150 : i32
      %mul3A_152 = arith.constant 1000 : i32
      %mul3A_153 = arith.muli %arg1, %mul3A_152 : i32
      "tpu.region"() ({
        %run_scoped3A_154 = tpu.sem_alloc : memref<!tpu.dma_semaphore, #tpu.memory_space<semaphore_mem>>
        %dma_start3A_155 = arith.constant 0 : i32
        %dma_start3A_156 = tpu.memref_slice %arg5[%arg0, %mul3A_153, %dma_start3A_155] : memref<2x10000x128xbf16, #tpu.memory_space<hbm>> -> memref<1x1000x128xbf16, #tpu.memory_space<hbm>>
        %dma_start3A_157 = tpu.memref_squeeze %dma_start3A_156 : memref<1x1000x128xbf16, #tpu.memory_space<hbm>> -> memref<1000x128xbf16, #tpu.memory_space<hbm>>
        %dma_start3A_158 = arith.constant 0 : i32
        %dma_start3A_159 = tpu.memref_slice %arg9[%mul3A_151, %dma_start3A_158] : memref<10016x128xbf16, #tpu.memory_space<vmem_shared>> -> memref<1000x128xbf16, #tpu.memory_space<vmem_shared>>
        tpu.enqueue_dma source(%dma_start3A_159 : memref<1000x128xbf16, #tpu.memory_space<vmem_shared>>) target(%dma_start3A_157 : memref<1000x128xbf16, #tpu.memory_space<hbm>>) target_semaphore(%run_scoped3A_154 : memref<!tpu.dma_semaphore, #tpu.memory_space<semaphore_mem>>)
        %dma_wait3A_160 = arith.constant 0 : i32
        %dma_wait3A_161 = tpu.memref_slice %arg5[%arg0, %mul3A_153, %dma_wait3A_160] : memref<2x10000x128xbf16, #tpu.memory_space<hbm>> -> memref<1x1000x128xbf16, #tpu.memory_space<hbm>>
        %dma_wait3A_162 = tpu.memref_squeeze %dma_wait3A_161 : memref<1x1000x128xbf16, #tpu.memory_space<hbm>> -> memref<1000x128xbf16, #tpu.memory_space<hbm>>
        %dma_wait3A_163 = arith.constant 0 : i32
        %dma_wait3A_164 = tpu.memref_slice %arg9[%mul3A_151, %dma_wait3A_163] : memref<10016x128xbf16, #tpu.memory_space<vmem_shared>> -> memref<1000x128xbf16, #tpu.memory_space<vmem_shared>>
        tpu.wait_dma2 semaphore(%run_scoped3A_154 : memref<!tpu.dma_semaphore, #tpu.memory_space<semaphore_mem>>) src(%dma_wait3A_164 : memref<1000x128xbf16, #tpu.memory_space<vmem_shared>>) dst(%dma_wait3A_162 : memref<1000x128xbf16, #tpu.memory_space<hbm>>)
        tpu.yield
      }) : () -> ()
    } else {
    }
    return
  }
}

module attributes {stable_mosaic.version = 14 : i64} {
  func.func @_xw_scale_body(%arg0: i32, %arg1: i32, %arg2: memref<4x2000x128xf32, #tpu.memory_space<vmem>>, %arg3: memref<128x32xf32, #tpu.memory_space<vmem>>, %arg4: memref<2000x16xf32, #tpu.memory_space<vmem>>, %arg5: memref<2000x128xbf16, #tpu.memory_space<vmem>>) attributes {dimension_semantics = [#tpu.dimension_semantics<arbitrary>, #tpu.dimension_semantics<arbitrary>], iteration_bounds = array<i64: 2, 5>, scalar_prefetch = 0 : i64, scratch_operands = 0 : i64, tpu.core_type = #tpu.core_type<tc>, window_params = [{transform_indices = @transform_0, window_bounds = array<i64: 4, 2000, 128>}, {pipeline_mode = #tpu.pipeline_mode<synchronous>, transform_indices = @transform_1, window_bounds = array<i64: 128, 32>}, {transform_indices = @transform_2, window_bounds = array<i64: 2000, 16>}, {transform_indices = @transform_3, window_bounds = array<i64: 2000, 128>}]} {
    %get3A = arith.constant 0 : index
    %get3A_0 = arith.constant 0 : index
    %get3A_1 = vector.load %arg4[%get3A, %get3A_0] : memref<2000x16xf32, #tpu.memory_space<vmem>>, vector<2000x1xf32>
    %add3A = arith.constant 1.000000e+00 : f32
    %add3A_2 = vector.broadcast %add3A : f32 to vector<2000x1xf32>
    %add3A_3 = arith.addf %get3A_1, %add3A_2 : vector<2000x1xf32>
    %rsqrt3A = math.rsqrt %add3A_3 : vector<2000x1xf32>
    %get3A_4 = arith.constant 0 : index
    %get3A_5 = arith.constant 0 : index
    %get3A_6 = vector.load %arg3[%get3A_4, %get3A_5] : memref<128x32xf32, #tpu.memory_space<vmem>>, vector<128x32xf32>
    %get3A_7 = arith.constant 0 : index
    %get3A_8 = arith.constant 0 : index
    %get3A_9 = arith.constant 0 : index
    %get3A_10 = vector.load %arg2[%get3A_7, %get3A_8, %get3A_9] : memref<4x2000x128xf32, #tpu.memory_space<vmem>>, vector<1x2000x128xf32>
    %get3A_11 = vector.shape_cast %get3A_10 : vector<1x2000x128xf32> to vector<2000x128xf32>
    %dot_general3A = arith.constant dense<0.000000e+00> : vector<2000x32xf32>
    %dot_general3A_12 = tpu.matmul %get3A_11, %get3A_6, %dot_general3A {dimension_numbers = #tpu.dot_dimension_numbers<[1], [0], [0], [1], [0, 0, 1, 1], [], []>, transpose_lhs_hint = false} : vector<2000x128xf32>, vector<128x32xf32>, vector<2000x32xf32> -> vector<2000x32xf32>
    %get3A_13 = arith.constant 1 : index
    %get3A_14 = arith.constant 0 : index
    %get3A_15 = arith.constant 0 : index
    %get3A_16 = vector.load %arg2[%get3A_13, %get3A_14, %get3A_15] : memref<4x2000x128xf32, #tpu.memory_space<vmem>>, vector<1x2000x128xf32>
    %get3A_17 = vector.shape_cast %get3A_16 : vector<1x2000x128xf32> to vector<2000x128xf32>
    %dot_general3A_18 = arith.constant dense<0.000000e+00> : vector<2000x32xf32>
    %dot_general3A_19 = tpu.matmul %get3A_17, %get3A_6, %dot_general3A_18 {dimension_numbers = #tpu.dot_dimension_numbers<[1], [0], [0], [1], [0, 0, 1, 1], [], []>, transpose_lhs_hint = false} : vector<2000x128xf32>, vector<128x32xf32>, vector<2000x32xf32> -> vector<2000x32xf32>
    %get3A_20 = arith.constant 2 : index
    %get3A_21 = arith.constant 0 : index
    %get3A_22 = arith.constant 0 : index
    %get3A_23 = vector.load %arg2[%get3A_20, %get3A_21, %get3A_22] : memref<4x2000x128xf32, #tpu.memory_space<vmem>>, vector<1x2000x128xf32>
    %get3A_24 = vector.shape_cast %get3A_23 : vector<1x2000x128xf32> to vector<2000x128xf32>
    %dot_general3A_25 = arith.constant dense<0.000000e+00> : vector<2000x32xf32>
    %dot_general3A_26 = tpu.matmul %get3A_24, %get3A_6, %dot_general3A_25 {dimension_numbers = #tpu.dot_dimension_numbers<[1], [0], [0], [1], [0, 0, 1, 1], [], []>, transpose_lhs_hint = false} : vector<2000x128xf32>, vector<128x32xf32>, vector<2000x32xf32> -> vector<2000x32xf32>
    %get3A_27 = arith.constant 3 : index
    %get3A_28 = arith.constant 0 : index
    %get3A_29 = arith.constant 0 : index
    %get3A_30 = vector.load %arg2[%get3A_27, %get3A_28, %get3A_29] : memref<4x2000x128xf32, #tpu.memory_space<vmem>>, vector<1x2000x128xf32>
    %get3A_31 = vector.shape_cast %get3A_30 : vector<1x2000x128xf32> to vector<2000x128xf32>
    %dot_general3A_32 = arith.constant dense<0.000000e+00> : vector<2000x32xf32>
    %dot_general3A_33 = tpu.matmul %get3A_31, %get3A_6, %dot_general3A_32 {dimension_numbers = #tpu.dot_dimension_numbers<[1], [0], [0], [1], [0, 0, 1, 1], [], []>, transpose_lhs_hint = false} : vector<2000x128xf32>, vector<128x32xf32>, vector<2000x32xf32> -> vector<2000x32xf32>
    %concatenate3A = tpu.concatenate %dot_general3A_12, %dot_general3A_19, %dot_general3A_26, %dot_general3A_33 in 1 : vector<2000x32xf32>, vector<2000x32xf32>, vector<2000x32xf32>, vector<2000x32xf32> -> vector<2000x128xf32>
    %mul3A = vector.broadcast %rsqrt3A : vector<2000x1xf32> to vector<2000x128xf32>
    %mul3A_34 = arith.mulf %concatenate3A, %mul3A : vector<2000x128xf32>
    %convert_element_type3A = arith.truncf %mul3A_34 : vector<2000x128xf32> to vector<2000x128xbf16>
    %swap3A = arith.constant 0 : index
    %swap3A_35 = arith.constant 0 : index
    %swap3A_36 = vector.load %arg5[%swap3A, %swap3A_35] : memref<2000x128xbf16, #tpu.memory_space<vmem>>, vector<2000x128xbf16>
    tpu.vector_store %arg5[%swap3A, %swap3A_35], %convert_element_type3A {strides = array<i32>} : memref<2000x128xbf16, #tpu.memory_space<vmem>>, vector<2000x128xbf16>,
    return
  }
  func.func @transform_0(%arg0: i32, %arg1: i32) -> (i32, i32, i32) {
    %c0_i32 = arith.constant 0 : i32
    %c0_i32_0 = arith.constant 0 : i32
    return %arg0, %arg1, %c0_i32 : i32, i32, i32
  }
  func.func @transform_1(%arg0: i32, %arg1: i32) -> (i32, i32) {
    %c0_i32 = arith.constant 0 : i32
    %c0_i32_0 = arith.constant 0 : i32
    %c0_i32_1 = arith.constant 0 : i32
    return %c0_i32, %c0_i32_0 : i32, i32
  }
  func.func @transform_2(%arg0: i32, %arg1: i32) -> (i32, i32) {
    %c0_i32 = arith.constant 0 : i32
    %c0_i32_0 = arith.constant 0 : i32
    return %arg1, %c0_i32 : i32, i32
  }
  func.func @transform_3(%arg0: i32, %arg1: i32) -> (i32, i32) {
    %mul3A = arith.constant 5 : i32
    %mul3A_0 = arith.muli %arg0, %mul3A : i32
    %add3A = arith.addi %mul3A_0, %arg1 : i32
    %c0_i32 = arith.constant 0 : i32
    %c0_i32_1 = arith.constant 0 : i32
    return %add3A, %c0_i32 : i32, i32
  }
}

module attributes {stable_mosaic.version = 14 : i64} {
  func.func @_mid_body(%arg0: i32, %arg1: memref<2000x128xbf16, #tpu.memory_space<vmem>>, %arg2: memref<2000x128xbf16, #tpu.memory_space<vmem>>, %arg3: memref<2000x16xf32, #tpu.memory_space<vmem>>, %arg4: memref<1x32xf32, #tpu.memory_space<vmem>>, %arg5: memref<32x32xf32, #tpu.memory_space<vmem>>, %arg6: memref<2000x128xbf16, #tpu.memory_space<vmem>>) attributes {dimension_semantics = [#tpu.dimension_semantics<arbitrary>], iteration_bounds = array<i64: 10>, scalar_prefetch = 0 : i64, scratch_operands = 0 : i64, tpu.core_type = #tpu.core_type<tc>, window_params = [{transform_indices = @transform_0, window_bounds = array<i64: 2000, 128>}, {transform_indices = @transform_1, window_bounds = array<i64: 2000, 128>}, {transform_indices = @transform_2, window_bounds = array<i64: 2000, 16>}, {pipeline_mode = #tpu.pipeline_mode<synchronous>, transform_indices = @transform_3, window_bounds = array<i64: 1, 32>}, {pipeline_mode = #tpu.pipeline_mode<synchronous>, transform_indices = @transform_4, window_bounds = array<i64: 32, 32>}, {transform_indices = @transform_5, window_bounds = array<i64: 2000, 128>}]} {
    %get3A = arith.constant 0 : index
    %get3A_0 = arith.constant 0 : index
    %get3A_1 = vector.load %arg3[%get3A, %get3A_0] : memref<2000x16xf32, #tpu.memory_space<vmem>>, vector<2000x1xf32>
    %add3A = arith.constant 1.000000e+00 : f32
    %add3A_2 = vector.broadcast %add3A : f32 to vector<2000x1xf32>
    %add3A_3 = arith.addf %get3A_1, %add3A_2 : vector<2000x1xf32>
    %rsqrt3A = math.rsqrt %add3A_3 : vector<2000x1xf32>
    %get3A_4 = arith.constant 0 : index
    %get3A_5 = arith.constant 0 : index
    %get3A_6 = vector.load %arg4[%get3A_4, %get3A_5] : memref<1x32xf32, #tpu.memory_space<vmem>>, vector<1x32xf32>
    %get3A_7 = arith.constant 0 : index
    %get3A_8 = arith.constant 0 : index
    %get3A_9 = vector.load %arg5[%get3A_7, %get3A_8] : memref<32x32xf32, #tpu.memory_space<vmem>>, vector<32x32xf32>
    %get3A_10 = arith.constant 0 : index
    %get3A_11 = arith.constant 0 : index
    %get3A_12 = vector.load %arg1[%get3A_10, %get3A_11] : memref<2000x128xbf16, #tpu.memory_space<vmem>>, vector<2000x128xbf16>
    %convert_element_type3A = arith.extf %get3A_12 : vector<2000x128xbf16> to vector<2000x128xf32>
    %get3A_13 = arith.constant 0 : index
    %get3A_14 = arith.constant 0 : index
    %get3A_15 = vector.load %arg2[%get3A_13, %get3A_14] : memref<2000x128xbf16, #tpu.memory_space<vmem>>, vector<2000x128xbf16>
    %convert_element_type3A_16 = arith.extf %get3A_15 : vector<2000x128xbf16> to vector<2000x128xf32>
    %slice3A = vector.extract_strided_slice %convert_element_type3A {offsets = [0, 0], sizes = [2000, 32], strides = [1, 1]} : vector<2000x128xf32> to vector<2000x32xf32>
    %slice3A_17 = vector.extract_strided_slice %convert_element_type3A_16 {offsets = [0, 0], sizes = [2000, 32], strides = [1, 1]} : vector<2000x128xf32> to vector<2000x32xf32>
    %add3A_18 = arith.addf %slice3A, %slice3A_17 : vector<2000x32xf32>
    %mul3A = vector.broadcast %rsqrt3A : vector<2000x1xf32> to vector<2000x32xf32>
    %mul3A_19 = arith.mulf %mul3A, %add3A_18 : vector<2000x32xf32>
    %add3A_20 = vector.broadcast %get3A_6 : vector<1x32xf32> to vector<2000x32xf32>
    %add3A_21 = arith.addf %mul3A_19, %add3A_20 : vector<2000x32xf32>
    %max3A = arith.constant 0.000000e+00 : f32
    %max3A_22 = vector.broadcast %max3A : f32 to vector<2000x32xf32>
    %max3A_23 = arith.maximumf %add3A_21, %max3A_22 : vector<2000x32xf32>
    %dot_general3A = arith.constant dense<0.000000e+00> : vector<2000x32xf32>
    %dot_general3A_24 = tpu.matmul %max3A_23, %get3A_9, %dot_general3A {dimension_numbers = #tpu.dot_dimension_numbers<[1], [0], [0], [1], [0, 0, 1, 1], [], []>, transpose_lhs_hint = false} : vector<2000x32xf32>, vector<32x32xf32>, vector<2000x32xf32> -> vector<2000x32xf32>
    %slice3A_25 = vector.extract_strided_slice %convert_element_type3A {offsets = [0, 32], sizes = [2000, 32], strides = [1, 1]} : vector<2000x128xf32> to vector<2000x32xf32>
    %slice3A_26 = vector.extract_strided_slice %convert_element_type3A_16 {offsets = [0, 32], sizes = [2000, 32], strides = [1, 1]} : vector<2000x128xf32> to vector<2000x32xf32>
    %add3A_27 = arith.addf %slice3A_25, %slice3A_26 : vector<2000x32xf32>
    %mul3A_28 = vector.broadcast %rsqrt3A : vector<2000x1xf32> to vector<2000x32xf32>
    %mul3A_29 = arith.mulf %mul3A_28, %add3A_27 : vector<2000x32xf32>
    %add3A_30 = vector.broadcast %get3A_6 : vector<1x32xf32> to vector<2000x32xf32>
    %add3A_31 = arith.addf %mul3A_29, %add3A_30 : vector<2000x32xf32>
    %max3A_32 = arith.constant 0.000000e+00 : f32
    %max3A_33 = vector.broadcast %max3A_32 : f32 to vector<2000x32xf32>
    %max3A_34 = arith.maximumf %add3A_31, %max3A_33 : vector<2000x32xf32>
    %dot_general3A_35 = arith.constant dense<0.000000e+00> : vector<2000x32xf32>
    %dot_general3A_36 = tpu.matmul %max3A_34, %get3A_9, %dot_general3A_35 {dimension_numbers = #tpu.dot_dimension_numbers<[1], [0], [0], [1], [0, 0, 1, 1], [], []>, transpose_lhs_hint = false} : vector<2000x32xf32>, vector<32x32xf32>, vector<2000x32xf32> -> vector<2000x32xf32>
    %slice3A_37 = vector.extract_strided_slice %convert_element_type3A {offsets = [0, 64], sizes = [2000, 32], strides = [1, 1]} : vector<2000x128xf32> to vector<2000x32xf32>
    %slice3A_38 = vector.extract_strided_slice %convert_element_type3A_16 {offsets = [0, 64], sizes = [2000, 32], strides = [1, 1]} : vector<2000x128xf32> to vector<2000x32xf32>
    %add3A_39 = arith.addf %slice3A_37, %slice3A_38 : vector<2000x32xf32>
    %mul3A_40 = vector.broadcast %rsqrt3A : vector<2000x1xf32> to vector<2000x32xf32>
    %mul3A_41 = arith.mulf %mul3A_40, %add3A_39 : vector<2000x32xf32>
    %add3A_42 = vector.broadcast %get3A_6 : vector<1x32xf32> to vector<2000x32xf32>
    %add3A_43 = arith.addf %mul3A_41, %add3A_42 : vector<2000x32xf32>
    %max3A_44 = arith.constant 0.000000e+00 : f32
    %max3A_45 = vector.broadcast %max3A_44 : f32 to vector<2000x32xf32>
    %max3A_46 = arith.maximumf %add3A_43, %max3A_45 : vector<2000x32xf32>
    %dot_general3A_47 = arith.constant dense<0.000000e+00> : vector<2000x32xf32>
    %dot_general3A_48 = tpu.matmul %max3A_46, %get3A_9, %dot_general3A_47 {dimension_numbers = #tpu.dot_dimension_numbers<[1], [0], [0], [1], [0, 0, 1, 1], [], []>, transpose_lhs_hint = false} : vector<2000x32xf32>, vector<32x32xf32>, vector<2000x32xf32> -> vector<2000x32xf32>
    %slice3A_49 = vector.extract_strided_slice %convert_element_type3A {offsets = [0, 96], sizes = [2000, 32], strides = [1, 1]} : vector<2000x128xf32> to vector<2000x32xf32>
    %slice3A_50 = vector.extract_strided_slice %convert_element_type3A_16 {offsets = [0, 96], sizes = [2000, 32], strides = [1, 1]} : vector<2000x128xf32> to vector<2000x32xf32>
    %add3A_51 = arith.addf %slice3A_49, %slice3A_50 : vector<2000x32xf32>
    %mul3A_52 = vector.broadcast %rsqrt3A : vector<2000x1xf32> to vector<2000x32xf32>
    %mul3A_53 = arith.mulf %mul3A_52, %add3A_51 : vector<2000x32xf32>
    %add3A_54 = vector.broadcast %get3A_6 : vector<1x32xf32> to vector<2000x32xf32>
    %add3A_55 = arith.addf %mul3A_53, %add3A_54 : vector<2000x32xf32>
    %max3A_56 = arith.constant 0.000000e+00 : f32
    %max3A_57 = vector.broadcast %max3A_56 : f32 to vector<2000x32xf32>
    %max3A_58 = arith.maximumf %add3A_55, %max3A_57 : vector<2000x32xf32>
    %dot_general3A_59 = arith.constant dense<0.000000e+00> : vector<2000x32xf32>
    %dot_general3A_60 = tpu.matmul %max3A_58, %get3A_9, %dot_general3A_59 {dimension_numbers = #tpu.dot_dimension_numbers<[1], [0], [0], [1], [0, 0, 1, 1], [], []>, transpose_lhs_hint = false} : vector<2000x32xf32>, vector<32x32xf32>, vector<2000x32xf32> -> vector<2000x32xf32>
    %concatenate3A = tpu.concatenate %dot_general3A_24, %dot_general3A_36, %dot_general3A_48, %dot_general3A_60 in 1 : vector<2000x32xf32>, vector<2000x32xf32>, vector<2000x32xf32>, vector<2000x32xf32> -> vector<2000x128xf32>
    %mul3A_61 = vector.broadcast %rsqrt3A : vector<2000x1xf32> to vector<2000x128xf32>
    %mul3A_62 = arith.mulf %concatenate3A, %mul3A_61 : vector<2000x128xf32>
    %convert_element_type3A_63 = arith.truncf %mul3A_62 : vector<2000x128xf32> to vector<2000x128xbf16>
    %swap3A = arith.constant 0 : index
    %swap3A_64 = arith.constant 0 : index
    %swap3A_65 = vector.load %arg6[%swap3A, %swap3A_64] : memref<2000x128xbf16, #tpu.memory_space<vmem>>, vector<2000x128xbf16>
    tpu.vector_store %arg6[%swap3A, %swap3A_64], %convert_element_type3A_63 {strides = array<i32>} : memref<2000x128xbf16, #tpu.memory_space<vmem>>, vector<2000x128xbf16>,
    return
  }
  func.func @transform_0(%arg0: i32) -> (i32, i32) {
    %c0_i32 = arith.constant 0 : i32
    %c0_i32_0 = arith.constant 0 : i32
    return %arg0, %c0_i32 : i32, i32
  }
  func.func @transform_1(%arg0: i32) -> (i32, i32) {
    %c0_i32 = arith.constant 0 : i32
    %c0_i32_0 = arith.constant 0 : i32
    return %arg0, %c0_i32 : i32, i32
  }
  func.func @transform_2(%arg0: i32) -> (i32, i32) {
    %jit3A = arith.constant 5 : i32
    %eq3A = arith.constant 0 : i32
    %eq3A_0 = arith.cmpi eq, %jit3A, %eq3A : i32
    %jit3A_1 = arith.constant 1 : i32
    %select_n3A = arith.select %eq3A_0, %jit3A_1, %jit3A : i32
    %rem3A = arith.remsi %arg0, %select_n3A : i32
    %ne3A = arith.constant 0 : i32
    %ne3A_2 = arith.cmpi ne, %rem3A, %ne3A : i32
    %lt3A = arith.constant 0 : i32
    %lt3A_3 = arith.cmpi slt, %rem3A, %lt3A : i32
    %lt3A_4 = arith.constant 0 : i32
    %lt3A_5 = arith.cmpi slt, %select_n3A, %lt3A_4 : i32
    %ne3A_6 = arith.xori %lt3A_3, %lt3A_5 : i1
    %and3A = arith.andi %ne3A_6, %ne3A_2 : i1
    %add3A = arith.addi %rem3A, %select_n3A : i32
    %select_n3A_7 = arith.select %and3A, %add3A, %rem3A : i32
    %c0_i32 = arith.constant 0 : i32
    %c0_i32_8 = arith.constant 0 : i32
    return %select_n3A_7, %c0_i32 : i32, i32
  }
  func.func @transform_3(%arg0: i32) -> (i32, i32) {
    %c0_i32 = arith.constant 0 : i32
    %c0_i32_0 = arith.constant 0 : i32
    %c0_i32_1 = arith.constant 0 : i32
    return %c0_i32, %c0_i32_0 : i32, i32
  }
  func.func @transform_4(%arg0: i32) -> (i32, i32) {
    %c0_i32 = arith.constant 0 : i32
    %c0_i32_0 = arith.constant 0 : i32
    %c0_i32_1 = arith.constant 0 : i32
    return %c0_i32, %c0_i32_0 : i32, i32
  }
  func.func @transform_5(%arg0: i32) -> (i32, i32) {
    %c0_i32 = arith.constant 0 : i32
    %c0_i32_0 = arith.constant 0 : i32
    return %arg0, %c0_i32 : i32, i32
  }
}

module attributes {stable_mosaic.version = 14 : i64} {
  func.func @_final_body(%arg0: i32, %arg1: memref<2x2000x128xbf16, #tpu.memory_space<vmem>>, %arg2: memref<2x2000x128xbf16, #tpu.memory_space<vmem>>, %arg3: memref<2000x16xf32, #tpu.memory_space<vmem>>, %arg4: memref<1x32xf32, #tpu.memory_space<vmem>>, %arg5: memref<32x384xf32, #tpu.memory_space<vmem>>, %arg6: memref<128x384xf32, #tpu.memory_space<vmem>>, %arg7: memref<1x384xf32, #tpu.memory_space<vmem>>, %arg8: memref<1x384xf32, #tpu.memory_space<vmem>>, %arg9: memref<4x2000x16xf32, #tpu.memory_space<vmem>>, %arg10: memref<128x128xf32, #tpu.memory_space<vmem>>, %arg11: memref<16x128xf32, #tpu.memory_space<vmem>>, %arg12: memref<1x128xf32, #tpu.memory_space<vmem>>, %arg13: memref<128x1xf32, #tpu.memory_space<vmem>>, %arg14: memref<1x1xf32, #tpu.memory_space<vmem>>, %arg15: memref<4x2000x1xf32, #tpu.memory_space<vmem>>) attributes {dimension_semantics = [#tpu.dimension_semantics<arbitrary>], iteration_bounds = array<i64: 5>, scalar_prefetch = 0 : i64, scratch_operands = 0 : i64, tpu.core_type = #tpu.core_type<tc>, window_params = [{transform_indices = @transform_0, window_bounds = array<i64: 2, 2000, 128>}, {transform_indices = @transform_1, window_bounds = array<i64: 2, 2000, 128>}, {transform_indices = @transform_2, window_bounds = array<i64: 2000, 16>}, {pipeline_mode = #tpu.pipeline_mode<synchronous>, transform_indices = @transform_3, window_bounds = array<i64: 1, 32>}, {pipeline_mode = #tpu.pipeline_mode<synchronous>, transform_indices = @transform_4, window_bounds = array<i64: 32, 384>}, {pipeline_mode = #tpu.pipeline_mode<synchronous>, transform_indices = @transform_5, window_bounds = array<i64: 128, 384>}, {pipeline_mode = #tpu.pipeline_mode<synchronous>, transform_indices = @transform_6, window_bounds = array<i64: 1, 384>}, {pipeline_mode = #tpu.pipeline_mode<synchronous>, transform_indices = @transform_7, window_bounds = array<i64: 1, 384>}, {transform_indices = @transform_8, window_bounds = array<i64: 4, 2000, 16>}, {pipeline_mode = #tpu.pipeline_mode<synchronous>, transform_indices = @transform_9, window_bounds = array<i64: 128, 128>}, {pipeline_mode = #tpu.pipeline_mode<synchronous>, transform_indices = @transform_10, window_bounds = array<i64: 16, 128>}, {pipeline_mode = #tpu.pipeline_mode<synchronous>, transform_indices = @transform_11, window_bounds = array<i64: 1, 128>}, {pipeline_mode = #tpu.pipeline_mode<synchronous>, transform_indices = @transform_12, window_bounds = array<i64: 128, 1>}, {pipeline_mode = #tpu.pipeline_mode<synchronous>, transform_indices = @transform_13, window_bounds = array<i64: 1, 1>}, {transform_indices = @transform_14, window_bounds = array<i64: 4, 2000, 1>}]} {
    %get3A = arith.constant 0 : index
    %get3A_0 = arith.constant 0 : index
    %get3A_1 = vector.load %arg3[%get3A, %get3A_0] : memref<2000x16xf32, #tpu.memory_space<vmem>>, vector<2000x1xf32>
    %add3A = arith.constant 1.000000e+00 : f32
    %add3A_2 = vector.broadcast %add3A : f32 to vector<2000x1xf32>
    %add3A_3 = arith.addf %get3A_1, %add3A_2 : vector<2000x1xf32>
    %rsqrt3A = math.rsqrt %add3A_3 : vector<2000x1xf32>
    %get3A_4 = arith.constant 0 : index
    %get3A_5 = arith.constant 0 : index
    %get3A_6 = vector.load %arg4[%get3A_4, %get3A_5] : memref<1x32xf32, #tpu.memory_space<vmem>>, vector<1x32xf32>
    %get3A_7 = arith.constant 0 : index
    %get3A_8 = arith.constant 0 : index
    %get3A_9 = vector.load %arg5[%get3A_7, %get3A_8] : memref<32x384xf32, #tpu.memory_space<vmem>>, vector<32x384xf32>
    %get3A_10 = arith.constant 0 : index
    %get3A_11 = arith.constant 0 : index
    %get3A_12 = vector.load %arg6[%get3A_10, %get3A_11] : memref<128x384xf32, #tpu.memory_space<vmem>>, vector<128x384xf32>
    %get3A_13 = arith.constant 0 : index
    %get3A_14 = arith.constant 0 : index
    %get3A_15 = vector.load %arg7[%get3A_13, %get3A_14] : memref<1x384xf32, #tpu.memory_space<vmem>>, vector<1x384xf32>
    %get3A_16 = arith.constant 0 : index
    %get3A_17 = arith.constant 0 : index
    %get3A_18 = vector.load %arg8[%get3A_16, %get3A_17] : memref<1x384xf32, #tpu.memory_space<vmem>>, vector<1x384xf32>
    %broadcast_in_dim3A = arith.constant 0.000000e+00 : f32
    %broadcast_in_dim3A_19 = vector.broadcast %broadcast_in_dim3A : f32 to vector<2000x128xf32>
    %get3A_20 = arith.constant 0 : index
    %get3A_21 = arith.constant 0 : index
    %get3A_22 = arith.constant 0 : index
    %get3A_23 = vector.load %arg1[%get3A_20, %get3A_21, %get3A_22] : memref<2x2000x128xbf16, #tpu.memory_space<vmem>>, vector<1x2000x32xbf16>
    %get3A_24 = vector.shape_cast %get3A_23 : vector<1x2000x32xbf16> to vector<2000x32xbf16>
    %convert_element_type3A = arith.extf %get3A_24 : vector<2000x32xbf16> to vector<2000x32xf32>
    %get3A_25 = arith.constant 0 : index
    %get3A_26 = arith.constant 0 : index
    %get3A_27 = arith.constant 0 : index
    %get3A_28 = vector.load %arg2[%get3A_25, %get3A_26, %get3A_27] : memref<2x2000x128xbf16, #tpu.memory_space<vmem>>, vector<1x2000x32xbf16>
    %get3A_29 = vector.shape_cast %get3A_28 : vector<1x2000x32xbf16> to vector<2000x32xbf16>
    %convert_element_type3A_30 = arith.extf %get3A_29 : vector<2000x32xbf16> to vector<2000x32xf32>
    %add3A_31 = arith.addf %convert_element_type3A, %convert_element_type3A_30 : vector<2000x32xf32>
    %mul3A = vector.broadcast %rsqrt3A : vector<2000x1xf32> to vector<2000x32xf32>
    %mul3A_32 = arith.mulf %mul3A, %add3A_31 : vector<2000x32xf32>
    %add3A_33 = vector.broadcast %get3A_6 : vector<1x32xf32> to vector<2000x32xf32>
    %add3A_34 = arith.addf %mul3A_32, %add3A_33 : vector<2000x32xf32>
    %dot_general3A = arith.constant dense<0.000000e+00> : vector<2000x384xf32>
    %dot_general3A_35 = tpu.matmul %add3A_34, %get3A_9, %dot_general3A {dimension_numbers = #tpu.dot_dimension_numbers<[1], [0], [0], [1], [0, 0, 1, 1], [], []>, transpose_lhs_hint = false} : vector<2000x32xf32>, vector<32x384xf32>, vector<2000x384xf32> -> vector<2000x384xf32>
    %add3A_36 = vector.broadcast %get3A_15 : vector<1x384xf32> to vector<2000x384xf32>
    %add3A_37 = arith.addf %dot_general3A_35, %add3A_36 : vector<2000x384xf32>
    %dot_general3A_38 = arith.constant dense<0.000000e+00> : vector<2000x384xf32>
    %dot_general3A_39 = tpu.matmul %broadcast_in_dim3A_19, %get3A_12, %dot_general3A_38 {dimension_numbers = #tpu.dot_dimension_numbers<[1], [0], [0], [1], [0, 0, 1, 1], [], []>, transpose_lhs_hint = false} : vector<2000x128xf32>, vector<128x384xf32>, vector<2000x384xf32> -> vector<2000x384xf32>
    %add3A_40 = vector.broadcast %get3A_18 : vector<1x384xf32> to vector<2000x384xf32>
    %add3A_41 = arith.addf %dot_general3A_39, %add3A_40 : vector<2000x384xf32>
    %slice3A = vector.extract_strided_slice %add3A_37 {offsets = [0, 0], sizes = [2000, 128], strides = [1, 1]} : vector<2000x384xf32> to vector<2000x128xf32>
    %slice3A_42 = vector.extract_strided_slice %add3A_41 {offsets = [0, 0], sizes = [2000, 128], strides = [1, 1]} : vector<2000x384xf32> to vector<2000x128xf32>
    %add3A_43 = arith.addf %slice3A, %slice3A_42 : vector<2000x128xf32>
    %logistic3A = arith.negf %add3A_43 : vector<2000x128xf32>
    %logistic3A_44 = math.exp %logistic3A : vector<2000x128xf32>
    %logistic3A_45 = arith.constant 1.000000e+00 : f32
    %logistic3A_46 = vector.broadcast %logistic3A_45 : f32 to vector<2000x128xf32>
    %logistic3A_47 = arith.addf %logistic3A_46, %logistic3A_44 : vector<2000x128xf32>
    %logistic3A_48 = arith.divf %logistic3A_46, %logistic3A_47 : vector<2000x128xf32>
    %slice3A_49 = vector.extract_strided_slice %add3A_37 {offsets = [0, 128], sizes = [2000, 128], strides = [1, 1]} : vector<2000x384xf32> to vector<2000x128xf32>
    %slice3A_50 = vector.extract_strided_slice %add3A_41 {offsets = [0, 128], sizes = [2000, 128], strides = [1, 1]} : vector<2000x384xf32> to vector<2000x128xf32>
    %add3A_51 = arith.addf %slice3A_49, %slice3A_50 : vector<2000x128xf32>
    %logistic3A_52 = arith.negf %add3A_51 : vector<2000x128xf32>
    %logistic3A_53 = math.exp %logistic3A_52 : vector<2000x128xf32>
    %logistic3A_54 = arith.constant 1.000000e+00 : f32
    %logistic3A_55 = vector.broadcast %logistic3A_54 : f32 to vector<2000x128xf32>
    %logistic3A_56 = arith.addf %logistic3A_55, %logistic3A_53 : vector<2000x128xf32>
    %logistic3A_57 = arith.divf %logistic3A_55, %logistic3A_56 : vector<2000x128xf32>
    %slice3A_58 = vector.extract_strided_slice %add3A_37 {offsets = [0, 256], sizes = [2000, 128], strides = [1, 1]} : vector<2000x384xf32> to vector<2000x128xf32>
    %slice3A_59 = vector.extract_strided_slice %add3A_41 {offsets = [0, 256], sizes = [2000, 128], strides = [1, 1]} : vector<2000x384xf32> to vector<2000x128xf32>
    %mul3A_60 = arith.mulf %logistic3A_48, %slice3A_59 : vector<2000x128xf32>
    %add3A_61 = arith.addf %slice3A_58, %mul3A_60 : vector<2000x128xf32>
    %tanh3A = math.tanh %add3A_61 : vector<2000x128xf32>
    %sub3A = arith.constant 1.000000e+00 : f32
    %sub3A_62 = vector.broadcast %sub3A : f32 to vector<2000x128xf32>
    %sub3A_63 = arith.subf %sub3A_62, %logistic3A_57 : vector<2000x128xf32>
    %mul3A_64 = arith.mulf %sub3A_63, %tanh3A : vector<2000x128xf32>
    %mul3A_65 = arith.mulf %logistic3A_57, %broadcast_in_dim3A_19 : vector<2000x128xf32>
    %add3A_66 = arith.addf %mul3A_64, %mul3A_65 : vector<2000x128xf32>
    %get3A_67 = arith.constant 0 : index
    %get3A_68 = arith.constant 0 : index
    %get3A_69 = arith.constant 32 : index
    %get3A_70 = vector.load %arg1[%get3A_67, %get3A_68, %get3A_69] : memref<2x2000x128xbf16, #tpu.memory_space<vmem>>, vector<1x2000x32xbf16>
    %get3A_71 = vector.shape_cast %get3A_70 : vector<1x2000x32xbf16> to vector<2000x32xbf16>
    %convert_element_type3A_72 = arith.extf %get3A_71 : vector<2000x32xbf16> to vector<2000x32xf32>
    %get3A_73 = arith.constant 0 : index
    %get3A_74 = arith.constant 0 : index
    %get3A_75 = arith.constant 32 : index
    %get3A_76 = vector.load %arg2[%get3A_73, %get3A_74, %get3A_75] : memref<2x2000x128xbf16, #tpu.memory_space<vmem>>, vector<1x2000x32xbf16>
    %get3A_77 = vector.shape_cast %get3A_76 : vector<1x2000x32xbf16> to vector<2000x32xbf16>
    %convert_element_type3A_78 = arith.extf %get3A_77 : vector<2000x32xbf16> to vector<2000x32xf32>
    %add3A_79 = arith.addf %convert_element_type3A_72, %convert_element_type3A_78 : vector<2000x32xf32>
    %mul3A_80 = vector.broadcast %rsqrt3A : vector<2000x1xf32> to vector<2000x32xf32>
    %mul3A_81 = arith.mulf %mul3A_80, %add3A_79 : vector<2000x32xf32>
    %add3A_82 = vector.broadcast %get3A_6 : vector<1x32xf32> to vector<2000x32xf32>
    %add3A_83 = arith.addf %mul3A_81, %add3A_82 : vector<2000x32xf32>
    %dot_general3A_84 = arith.constant dense<0.000000e+00> : vector<2000x384xf32>
    %dot_general3A_85 = tpu.matmul %add3A_83, %get3A_9, %dot_general3A_84 {dimension_numbers = #tpu.dot_dimension_numbers<[1], [0], [0], [1], [0, 0, 1, 1], [], []>, transpose_lhs_hint = false} : vector<2000x32xf32>, vector<32x384xf32>, vector<2000x384xf32> -> vector<2000x384xf32>
    %add3A_86 = vector.broadcast %get3A_15 : vector<1x384xf32> to vector<2000x384xf32>
    %add3A_87 = arith.addf %dot_general3A_85, %add3A_86 : vector<2000x384xf32>
    %dot_general3A_88 = arith.constant dense<0.000000e+00> : vector<2000x384xf32>
    %dot_general3A_89 = tpu.matmul %add3A_66, %get3A_12, %dot_general3A_88 {dimension_numbers = #tpu.dot_dimension_numbers<[1], [0], [0], [1], [0, 0, 1, 1], [], []>, transpose_lhs_hint = false} : vector<2000x128xf32>, vector<128x384xf32>, vector<2000x384xf32> -> vector<2000x384xf32>
    %add3A_90 = vector.broadcast %get3A_18 : vector<1x384xf32> to vector<2000x384xf32>
    %add3A_91 = arith.addf %dot_general3A_89, %add3A_90 : vector<2000x384xf32>
    %slice3A_92 = vector.extract_strided_slice %add3A_87 {offsets = [0, 0], sizes = [2000, 128], strides = [1, 1]} : vector<2000x384xf32> to vector<2000x128xf32>
    %slice3A_93 = vector.extract_strided_slice %add3A_91 {offsets = [0, 0], sizes = [2000, 128], strides = [1, 1]} : vector<2000x384xf32> to vector<2000x128xf32>
    %add3A_94 = arith.addf %slice3A_92, %slice3A_93 : vector<2000x128xf32>
    %logistic3A_95 = arith.negf %add3A_94 : vector<2000x128xf32>
    %logistic3A_96 = math.exp %logistic3A_95 : vector<2000x128xf32>
    %logistic3A_97 = arith.constant 1.000000e+00 : f32
    %logistic3A_98 = vector.broadcast %logistic3A_97 : f32 to vector<2000x128xf32>
    %logistic3A_99 = arith.addf %logistic3A_98, %logistic3A_96 : vector<2000x128xf32>
    %logistic3A_100 = arith.divf %logistic3A_98, %logistic3A_99 : vector<2000x128xf32>
    %slice3A_101 = vector.extract_strided_slice %add3A_87 {offsets = [0, 128], sizes = [2000, 128], strides = [1, 1]} : vector<2000x384xf32> to vector<2000x128xf32>
    %slice3A_102 = vector.extract_strided_slice %add3A_91 {offsets = [0, 128], sizes = [2000, 128], strides = [1, 1]} : vector<2000x384xf32> to vector<2000x128xf32>
    %add3A_103 = arith.addf %slice3A_101, %slice3A_102 : vector<2000x128xf32>
    %logistic3A_104 = arith.negf %add3A_103 : vector<2000x128xf32>
    %logistic3A_105 = math.exp %logistic3A_104 : vector<2000x128xf32>
    %logistic3A_106 = arith.constant 1.000000e+00 : f32
    %logistic3A_107 = vector.broadcast %logistic3A_106 : f32 to vector<2000x128xf32>
    %logistic3A_108 = arith.addf %logistic3A_107, %logistic3A_105 : vector<2000x128xf32>
    %logistic3A_109 = arith.divf %logistic3A_107, %logistic3A_108 : vector<2000x128xf32>
    %slice3A_110 = vector.extract_strided_slice %add3A_87 {offsets = [0, 256], sizes = [2000, 128], strides = [1, 1]} : vector<2000x384xf32> to vector<2000x128xf32>
    %slice3A_111 = vector.extract_strided_slice %add3A_91 {offsets = [0, 256], sizes = [2000, 128], strides = [1, 1]} : vector<2000x384xf32> to vector<2000x128xf32>
    %mul3A_112 = arith.mulf %logistic3A_100, %slice3A_111 : vector<2000x128xf32>
    %add3A_113 = arith.addf %slice3A_110, %mul3A_112 : vector<2000x128xf32>
    %tanh3A_114 = math.tanh %add3A_113 : vector<2000x128xf32>
    %sub3A_115 = arith.constant 1.000000e+00 : f32
    %sub3A_116 = vector.broadcast %sub3A_115 : f32 to vector<2000x128xf32>
    %sub3A_117 = arith.subf %sub3A_116, %logistic3A_109 : vector<2000x128xf32>
    %mul3A_118 = arith.mulf %sub3A_117, %tanh3A_114 : vector<2000x128xf32>
    %mul3A_119 = arith.mulf %logistic3A_109, %add3A_66 : vector<2000x128xf32>
    %add3A_120 = arith.addf %mul3A_118, %mul3A_119 : vector<2000x128xf32>
    %get3A_121 = arith.constant 0 : index
    %get3A_122 = arith.constant 0 : index
    %get3A_123 = arith.constant 64 : index
    %get3A_124 = vector.load %arg1[%get3A_121, %get3A_122, %get3A_123] : memref<2x2000x128xbf16, #tpu.memory_space<vmem>>, vector<1x2000x32xbf16>
    %get3A_125 = vector.shape_cast %get3A_124 : vector<1x2000x32xbf16> to vector<2000x32xbf16>
    %convert_element_type3A_126 = arith.extf %get3A_125 : vector<2000x32xbf16> to vector<2000x32xf32>
    %get3A_127 = arith.constant 0 : index
    %get3A_128 = arith.constant 0 : index
    %get3A_129 = arith.constant 64 : index
    %get3A_130 = vector.load %arg2[%get3A_127, %get3A_128, %get3A_129] : memref<2x2000x128xbf16, #tpu.memory_space<vmem>>, vector<1x2000x32xbf16>
    %get3A_131 = vector.shape_cast %get3A_130 : vector<1x2000x32xbf16> to vector<2000x32xbf16>
    %convert_element_type3A_132 = arith.extf %get3A_131 : vector<2000x32xbf16> to vector<2000x32xf32>
    %add3A_133 = arith.addf %convert_element_type3A_126, %convert_element_type3A_132 : vector<2000x32xf32>
    %mul3A_134 = vector.broadcast %rsqrt3A : vector<2000x1xf32> to vector<2000x32xf32>
    %mul3A_135 = arith.mulf %mul3A_134, %add3A_133 : vector<2000x32xf32>
    %add3A_136 = vector.broadcast %get3A_6 : vector<1x32xf32> to vector<2000x32xf32>
    %add3A_137 = arith.addf %mul3A_135, %add3A_136 : vector<2000x32xf32>
    %dot_general3A_138 = arith.constant dense<0.000000e+00> : vector<2000x384xf32>
    %dot_general3A_139 = tpu.matmul %add3A_137, %get3A_9, %dot_general3A_138 {dimension_numbers = #tpu.dot_dimension_numbers<[1], [0], [0], [1], [0, 0, 1, 1], [], []>, transpose_lhs_hint = false} : vector<2000x32xf32>, vector<32x384xf32>, vector<2000x384xf32> -> vector<2000x384xf32>
    %add3A_140 = vector.broadcast %get3A_15 : vector<1x384xf32> to vector<2000x384xf32>
    %add3A_141 = arith.addf %dot_general3A_139, %add3A_140 : vector<2000x384xf32>
    %dot_general3A_142 = arith.constant dense<0.000000e+00> : vector<2000x384xf32>
    %dot_general3A_143 = tpu.matmul %add3A_120, %get3A_12, %dot_general3A_142 {dimension_numbers = #tpu.dot_dimension_numbers<[1], [0], [0], [1], [0, 0, 1, 1], [], []>, transpose_lhs_hint = false} : vector<2000x128xf32>, vector<128x384xf32>, vector<2000x384xf32> -> vector<2000x384xf32>
    %add3A_144 = vector.broadcast %get3A_18 : vector<1x384xf32> to vector<2000x384xf32>
    %add3A_145 = arith.addf %dot_general3A_143, %add3A_144 : vector<2000x384xf32>
    %slice3A_146 = vector.extract_strided_slice %add3A_141 {offsets = [0, 0], sizes = [2000, 128], strides = [1, 1]} : vector<2000x384xf32> to vector<2000x128xf32>
    %slice3A_147 = vector.extract_strided_slice %add3A_145 {offsets = [0, 0], sizes = [2000, 128], strides = [1, 1]} : vector<2000x384xf32> to vector<2000x128xf32>
    %add3A_148 = arith.addf %slice3A_146, %slice3A_147 : vector<2000x128xf32>
    %logistic3A_149 = arith.negf %add3A_148 : vector<2000x128xf32>
    %logistic3A_150 = math.exp %logistic3A_149 : vector<2000x128xf32>
    %logistic3A_151 = arith.constant 1.000000e+00 : f32
    %logistic3A_152 = vector.broadcast %logistic3A_151 : f32 to vector<2000x128xf32>
    %logistic3A_153 = arith.addf %logistic3A_152, %logistic3A_150 : vector<2000x128xf32>
    %logistic3A_154 = arith.divf %logistic3A_152, %logistic3A_153 : vector<2000x128xf32>
    %slice3A_155 = vector.extract_strided_slice %add3A_141 {offsets = [0, 128], sizes = [2000, 128], strides = [1, 1]} : vector<2000x384xf32> to vector<2000x128xf32>
    %slice3A_156 = vector.extract_strided_slice %add3A_145 {offsets = [0, 128], sizes = [2000, 128], strides = [1, 1]} : vector<2000x384xf32> to vector<2000x128xf32>
    %add3A_157 = arith.addf %slice3A_155, %slice3A_156 : vector<2000x128xf32>
    %logistic3A_158 = arith.negf %add3A_157 : vector<2000x128xf32>
    %logistic3A_159 = math.exp %logistic3A_158 : vector<2000x128xf32>
    %logistic3A_160 = arith.constant 1.000000e+00 : f32
    %logistic3A_161 = vector.broadcast %logistic3A_160 : f32 to vector<2000x128xf32>
    %logistic3A_162 = arith.addf %logistic3A_161, %logistic3A_159 : vector<2000x128xf32>
    %logistic3A_163 = arith.divf %logistic3A_161, %logistic3A_162 : vector<2000x128xf32>
    %slice3A_164 = vector.extract_strided_slice %add3A_141 {offsets = [0, 256], sizes = [2000, 128], strides = [1, 1]} : vector<2000x384xf32> to vector<2000x128xf32>
    %slice3A_165 = vector.extract_strided_slice %add3A_145 {offsets = [0, 256], sizes = [2000, 128], strides = [1, 1]} : vector<2000x384xf32> to vector<2000x128xf32>
    %mul3A_166 = arith.mulf %logistic3A_154, %slice3A_165 : vector<2000x128xf32>
    %add3A_167 = arith.addf %slice3A_164, %mul3A_166 : vector<2000x128xf32>
    %tanh3A_168 = math.tanh %add3A_167 : vector<2000x128xf32>
    %sub3A_169 = arith.constant 1.000000e+00 : f32
    %sub3A_170 = vector.broadcast %sub3A_169 : f32 to vector<2000x128xf32>
    %sub3A_171 = arith.subf %sub3A_170, %logistic3A_163 : vector<2000x128xf32>
    %mul3A_172 = arith.mulf %sub3A_171, %tanh3A_168 : vector<2000x128xf32>
    %mul3A_173 = arith.mulf %logistic3A_163, %add3A_120 : vector<2000x128xf32>
    %add3A_174 = arith.addf %mul3A_172, %mul3A_173 : vector<2000x128xf32>
    %get3A_175 = arith.constant 0 : index
    %get3A_176 = arith.constant 0 : index
    %get3A_177 = arith.constant 96 : index
    %get3A_178 = vector.load %arg1[%get3A_175, %get3A_176, %get3A_177] : memref<2x2000x128xbf16, #tpu.memory_space<vmem>>, vector<1x2000x32xbf16>
    %get3A_179 = vector.shape_cast %get3A_178 : vector<1x2000x32xbf16> to vector<2000x32xbf16>
    %convert_element_type3A_180 = arith.extf %get3A_179 : vector<2000x32xbf16> to vector<2000x32xf32>
    %get3A_181 = arith.constant 0 : index
    %get3A_182 = arith.constant 0 : index
    %get3A_183 = arith.constant 96 : index
    %get3A_184 = vector.load %arg2[%get3A_181, %get3A_182, %get3A_183] : memref<2x2000x128xbf16, #tpu.memory_space<vmem>>, vector<1x2000x32xbf16>
    %get3A_185 = vector.shape_cast %get3A_184 : vector<1x2000x32xbf16> to vector<2000x32xbf16>
    %convert_element_type3A_186 = arith.extf %get3A_185 : vector<2000x32xbf16> to vector<2000x32xf32>
    %add3A_187 = arith.addf %convert_element_type3A_180, %convert_element_type3A_186 : vector<2000x32xf32>
    %mul3A_188 = vector.broadcast %rsqrt3A : vector<2000x1xf32> to vector<2000x32xf32>
    %mul3A_189 = arith.mulf %mul3A_188, %add3A_187 : vector<2000x32xf32>
    %add3A_190 = vector.broadcast %get3A_6 : vector<1x32xf32> to vector<2000x32xf32>
    %add3A_191 = arith.addf %mul3A_189, %add3A_190 : vector<2000x32xf32>
    %dot_general3A_192 = arith.constant dense<0.000000e+00> : vector<2000x384xf32>
    %dot_general3A_193 = tpu.matmul %add3A_191, %get3A_9, %dot_general3A_192 {dimension_numbers = #tpu.dot_dimension_numbers<[1], [0], [0], [1], [0, 0, 1, 1], [], []>, transpose_lhs_hint = false} : vector<2000x32xf32>, vector<32x384xf32>, vector<2000x384xf32> -> vector<2000x384xf32>
    %add3A_194 = vector.broadcast %get3A_15 : vector<1x384xf32> to vector<2000x384xf32>
    %add3A_195 = arith.addf %dot_general3A_193, %add3A_194 : vector<2000x384xf32>
    %dot_general3A_196 = arith.constant dense<0.000000e+00> : vector<2000x384xf32>
    %dot_general3A_197 = tpu.matmul %add3A_174, %get3A_12, %dot_general3A_196 {dimension_numbers = #tpu.dot_dimension_numbers<[1], [0], [0], [1], [0, 0, 1, 1], [], []>, transpose_lhs_hint = false} : vector<2000x128xf32>, vector<128x384xf32>, vector<2000x384xf32> -> vector<2000x384xf32>
    %add3A_198 = vector.broadcast %get3A_18 : vector<1x384xf32> to vector<2000x384xf32>
    %add3A_199 = arith.addf %dot_general3A_197, %add3A_198 : vector<2000x384xf32>
    %slice3A_200 = vector.extract_strided_slice %add3A_195 {offsets = [0, 0], sizes = [2000, 128], strides = [1, 1]} : vector<2000x384xf32> to vector<2000x128xf32>
    %slice3A_201 = vector.extract_strided_slice %add3A_199 {offsets = [0, 0], sizes = [2000, 128], strides = [1, 1]} : vector<2000x384xf32> to vector<2000x128xf32>
    %add3A_202 = arith.addf %slice3A_200, %slice3A_201 : vector<2000x128xf32>
    %logistic3A_203 = arith.negf %add3A_202 : vector<2000x128xf32>
    %logistic3A_204 = math.exp %logistic3A_203 : vector<2000x128xf32>
    %logistic3A_205 = arith.constant 1.000000e+00 : f32
    %logistic3A_206 = vector.broadcast %logistic3A_205 : f32 to vector<2000x128xf32>
    %logistic3A_207 = arith.addf %logistic3A_206, %logistic3A_204 : vector<2000x128xf32>
    %logistic3A_208 = arith.divf %logistic3A_206, %logistic3A_207 : vector<2000x128xf32>
    %slice3A_209 = vector.extract_strided_slice %add3A_195 {offsets = [0, 128], sizes = [2000, 128], strides = [1, 1]} : vector<2000x384xf32> to vector<2000x128xf32>
    %slice3A_210 = vector.extract_strided_slice %add3A_199 {offsets = [0, 128], sizes = [2000, 128], strides = [1, 1]} : vector<2000x384xf32> to vector<2000x128xf32>
    %add3A_211 = arith.addf %slice3A_209, %slice3A_210 : vector<2000x128xf32>
    %logistic3A_212 = arith.negf %add3A_211 : vector<2000x128xf32>
    %logistic3A_213 = math.exp %logistic3A_212 : vector<2000x128xf32>
    %logistic3A_214 = arith.constant 1.000000e+00 : f32
    %logistic3A_215 = vector.broadcast %logistic3A_214 : f32 to vector<2000x128xf32>
    %logistic3A_216 = arith.addf %logistic3A_215, %logistic3A_213 : vector<2000x128xf32>
    %logistic3A_217 = arith.divf %logistic3A_215, %logistic3A_216 : vector<2000x128xf32>
    %slice3A_218 = vector.extract_strided_slice %add3A_195 {offsets = [0, 256], sizes = [2000, 128], strides = [1, 1]} : vector<2000x384xf32> to vector<2000x128xf32>
    %slice3A_219 = vector.extract_strided_slice %add3A_199 {offsets = [0, 256], sizes = [2000, 128], strides = [1, 1]} : vector<2000x384xf32> to vector<2000x128xf32>
    %mul3A_220 = arith.mulf %logistic3A_208, %slice3A_219 : vector<2000x128xf32>
    %add3A_221 = arith.addf %slice3A_218, %mul3A_220 : vector<2000x128xf32>
    %tanh3A_222 = math.tanh %add3A_221 : vector<2000x128xf32>
    %sub3A_223 = arith.constant 1.000000e+00 : f32
    %sub3A_224 = vector.broadcast %sub3A_223 : f32 to vector<2000x128xf32>
    %sub3A_225 = arith.subf %sub3A_224, %logistic3A_217 : vector<2000x128xf32>
    %mul3A_226 = arith.mulf %sub3A_225, %tanh3A_222 : vector<2000x128xf32>
    %mul3A_227 = arith.mulf %logistic3A_217, %add3A_174 : vector<2000x128xf32>
    %add3A_228 = arith.addf %mul3A_226, %mul3A_227 : vector<2000x128xf32>
    %get3A_229 = arith.constant 1 : index
    %get3A_230 = arith.constant 0 : index
    %get3A_231 = arith.constant 0 : index
    %get3A_232 = vector.load %arg1[%get3A_229, %get3A_230, %get3A_231] : memref<2x2000x128xbf16, #tpu.memory_space<vmem>>, vector<1x2000x32xbf16>
    %get3A_233 = vector.shape_cast %get3A_232 : vector<1x2000x32xbf16> to vector<2000x32xbf16>
    %convert_element_type3A_234 = arith.extf %get3A_233 : vector<2000x32xbf16> to vector<2000x32xf32>
    %get3A_235 = arith.constant 1 : index
    %get3A_236 = arith.constant 0 : index
    %get3A_237 = arith.constant 0 : index
    %get3A_238 = vector.load %arg2[%get3A_235, %get3A_236, %get3A_237] : memref<2x2000x128xbf16, #tpu.memory_space<vmem>>, vector<1x2000x32xbf16>
    %get3A_239 = vector.shape_cast %get3A_238 : vector<1x2000x32xbf16> to vector<2000x32xbf16>
    %convert_element_type3A_240 = arith.extf %get3A_239 : vector<2000x32xbf16> to vector<2000x32xf32>
    %add3A_241 = arith.addf %convert_element_type3A_234, %convert_element_type3A_240 : vector<2000x32xf32>
    %mul3A_242 = vector.broadcast %rsqrt3A : vector<2000x1xf32> to vector<2000x32xf32>
    %mul3A_243 = arith.mulf %mul3A_242, %add3A_241 : vector<2000x32xf32>
    %add3A_244 = vector.broadcast %get3A_6 : vector<1x32xf32> to vector<2000x32xf32>
    %add3A_245 = arith.addf %mul3A_243, %add3A_244 : vector<2000x32xf32>
    %dot_general3A_246 = arith.constant dense<0.000000e+00> : vector<2000x384xf32>
    %dot_general3A_247 = tpu.matmul %add3A_245, %get3A_9, %dot_general3A_246 {dimension_numbers = #tpu.dot_dimension_numbers<[1], [0], [0], [1], [0, 0, 1, 1], [], []>, transpose_lhs_hint = false} : vector<2000x32xf32>, vector<32x384xf32>, vector<2000x384xf32> -> vector<2000x384xf32>
    %add3A_248 = vector.broadcast %get3A_15 : vector<1x384xf32> to vector<2000x384xf32>
    %add3A_249 = arith.addf %dot_general3A_247, %add3A_248 : vector<2000x384xf32>
    %dot_general3A_250 = arith.constant dense<0.000000e+00> : vector<2000x384xf32>
    %dot_general3A_251 = tpu.matmul %add3A_228, %get3A_12, %dot_general3A_250 {dimension_numbers = #tpu.dot_dimension_numbers<[1], [0], [0], [1], [0, 0, 1, 1], [], []>, transpose_lhs_hint = false} : vector<2000x128xf32>, vector<128x384xf32>, vector<2000x384xf32> -> vector<2000x384xf32>
    %add3A_252 = vector.broadcast %get3A_18 : vector<1x384xf32> to vector<2000x384xf32>
    %add3A_253 = arith.addf %dot_general3A_251, %add3A_252 : vector<2000x384xf32>
    %slice3A_254 = vector.extract_strided_slice %add3A_249 {offsets = [0, 0], sizes = [2000, 128], strides = [1, 1]} : vector<2000x384xf32> to vector<2000x128xf32>
    %slice3A_255 = vector.extract_strided_slice %add3A_253 {offsets = [0, 0], sizes = [2000, 128], strides = [1, 1]} : vector<2000x384xf32> to vector<2000x128xf32>
    %add3A_256 = arith.addf %slice3A_254, %slice3A_255 : vector<2000x128xf32>
    %logistic3A_257 = arith.negf %add3A_256 : vector<2000x128xf32>
    %logistic3A_258 = math.exp %logistic3A_257 : vector<2000x128xf32>
    %logistic3A_259 = arith.constant 1.000000e+00 : f32
    %logistic3A_260 = vector.broadcast %logistic3A_259 : f32 to vector<2000x128xf32>
    %logistic3A_261 = arith.addf %logistic3A_260, %logistic3A_258 : vector<2000x128xf32>
    %logistic3A_262 = arith.divf %logistic3A_260, %logistic3A_261 : vector<2000x128xf32>
    %slice3A_263 = vector.extract_strided_slice %add3A_249 {offsets = [0, 128], sizes = [2000, 128], strides = [1, 1]} : vector<2000x384xf32> to vector<2000x128xf32>
    %slice3A_264 = vector.extract_strided_slice %add3A_253 {offsets = [0, 128], sizes = [2000, 128], strides = [1, 1]} : vector<2000x384xf32> to vector<2000x128xf32>
    %add3A_265 = arith.addf %slice3A_263, %slice3A_264 : vector<2000x128xf32>
    %logistic3A_266 = arith.negf %add3A_265 : vector<2000x128xf32>
    %logistic3A_267 = math.exp %logistic3A_266 : vector<2000x128xf32>
    %logistic3A_268 = arith.constant 1.000000e+00 : f32
    %logistic3A_269 = vector.broadcast %logistic3A_268 : f32 to vector<2000x128xf32>
    %logistic3A_270 = arith.addf %logistic3A_269, %logistic3A_267 : vector<2000x128xf32>
    %logistic3A_271 = arith.divf %logistic3A_269, %logistic3A_270 : vector<2000x128xf32>
    %slice3A_272 = vector.extract_strided_slice %add3A_249 {offsets = [0, 256], sizes = [2000, 128], strides = [1, 1]} : vector<2000x384xf32> to vector<2000x128xf32>
    %slice3A_273 = vector.extract_strided_slice %add3A_253 {offsets = [0, 256], sizes = [2000, 128], strides = [1, 1]} : vector<2000x384xf32> to vector<2000x128xf32>
    %mul3A_274 = arith.mulf %logistic3A_262, %slice3A_273 : vector<2000x128xf32>
    %add3A_275 = arith.addf %slice3A_272, %mul3A_274 : vector<2000x128xf32>
    %tanh3A_276 = math.tanh %add3A_275 : vector<2000x128xf32>
    %sub3A_277 = arith.constant 1.000000e+00 : f32
    %sub3A_278 = vector.broadcast %sub3A_277 : f32 to vector<2000x128xf32>
    %sub3A_279 = arith.subf %sub3A_278, %logistic3A_271 : vector<2000x128xf32>
    %mul3A_280 = arith.mulf %sub3A_279, %tanh3A_276 : vector<2000x128xf32>
    %mul3A_281 = arith.mulf %logistic3A_271, %add3A_228 : vector<2000x128xf32>
    %add3A_282 = arith.addf %mul3A_280, %mul3A_281 : vector<2000x128xf32>
    %get3A_283 = arith.constant 1 : index
    %get3A_284 = arith.constant 0 : index
    %get3A_285 = arith.constant 32 : index
    %get3A_286 = vector.load %arg1[%get3A_283, %get3A_284, %get3A_285] : memref<2x2000x128xbf16, #tpu.memory_space<vmem>>, vector<1x2000x32xbf16>
    %get3A_287 = vector.shape_cast %get3A_286 : vector<1x2000x32xbf16> to vector<2000x32xbf16>
    %convert_element_type3A_288 = arith.extf %get3A_287 : vector<2000x32xbf16> to vector<2000x32xf32>
    %get3A_289 = arith.constant 1 : index
    %get3A_290 = arith.constant 0 : index
    %get3A_291 = arith.constant 32 : index
    %get3A_292 = vector.load %arg2[%get3A_289, %get3A_290, %get3A_291] : memref<2x2000x128xbf16, #tpu.memory_space<vmem>>, vector<1x2000x32xbf16>
    %get3A_293 = vector.shape_cast %get3A_292 : vector<1x2000x32xbf16> to vector<2000x32xbf16>
    %convert_element_type3A_294 = arith.extf %get3A_293 : vector<2000x32xbf16> to vector<2000x32xf32>
    %add3A_295 = arith.addf %convert_element_type3A_288, %convert_element_type3A_294 : vector<2000x32xf32>
    %mul3A_296 = vector.broadcast %rsqrt3A : vector<2000x1xf32> to vector<2000x32xf32>
    %mul3A_297 = arith.mulf %mul3A_296, %add3A_295 : vector<2000x32xf32>
    %add3A_298 = vector.broadcast %get3A_6 : vector<1x32xf32> to vector<2000x32xf32>
    %add3A_299 = arith.addf %mul3A_297, %add3A_298 : vector<2000x32xf32>
    %dot_general3A_300 = arith.constant dense<0.000000e+00> : vector<2000x384xf32>
    %dot_general3A_301 = tpu.matmul %add3A_299, %get3A_9, %dot_general3A_300 {dimension_numbers = #tpu.dot_dimension_numbers<[1], [0], [0], [1], [0, 0, 1, 1], [], []>, transpose_lhs_hint = false} : vector<2000x32xf32>, vector<32x384xf32>, vector<2000x384xf32> -> vector<2000x384xf32>
    %add3A_302 = vector.broadcast %get3A_15 : vector<1x384xf32> to vector<2000x384xf32>
    %add3A_303 = arith.addf %dot_general3A_301, %add3A_302 : vector<2000x384xf32>
    %dot_general3A_304 = arith.constant dense<0.000000e+00> : vector<2000x384xf32>
    %dot_general3A_305 = tpu.matmul %add3A_282, %get3A_12, %dot_general3A_304 {dimension_numbers = #tpu.dot_dimension_numbers<[1], [0], [0], [1], [0, 0, 1, 1], [], []>, transpose_lhs_hint = false} : vector<2000x128xf32>, vector<128x384xf32>, vector<2000x384xf32> -> vector<2000x384xf32>
    %add3A_306 = vector.broadcast %get3A_18 : vector<1x384xf32> to vector<2000x384xf32>
    %add3A_307 = arith.addf %dot_general3A_305, %add3A_306 : vector<2000x384xf32>
    %slice3A_308 = vector.extract_strided_slice %add3A_303 {offsets = [0, 0], sizes = [2000, 128], strides = [1, 1]} : vector<2000x384xf32> to vector<2000x128xf32>
    %slice3A_309 = vector.extract_strided_slice %add3A_307 {offsets = [0, 0], sizes = [2000, 128], strides = [1, 1]} : vector<2000x384xf32> to vector<2000x128xf32>
    %add3A_310 = arith.addf %slice3A_308, %slice3A_309 : vector<2000x128xf32>
    %logistic3A_311 = arith.negf %add3A_310 : vector<2000x128xf32>
    %logistic3A_312 = math.exp %logistic3A_311 : vector<2000x128xf32>
    %logistic3A_313 = arith.constant 1.000000e+00 : f32
    %logistic3A_314 = vector.broadcast %logistic3A_313 : f32 to vector<2000x128xf32>
    %logistic3A_315 = arith.addf %logistic3A_314, %logistic3A_312 : vector<2000x128xf32>
    %logistic3A_316 = arith.divf %logistic3A_314, %logistic3A_315 : vector<2000x128xf32>
    %slice3A_317 = vector.extract_strided_slice %add3A_303 {offsets = [0, 128], sizes = [2000, 128], strides = [1, 1]} : vector<2000x384xf32> to vector<2000x128xf32>
    %slice3A_318 = vector.extract_strided_slice %add3A_307 {offsets = [0, 128], sizes = [2000, 128], strides = [1, 1]} : vector<2000x384xf32> to vector<2000x128xf32>
    %add3A_319 = arith.addf %slice3A_317, %slice3A_318 : vector<2000x128xf32>
    %logistic3A_320 = arith.negf %add3A_319 : vector<2000x128xf32>
    %logistic3A_321 = math.exp %logistic3A_320 : vector<2000x128xf32>
    %logistic3A_322 = arith.constant 1.000000e+00 : f32
    %logistic3A_323 = vector.broadcast %logistic3A_322 : f32 to vector<2000x128xf32>
    %logistic3A_324 = arith.addf %logistic3A_323, %logistic3A_321 : vector<2000x128xf32>
    %logistic3A_325 = arith.divf %logistic3A_323, %logistic3A_324 : vector<2000x128xf32>
    %slice3A_326 = vector.extract_strided_slice %add3A_303 {offsets = [0, 256], sizes = [2000, 128], strides = [1, 1]} : vector<2000x384xf32> to vector<2000x128xf32>
    %slice3A_327 = vector.extract_strided_slice %add3A_307 {offsets = [0, 256], sizes = [2000, 128], strides = [1, 1]} : vector<2000x384xf32> to vector<2000x128xf32>
    %mul3A_328 = arith.mulf %logistic3A_316, %slice3A_327 : vector<2000x128xf32>
    %add3A_329 = arith.addf %slice3A_326, %mul3A_328 : vector<2000x128xf32>
    %tanh3A_330 = math.tanh %add3A_329 : vector<2000x128xf32>
    %sub3A_331 = arith.constant 1.000000e+00 : f32
    %sub3A_332 = vector.broadcast %sub3A_331 : f32 to vector<2000x128xf32>
    %sub3A_333 = arith.subf %sub3A_332, %logistic3A_325 : vector<2000x128xf32>
    %mul3A_334 = arith.mulf %sub3A_333, %tanh3A_330 : vector<2000x128xf32>
    %mul3A_335 = arith.mulf %logistic3A_325, %add3A_282 : vector<2000x128xf32>
    %add3A_336 = arith.addf %mul3A_334, %mul3A_335 : vector<2000x128xf32>
    %get3A_337 = arith.constant 1 : index
    %get3A_338 = arith.constant 0 : index
    %get3A_339 = arith.constant 64 : index
    %get3A_340 = vector.load %arg1[%get3A_337, %get3A_338, %get3A_339] : memref<2x2000x128xbf16, #tpu.memory_space<vmem>>, vector<1x2000x32xbf16>
    %get3A_341 = vector.shape_cast %get3A_340 : vector<1x2000x32xbf16> to vector<2000x32xbf16>
    %convert_element_type3A_342 = arith.extf %get3A_341 : vector<2000x32xbf16> to vector<2000x32xf32>
    %get3A_343 = arith.constant 1 : index
    %get3A_344 = arith.constant 0 : index
    %get3A_345 = arith.constant 64 : index
    %get3A_346 = vector.load %arg2[%get3A_343, %get3A_344, %get3A_345] : memref<2x2000x128xbf16, #tpu.memory_space<vmem>>, vector<1x2000x32xbf16>
    %get3A_347 = vector.shape_cast %get3A_346 : vector<1x2000x32xbf16> to vector<2000x32xbf16>
    %convert_element_type3A_348 = arith.extf %get3A_347 : vector<2000x32xbf16> to vector<2000x32xf32>
    %add3A_349 = arith.addf %convert_element_type3A_342, %convert_element_type3A_348 : vector<2000x32xf32>
    %mul3A_350 = vector.broadcast %rsqrt3A : vector<2000x1xf32> to vector<2000x32xf32>
    %mul3A_351 = arith.mulf %mul3A_350, %add3A_349 : vector<2000x32xf32>
    %add3A_352 = vector.broadcast %get3A_6 : vector<1x32xf32> to vector<2000x32xf32>
    %add3A_353 = arith.addf %mul3A_351, %add3A_352 : vector<2000x32xf32>
    %dot_general3A_354 = arith.constant dense<0.000000e+00> : vector<2000x384xf32>
    %dot_general3A_355 = tpu.matmul %add3A_353, %get3A_9, %dot_general3A_354 {dimension_numbers = #tpu.dot_dimension_numbers<[1], [0], [0], [1], [0, 0, 1, 1], [], []>, transpose_lhs_hint = false} : vector<2000x32xf32>, vector<32x384xf32>, vector<2000x384xf32> -> vector<2000x384xf32>
    %add3A_356 = vector.broadcast %get3A_15 : vector<1x384xf32> to vector<2000x384xf32>
    %add3A_357 = arith.addf %dot_general3A_355, %add3A_356 : vector<2000x384xf32>
    %dot_general3A_358 = arith.constant dense<0.000000e+00> : vector<2000x384xf32>
    %dot_general3A_359 = tpu.matmul %add3A_336, %get3A_12, %dot_general3A_358 {dimension_numbers = #tpu.dot_dimension_numbers<[1], [0], [0], [1], [0, 0, 1, 1], [], []>, transpose_lhs_hint = false} : vector<2000x128xf32>, vector<128x384xf32>, vector<2000x384xf32> -> vector<2000x384xf32>
    %add3A_360 = vector.broadcast %get3A_18 : vector<1x384xf32> to vector<2000x384xf32>
    %add3A_361 = arith.addf %dot_general3A_359, %add3A_360 : vector<2000x384xf32>
    %slice3A_362 = vector.extract_strided_slice %add3A_357 {offsets = [0, 0], sizes = [2000, 128], strides = [1, 1]} : vector<2000x384xf32> to vector<2000x128xf32>
    %slice3A_363 = vector.extract_strided_slice %add3A_361 {offsets = [0, 0], sizes = [2000, 128], strides = [1, 1]} : vector<2000x384xf32> to vector<2000x128xf32>
    %add3A_364 = arith.addf %slice3A_362, %slice3A_363 : vector<2000x128xf32>
    %logistic3A_365 = arith.negf %add3A_364 : vector<2000x128xf32>
    %logistic3A_366 = math.exp %logistic3A_365 : vector<2000x128xf32>
    %logistic3A_367 = arith.constant 1.000000e+00 : f32
    %logistic3A_368 = vector.broadcast %logistic3A_367 : f32 to vector<2000x128xf32>
    %logistic3A_369 = arith.addf %logistic3A_368, %logistic3A_366 : vector<2000x128xf32>
    %logistic3A_370 = arith.divf %logistic3A_368, %logistic3A_369 : vector<2000x128xf32>
    %slice3A_371 = vector.extract_strided_slice %add3A_357 {offsets = [0, 128], sizes = [2000, 128], strides = [1, 1]} : vector<2000x384xf32> to vector<2000x128xf32>
    %slice3A_372 = vector.extract_strided_slice %add3A_361 {offsets = [0, 128], sizes = [2000, 128], strides = [1, 1]} : vector<2000x384xf32> to vector<2000x128xf32>
    %add3A_373 = arith.addf %slice3A_371, %slice3A_372 : vector<2000x128xf32>
    %logistic3A_374 = arith.negf %add3A_373 : vector<2000x128xf32>
    %logistic3A_375 = math.exp %logistic3A_374 : vector<2000x128xf32>
    %logistic3A_376 = arith.constant 1.000000e+00 : f32
    %logistic3A_377 = vector.broadcast %logistic3A_376 : f32 to vector<2000x128xf32>
    %logistic3A_378 = arith.addf %logistic3A_377, %logistic3A_375 : vector<2000x128xf32>
    %logistic3A_379 = arith.divf %logistic3A_377, %logistic3A_378 : vector<2000x128xf32>
    %slice3A_380 = vector.extract_strided_slice %add3A_357 {offsets = [0, 256], sizes = [2000, 128], strides = [1, 1]} : vector<2000x384xf32> to vector<2000x128xf32>
    %slice3A_381 = vector.extract_strided_slice %add3A_361 {offsets = [0, 256], sizes = [2000, 128], strides = [1, 1]} : vector<2000x384xf32> to vector<2000x128xf32>
    %mul3A_382 = arith.mulf %logistic3A_370, %slice3A_381 : vector<2000x128xf32>
    %add3A_383 = arith.addf %slice3A_380, %mul3A_382 : vector<2000x128xf32>
    %tanh3A_384 = math.tanh %add3A_383 : vector<2000x128xf32>
    %sub3A_385 = arith.constant 1.000000e+00 : f32
    %sub3A_386 = vector.broadcast %sub3A_385 : f32 to vector<2000x128xf32>
    %sub3A_387 = arith.subf %sub3A_386, %logistic3A_379 : vector<2000x128xf32>
    %mul3A_388 = arith.mulf %sub3A_387, %tanh3A_384 : vector<2000x128xf32>
    %mul3A_389 = arith.mulf %logistic3A_379, %add3A_336 : vector<2000x128xf32>
    %add3A_390 = arith.addf %mul3A_388, %mul3A_389 : vector<2000x128xf32>
    %get3A_391 = arith.constant 1 : index
    %get3A_392 = arith.constant 0 : index
    %get3A_393 = arith.constant 96 : index
    %get3A_394 = vector.load %arg1[%get3A_391, %get3A_392, %get3A_393] : memref<2x2000x128xbf16, #tpu.memory_space<vmem>>, vector<1x2000x32xbf16>
    %get3A_395 = vector.shape_cast %get3A_394 : vector<1x2000x32xbf16> to vector<2000x32xbf16>
    %convert_element_type3A_396 = arith.extf %get3A_395 : vector<2000x32xbf16> to vector<2000x32xf32>
    %get3A_397 = arith.constant 1 : index
    %get3A_398 = arith.constant 0 : index
    %get3A_399 = arith.constant 96 : index
    %get3A_400 = vector.load %arg2[%get3A_397, %get3A_398, %get3A_399] : memref<2x2000x128xbf16, #tpu.memory_space<vmem>>, vector<1x2000x32xbf16>
    %get3A_401 = vector.shape_cast %get3A_400 : vector<1x2000x32xbf16> to vector<2000x32xbf16>
    %convert_element_type3A_402 = arith.extf %get3A_401 : vector<2000x32xbf16> to vector<2000x32xf32>
    %add3A_403 = arith.addf %convert_element_type3A_396, %convert_element_type3A_402 : vector<2000x32xf32>
    %mul3A_404 = vector.broadcast %rsqrt3A : vector<2000x1xf32> to vector<2000x32xf32>
    %mul3A_405 = arith.mulf %mul3A_404, %add3A_403 : vector<2000x32xf32>
    %add3A_406 = vector.broadcast %get3A_6 : vector<1x32xf32> to vector<2000x32xf32>
    %add3A_407 = arith.addf %mul3A_405, %add3A_406 : vector<2000x32xf32>
    %dot_general3A_408 = arith.constant dense<0.000000e+00> : vector<2000x384xf32>
    %dot_general3A_409 = tpu.matmul %add3A_407, %get3A_9, %dot_general3A_408 {dimension_numbers = #tpu.dot_dimension_numbers<[1], [0], [0], [1], [0, 0, 1, 1], [], []>, transpose_lhs_hint = false} : vector<2000x32xf32>, vector<32x384xf32>, vector<2000x384xf32> -> vector<2000x384xf32>
    %add3A_410 = vector.broadcast %get3A_15 : vector<1x384xf32> to vector<2000x384xf32>
    %add3A_411 = arith.addf %dot_general3A_409, %add3A_410 : vector<2000x384xf32>
    %dot_general3A_412 = arith.constant dense<0.000000e+00> : vector<2000x384xf32>
    %dot_general3A_413 = tpu.matmul %add3A_390, %get3A_12, %dot_general3A_412 {dimension_numbers = #tpu.dot_dimension_numbers<[1], [0], [0], [1], [0, 0, 1, 1], [], []>, transpose_lhs_hint = false} : vector<2000x128xf32>, vector<128x384xf32>, vector<2000x384xf32> -> vector<2000x384xf32>
    %add3A_414 = vector.broadcast %get3A_18 : vector<1x384xf32> to vector<2000x384xf32>
    %add3A_415 = arith.addf %dot_general3A_413, %add3A_414 : vector<2000x384xf32>
    %slice3A_416 = vector.extract_strided_slice %add3A_411 {offsets = [0, 0], sizes = [2000, 128], strides = [1, 1]} : vector<2000x384xf32> to vector<2000x128xf32>
    %slice3A_417 = vector.extract_strided_slice %add3A_415 {offsets = [0, 0], sizes = [2000, 128], strides = [1, 1]} : vector<2000x384xf32> to vector<2000x128xf32>
    %add3A_418 = arith.addf %slice3A_416, %slice3A_417 : vector<2000x128xf32>
    %logistic3A_419 = arith.negf %add3A_418 : vector<2000x128xf32>
    %logistic3A_420 = math.exp %logistic3A_419 : vector<2000x128xf32>
    %logistic3A_421 = arith.constant 1.000000e+00 : f32
    %logistic3A_422 = vector.broadcast %logistic3A_421 : f32 to vector<2000x128xf32>
    %logistic3A_423 = arith.addf %logistic3A_422, %logistic3A_420 : vector<2000x128xf32>
    %logistic3A_424 = arith.divf %logistic3A_422, %logistic3A_423 : vector<2000x128xf32>
    %slice3A_425 = vector.extract_strided_slice %add3A_411 {offsets = [0, 128], sizes = [2000, 128], strides = [1, 1]} : vector<2000x384xf32> to vector<2000x128xf32>
    %slice3A_426 = vector.extract_strided_slice %add3A_415 {offsets = [0, 128], sizes = [2000, 128], strides = [1, 1]} : vector<2000x384xf32> to vector<2000x128xf32>
    %add3A_427 = arith.addf %slice3A_425, %slice3A_426 : vector<2000x128xf32>
    %logistic3A_428 = arith.negf %add3A_427 : vector<2000x128xf32>
    %logistic3A_429 = math.exp %logistic3A_428 : vector<2000x128xf32>
    %logistic3A_430 = arith.constant 1.000000e+00 : f32
    %logistic3A_431 = vector.broadcast %logistic3A_430 : f32 to vector<2000x128xf32>
    %logistic3A_432 = arith.addf %logistic3A_431, %logistic3A_429 : vector<2000x128xf32>
    %logistic3A_433 = arith.divf %logistic3A_431, %logistic3A_432 : vector<2000x128xf32>
    %slice3A_434 = vector.extract_strided_slice %add3A_411 {offsets = [0, 256], sizes = [2000, 128], strides = [1, 1]} : vector<2000x384xf32> to vector<2000x128xf32>
    %slice3A_435 = vector.extract_strided_slice %add3A_415 {offsets = [0, 256], sizes = [2000, 128], strides = [1, 1]} : vector<2000x384xf32> to vector<2000x128xf32>
    %mul3A_436 = arith.mulf %logistic3A_424, %slice3A_435 : vector<2000x128xf32>
    %add3A_437 = arith.addf %slice3A_434, %mul3A_436 : vector<2000x128xf32>
    %tanh3A_438 = math.tanh %add3A_437 : vector<2000x128xf32>
    %sub3A_439 = arith.constant 1.000000e+00 : f32
    %sub3A_440 = vector.broadcast %sub3A_439 : f32 to vector<2000x128xf32>
    %sub3A_441 = arith.subf %sub3A_440, %logistic3A_433 : vector<2000x128xf32>
    %mul3A_442 = arith.mulf %sub3A_441, %tanh3A_438 : vector<2000x128xf32>
    %mul3A_443 = arith.mulf %logistic3A_433, %add3A_390 : vector<2000x128xf32>
    %add3A_444 = arith.addf %mul3A_442, %mul3A_443 : vector<2000x128xf32>
    %get3A_445 = arith.constant 0 : index
    %get3A_446 = arith.constant 0 : index
    %get3A_447 = vector.load %arg10[%get3A_445, %get3A_446] : memref<128x128xf32, #tpu.memory_space<vmem>>, vector<128x128xf32>
    %dot_general3A_448 = arith.constant dense<0.000000e+00> : vector<2000x128xf32>
    %dot_general3A_449 = tpu.matmul %add3A_444, %get3A_447, %dot_general3A_448 {dimension_numbers = #tpu.dot_dimension_numbers<[1], [0], [0], [1], [0, 0, 1, 1], [], []>, transpose_lhs_hint = false} : vector<2000x128xf32>, vector<128x128xf32>, vector<2000x128xf32> -> vector<2000x128xf32>
    %get3A_450 = arith.constant 0 : index
    %get3A_451 = arith.constant 0 : index
    %get3A_452 = vector.load %arg11[%get3A_450, %get3A_451] : memref<16x128xf32, #tpu.memory_space<vmem>>, vector<16x128xf32>
    %get3A_453 = arith.constant 0 : index
    %get3A_454 = arith.constant 0 : index
    %get3A_455 = vector.load %arg12[%get3A_453, %get3A_454] : memref<1x128xf32, #tpu.memory_space<vmem>>, vector<1x128xf32>
    %get3A_456 = arith.constant 0 : index
    %get3A_457 = arith.constant 0 : index
    %get3A_458 = vector.load %arg13[%get3A_456, %get3A_457] : memref<128x1xf32, #tpu.memory_space<vmem>>, vector<128x1xf32>
    %get3A_459 = arith.constant 0 : index
    %get3A_460 = arith.constant 0 : index
    %get3A_461 = vector.load %arg14[%get3A_459, %get3A_460] : memref<1x1xf32, #tpu.memory_space<vmem>>, vector<1x1xf32>
    %get3A_462 = arith.constant 0 : index
    %get3A_463 = arith.constant 0 : index
    %get3A_464 = arith.constant 0 : index
    %get3A_465 = vector.load %arg9[%get3A_462, %get3A_463, %get3A_464] : memref<4x2000x16xf32, #tpu.memory_space<vmem>>, vector<1x2000x16xf32>
    %get3A_466 = vector.shape_cast %get3A_465 : vector<1x2000x16xf32> to vector<2000x16xf32>
    %dot_general3A_467 = arith.constant dense<0.000000e+00> : vector<2000x128xf32>
    %dot_general3A_468 = tpu.matmul %get3A_466, %get3A_452, %dot_general3A_467 {dimension_numbers = #tpu.dot_dimension_numbers<[1], [0], [0], [1], [0, 0, 1, 1], [], []>, transpose_lhs_hint = false} : vector<2000x16xf32>, vector<16x128xf32>, vector<2000x128xf32> -> vector<2000x128xf32>
    %add3A_469 = arith.addf %dot_general3A_449, %dot_general3A_468 : vector<2000x128xf32>
    %add3A_470 = vector.broadcast %get3A_455 : vector<1x128xf32> to vector<2000x128xf32>
    %add3A_471 = arith.addf %add3A_469, %add3A_470 : vector<2000x128xf32>
    %max3A = arith.constant 0.000000e+00 : f32
    %max3A_472 = vector.broadcast %max3A : f32 to vector<2000x128xf32>
    %max3A_473 = arith.maximumf %add3A_471, %max3A_472 : vector<2000x128xf32>
    %dot_general3A_474 = arith.constant dense<0.000000e+00> : vector<2000x1xf32>
    %dot_general3A_475 = tpu.matmul %max3A_473, %get3A_458, %dot_general3A_474 {dimension_numbers = #tpu.dot_dimension_numbers<[1], [0], [0], [1], [0, 0, 1, 1], [], []>, transpose_lhs_hint = false} : vector<2000x128xf32>, vector<128x1xf32>, vector<2000x1xf32> -> vector<2000x1xf32>
    %add3A_476 = vector.broadcast %get3A_461 : vector<1x1xf32> to vector<2000x1xf32>
    %add3A_477 = arith.addf %dot_general3A_475, %add3A_476 : vector<2000x1xf32>
    %swap3A = arith.constant 0 : index
    %swap3A_478 = arith.constant 0 : index
    %swap3A_479 = arith.constant 0 : index
    %swap3A_480 = vector.load %arg15[%swap3A, %swap3A_478, %swap3A_479] : memref<4x2000x1xf32, #tpu.memory_space<vmem>>, vector<1x2000x1xf32>
    %swap3A_481 = vector.shape_cast %swap3A_480 : vector<1x2000x1xf32> to vector<2000x1xf32>
    %swap3A_482 = vector.shape_cast %add3A_477 : vector<2000x1xf32> to vector<1x2000x1xf32>
    tpu.vector_store %arg15[%swap3A, %swap3A_478, %swap3A_479], %swap3A_482 {strides = array<i32>} : memref<4x2000x1xf32, #tpu.memory_space<vmem>>, vector<1x2000x1xf32>,
    %get3A_483 = arith.constant 1 : index
    %get3A_484 = arith.constant 0 : index
    %get3A_485 = arith.constant 0 : index
    %get3A_486 = vector.load %arg9[%get3A_483, %get3A_484, %get3A_485] : memref<4x2000x16xf32, #tpu.memory_space<vmem>>, vector<1x2000x16xf32>
    %get3A_487 = vector.shape_cast %get3A_486 : vector<1x2000x16xf32> to vector<2000x16xf32>
    %dot_general3A_488 = arith.constant dense<0.000000e+00> : vector<2000x128xf32>
    %dot_general3A_489 = tpu.matmul %get3A_487, %get3A_452, %dot_general3A_488 {dimension_numbers = #tpu.dot_dimension_numbers<[1], [0], [0], [1], [0, 0, 1, 1], [], []>, transpose_lhs_hint = false} : vector<2000x16xf32>, vector<16x128xf32>, vector<2000x128xf32> -> vector<2000x128xf32>
    %add3A_490 = arith.addf %dot_general3A_449, %dot_general3A_489 : vector<2000x128xf32>
    %add3A_491 = vector.broadcast %get3A_455 : vector<1x128xf32> to vector<2000x128xf32>
    %add3A_492 = arith.addf %add3A_490, %add3A_491 : vector<2000x128xf32>
    %max3A_493 = arith.constant 0.000000e+00 : f32
    %max3A_494 = vector.broadcast %max3A_493 : f32 to vector<2000x128xf32>
    %max3A_495 = arith.maximumf %add3A_492, %max3A_494 : vector<2000x128xf32>
    %dot_general3A_496 = arith.constant dense<0.000000e+00> : vector<2000x1xf32>
    %dot_general3A_497 = tpu.matmul %max3A_495, %get3A_458, %dot_general3A_496 {dimension_numbers = #tpu.dot_dimension_numbers<[1], [0], [0], [1], [0, 0, 1, 1], [], []>, transpose_lhs_hint = false} : vector<2000x128xf32>, vector<128x1xf32>, vector<2000x1xf32> -> vector<2000x1xf32>
    %add3A_498 = vector.broadcast %get3A_461 : vector<1x1xf32> to vector<2000x1xf32>
    %add3A_499 = arith.addf %dot_general3A_497, %add3A_498 : vector<2000x1xf32>
    %swap3A_500 = arith.constant 1 : index
    %swap3A_501 = arith.constant 0 : index
    %swap3A_502 = arith.constant 0 : index
    %swap3A_503 = vector.load %arg15[%swap3A_500, %swap3A_501, %swap3A_502] : memref<4x2000x1xf32, #tpu.memory_space<vmem>>, vector<1x2000x1xf32>
    %swap3A_504 = vector.shape_cast %swap3A_503 : vector<1x2000x1xf32> to vector<2000x1xf32>
    %swap3A_505 = vector.shape_cast %add3A_499 : vector<2000x1xf32> to vector<1x2000x1xf32>
    tpu.vector_store %arg15[%swap3A_500, %swap3A_501, %swap3A_502], %swap3A_505 {strides = array<i32>} : memref<4x2000x1xf32, #tpu.memory_space<vmem>>, vector<1x2000x1xf32>,
    %get3A_506 = arith.constant 2 : index
    %get3A_507 = arith.constant 0 : index
    %get3A_508 = arith.constant 0 : index
    %get3A_509 = vector.load %arg9[%get3A_506, %get3A_507, %get3A_508] : memref<4x2000x16xf32, #tpu.memory_space<vmem>>, vector<1x2000x16xf32>
    %get3A_510 = vector.shape_cast %get3A_509 : vector<1x2000x16xf32> to vector<2000x16xf32>
    %dot_general3A_511 = arith.constant dense<0.000000e+00> : vector<2000x128xf32>
    %dot_general3A_512 = tpu.matmul %get3A_510, %get3A_452, %dot_general3A_511 {dimension_numbers = #tpu.dot_dimension_numbers<[1], [0], [0], [1], [0, 0, 1, 1], [], []>, transpose_lhs_hint = false} : vector<2000x16xf32>, vector<16x128xf32>, vector<2000x128xf32> -> vector<2000x128xf32>
    %add3A_513 = arith.addf %dot_general3A_449, %dot_general3A_512 : vector<2000x128xf32>
    %add3A_514 = vector.broadcast %get3A_455 : vector<1x128xf32> to vector<2000x128xf32>
    %add3A_515 = arith.addf %add3A_513, %add3A_514 : vector<2000x128xf32>
    %max3A_516 = arith.constant 0.000000e+00 : f32
    %max3A_517 = vector.broadcast %max3A_516 : f32 to vector<2000x128xf32>
    %max3A_518 = arith.maximumf %add3A_515, %max3A_517 : vector<2000x128xf32>
    %dot_general3A_519 = arith.constant dense<0.000000e+00> : vector<2000x1xf32>
    %dot_general3A_520 = tpu.matmul %max3A_518, %get3A_458, %dot_general3A_519 {dimension_numbers = #tpu.dot_dimension_numbers<[1], [0], [0], [1], [0, 0, 1, 1], [], []>, transpose_lhs_hint = false} : vector<2000x128xf32>, vector<128x1xf32>, vector<2000x1xf32> -> vector<2000x1xf32>
    %add3A_521 = vector.broadcast %get3A_461 : vector<1x1xf32> to vector<2000x1xf32>
    %add3A_522 = arith.addf %dot_general3A_520, %add3A_521 : vector<2000x1xf32>
    %swap3A_523 = arith.constant 2 : index
    %swap3A_524 = arith.constant 0 : index
    %swap3A_525 = arith.constant 0 : index
    %swap3A_526 = vector.load %arg15[%swap3A_523, %swap3A_524, %swap3A_525] : memref<4x2000x1xf32, #tpu.memory_space<vmem>>, vector<1x2000x1xf32>
    %swap3A_527 = vector.shape_cast %swap3A_526 : vector<1x2000x1xf32> to vector<2000x1xf32>
    %swap3A_528 = vector.shape_cast %add3A_522 : vector<2000x1xf32> to vector<1x2000x1xf32>
    tpu.vector_store %arg15[%swap3A_523, %swap3A_524, %swap3A_525], %swap3A_528 {strides = array<i32>} : memref<4x2000x1xf32, #tpu.memory_space<vmem>>, vector<1x2000x1xf32>,
    %get3A_529 = arith.constant 3 : index
    %get3A_530 = arith.constant 0 : index
    %get3A_531 = arith.constant 0 : index
    %get3A_532 = vector.load %arg9[%get3A_529, %get3A_530, %get3A_531] : memref<4x2000x16xf32, #tpu.memory_space<vmem>>, vector<1x2000x16xf32>
    %get3A_533 = vector.shape_cast %get3A_532 : vector<1x2000x16xf32> to vector<2000x16xf32>
    %dot_general3A_534 = arith.constant dense<0.000000e+00> : vector<2000x128xf32>
    %dot_general3A_535 = tpu.matmul %get3A_533, %get3A_452, %dot_general3A_534 {dimension_numbers = #tpu.dot_dimension_numbers<[1], [0], [0], [1], [0, 0, 1, 1], [], []>, transpose_lhs_hint = false} : vector<2000x16xf32>, vector<16x128xf32>, vector<2000x128xf32> -> vector<2000x128xf32>
    %add3A_536 = arith.addf %dot_general3A_449, %dot_general3A_535 : vector<2000x128xf32>
    %add3A_537 = vector.broadcast %get3A_455 : vector<1x128xf32> to vector<2000x128xf32>
    %add3A_538 = arith.addf %add3A_536, %add3A_537 : vector<2000x128xf32>
    %max3A_539 = arith.constant 0.000000e+00 : f32
    %max3A_540 = vector.broadcast %max3A_539 : f32 to vector<2000x128xf32>
    %max3A_541 = arith.maximumf %add3A_538, %max3A_540 : vector<2000x128xf32>
    %dot_general3A_542 = arith.constant dense<0.000000e+00> : vector<2000x1xf32>
    %dot_general3A_543 = tpu.matmul %max3A_541, %get3A_458, %dot_general3A_542 {dimension_numbers = #tpu.dot_dimension_numbers<[1], [0], [0], [1], [0, 0, 1, 1], [], []>, transpose_lhs_hint = false} : vector<2000x128xf32>, vector<128x1xf32>, vector<2000x1xf32> -> vector<2000x1xf32>
    %add3A_544 = vector.broadcast %get3A_461 : vector<1x1xf32> to vector<2000x1xf32>
    %add3A_545 = arith.addf %dot_general3A_543, %add3A_544 : vector<2000x1xf32>
    %swap3A_546 = arith.constant 3 : index
    %swap3A_547 = arith.constant 0 : index
    %swap3A_548 = arith.constant 0 : index
    %swap3A_549 = vector.load %arg15[%swap3A_546, %swap3A_547, %swap3A_548] : memref<4x2000x1xf32, #tpu.memory_space<vmem>>, vector<1x2000x1xf32>
    %swap3A_550 = vector.shape_cast %swap3A_549 : vector<1x2000x1xf32> to vector<2000x1xf32>
    %swap3A_551 = vector.shape_cast %add3A_545 : vector<2000x1xf32> to vector<1x2000x1xf32>
    tpu.vector_store %arg15[%swap3A_546, %swap3A_547, %swap3A_548], %swap3A_551 {strides = array<i32>} : memref<4x2000x1xf32, #tpu.memory_space<vmem>>, vector<1x2000x1xf32>,
    return
  }
  func.func @transform_0(%arg0: i32) -> (i32, i32, i32) {
    %c0_i32 = arith.constant 0 : i32
    %c0_i32_0 = arith.constant 0 : i32
    %c0_i32_1 = arith.constant 0 : i32
    return %c0_i32, %arg0, %c0_i32_0 : i32, i32, i32
  }
  func.func @transform_1(%arg0: i32) -> (i32, i32, i32) {
    %c0_i32 = arith.constant 0 : i32
    %c0_i32_0 = arith.constant 0 : i32
    %c0_i32_1 = arith.constant 0 : i32
    return %c0_i32, %arg0, %c0_i32_0 : i32, i32, i32
  }
  func.func @transform_2(%arg0: i32) -> (i32, i32) {
    %c0_i32 = arith.constant 0 : i32
    %c0_i32_0 = arith.constant 0 : i32
    return %arg0, %c0_i32 : i32, i32
  }
  func.func @transform_3(%arg0: i32) -> (i32, i32) {
    %c0_i32 = arith.constant 0 : i32
    %c0_i32_0 = arith.constant 0 : i32
    %c0_i32_1 = arith.constant 0 : i32
    return %c0_i32, %c0_i32_0 : i32, i32
  }
  func.func @transform_4(%arg0: i32) -> (i32, i32) {
    %c0_i32 = arith.constant 0 : i32
    %c0_i32_0 = arith.constant 0 : i32
    %c0_i32_1 = arith.constant 0 : i32
    return %c0_i32, %c0_i32_0 : i32, i32
  }
  func.func @transform_5(%arg0: i32) -> (i32, i32) {
    %c0_i32 = arith.constant 0 : i32
    %c0_i32_0 = arith.constant 0 : i32
    %c0_i32_1 = arith.constant 0 : i32
    return %c0_i32, %c0_i32_0 : i32, i32
  }
  func.func @transform_6(%arg0: i32) -> (i32, i32) {
    %c0_i32 = arith.constant 0 : i32
    %c0_i32_0 = arith.constant 0 : i32
    %c0_i32_1 = arith.constant 0 : i32
    return %c0_i32, %c0_i32_0 : i32, i32
  }
  func.func @transform_7(%arg0: i32) -> (i32, i32) {
    %c0_i32 = arith.constant 0 : i32
    %c0_i32_0 = arith.constant 0 : i32
    %c0_i32_1 = arith.constant 0 : i32
    return %c0_i32, %c0_i32_0 : i32, i32
  }
  func.func @transform_8(%arg0: i32) -> (i32, i32, i32) {
    %c0_i32 = arith.constant 0 : i32
    %c0_i32_0 = arith.constant 0 : i32
    %c0_i32_1 = arith.constant 0 : i32
    return %c0_i32, %arg0, %c0_i32_0 : i32, i32, i32
  }
  func.func @transform_9(%arg0: i32) -> (i32, i32) {
    %c0_i32 = arith.constant 0 : i32
    %c0_i32_0 = arith.constant 0 : i32
    %c0_i32_1 = arith.constant 0 : i32
    return %c0_i32, %c0_i32_0 : i32, i32
  }
  func.func @transform_10(%arg0: i32) -> (i32, i32) {
    %c0_i32 = arith.constant 0 : i32
    %c0_i32_0 = arith.constant 0 : i32
    %c0_i32_1 = arith.constant 0 : i32
    return %c0_i32, %c0_i32_0 : i32, i32
  }
  func.func @transform_11(%arg0: i32) -> (i32, i32) {
    %c0_i32 = arith.constant 0 : i32
    %c0_i32_0 = arith.constant 0 : i32
    %c0_i32_1 = arith.constant 0 : i32
    return %c0_i32, %c0_i32_0 : i32, i32
  }
  func.func @transform_12(%arg0: i32) -> (i32, i32) {
    %c0_i32 = arith.constant 0 : i32
    %c0_i32_0 = arith.constant 0 : i32
    %c0_i32_1 = arith.constant 0 : i32
    return %c0_i32, %c0_i32_0 : i32, i32
  }
  func.func @transform_13(%arg0: i32) -> (i32, i32) {
    %c0_i32 = arith.constant 0 : i32
    %c0_i32_0 = arith.constant 0 : i32
    %c0_i32_1 = arith.constant 0 : i32
    return %c0_i32, %c0_i32_0 : i32, i32
  }
  func.func @transform_14(%arg0: i32) -> (i32, i32, i32) {
    %c0_i32 = arith.constant 0 : i32
    %c0_i32_0 = arith.constant 0 : i32
    %c0_i32_1 = arith.constant 0 : i32
    return %c0_i32, %arg0, %c0_i32_0 : i32, i32, i32
  }
}

</mosaic_0001>

<sc_bundles>
// kernel: kernel.11.cloned.1.call-start
scs
__scs_entry_jumppad:
0x0: {  	(pc) =	sbr.rel $0x88, $3  }
0x1: {  	(tag) =	ssettag $0x0;
	lr =	simm.s32 $0x1  }
0x2: {  	[smem:$0x3F92] =	sst lr;
	_ =	strace $0xD0000000  }
0x3: {  	_ = 	snop  }
0x4: {  	_ = 	snop  }
0x5: {  	_ = 	snop  }
0x6: {  	_ = 	snop  }
0x7: {  	_ = 	snop  }
__scs_overlays_trampoline_lowered:
0x8: {  	[smem:$0x3FA1] =	sst s0  }
0x9: {  	[smem:$0x3FA2] =	sst s1  }
0xa: {  	[smem:$0x3FA3] =	sst s2  }
0xb: {  	[smem:$0x3FA4] =	sst s3  }
0xc: {  	[smem:$0x3FA5] =	sst s4  }
0xd: {  	[smem:$0x3FA6] =	sst s5  }
0xe: {  	[smem:$0x3FA7] =	sst s6  }
0xf: {  	[smem:$0x3FA8] =	sst s7  }
0x10: {  	[smem:$0x3FA9] =	sst s8  }
0x11: {  	[smem:$0x3FAA] =	sst s9;
	s0 =	simm.s32 @!p0 $0x0  }
0x12: {  	s1 =	sld [smem:$0x3F90];
	s0 =	simm.s32 @p0 $0x1  }
0x13: {  	[smem:$0x3FAB] =	sst s0;
	s0 =	simm.s32 @!p1 $0x0  }
0x14: {  	s2 =	sld [smem:$0x3F8F];
	s0 =	simm.s32 @p1 $0x1  }
0x15: {  	[smem:$0x3FAC] =	sst s0;
	s0 =	simm.s32 @!p2 $0x0  }
0x16: {  	s3 =	sld [smem:$0x3FDB];
	s0 =	simm.s32 @p2 $0x1  }
0x17: {  	s4 =	simm.s32 $0x1BF5;
	[smem:$0x3FAE] =	sst s0  }
0x18: {  	s0 =	sld [smem:$0x3F91];
	_ =	swait.ge [sflag:s4], $0x0  }
0x19: {  	s7 =	sld [smem:$0x3F92]  }
0x1a: {  	s8 =	sadd.s32 $0xFFFFE003, lr  }
0x1b: {  	s9 =	sadd.s32 $0xFFFFFEF7, lr;
	s5 =	simm.s32 $0xFFFFFFFF;
	p2 =	slt.u32 s8, $0xFFFFF086  }
0x1c: {  	p1 =	slt.u32 s9, $0xF7A;
	s5 =	simm.s32 @!p2 $0x0  }
0x1d: {  	s5 =	simm.s32 @p1 $0x1;
	p0 =	seq.s32 s7, s2  }
0x1e: {  	s7 =	smul.u32 @!p0 $0xF7A, s2;
	p2 =	seq.s32 @!p0 s5, $0x0  }
0x1f: {  	s9 =	smul.u32 $0xF7A, s1;
	s8 =	simm.s32 @!p0 $0x1BF5;
	p2 =	por !p2, p0  }
0x20: {  	[sflag:s8] =	ssyncset.s32 @!p0 $0xFFFFF086;
	s6 =	sadd.s32 @!p0 s3, s7;
	s7 =	simm.s32 @!p0 $0x108  }
0x21: {  	s3 =	sadd.s32 s3, s9;
	s6 =	sadd.s32 @!p0 $0x88, s6;
	s7 =	simm.s32 @p2 $0x1082  }
0x22: {  	[simem:s7], [sflag:s8] =	dma.local @!p0 [hbm:s6], $0xF7A  }
0x23: {  	s9 =	sor.u32 $0xD0000000, s2;
	s6 =	simm.s32 $0x108;
	_ =	swait.ge @!p0 [sflag:s8], $0x0  }
0x24: {  	s3 =	sadd.s32 $0x88, s3;
	s6 =	simm.s32 @!p1 $0x1082;
	[sflag:s4] =	ssyncset.s32 $0xFFFFF086  }
0x25: {  	[simem:s6], [sflag:s4] =	dma.local [hbm:s3], $0xF7A  }
0x26: {  	[smem:$0x3F92] =	sst s1;
	(tag) =	ssettag s2;
	_ =	strace s9  }
0x27: {  	s1 =	sld [smem:$0x3FA2]  }
0x28: {  	s2 =	sld [smem:$0x3FA3]  }
0x29: {  	s4 =	sld [smem:$0x3FA5]  }
0x2a: {  	p0 =	seq.s32 s5, $0x0;
	s5 =	sld [smem:$0x3FA6]  }
0x2b: {  	s6 =	sld [smem:$0x3FA7]  }
0x2c: {  	s7 =	sld [smem:$0x3FA8]  }
0x2d: {  	s3 =	simm.s32 $0x108;
	s8 =	sld [smem:$0x3FA9]  }
0x2e: {  	s3 =	simm.s32 @!p0 $0x1082;
	s9 =	sld [smem:$0x3FAA]  }
0x2f: {  	lr =	sadd.s32 s0, s3;
	s0 =	sld [smem:$0x3FA1]  }
0x30: {  	s3 =	sld [smem:$0x3FA4]  }
0x31: {  	[smem:$0x3FAD] =	sst s10  }
0x32: {  	s10 =	sld [smem:$0x3FAB];
	_ =	sdelay $0x3  }
0x33: {  	p0 =	seq.s32 s10, $0x1;
	s10 =	sld [smem:$0x3FAD];
	_ =	sdelay $0x3  }
0x34: {  	[smem:$0x3FAD] =	sst s10  }
0x35: {  	s10 =	sld [smem:$0x3FAC];
	_ =	sdelay $0x3  }
0x36: {  	p1 =	seq.s32 s10, $0x1;
	s10 =	sld [smem:$0x3FAD];
	_ =	sdelay $0x3  }
0x37: {  	[smem:$0x3FAD] =	sst s10  }
0x38: {  	s10 =	sld [smem:$0x3FAE]  }
0x39: {  	_ = 	snop;
	(pc) =	sbr.ind lr, $3  }
0x3a: {  	_ = 	snop  }
0x3b: {  	_ = 	snop  }
0x3c: {  	p2 =	seq.s32 s10, $0x1;
	s10 =	sld [smem:$0x3FAD]  }
0x3d: {  	_ =	shalt  }
0x3e: {  	_ =	shalt  }
0x3f: {  	_ =	shalt  }
0x40: {  	_ =	shalt  }
0x41: {  	_ =	shalt  }
0x42: {  	_ =	shalt  }
0x43: {  	_ =	shalt  }
0x44: {  	_ =	shalt  }
0x45: {  	_ =	shalt  }
0x46: {  	_ =	shalt  }
0x47: {  	_ =	shalt  }
0x48: {  	_ =	shalt  }
0x49: {  	_ =	shalt  }
0x4a: {  	_ =	shalt  }
0x4b: {  	_ =	shalt  }
0x4c: {  	_ =	shalt  }
0x4d: {  	_ =	shalt  }
0x4e: {  	_ =	shalt  }
0x4f: {  	_ =	shalt  }
0x50: {  	_ =	shalt  }
0x51: {  	_ =	shalt  }
0x52: {  	_ =	shalt  }
0x53: {  	_ =	shalt  }
0x54: {  	_ =	shalt  }
0x55: {  	_ =	shalt  }
0x56: {  	_ =	shalt  }
0x57: {  	_ =	shalt  }
0x58: {  	_ =	shalt  }
0x59: {  	_ =	shalt  }
0x5a: {  	_ =	shalt  }
0x5b: {  	_ =	shalt  }
0x5c: {  	_ =	shalt  }
0x5d: {  	_ =	shalt  }
0x5e: {  	_ =	shalt  }
0x5f: {  	_ =	shalt  }
0x60: {  	_ =	shalt  }
0x61: {  	_ =	shalt  }
0x62: {  	_ =	shalt  }
0x63: {  	_ =	shalt  }
0x64: {  	_ =	shalt  }
0x65: {  	_ =	shalt  }
0x66: {  	_ =	shalt  }
0x67: {  	_ =	shalt  }
0x68: {  	_ =	shalt  }
0x69: {  	_ =	shalt  }
0x6a: {  	_ =	shalt  }
0x6b: {  	_ =	shalt  }
0x6c: {  	_ =	shalt  }
0x6d: {  	_ =	shalt  }
0x6e: {  	_ =	shalt  }
0x6f: {  	_ =	shalt  }
0x70: {  	_ =	shalt  }
0x71: {  	_ =	shalt  }
0x72: {  	_ =	shalt  }
0x73: {  	_ =	shalt  }
0x74: {  	_ =	shalt  }
0x75: {  	_ =	shalt  }
0x76: {  	_ =	shalt  }
0x77: {  	_ =	shalt  }
0x78: {  	_ =	shalt  }
0x79: {  	_ =	shalt  }
0x7a: {  	_ =	shalt  }
0x7b: {  	_ =	shalt  }
0x7c: {  	_ =	shalt  }
0x7d: {  	_ =	shalt  }
0x7e: {  	_ =	shalt  }
0x7f: {  	_ =	shalt  }
0x80: {  	_ =	shalt  }
0x81: {  	_ =	shalt  }
0x82: {  	_ =	shalt  }
0x83: {  	_ =	shalt  }
0x84: {  	_ =	shalt  }
0x85: {  	_ =	shalt  }
0x86: {  	_ =	shalt  }
0x87: {  	_ =	shalt  }
.Lfunc_end0:
.L_simem_size_0:
called_computation.1_lowered:
.L_overlay_start_0:
0x88: {  	s2 =	sld [smem:$0x3FD9]  }
0x89: {  	s3 =	sld [smem:$0x3FFE];
	_ =	sdelay $0x1  }
0x8a: {  	s1 =	srdreg.scid  }
0x8b: {  	s0 =	sand.u32 $0x1, s1  }
0x8c: {  	s16 =	sshll.u32 s0, $0xA;
	s2 =	sadd.s32 s3, s2  }
0x8d: {  	s2 =	sadd.s32 s2, s16  }
0x8e: {  	[smem:$0x3FB9] =	sst s2  }
0x8f: {  	_ = 	snop  }
0x90: {  	(tm) =	ssettm $0x1  }
0x91: {  	s17 =	sld [smem:$0x3FFB];
	_ =	sdelay $0x3  }
0x92: {  	_ =	strace s17  }
0x93: {  	s2 =	sld [smem:$0x3FFC];
	_ =	sdelay $0x3  }
0x94: {  	_ =	strace s2  }
0x95: {  	s2 =	sld [smem:$0x3FFD];
	_ =	sdelay $0x3  }
0x96: {  	_ =	strace s2  }
0x97: {  	_ =	strace $0x8FFFFFFF  }
0x98: {  	s18 =	sld [smem:$0x3FDB];
	_ =	sdelay $0x1  }
0x99: {  	s19 =	simm.s32 $_scs_section_size  }
0x9a: {  	s4 =	simm.s32 $_size__tile_overlayer_lowered;
	s5 =	simm.s32 $_tile_overlayer_lowered  }
0x9b: {  	s22 =	simm.s32 $0x1BFF;
	s21 =	sshll.u32 s5, $0x1;
	s2 =	sadd.s32 s19, s18  }
0x9c: {  	s6 =	simm.s32 $0x0;
	s20 =	sshll.u32 s4, $0x1;
	s4 =	sadd.s32 s21, s2  }
0x9d: {  	[timem:s6], [sflag:s22] =	dma.local [hbm:s4], s20  }
0x9e: {  	_ =	swait.ge [sflag:s22], s20  }
0x9f: {  	s3 =	ssub.s32 $0x0, s20;
	[sflag:s22] =	ssyncset.done $0x0  }
0xa0: {  	[sflag:s22] =	ssyncadd.s32 s3;
	_ =	sdelay $0x1  }
0xa1: {  	s23 =	simm.s32 $0x1B8B  }
0xa2: {  	_ =	swait.ge [sflag:s23], $0x1  }
0xa3: {  	[sflag:s23] =	ssyncset.done $0x0  }
0xa4: {  	s25 =	simm.s32 $0x1B8E;
	s24 =	sld [smem:$0x3FFE];
	[sflag:s23] =	ssyncadd.s32 $0xFFFFFFFF  }
0xa5: {  	s26 =	simm.s32 $execute0_lowered;
	[smem:$0x3FD2] =	sst s25  }
0xa6: {  	s4 =	sshll.u32 s26, $0x1;
	_ =	strace $0x80000049;
	[dreg:$0x1] =	wrdreg $0xFFFFFFFF  }
0xa7: {  	s28 =	simm.s32 $_size_execute0_lowered;
	s2 =	sadd.s32 s2, s4;
	[dreg:$0x0] =	wrdreg $0x0  }
0xa8: {  	s4 =	sshll.u32 s28, $0x1;
	[dreg:$0x2] =	wrdreg s2  }
0xa9: {  	[dreg:$0x3] =	wrdreg s4  }
0xaa: {  	[dreg:$0x4] =	wrdreg $0xC0  }
0xab: {  	_ =	task [dreg:s6], $0x5FFFF  }
0xac: {  	[dreg:$0x1] =	wrdreg $0xFFFFFFFF  }
0xad: {  	[dreg:$0x0] =	wrdreg $0x60  }
0xae: {  	[dreg:$0x2] =	wrdreg s24  }
0xaf: {  	[dreg:$0x3] =	wrdreg $0xA8000  }
0xb0: {  	[dreg:$0x4] =	wrdreg $0x9  }
0xb1: {  	_ =	task.clear_ibuf [dreg:s6], $0x5FFFF;
	_ =	strace $0x90000049  }
0xb2: {  	s29 =	simm.s32 $0x9;
	_ =	strace $0x8000004B  }
0xb3: {  	_ =	swait.ge [sflag:s29], $0x1  }
0xb4: {  	[sflag:s29] =	ssyncadd.s32 $0xFFFFFFFF  }
0xb5: {  	_ =	strace $0x9000004B  }
0xb6: {  	_ =	sfence  }
0xb7: {  	s30 =	sld [smem:$0x0];
	_ =	sdelay $0x2  }
0xb8: {  	s31 =	sshll.u32 s1, $0xD;
	s1 =	sshrl.u32 s1, $0x2  }
0xb9: {  	s3 =	sand.u32 $0x4000, s31;
	s1 =	sadd.s32 s1, s30  }
0xba: {  	s0 =	sor.u32 s3, s0;
	s1 =	sshll.u32 s1, $0x11  }
0xbb: {  	s0 =	sor.u32 s1, s0  }
0xbc: {  	s0 =	sadd.s32 $0x8F2B, s0  }
0xbd: {  	[sflag:s0] =	ssyncadd.remote.s32 $0x1  }
0xbe: {  	_ =	sfence.sel $0xFFFF  }
0xbf: {  	[dreg:$0x0] =	wrdreg $0xFFFFFFFF;
	(pc) =	sbr.abs _section_cstart, $3  }
0xc0: {  	[dreg:$0x1] =	wrdreg $0xFFFFFFFF  }
0xc1: {  	_ =	task.clear_ibuf [dreg:s6], $0x2FFFF;
	_ =	strace $0x9FFFFFFF  }
0xc2: {  	(tm) =	ssettm $0x7FFFFFFF  }
0xc3: {  	_ =	shalt  }
tec
execute0_lowered:
.L_overlay_start_1:
0x0: {  	(tag) =	ssettag $0x1  }
0x1: {  	s0 =	rddreg [dreg:$0x0];
	s1 =	srdreg.scid  }
0x2: {  	s2 =	rddreg [dreg:$0x1];
	s13 =	stileid.u32;
	s3 =	simm.s32 $0x0  }
0x3: {  	s16 =	simm.s32 $0x2800;
	s28 =	simm.s32 $0x8800;
	s29 =	simm.s32 $0x2  }
0x4: {  	s30 =	simm.s32 $0x5;
	s31 =	simm.s32 $0x1600;
	s6 =	smul.u32 $0x1F400, s13  }
0x5: {  	s1 =	sand.u32 $0x1, s1;
	[smem:$0x7FF] =	sst s3;
	s8 =	smul.u32 $0x27200, s13  }
0x6: {  	s4 =	sadd.s32 $0x10600, s0;
	s7 =	sadd.s32 $0xB600, s0;
	s11 =	smul.u32 $0x2800, s13  }
0x7: {  	s9 =	sadd.s32 $0x1600, s0;
	p0 =	sgt.u32 s13, $0x9;
	s5 =	smul.u32 $0x138800, s1  }
0x8: {  	_ =	strace $0x8000004A;
	s17 =	ssub.s32 $0x2, s1;
	s12 =	smul.u32 $0x2710, s1  }
0x9: {  	s10 =	sshrl.u32 s17, $0x1;
	s8 =	sshrl.u32 s8, $0x2;
	s20 =	sshrl.u32 s11, $0x3  }
0xa: {  	s25 =	sshrl.u32 s6, $0x1;
	s5 =	sadd.s32 s6, s5;
	s10 =	ssub.s32 s17, s10  }
0xb: {  	s22 =	sadd.s32 $0x280, s20;
	s11 =	sadd.s32 s7, s20;
	s1 =	sadd.s32 s9, s20  }
0xc: {  	s17 =	simm.s32 $0x9;
	s6 =	simm.s32 $0x6;
	[dreg:$0x7] =	wrdreg s11  }
0xd: {  	v0 =	vmov s12;
	s12 =	simm.s32 $0x8;
	s5 =	sshrl.u32 s5, $0x4;
	[dreg:$0x8] =	wrdreg s1  }
0xe: {  	s23 =	sadd.s32 s7, s22;
	s24 =	sadd.s32 s9, s22;
	s26 =	smax.u32 s10, $0x1  }
0xf: {  	s1 =	simm.s32 $0x100;
	s7 =	simm.s32 $0x1680;
	[dreg:$0x9] =	wrdreg s23  }
0x10: {  	s0 =	sadd.s32 s5, s0;
	s5 =	sadd.s32 s8, s2;
	[dreg:$0xa] =	wrdreg s24  }
0x11: {  	s9 =	simm.s32 $0x180;
	[dreg:$0xc] =	wrdreg s26;
	s18 =	sadd.s32 $0x2000, s5  }
0x12: {  	s10 =	simm.s32 $0x7;
	s19 =	sadd.s32 $0x4000, s5;
	[dreg:$0x3] =	wrdreg s18  }
0x13: {  	s11 =	simm.s32 $0x1700;
	s8 =	sadd.s32 $0x6000, s5;
	[dreg:$0x4] =	wrdreg s19  }
.Ltmp0:
0x14: {  	s21 =	sadd.s32 $0x8000, s5;
	[dreg:$0x5] =	wrdreg s8;
	(pc) =	sbr.rel .LBB2_1-.Ltmp0, $4  }
0x15: {  	s23 =	simm.s32 $0x6800;
	s0 =	sadd.s32 $0x37800, s0;
	[dreg:$0x6] =	wrdreg s21  }
0x16: {  	[dreg:$0xb] =	wrdreg s0;
	s0 =	sadd.s32 s25, s2;
	s18 =	simm.s32 $0x1400  }
0x17: {  	s19 =	simm.s32 $0x80;
	s21 =	simm.s32 $0x4800;
	s25 =	simm.s32 $0x1  }
0x18: {  	v1 =	vimm.bf16 $0.0e+00;
	s8 =	simm.s32 $0x4;
	s24 =	sshrl.u32 @!p0 s0, $0x3;
	s0 =	simm.s32 $0x3  }
.LBB2_13:
0x19: {  	_ =	swait.ge [sflag:s12], $0x2000  }
0x1a: {  	[sflag:s12] =	ssyncset.done $0x0  }
0x1b: {  	s13 =	stileid.u32;
	[sflag:s12] =	ssyncadd.s32 $0xFFFFE000  }
0x1c: {  	s13 =	sshll.u32 @!p0 s13, $0x6;
	[bflag:$0x0] =	sbarrier.arrive $0xFFFF  }
0x1d: {  	s13 =	sor.u32 @!p0 $0x1C09, s13;
	s14 =	rddreg [dreg:$0xb]  }
0x1e: {  	[hbm:s14], [sflag:s13] =	dma.local @!p0 [spmem:s24], $0x1F40  }
0x1f: {  	s13 =	simm.s32 @!p0 $0x9  }
0x20: {  	_ =	swait.ge @!p0 [sflag:s13], $0x1F40  }
0x21: {  	s3 =	sadd.s32 $0x1, s3;
	s26 =	rddreg [dreg:$0xc]  }
0x22: {  	p1 =	sne.s32 s3, s26  }
.Ltmp1:
0x23: {  	_ = 	snop;
	(pc) =	sbr.rel @!p1 .LBB2_14-.Ltmp1, $3  }
0x24: {  	_ =	sdelay $0x1  }
0x25: {  	[sflag:s13] =	ssyncset.done @!p0 $0x0  }
0x26: {  	[sflag:s13] =	ssyncadd.s32 @!p0 $0xFFFFE0C0  }
.LBB2_1:
0x27: {  	s14 =	simm.s32 $0x100;
	s13 =	simm.s32 $0x0  }
.LBB2_2:
0x28: {  	p1 =	sne.s32 s14, $0x7F00;
	[tilespmem:s13+$0x2830] =	vst v1;
	s20 =	smov.u32 s14;
	s14 =	sadd.s32 $0x100, s14  }
.Ltmp2:
0x29: {  	[tilespmem:s13+$0x2820] =	vst v1;
	(pc) =	sbr.rel @p1 .LBB2_2-.Ltmp2, $3  }
0x2a: {  	[tilespmem:s13+$0x2800] =	vst v1  }
0x2b: {  	[tilespmem:s13+$0x2810] =	vst v1;
	_ =	sdelay $0x1  }
0x2c: {  	s13 =	sshra.s32 s20, $0x2  }
0x2d: {  	[tilespmem:s13+$0x2830] =	vst v1  }
0x2e: {  	[tilespmem:s13+$0x2820] =	vst v1  }
0x2f: {  	[tilespmem:s13+$0x2800] =	vst v1  }
0x30: {  	[tilespmem:s13+$0x2810] =	vst v1  }
0x31: {  	[spmem:s5] =	stream.linear.scatter [tilespmem:s16], [sflag:$0x9], $0x2000, $0x38;
	[tilespmem:$0x14480] =	vst v63  }
0x32: {  	_ =	swait.ge [sflag:s17], $0x2000  }
0x33: {  	[sflag:s17] =	ssyncset.done $0x0  }
0x34: {  	s26 =	rddreg [dreg:$0x3];
	[sflag:s17] =	ssyncadd.s32 $0xFFFFE000  }
0x35: {  	[spmem:s26] =	stream.linear.scatter [tilespmem:s16], [sflag:$0x9], $0x2000, $0x38;
	[tilespmem:$0x14480] =	vst v63  }
0x36: {  	_ =	swait.ge [sflag:s17], $0x2000  }
0x37: {  	[sflag:s17] =	ssyncset.done $0x0  }
0x38: {  	s14 =	rddreg [dreg:$0x4];
	[sflag:s17] =	ssyncadd.s32 $0xFFFFE000  }
0x39: {  	[spmem:s14] =	stream.linear.scatter [tilespmem:s16], [sflag:$0x9], $0x2000, $0x38;
	[tilespmem:$0x14480] =	vst v63  }
0x3a: {  	_ =	swait.ge [sflag:s17], $0x2000  }
0x3b: {  	[sflag:s17] =	ssyncset.done $0x0  }
0x3c: {  	s15 =	rddreg [dreg:$0x5];
	[sflag:s17] =	ssyncadd.s32 $0xFFFFE000  }
0x3d: {  	[spmem:s15] =	stream.linear.scatter [tilespmem:s16], [sflag:$0x9], $0x2000, $0x38;
	[tilespmem:$0x14480] =	vst v63  }
0x3e: {  	_ =	swait.ge [sflag:s17], $0x2000  }
0x3f: {  	[sflag:s17] =	ssyncset.done $0x0  }
0x40: {  	s20 =	rddreg [dreg:$0x6];
	[sflag:s17] =	ssyncadd.s32 $0xFFFFE000  }
0x41: {  	[spmem:s20] =	stream.linear.scatter [tilespmem:s16], [sflag:$0x9], $0x1C80, $0x38;
	[tilespmem:$0x14480] =	vst v63  }
0x42: {  	_ =	swait.ge [sflag:s17], $0x1C80  }
0x43: {  	[sflag:s17] =	ssyncset.done $0x0  }
0x44: {  	[sflag:s17] =	ssyncadd.s32 $0xFFFFE380  }
0x45: {  	[bflag:$0x0] =	sbarrier.arrive $0xFFFF  }
0x46: {  	s22 =	simm.s32 $0x0;
	s14 =	rddreg [dreg:$0x7]  }
0x47: {  	[tilespmem:s18], [sflag:$0x9] =	stream.linear.gather [hbm4b:s14+s22], $0x1400, $0x38;
	[tilespmem:$0x14480] =	vst v63  }
0x48: {  	_ =	swait.ge [sflag:s17], $0x1400  }
0x49: {  	[sflag:s17] =	ssyncset.done $0x0  }
0x4a: {  	s26 =	rddreg [dreg:$0x8];
	[sflag:s17] =	ssyncadd.s32 $0xFFFFEC00  }
0x4b: {  	[tilespmem:s22], [sflag:$0x9] =	stream.linear.gather [hbm4b:s26+s22], $0x1400, $0x38;
	[tilespmem:$0x14480] =	vst v63  }
0x4c: {  	_ =	swait.ge [sflag:s17], $0x1400  }
0x4d: {  	[sflag:s17] =	ssyncset.done $0x0  }
0x4e: {  	s13 =	simm.s32 $0x0;
	[sflag:s17] =	ssyncadd.s32 $0xFFFFEC00  }
0x4f: {  	v4 =	vld [tilespmem:s13+$0x1400]  }
0x50: {  	v6 =	vld [tilespmem:s13+$0x1410]  }
0x51: {  	v5 =	vld [tilespmem:s13+$0x1420]  }
0x52: {  	v3 =	vld [tilespmem:s13+$0x1430]  }
0x53: {  	v2 =	vld [tilespmem:s13+$0x1440]  }
0x54: {  	v7 =	vadd.s32 v0, v4;
	v4 =	vld [tilespmem:s13+$0x1450]  }
0x55: {  	s14 =	simm.s32 $0x200;
	[tilespmem:s13+$0x1400] =	vst v7;
	v7 =	vadd.s32 v0, v6;
	v6 =	vld [tilespmem:s13+$0x1460]  }
.LBB2_4:
0x56: {  	s20 =	sshra.s32 s14, $0x2;
	p1 =	sne.s32 s14, $0x4E00;
	[tilespmem:s13+$0x1410] =	vst v7;
	v5 =	vadd.s32 v0, v5;
	v7 =	vld [tilespmem:s13+$0x1470]  }
0x57: {  	v8 =	vld [tilespmem:s20+$0x1400];
	[tilespmem:s13+$0x1420] =	vst v5;
	v3 =	vadd.s32 v0, v3  }
0x58: {  	v9 =	vld [tilespmem:s20+$0x1410];
	[tilespmem:s13+$0x1430] =	vst v3;
	v2 =	vadd.s32 v0, v2  }
.Ltmp3:
0x59: {  	v5 =	vld [tilespmem:s20+$0x1420];
	[tilespmem:s13+$0x1440] =	vst v2;
	v2 =	vadd.s32 v0, v4;
	(pc) =	sbr.rel @p1 .LBB2_4-.Ltmp3, $4  }
0x5a: {  	v3 =	vld [tilespmem:s20+$0x1430];
	[tilespmem:s13+$0x1450] =	vst v2;
	v4 =	vadd.s32 v0, v6  }
0x5b: {  	v2 =	vld [tilespmem:s20+$0x1440];
	[tilespmem:s13+$0x1460] =	vst v4;
	v6 =	vadd.s32 v0, v7  }
0x5c: {  	v7 =	vadd.s32 v0, v8;
	v4 =	vld [tilespmem:s20+$0x1450];
	[tilespmem:s13+$0x1470] =	vst v6;
	s13 =	smov.u32 s20  }
0x5d: {  	s14 =	sadd.s32 $0x200, s14;
	[tilespmem:s13+$0x1400] =	vst v7;
	v7 =	vadd.s32 v0, v9;
	v6 =	vld [tilespmem:s13+$0x1460]  }
0x5e: {  	[tilespmem:s13+$0x1410] =	vst v7;
	v5 =	vadd.s32 v0, v5;
	v63 =	vld [tilespmem:s13+$0x1470]  }
0x5f: {  	[tilespmem:s13+$0x1420] =	vst v5;
	v3 =	vadd.s32 v0, v3  }
0x60: {  	[tilespmem:s13+$0x1430] =	vst v3;
	v2 =	vadd.s32 v0, v2  }
0x61: {  	[tilespmem:s13+$0x1440] =	vst v2;
	v2 =	vadd.s32 v0, v4  }
0x62: {  	[tilespmem:s13+$0x1450] =	vst v2;
	v2 =	vadd.s32 v0, v6  }
0x63: {  	[tilespmem:s13+$0x1460] =	vst v2;
	v2 =	vadd.s32 v0, v63  }
0x64: {  	[tilespmem:s13+$0x1470] =	vst v2  }
0x65: {  	[tilespmem:s16], [sflag:$0x1] =	stream.indirect.gather [hbm4b:s4+s19], $0x40, s18, s19, $0xb8;
	[tilespmem:$0x14480] =	vst v63  }
0x66: {  	s22 =	simm.s32 $0x1480  }
0x67: {  	[tilespmem:s21], [sflag:$0x2] =	stream.indirect.gather [hbm4b:s4+s19], $0x40, s22, s19, $0xb8;
	[tilespmem:$0x14480] =	vst v63  }
0x68: {  	s26 =	simm.s32 $0x1500  }
0x69: {  	[tilespmem:s23], [sflag:$0x3] =	stream.indirect.gather [hbm4b:s4+s19], $0x40, s26, s19, $0xb8;
	[tilespmem:$0x14480] =	vst v63  }
0x6a: {  	_ =	swait.ge [sflag:s25], $0x2000  }
0x6b: {  	[sflag:s25] =	ssyncset.done $0x0  }
0x6c: {  	s13 =	simm.s32 $0x0;
	[sflag:s25] =	ssyncadd.s32 $0xFFFFE000  }
0x6d: {  	[spmem:s2] =	stream.indirect.scatter.add.bf16 [tilespmem:s16], [sflag:$0x5], $0x40, s13, s19, $0xb8;
	[tilespmem:$0x14480] =	vst v63  }
0x6e: {  	s14 =	simm.s32 $0x1580  }
0x6f: {  	[tilespmem:s28], [sflag:$0x4] =	stream.indirect.gather [hbm4b:s4+s19], $0x40, s14, s19, $0xb8;
	[tilespmem:$0x14480] =	vst v63  }
0x70: {  	_ =	swait.ge [sflag:s29], $0x2000  }
0x71: {  	[sflag:s29] =	ssyncset.done $0x0  }
0x72: {  	[sflag:s29] =	ssyncadd.s32 $0xFFFFE000  }
0x73: {  	[spmem:s2] =	stream.indirect.scatter.add.bf16 [tilespmem:s21], [sflag:$0x6], $0x40, s19, s19, $0xb8;
	[tilespmem:$0x14480] =	vst v63  }
0x74: {  	_ =	swait.ge [sflag:s30], $0x2000  }
0x75: {  	[sflag:s30] =	ssyncset.done $0x0  }
0x76: {  	[sflag:s30] =	ssyncadd.s32 $0xFFFFE000  }
0x77: {  	[tilespmem:s16], [sflag:$0x1] =	stream.indirect.gather [hbm4b:s4+s19], $0x40, s31, s19, $0xb8;
	[tilespmem:$0x14480] =	vst v63  }
0x78: {  	_ =	swait.ge [sflag:s0], $0x2000  }
0x79: {  	[sflag:s0] =	ssyncset.done $0x0  }
0x7a: {  	[sflag:s0] =	ssyncadd.s32 $0xFFFFE000  }
0x7b: {  	[spmem:s2] =	stream.indirect.scatter.add.bf16 [tilespmem:s23], [sflag:$0x7], $0x40, s1, s19, $0xb8;
	[tilespmem:$0x14480] =	vst v63  }
0x7c: {  	_ =	swait.ge [sflag:s6], $0x2000  }
0x7d: {  	[sflag:s6] =	ssyncset.done $0x0  }
0x7e: {  	[sflag:s6] =	ssyncadd.s32 $0xFFFFE000  }
0x7f: {  	[tilespmem:s21], [sflag:$0x2] =	stream.indirect.gather [hbm4b:s4+s19], $0x40, s7, s19, $0xb8;
	[tilespmem:$0x14480] =	vst v63  }
0x80: {  	_ =	swait.ge [sflag:s8], $0x2000  }
0x81: {  	[sflag:s8] =	ssyncset.done $0x0  }
0x82: {  	[sflag:s8] =	ssyncadd.s32 $0xFFFFE000  }
0x83: {  	[spmem:s2] =	stream.indirect.scatter.add.bf16 [tilespmem:s28], [sflag:$0x8], $0x40, s9, s19, $0xb8;
	[tilespmem:$0x14480] =	vst v63  }
0x84: {  	_ =	swait.ge [sflag:s10], $0x2000  }
0x85: {  	[sflag:s10] =	ssyncset.done $0x0  }
0x86: {  	[sflag:s10] =	ssyncadd.s32 $0xFFFFE000  }
0x87: {  	[tilespmem:s23], [sflag:$0x3] =	stream.indirect.gather [hbm4b:s4+s19], $0x40, s11, s19, $0xb8;
	[tilespmem:$0x14480] =	vst v63  }
.LBB2_6:
0x88: {  	_ =	swait.ge [sflag:s25], $0x2000  }
0x89: {  	s14 =	sshra.s32 s13, $0x2;
	[sflag:s25] =	ssyncset.done $0x0  }
0x8a: {  	s20 =	sadd.s32 $0x200, s14;
	[sflag:s25] =	ssyncadd.s32 $0xFFFFE000  }
0x8b: {  	[spmem:s2] =	stream.indirect.scatter.add.bf16 [tilespmem:s16], [sflag:$0x5], $0x40, s20, s19, $0xb8;
	[tilespmem:$0x14480] =	vst v63  }
0x8c: {  	_ =	swait.ge [sflag:s12], $0x2000  }
0x8d: {  	[sflag:s12] =	ssyncset.done $0x0  }
0x8e: {  	s15 =	sadd.s32 $0x1780, s14;
	[sflag:s12] =	ssyncadd.s32 $0xFFFFE000  }
0x8f: {  	[tilespmem:s28], [sflag:$0x4] =	stream.indirect.gather [hbm4b:s4+s19], $0x40, s15, s19, $0xb8;
	[tilespmem:$0x14480] =	vst v63  }
0x90: {  	_ =	swait.ge [sflag:s29], $0x2000  }
0x91: {  	[sflag:s29] =	ssyncset.done $0x0  }
0x92: {  	s22 =	sadd.s32 $0x280, s14;
	[sflag:s29] =	ssyncadd.s32 $0xFFFFE000  }
0x93: {  	[spmem:s2] =	stream.indirect.scatter.add.bf16 [tilespmem:s21], [sflag:$0x6], $0x40, s22, s19, $0xb8;
	[tilespmem:$0x14480] =	vst v63  }
0x94: {  	_ =	swait.ge [sflag:s30], $0x2000  }
0x95: {  	p1 =	seq.s32 s13, $0x4000;
	[sflag:s30] =	ssyncset.done $0x0  }
0x96: {  	s20 =	simm.s32 @p1 $0x3;
	[sflag:s30] =	ssyncadd.s32 $0xFFFFE000  }
0x97: {  	_ =	swait.ge @p1 [sflag:s20], $0x2000  }
0x98: {  	[sflag:s20] =	ssyncset.done @p1 $0x0  }
0x99: {  	[sflag:s20] =	ssyncadd.s32 @p1 $0xFFFFE000;
	s20 =	sshra.s32 @p1 s13, $0x2  }
0x9a: {  	s15 =	simm.s32 @p1 $0x80;
	s22 =	simm.s32 @p1 $0x6800;
	s20 =	sadd.s32 @p1 $0x300, s20  }
0x9b: {  	[spmem:s2] =	stream.indirect.scatter.add.bf16 @p1 [tilespmem:s22], [sflag:$0x7], $0x40, s20, s15, $0xb8;
	[tilespmem:$0x14480] =	vst v63  }
0x9c: {  	s15 =	simm.s32 @p1 $0x6  }
0x9d: {  	_ =	swait.ge @p1 [sflag:s15], $0x2000  }
0x9e: {  	[sflag:s15] =	ssyncset.done @p1 $0x0  }
0x9f: {  	[sflag:s15] =	ssyncadd.s32 @p1 $0xFFFFE000;
	s15 =	sshra.s32 @!p1 s13, $0x2  }
0xa0: {  	s26 =	simm.s32 @!p1 $0x2800;
	s22 =	simm.s32 @!p1 $0x80;
	s20 =	sadd.s32 @!p1 $0x1800, s15  }
0xa1: {  	[tilespmem:s26], [sflag:$0x1] =	stream.indirect.gather @!p1 [hbm4b:s4+s22], $0x40, s20, s22, $0xb8;
	[tilespmem:$0x14480] =	vst v63  }
0xa2: {  	s20 =	simm.s32 @!p1 $0x3  }
0xa3: {  	_ =	swait.ge @!p1 [sflag:s20], $0x2000  }
0xa4: {  	[sflag:s20] =	ssyncset.done @!p1 $0x0  }
0xa5: {  	s26 =	simm.s32 @!p1 $0x6800;
	[sflag:s20] =	ssyncadd.s32 @!p1 $0xFFFFE000;
	s20 =	sadd.s32 @!p1 $0x300, s15  }
0xa6: {  	[spmem:s2] =	stream.indirect.scatter.add.bf16 @!p1 [tilespmem:s26], [sflag:$0x7], $0x40, s20, s22, $0xb8;
	[tilespmem:$0x14480] =	vst v63  }
0xa7: {  	s20 =	simm.s32 @!p1 $0x6  }
0xa8: {  	_ =	swait.ge @!p1 [sflag:s20], $0x2000  }
0xa9: {  	[sflag:s20] =	ssyncset.done @!p1 $0x0  }
0xaa: {  	s15 =	sadd.s32 @!p1 $0x1880, s15;
	[sflag:s20] =	ssyncadd.s32 @!p1 $0xFFFFE000;
	s20 =	simm.s32 @!p1 $0x4800  }
0xab: {  	[tilespmem:s20], [sflag:$0x2] =	stream.indirect.gather @!p1 [hbm4b:s4+s22], $0x40, s15, s22, $0xb8;
	[tilespmem:$0x14480] =	vst v63  }
0xac: {  	_ =	swait.ge [sflag:s8], $0x2000  }
0xad: {  	[sflag:s8] =	ssyncset.done $0x0  }
.Ltmp4:
0xae: {  	s26 =	sadd.s32 $0x380, s14;
	[sflag:s8] =	ssyncadd.s32 $0xFFFFE000;
	(pc) =	sbr.rel @p1 .LBB2_8-.Ltmp4, $4  }
0xaf: {  	[spmem:s2] =	stream.indirect.scatter.add.bf16 [tilespmem:s28], [sflag:$0x8], $0x40, s26, s19, $0xb8;
	[tilespmem:$0x14480] =	vst v63  }
0xb0: {  	_ =	swait.ge [sflag:s10], $0x2000  }
0xb1: {  	[sflag:s10] =	ssyncset.done $0x0  }
0xb2: {  	[sflag:s10] =	ssyncadd.s32 $0xFFFFE000  }
.Ltmp5:
0xb3: {  	(pc) =	sbr.rel .LBB2_6-.Ltmp5, $3  }
0xb4: {  	_ =	sdelay $0x1  }
0xb5: {  	s14 =	sadd.s32 $0x1900, s14;
	s13 =	sadd.s32 $0x800, s13  }
0xb6: {  	[tilespmem:s23], [sflag:$0x3] =	stream.indirect.gather [hbm4b:s4+s19], $0x40, s14, s19, $0xb8;
	[tilespmem:$0x14480] =	vst v63  }
.LBB2_8:
0xb7: {  	_ =	swait.ge [sflag:s12], $0x2000  }
0xb8: {  	[sflag:s12] =	ssyncset.done $0x0  }
0xb9: {  	s13 =	simm.s32 $0x0;
	s14 =	rddreg [dreg:$0x9];
	[sflag:s12] =	ssyncadd.s32 $0xFFFFE000  }
0xba: {  	[tilespmem:s18], [sflag:$0x9] =	stream.linear.gather [hbm4b:s14+s13], $0x1400, $0x38;
	[tilespmem:$0x14480] =	vst v63  }
0xbb: {  	_ =	swait.ge [sflag:s17], $0x1400  }
0xbc: {  	[sflag:s17] =	ssyncset.done $0x0  }
0xbd: {  	s26 =	rddreg [dreg:$0xa];
	[sflag:s17] =	ssyncadd.s32 $0xFFFFEC00  }
0xbe: {  	[tilespmem:s13], [sflag:$0x9] =	stream.linear.gather [hbm4b:s26+s13], $0x1400, $0x38;
	[tilespmem:$0x14480] =	vst v63  }
0xbf: {  	_ =	swait.ge [sflag:s17], $0x1400  }
0xc0: {  	[sflag:s17] =	ssyncset.done $0x0  }
0xc1: {  	s13 =	simm.s32 $0x0;
	[sflag:s17] =	ssyncadd.s32 $0xFFFFEC00  }
0xc2: {  	v4 =	vld [tilespmem:s13+$0x1400]  }
0xc3: {  	v6 =	vld [tilespmem:s13+$0x1410]  }
0xc4: {  	v5 =	vld [tilespmem:s13+$0x1420]  }
0xc5: {  	v3 =	vld [tilespmem:s13+$0x1430]  }
0xc6: {  	v2 =	vld [tilespmem:s13+$0x1440]  }
0xc7: {  	v7 =	vadd.s32 v0, v4;
	v4 =	vld [tilespmem:s13+$0x1450]  }
0xc8: {  	s14 =	simm.s32 $0x200;
	[tilespmem:s13+$0x1400] =	vst v7;
	v7 =	vadd.s32 v0, v6;
	v6 =	vld [tilespmem:s13+$0x1460]  }
.LBB2_9:
0xc9: {  	s15 =	sshra.s32 s14, $0x2;
	p1 =	sne.s32 s14, $0x4E00;
	[tilespmem:s13+$0x1410] =	vst v7;
	v5 =	vadd.s32 v0, v5;
	v7 =	vld [tilespmem:s13+$0x1470]  }
0xca: {  	v8 =	vld [tilespmem:s15+$0x1400];
	[tilespmem:s13+$0x1420] =	vst v5;
	v3 =	vadd.s32 v0, v3  }
0xcb: {  	v9 =	vld [tilespmem:s15+$0x1410];
	[tilespmem:s13+$0x1430] =	vst v3;
	v2 =	vadd.s32 v0, v2  }
.Ltmp6:
0xcc: {  	v5 =	vld [tilespmem:s15+$0x1420];
	[tilespmem:s13+$0x1440] =	vst v2;
	v2 =	vadd.s32 v0, v4;
	(pc) =	sbr.rel @p1 .LBB2_9-.Ltmp6, $4  }
0xcd: {  	v3 =	vld [tilespmem:s15+$0x1430];
	[tilespmem:s13+$0x1450] =	vst v2;
	v4 =	vadd.s32 v0, v6  }
0xce: {  	v2 =	vld [tilespmem:s15+$0x1440];
	[tilespmem:s13+$0x1460] =	vst v4;
	v6 =	vadd.s32 v0, v7  }
0xcf: {  	v7 =	vadd.s32 v0, v8;
	v4 =	vld [tilespmem:s15+$0x1450];
	[tilespmem:s13+$0x1470] =	vst v6;
	s13 =	smov.u32 s15  }
0xd0: {  	s14 =	sadd.s32 $0x200, s14;
	[tilespmem:s13+$0x1400] =	vst v7;
	v7 =	vadd.s32 v0, v9;
	v6 =	vld [tilespmem:s13+$0x1460]  }
0xd1: {  	[tilespmem:s13+$0x1410] =	vst v7;
	v5 =	vadd.s32 v0, v5;
	v63 =	vld [tilespmem:s13+$0x1470]  }
0xd2: {  	[tilespmem:s13+$0x1420] =	vst v5;
	v3 =	vadd.s32 v0, v3  }
0xd3: {  	[tilespmem:s13+$0x1430] =	vst v3;
	v2 =	vadd.s32 v0, v2  }
0xd4: {  	[tilespmem:s13+$0x1440] =	vst v2;
	v2 =	vadd.s32 v0, v4  }
0xd5: {  	[tilespmem:s13+$0x1450] =	vst v2;
	v2 =	vadd.s32 v0, v6  }
0xd6: {  	[tilespmem:s13+$0x1460] =	vst v2;
	v2 =	vadd.s32 v0, v63  }
0xd7: {  	[tilespmem:s13+$0x1470] =	vst v2  }
0xd8: {  	[tilespmem:s16], [sflag:$0x1] =	stream.indirect.gather [hbm4b:s4+s19], $0x40, s18, s19, $0xb8;
	[tilespmem:$0x14480] =	vst v63  }
0xd9: {  	s22 =	simm.s32 $0x1480  }
0xda: {  	[tilespmem:s21], [sflag:$0x2] =	stream.indirect.gather [hbm4b:s4+s19], $0x40, s22, s19, $0xb8;
	[tilespmem:$0x14480] =	vst v63  }
0xdb: {  	s26 =	simm.s32 $0x1500  }
0xdc: {  	[tilespmem:s23], [sflag:$0x3] =	stream.indirect.gather [hbm4b:s4+s19], $0x40, s26, s19, $0xb8;
	[tilespmem:$0x14480] =	vst v63  }
0xdd: {  	_ =	swait.ge [sflag:s25], $0x2000  }
0xde: {  	[sflag:s25] =	ssyncset.done $0x0  }
0xdf: {  	s13 =	simm.s32 $0x0;
	[sflag:s25] =	ssyncadd.s32 $0xFFFFE000  }
0xe0: {  	[spmem:s2] =	stream.indirect.scatter.add.bf16 [tilespmem:s16], [sflag:$0x5], $0x40, s13, s19, $0xb8;
	[tilespmem:$0x14480] =	vst v63  }
0xe1: {  	s14 =	simm.s32 $0x1580  }
0xe2: {  	[tilespmem:s28], [sflag:$0x4] =	stream.indirect.gather [hbm4b:s4+s19], $0x40, s14, s19, $0xb8;
	[tilespmem:$0x14480] =	vst v63  }
0xe3: {  	_ =	swait.ge [sflag:s29], $0x2000  }
0xe4: {  	[sflag:s29] =	ssyncset.done $0x0  }
0xe5: {  	[sflag:s29] =	ssyncadd.s32 $0xFFFFE000  }
0xe6: {  	[spmem:s2] =	stream.indirect.scatter.add.bf16 [tilespmem:s21], [sflag:$0x6], $0x40, s19, s19, $0xb8;
	[tilespmem:$0x14480] =	vst v63  }
0xe7: {  	_ =	swait.ge [sflag:s30], $0x2000  }
0xe8: {  	[sflag:s30] =	ssyncset.done $0x0  }
0xe9: {  	[sflag:s30] =	ssyncadd.s32 $0xFFFFE000  }
0xea: {  	[tilespmem:s16], [sflag:$0x1] =	stream.indirect.gather [hbm4b:s4+s19], $0x40, s31, s19, $0xb8;
	[tilespmem:$0x14480] =	vst v63  }
0xeb: {  	_ =	swait.ge [sflag:s0], $0x2000  }
0xec: {  	[sflag:s0] =	ssyncset.done $0x0  }
0xed: {  	[sflag:s0] =	ssyncadd.s32 $0xFFFFE000  }
0xee: {  	[spmem:s2] =	stream.indirect.scatter.add.bf16 [tilespmem:s23], [sflag:$0x7], $0x40, s1, s19, $0xb8;
	[tilespmem:$0x14480] =	vst v63  }
0xef: {  	_ =	swait.ge [sflag:s6], $0x2000  }
0xf0: {  	[sflag:s6] =	ssyncset.done $0x0  }
0xf1: {  	[sflag:s6] =	ssyncadd.s32 $0xFFFFE000  }
0xf2: {  	[tilespmem:s21], [sflag:$0x2] =	stream.indirect.gather [hbm4b:s4+s19], $0x40, s7, s19, $0xb8;
	[tilespmem:$0x14480] =	vst v63  }
0xf3: {  	_ =	swait.ge [sflag:s8], $0x2000  }
0xf4: {  	[sflag:s8] =	ssyncset.done $0x0  }
0xf5: {  	[sflag:s8] =	ssyncadd.s32 $0xFFFFE000  }
0xf6: {  	[spmem:s2] =	stream.indirect.scatter.add.bf16 [tilespmem:s28], [sflag:$0x8], $0x40, s9, s19, $0xb8;
	[tilespmem:$0x14480] =	vst v63  }
0xf7: {  	_ =	swait.ge [sflag:s10], $0x2000  }
0xf8: {  	[sflag:s10] =	ssyncset.done $0x0  }
0xf9: {  	[sflag:s10] =	ssyncadd.s32 $0xFFFFE000  }
0xfa: {  	[tilespmem:s23], [sflag:$0x3] =	stream.indirect.gather [hbm4b:s4+s19], $0x40, s11, s19, $0xb8;
	[tilespmem:$0x14480] =	vst v63  }
.LBB2_11:
0xfb: {  	_ =	swait.ge [sflag:s25], $0x2000  }
0xfc: {  	s14 =	sshra.s32 s13, $0x2;
	[sflag:s25] =	ssyncset.done $0x0  }
0xfd: {  	s15 =	sadd.s32 $0x200, s14;
	[sflag:s25] =	ssyncadd.s32 $0xFFFFE000  }
0xfe: {  	[spmem:s2] =	stream.indirect.scatter.add.bf16 [tilespmem:s16], [sflag:$0x5], $0x40, s15, s19, $0xb8;
	[tilespmem:$0x14480] =	vst v63  }
0xff: {  	_ =	swait.ge [sflag:s12], $0x2000  }
0x100: {  	[sflag:s12] =	ssyncset.done $0x0  }
0x101: {  	s20 =	sadd.s32 $0x1780, s14;
	[sflag:s12] =	ssyncadd.s32 $0xFFFFE000  }
0x102: {  	[tilespmem:s28], [sflag:$0x4] =	stream.indirect.gather [hbm4b:s4+s19], $0x40, s20, s19, $0xb8;
	[tilespmem:$0x14480] =	vst v63  }
0x103: {  	_ =	swait.ge [sflag:s29], $0x2000  }
0x104: {  	[sflag:s29] =	ssyncset.done $0x0  }
0x105: {  	s22 =	sadd.s32 $0x280, s14;
	[sflag:s29] =	ssyncadd.s32 $0xFFFFE000  }
0x106: {  	[spmem:s2] =	stream.indirect.scatter.add.bf16 [tilespmem:s21], [sflag:$0x6], $0x40, s22, s19, $0xb8;
	[tilespmem:$0x14480] =	vst v63  }
0x107: {  	_ =	swait.ge [sflag:s30], $0x2000  }
0x108: {  	p1 =	seq.s32 s13, $0x4000;
	[sflag:s30] =	ssyncset.done $0x0  }
0x109: {  	s15 =	simm.s32 @p1 $0x3;
	[sflag:s30] =	ssyncadd.s32 $0xFFFFE000  }
0x10a: {  	_ =	swait.ge @p1 [sflag:s15], $0x2000  }
0x10b: {  	[sflag:s15] =	ssyncset.done @p1 $0x0  }
0x10c: {  	[sflag:s15] =	ssyncadd.s32 @p1 $0xFFFFE000;
	s15 =	sshra.s32 @p1 s13, $0x2  }
0x10d: {  	s20 =	simm.s32 @p1 $0x80;
	s22 =	simm.s32 @p1 $0x6800;
	s15 =	sadd.s32 @p1 $0x300, s15  }
0x10e: {  	[spmem:s2] =	stream.indirect.scatter.add.bf16 @p1 [tilespmem:s22], [sflag:$0x7], $0x40, s15, s20, $0xb8;
	[tilespmem:$0x14480] =	vst v63  }
0x10f: {  	s15 =	simm.s32 @p1 $0x6  }
0x110: {  	_ =	swait.ge @p1 [sflag:s15], $0x2000  }
0x111: {  	[sflag:s15] =	ssyncset.done @p1 $0x0  }
0x112: {  	[sflag:s15] =	ssyncadd.s32 @p1 $0xFFFFE000;
	s15 =	sshra.s32 @!p1 s13, $0x2  }
0x113: {  	s26 =	simm.s32 @!p1 $0x2800;
	s22 =	simm.s32 @!p1 $0x80;
	s20 =	sadd.s32 @!p1 $0x1800, s15  }
0x114: {  	[tilespmem:s26], [sflag:$0x1] =	stream.indirect.gather @!p1 [hbm4b:s4+s22], $0x40, s20, s22, $0xb8;
	[tilespmem:$0x14480] =	vst v63  }
0x115: {  	s20 =	simm.s32 @!p1 $0x3  }
0x116: {  	_ =	swait.ge @!p1 [sflag:s20], $0x2000  }
0x117: {  	[sflag:s20] =	ssyncset.done @!p1 $0x0  }
0x118: {  	s26 =	simm.s32 @!p1 $0x6800;
	[sflag:s20] =	ssyncadd.s32 @!p1 $0xFFFFE000;
	s20 =	sadd.s32 @!p1 $0x300, s15  }
0x119: {  	[spmem:s2] =	stream.indirect.scatter.add.bf16 @!p1 [tilespmem:s26], [sflag:$0x7], $0x40, s20, s22, $0xb8;
	[tilespmem:$0x14480] =	vst v63  }
0x11a: {  	s20 =	simm.s32 @!p1 $0x6  }
0x11b: {  	_ =	swait.ge @!p1 [sflag:s20], $0x2000  }
0x11c: {  	[sflag:s20] =	ssyncset.done @!p1 $0x0  }
0x11d: {  	s15 =	sadd.s32 @!p1 $0x1880, s15;
	[sflag:s20] =	ssyncadd.s32 @!p1 $0xFFFFE000;
	s20 =	simm.s32 @!p1 $0x4800  }
0x11e: {  	[tilespmem:s20], [sflag:$0x2] =	stream.indirect.gather @!p1 [hbm4b:s4+s22], $0x40, s15, s22, $0xb8;
	[tilespmem:$0x14480] =	vst v63  }
0x11f: {  	_ =	swait.ge [sflag:s8], $0x2000  }
0x120: {  	[sflag:s8] =	ssyncset.done $0x0  }
.Ltmp7:
0x121: {  	s26 =	sadd.s32 $0x380, s14;
	[sflag:s8] =	ssyncadd.s32 $0xFFFFE000;
	(pc) =	sbr.rel @p1 .LBB2_13-.Ltmp7, $4  }
0x122: {  	[spmem:s2] =	stream.indirect.scatter.add.bf16 [tilespmem:s28], [sflag:$0x8], $0x40, s26, s19, $0xb8;
	[tilespmem:$0x14480] =	vst v63  }
0x123: {  	_ =	swait.ge [sflag:s10], $0x2000  }
0x124: {  	[sflag:s10] =	ssyncset.done $0x0  }
0x125: {  	[sflag:s10] =	ssyncadd.s32 $0xFFFFE000  }
.Ltmp8:
0x126: {  	(pc) =	sbr.rel .LBB2_11-.Ltmp8, $3  }
0x127: {  	_ =	sdelay $0x1  }
0x128: {  	s14 =	sadd.s32 $0x1900, s14;
	s13 =	sadd.s32 $0x800, s13  }
0x129: {  	[tilespmem:s23], [sflag:$0x3] =	stream.indirect.gather [hbm4b:s4+s19], $0x40, s14, s19, $0xb8;
	[tilespmem:$0x14480] =	vst v63  }
.LBB2_14:
0x12a: {  	_ =	sfence.sel $0x180000  }
0x12b: {  	[bflag:$0x0] =	sbarrier.arrive $0xFFFF  }
0x12c: {  	_ =	strace $0x9000004A  }
0x12d: {  	s0 =	stileid.u32;
	[bflag:$0x2] =	sbarrier.arrive $0xFFFF  }
0x12e: {  	p0 =	sne.s32 s0, $0x0;
	s0 =	rddreg [dreg:$0x2]  }
0x12f: {  	s0 =	sadd.s32 @!p0 $0x100000, s0  }
0x130: {  	[sflag:s0] =	ssyncadd.tile.s32 @!p0 $0x1;
	_ =	shalt  }
.Lfunc_end2:
_tile_overlayer_lowered:
.L_overlay_start_2:
0x131: {  	(tag) =	ssettag $0x2  }
0x132: {  	s0 =	rddreg [dreg:$0x0];
	s2 =	stileid.u32  }
0x133: {  	s1 =	rddreg [dreg:$0x1];
	p0 =	sne.s32 s2, $0x0  }
0x134: {  	s3 =	rddreg [dreg:$0x2];
	[bflag:$0x3] =	sbarrier.arrive $0xFFFF;
	s2 =	simm.s32 @!p0 $0x1C09  }
0x135: {  	[timem:s3], [sflag:s2] =	dma.local @!p0 [hbm:s0], s1  }
0x136: {  	s0 =	simm.s32 @!p0 $0x9  }
0x137: {  	_ =	swait.ge @!p0 [sflag:s0], s1  }
0x138: {  	s1 =	ssub.s32 @!p0 $0x0, s1;
	[sflag:s0] =	ssyncset.done @!p0 $0x0  }
0x139: {  	[sflag:s0] =	ssyncadd.s32 @!p0 s1  }
0x13a: {  	[bflag:$0x3] =	sbarrier.arrive $0xFFFF  }
0x13b: {  	_ =	shalt  }

// kernel: kernel.14.cloned.1.call-start
scs
__scs_entry_jumppad:
0x0: {  	(pc) =	sbr.rel $0x88, $3  }
0x1: {  	(tag) =	ssettag $0x0;
	lr =	simm.s32 $0x1  }
0x2: {  	[smem:$0x3F92] =	sst lr;
	_ =	strace $0xD0000000  }
0x3: {  	_ = 	snop  }
0x4: {  	_ = 	snop  }
0x5: {  	_ = 	snop  }
0x6: {  	_ = 	snop  }
0x7: {  	_ = 	snop  }
__scs_overlays_trampoline_lowered:
0x8: {  	[smem:$0x3FA1] =	sst s0  }
0x9: {  	[smem:$0x3FA2] =	sst s1  }
0xa: {  	[smem:$0x3FA3] =	sst s2  }
0xb: {  	[smem:$0x3FA4] =	sst s3  }
0xc: {  	[smem:$0x3FA5] =	sst s4  }
0xd: {  	[smem:$0x3FA6] =	sst s5  }
0xe: {  	[smem:$0x3FA7] =	sst s6  }
0xf: {  	[smem:$0x3FA8] =	sst s7  }
0x10: {  	[smem:$0x3FA9] =	sst s8  }
0x11: {  	[smem:$0x3FAA] =	sst s9;
	s0 =	simm.s32 @!p0 $0x0  }
0x12: {  	s1 =	sld [smem:$0x3F90];
	s0 =	simm.s32 @p0 $0x1  }
0x13: {  	[smem:$0x3FAB] =	sst s0;
	s0 =	simm.s32 @!p1 $0x0  }
0x14: {  	s2 =	sld [smem:$0x3F8F];
	s0 =	simm.s32 @p1 $0x1  }
0x15: {  	[smem:$0x3FAC] =	sst s0;
	s0 =	simm.s32 @!p2 $0x0  }
0x16: {  	s3 =	sld [smem:$0x3FDB];
	s0 =	simm.s32 @p2 $0x1  }
0x17: {  	s4 =	simm.s32 $0x1BF5;
	[smem:$0x3FAE] =	sst s0  }
0x18: {  	s0 =	sld [smem:$0x3F91];
	_ =	swait.ge [sflag:s4], $0x0  }
0x19: {  	s7 =	sld [smem:$0x3F92]  }
0x1a: {  	s8 =	sadd.s32 $0xFFFFE003, lr  }
0x1b: {  	s9 =	sadd.s32 $0xFFFFFEF7, lr;
	s5 =	simm.s32 $0xFFFFFFFF;
	p2 =	slt.u32 s8, $0xFFFFF086  }
0x1c: {  	p1 =	slt.u32 s9, $0xF7A;
	s5 =	simm.s32 @!p2 $0x0  }
0x1d: {  	s5 =	simm.s32 @p1 $0x1;
	p0 =	seq.s32 s7, s2  }
0x1e: {  	s7 =	smul.u32 @!p0 $0xF7A, s2;
	p2 =	seq.s32 @!p0 s5, $0x0  }
0x1f: {  	s9 =	smul.u32 $0xF7A, s1;
	s8 =	simm.s32 @!p0 $0x1BF5;
	p2 =	por !p2, p0  }
0x20: {  	[sflag:s8] =	ssyncset.s32 @!p0 $0xFFFFF086;
	s6 =	sadd.s32 @!p0 s3, s7;
	s7 =	simm.s32 @!p0 $0x108  }
0x21: {  	s3 =	sadd.s32 s3, s9;
	s6 =	sadd.s32 @!p0 $0x88, s6;
	s7 =	simm.s32 @p2 $0x1082  }
0x22: {  	[simem:s7], [sflag:s8] =	dma.local @!p0 [hbm:s6], $0xF7A  }
0x23: {  	s9 =	sor.u32 $0xD0000000, s2;
	s6 =	simm.s32 $0x108;
	_ =	swait.ge @!p0 [sflag:s8], $0x0  }
0x24: {  	s3 =	sadd.s32 $0x88, s3;
	s6 =	simm.s32 @!p1 $0x1082;
	[sflag:s4] =	ssyncset.s32 $0xFFFFF086  }
0x25: {  	[simem:s6], [sflag:s4] =	dma.local [hbm:s3], $0xF7A  }
0x26: {  	[smem:$0x3F92] =	sst s1;
	(tag) =	ssettag s2;
	_ =	strace s9  }
0x27: {  	s1 =	sld [smem:$0x3FA2]  }
0x28: {  	s2 =	sld [smem:$0x3FA3]  }
0x29: {  	s4 =	sld [smem:$0x3FA5]  }
0x2a: {  	p0 =	seq.s32 s5, $0x0;
	s5 =	sld [smem:$0x3FA6]  }
0x2b: {  	s6 =	sld [smem:$0x3FA7]  }
0x2c: {  	s7 =	sld [smem:$0x3FA8]  }
0x2d: {  	s3 =	simm.s32 $0x108;
	s8 =	sld [smem:$0x3FA9]  }
0x2e: {  	s3 =	simm.s32 @!p0 $0x1082;
	s9 =	sld [smem:$0x3FAA]  }
0x2f: {  	lr =	sadd.s32 s0, s3;
	s0 =	sld [smem:$0x3FA1]  }
0x30: {  	s3 =	sld [smem:$0x3FA4]  }
0x31: {  	[smem:$0x3FAD] =	sst s10  }
0x32: {  	s10 =	sld [smem:$0x3FAB];
	_ =	sdelay $0x3  }
0x33: {  	p0 =	seq.s32 s10, $0x1;
	s10 =	sld [smem:$0x3FAD];
	_ =	sdelay $0x3  }
0x34: {  	[smem:$0x3FAD] =	sst s10  }
0x35: {  	s10 =	sld [smem:$0x3FAC];
	_ =	sdelay $0x3  }
0x36: {  	p1 =	seq.s32 s10, $0x1;
	s10 =	sld [smem:$0x3FAD];
	_ =	sdelay $0x3  }
0x37: {  	[smem:$0x3FAD] =	sst s10  }
0x38: {  	s10 =	sld [smem:$0x3FAE]  }
0x39: {  	_ = 	snop;
	(pc) =	sbr.ind lr, $3  }
0x3a: {  	_ = 	snop  }
0x3b: {  	_ = 	snop  }
0x3c: {  	p2 =	seq.s32 s10, $0x1;
	s10 =	sld [smem:$0x3FAD]  }
0x3d: {  	_ =	shalt  }
0x3e: {  	_ =	shalt  }
0x3f: {  	_ =	shalt  }
0x40: {  	_ =	shalt  }
0x41: {  	_ =	shalt  }
0x42: {  	_ =	shalt  }
0x43: {  	_ =	shalt  }
0x44: {  	_ =	shalt  }
0x45: {  	_ =	shalt  }
0x46: {  	_ =	shalt  }
0x47: {  	_ =	shalt  }
0x48: {  	_ =	shalt  }
0x49: {  	_ =	shalt  }
0x4a: {  	_ =	shalt  }
0x4b: {  	_ =	shalt  }
0x4c: {  	_ =	shalt  }
0x4d: {  	_ =	shalt  }
0x4e: {  	_ =	shalt  }
0x4f: {  	_ =	shalt  }
0x50: {  	_ =	shalt  }
0x51: {  	_ =	shalt  }
0x52: {  	_ =	shalt  }
0x53: {  	_ =	shalt  }
0x54: {  	_ =	shalt  }
0x55: {  	_ =	shalt  }
0x56: {  	_ =	shalt  }
0x57: {  	_ =	shalt  }
0x58: {  	_ =	shalt  }
0x59: {  	_ =	shalt  }
0x5a: {  	_ =	shalt  }
0x5b: {  	_ =	shalt  }
0x5c: {  	_ =	shalt  }
0x5d: {  	_ =	shalt  }
0x5e: {  	_ =	shalt  }
0x5f: {  	_ =	shalt  }
0x60: {  	_ =	shalt  }
0x61: {  	_ =	shalt  }
0x62: {  	_ =	shalt  }
0x63: {  	_ =	shalt  }
0x64: {  	_ =	shalt  }
0x65: {  	_ =	shalt  }
0x66: {  	_ =	shalt  }
0x67: {  	_ =	shalt  }
0x68: {  	_ =	shalt  }
0x69: {  	_ =	shalt  }
0x6a: {  	_ =	shalt  }
0x6b: {  	_ =	shalt  }
0x6c: {  	_ =	shalt  }
0x6d: {  	_ =	shalt  }
0x6e: {  	_ =	shalt  }
0x6f: {  	_ =	shalt  }
0x70: {  	_ =	shalt  }
0x71: {  	_ =	shalt  }
0x72: {  	_ =	shalt  }
0x73: {  	_ =	shalt  }
0x74: {  	_ =	shalt  }
0x75: {  	_ =	shalt  }
0x76: {  	_ =	shalt  }
0x77: {  	_ =	shalt  }
0x78: {  	_ =	shalt  }
0x79: {  	_ =	shalt  }
0x7a: {  	_ =	shalt  }
0x7b: {  	_ =	shalt  }
0x7c: {  	_ =	shalt  }
0x7d: {  	_ =	shalt  }
0x7e: {  	_ =	shalt  }
0x7f: {  	_ =	shalt  }
0x80: {  	_ =	shalt  }
0x81: {  	_ =	shalt  }
0x82: {  	_ =	shalt  }
0x83: {  	_ =	shalt  }
0x84: {  	_ =	shalt  }
0x85: {  	_ =	shalt  }
0x86: {  	_ =	shalt  }
0x87: {  	_ =	shalt  }
.Lfunc_end0:
.L_simem_size_0:
called_computation.2_lowered:
.L_overlay_start_0:
0x88: {  	s2 =	sld [smem:$0x3FD9]  }
0x89: {  	s3 =	sld [smem:$0x3FFE];
	_ =	sdelay $0x1  }
0x8a: {  	s1 =	srdreg.scid  }
0x8b: {  	s0 =	sand.u32 $0x1, s1  }
0x8c: {  	s16 =	sshll.u32 s0, $0xA;
	s2 =	sadd.s32 s3, s2  }
0x8d: {  	s2 =	sadd.s32 s2, s16  }
0x8e: {  	[smem:$0x3FB9] =	sst s2  }
0x8f: {  	_ = 	snop  }
0x90: {  	(tm) =	ssettm $0x1  }
0x91: {  	s17 =	sld [smem:$0x3FFB];
	_ =	sdelay $0x3  }
0x92: {  	_ =	strace s17  }
0x93: {  	s2 =	sld [smem:$0x3FFC];
	_ =	sdelay $0x3  }
0x94: {  	_ =	strace s2  }
0x95: {  	s2 =	sld [smem:$0x3FFD];
	_ =	sdelay $0x3  }
0x96: {  	_ =	strace s2  }
0x97: {  	_ =	strace $0x8FFFFFFF  }
0x98: {  	s18 =	sld [smem:$0x3FDB];
	_ =	sdelay $0x1  }
0x99: {  	s19 =	simm.s32 $_scs_section_size  }
0x9a: {  	s4 =	simm.s32 $_size__tile_overlayer_lowered;
	s5 =	simm.s32 $_tile_overlayer_lowered  }
0x9b: {  	s22 =	simm.s32 $0x1BFF;
	s21 =	sshll.u32 s5, $0x1;
	s2 =	sadd.s32 s19, s18  }
0x9c: {  	s6 =	simm.s32 $0x0;
	s20 =	sshll.u32 s4, $0x1;
	s4 =	sadd.s32 s21, s2  }
0x9d: {  	[timem:s6], [sflag:s22] =	dma.local [hbm:s4], s20  }
0x9e: {  	_ =	swait.ge [sflag:s22], s20  }
0x9f: {  	s3 =	ssub.s32 $0x0, s20;
	[sflag:s22] =	ssyncset.done $0x0  }
0xa0: {  	[sflag:s22] =	ssyncadd.s32 s3;
	_ =	sdelay $0x1  }
0xa1: {  	s23 =	simm.s32 $0x1B8B  }
0xa2: {  	_ =	swait.ge [sflag:s23], $0x1  }
0xa3: {  	[sflag:s23] =	ssyncset.done $0x0  }
0xa4: {  	s25 =	simm.s32 $0x1B8E;
	s24 =	sld [smem:$0x3FFE];
	[sflag:s23] =	ssyncadd.s32 $0xFFFFFFFF  }
0xa5: {  	s26 =	simm.s32 $execute0_lowered;
	[smem:$0x3FD2] =	sst s25  }
0xa6: {  	s4 =	sshll.u32 s26, $0x1;
	_ =	strace $0x8000004C;
	[dreg:$0x1] =	wrdreg $0xFFFFFFFF  }
0xa7: {  	s28 =	simm.s32 $_size_execute0_lowered;
	s2 =	sadd.s32 s2, s4;
	[dreg:$0x0] =	wrdreg $0x0  }
0xa8: {  	s4 =	sshll.u32 s28, $0x1;
	[dreg:$0x2] =	wrdreg s2  }
0xa9: {  	[dreg:$0x3] =	wrdreg s4  }
0xaa: {  	[dreg:$0x4] =	wrdreg $0xC0  }
0xab: {  	_ =	task [dreg:s6], $0x5FFFF  }
0xac: {  	[dreg:$0x1] =	wrdreg $0xFFFFFFFF  }
0xad: {  	[dreg:$0x0] =	wrdreg $0x60  }
0xae: {  	[dreg:$0x2] =	wrdreg s24  }
0xaf: {  	[dreg:$0x3] =	wrdreg $0xA8000  }
0xb0: {  	[dreg:$0x4] =	wrdreg $0x9  }
0xb1: {  	_ =	task.clear_ibuf [dreg:s6], $0x5FFFF;
	_ =	strace $0x9000004C  }
0xb2: {  	s29 =	simm.s32 $0x9;
	_ =	strace $0x8000004E  }
0xb3: {  	_ =	swait.ge [sflag:s29], $0x1  }
0xb4: {  	[sflag:s29] =	ssyncadd.s32 $0xFFFFFFFF  }
0xb5: {  	_ =	strace $0x9000004E  }
0xb6: {  	_ =	sfence  }
0xb7: {  	s30 =	sld [smem:$0x0];
	_ =	sdelay $0x2  }
0xb8: {  	s31 =	sshll.u32 s1, $0xD;
	s1 =	sshrl.u32 s1, $0x2  }
0xb9: {  	s3 =	sand.u32 $0x4000, s31;
	s1 =	sadd.s32 s1, s30  }
0xba: {  	s0 =	sor.u32 s3, s0;
	s1 =	sshll.u32 s1, $0x11  }
0xbb: {  	s0 =	sor.u32 s1, s0  }
0xbc: {  	s0 =	sadd.s32 $0x8F2B, s0  }
0xbd: {  	[sflag:s0] =	ssyncadd.remote.s32 $0x1  }
0xbe: {  	_ =	sfence.sel $0xFFFF  }
0xbf: {  	[dreg:$0x0] =	wrdreg $0xFFFFFFFF;
	(pc) =	sbr.abs _section_cstart, $3  }
0xc0: {  	[dreg:$0x1] =	wrdreg $0xFFFFFFFF  }
0xc1: {  	_ =	task.clear_ibuf [dreg:s6], $0x2FFFF;
	_ =	strace $0x9FFFFFFF  }
0xc2: {  	(tm) =	ssettm $0x7FFFFFFF  }
0xc3: {  	_ =	shalt  }
tec
execute0_lowered:
.L_overlay_start_1:
0x0: {  	(tag) =	ssettag $0x1  }
0x1: {  	s0 =	rddreg [dreg:$0x0];
	s1 =	srdreg.scid  }
0x2: {  	s2 =	rddreg [dreg:$0x1];
	s13 =	stileid.u32;
	s3 =	simm.s32 $0x0  }
0x3: {  	s16 =	simm.s32 $0x2800;
	s28 =	simm.s32 $0x8800;
	s29 =	simm.s32 $0x2  }
0x4: {  	s30 =	simm.s32 $0x5;
	s31 =	simm.s32 $0x1600;
	s6 =	smul.u32 $0x1F400, s13  }
0x5: {  	s1 =	sand.u32 $0x1, s1;
	[smem:$0x7FF] =	sst s3;
	s8 =	smul.u32 $0x27200, s13  }
0x6: {  	s4 =	sadd.s32 $0x10600, s0;
	s7 =	sadd.s32 $0xB600, s0;
	s11 =	smul.u32 $0x2800, s13  }
0x7: {  	s9 =	sadd.s32 $0x1600, s0;
	p0 =	sgt.u32 s13, $0x9;
	s5 =	smul.u32 $0x138800, s1  }
0x8: {  	_ =	strace $0x8000004D;
	s17 =	ssub.s32 $0x2, s1;
	s12 =	smul.u32 $0x2710, s1  }
0x9: {  	s10 =	sshrl.u32 s17, $0x1;
	s8 =	sshrl.u32 s8, $0x2;
	s20 =	sshrl.u32 s11, $0x3  }
0xa: {  	s25 =	sshrl.u32 s6, $0x1;
	s5 =	sadd.s32 s6, s5;
	s10 =	ssub.s32 s17, s10  }
0xb: {  	s22 =	sadd.s32 $0x280, s20;
	s11 =	sadd.s32 s7, s20;
	s1 =	sadd.s32 s9, s20  }
0xc: {  	s17 =	simm.s32 $0x9;
	s6 =	simm.s32 $0x6;
	[dreg:$0x7] =	wrdreg s11  }
0xd: {  	v0 =	vmov s12;
	s12 =	simm.s32 $0x8;
	s5 =	sshrl.u32 s5, $0x4;
	[dreg:$0x8] =	wrdreg s1  }
0xe: {  	s23 =	sadd.s32 s7, s22;
	s24 =	sadd.s32 s9, s22;
	s26 =	smax.u32 s10, $0x1  }
0xf: {  	s1 =	simm.s32 $0x100;
	s7 =	simm.s32 $0x1680;
	[dreg:$0x9] =	wrdreg s23  }
0x10: {  	s0 =	sadd.s32 s5, s0;
	s5 =	sadd.s32 s8, s2;
	[dreg:$0xa] =	wrdreg s24  }
0x11: {  	s9 =	simm.s32 $0x180;
	[dreg:$0xc] =	wrdreg s26;
	s18 =	sadd.s32 $0x2000, s5  }
0x12: {  	s10 =	simm.s32 $0x7;
	s19 =	sadd.s32 $0x4000, s5;
	[dreg:$0x3] =	wrdreg s18  }
0x13: {  	s11 =	simm.s32 $0x1700;
	s8 =	sadd.s32 $0x6000, s5;
	[dreg:$0x4] =	wrdreg s19  }
.Ltmp0:
0x14: {  	s21 =	sadd.s32 $0x8000, s5;
	[dreg:$0x5] =	wrdreg s8;
	(pc) =	sbr.rel .LBB2_1-.Ltmp0, $4  }
0x15: {  	s23 =	simm.s32 $0x6800;
	s0 =	sadd.s32 $0x37800, s0;
	[dreg:$0x6] =	wrdreg s21  }
0x16: {  	[dreg:$0xb] =	wrdreg s0;
	s0 =	sadd.s32 s25, s2;
	s18 =	simm.s32 $0x1400  }
0x17: {  	s19 =	simm.s32 $0x80;
	s21 =	simm.s32 $0x4800;
	s25 =	simm.s32 $0x1  }
0x18: {  	v1 =	vimm.bf16 $0.0e+00;
	s8 =	simm.s32 $0x4;
	s24 =	sshrl.u32 @!p0 s0, $0x3;
	s0 =	simm.s32 $0x3  }
.LBB2_13:
0x19: {  	_ =	swait.ge [sflag:s12], $0x2000  }
0x1a: {  	[sflag:s12] =	ssyncset.done $0x0  }
0x1b: {  	s13 =	stileid.u32;
	[sflag:s12] =	ssyncadd.s32 $0xFFFFE000  }
0x1c: {  	s13 =	sshll.u32 @!p0 s13, $0x6;
	[bflag:$0x0] =	sbarrier.arrive $0xFFFF  }
0x1d: {  	s13 =	sor.u32 @!p0 $0x1C09, s13;
	s14 =	rddreg [dreg:$0xb]  }
0x1e: {  	[hbm:s14], [sflag:s13] =	dma.local @!p0 [spmem:s24], $0x1F40  }
0x1f: {  	s13 =	simm.s32 @!p0 $0x9  }
0x20: {  	_ =	swait.ge @!p0 [sflag:s13], $0x1F40  }
0x21: {  	s3 =	sadd.s32 $0x1, s3;
	s26 =	rddreg [dreg:$0xc]  }
0x22: {  	p1 =	sne.s32 s3, s26  }
.Ltmp1:
0x23: {  	_ = 	snop;
	(pc) =	sbr.rel @!p1 .LBB2_14-.Ltmp1, $3  }
0x24: {  	_ =	sdelay $0x1  }
0x25: {  	[sflag:s13] =	ssyncset.done @!p0 $0x0  }
0x26: {  	[sflag:s13] =	ssyncadd.s32 @!p0 $0xFFFFE0C0  }
.LBB2_1:
0x27: {  	s14 =	simm.s32 $0x100;
	s13 =	simm.s32 $0x0  }
.LBB2_2:
0x28: {  	p1 =	sne.s32 s14, $0x7F00;
	[tilespmem:s13+$0x2830] =	vst v1;
	s20 =	smov.u32 s14;
	s14 =	sadd.s32 $0x100, s14  }
.Ltmp2:
0x29: {  	[tilespmem:s13+$0x2820] =	vst v1;
	(pc) =	sbr.rel @p1 .LBB2_2-.Ltmp2, $3  }
0x2a: {  	[tilespmem:s13+$0x2800] =	vst v1  }
0x2b: {  	[tilespmem:s13+$0x2810] =	vst v1;
	_ =	sdelay $0x1  }
0x2c: {  	s13 =	sshra.s32 s20, $0x2  }
0x2d: {  	[tilespmem:s13+$0x2830] =	vst v1  }
0x2e: {  	[tilespmem:s13+$0x2820] =	vst v1  }
0x2f: {  	[tilespmem:s13+$0x2800] =	vst v1  }
0x30: {  	[tilespmem:s13+$0x2810] =	vst v1  }
0x31: {  	[spmem:s5] =	stream.linear.scatter [tilespmem:s16], [sflag:$0x9], $0x2000, $0x38;
	[tilespmem:$0x14480] =	vst v63  }
0x32: {  	_ =	swait.ge [sflag:s17], $0x2000  }
0x33: {  	[sflag:s17] =	ssyncset.done $0x0  }
0x34: {  	s26 =	rddreg [dreg:$0x3];
	[sflag:s17] =	ssyncadd.s32 $0xFFFFE000  }
0x35: {  	[spmem:s26] =	stream.linear.scatter [tilespmem:s16], [sflag:$0x9], $0x2000, $0x38;
	[tilespmem:$0x14480] =	vst v63  }
0x36: {  	_ =	swait.ge [sflag:s17], $0x2000  }
0x37: {  	[sflag:s17] =	ssyncset.done $0x0  }
0x38: {  	s14 =	rddreg [dreg:$0x4];
	[sflag:s17] =	ssyncadd.s32 $0xFFFFE000  }
0x39: {  	[spmem:s14] =	stream.linear.scatter [tilespmem:s16], [sflag:$0x9], $0x2000, $0x38;
	[tilespmem:$0x14480] =	vst v63  }
0x3a: {  	_ =	swait.ge [sflag:s17], $0x2000  }
0x3b: {  	[sflag:s17] =	ssyncset.done $0x0  }
0x3c: {  	s15 =	rddreg [dreg:$0x5];
	[sflag:s17] =	ssyncadd.s32 $0xFFFFE000  }
0x3d: {  	[spmem:s15] =	stream.linear.scatter [tilespmem:s16], [sflag:$0x9], $0x2000, $0x38;
	[tilespmem:$0x14480] =	vst v63  }
0x3e: {  	_ =	swait.ge [sflag:s17], $0x2000  }
0x3f: {  	[sflag:s17] =	ssyncset.done $0x0  }
0x40: {  	s20 =	rddreg [dreg:$0x6];
	[sflag:s17] =	ssyncadd.s32 $0xFFFFE000  }
0x41: {  	[spmem:s20] =	stream.linear.scatter [tilespmem:s16], [sflag:$0x9], $0x1C80, $0x38;
	[tilespmem:$0x14480] =	vst v63  }
0x42: {  	_ =	swait.ge [sflag:s17], $0x1C80  }
0x43: {  	[sflag:s17] =	ssyncset.done $0x0  }
0x44: {  	[sflag:s17] =	ssyncadd.s32 $0xFFFFE380  }
0x45: {  	[bflag:$0x0] =	sbarrier.arrive $0xFFFF  }
0x46: {  	s22 =	simm.s32 $0x0;
	s14 =	rddreg [dreg:$0x7]  }
0x47: {  	[tilespmem:s18], [sflag:$0x9] =	stream.linear.gather [hbm4b:s14+s22], $0x1400, $0x38;
	[tilespmem:$0x14480] =	vst v63  }
0x48: {  	_ =	swait.ge [sflag:s17], $0x1400  }
0x49: {  	[sflag:s17] =	ssyncset.done $0x0  }
0x4a: {  	s26 =	rddreg [dreg:$0x8];
	[sflag:s17] =	ssyncadd.s32 $0xFFFFEC00  }
0x4b: {  	[tilespmem:s22], [sflag:$0x9] =	stream.linear.gather [hbm4b:s26+s22], $0x1400, $0x38;
	[tilespmem:$0x14480] =	vst v63  }
0x4c: {  	_ =	swait.ge [sflag:s17], $0x1400  }
0x4d: {  	[sflag:s17] =	ssyncset.done $0x0  }
0x4e: {  	s13 =	simm.s32 $0x0;
	[sflag:s17] =	ssyncadd.s32 $0xFFFFEC00  }
0x4f: {  	v4 =	vld [tilespmem:s13+$0x1400]  }
0x50: {  	v6 =	vld [tilespmem:s13+$0x1410]  }
0x51: {  	v5 =	vld [tilespmem:s13+$0x1420]  }
0x52: {  	v3 =	vld [tilespmem:s13+$0x1430]  }
0x53: {  	v2 =	vld [tilespmem:s13+$0x1440]  }
0x54: {  	v7 =	vadd.s32 v0, v4;
	v4 =	vld [tilespmem:s13+$0x1450]  }
0x55: {  	s14 =	simm.s32 $0x200;
	[tilespmem:s13+$0x1400] =	vst v7;
	v7 =	vadd.s32 v0, v6;
	v6 =	vld [tilespmem:s13+$0x1460]  }
.LBB2_4:
0x56: {  	s20 =	sshra.s32 s14, $0x2;
	p1 =	sne.s32 s14, $0x4E00;
	[tilespmem:s13+$0x1410] =	vst v7;
	v5 =	vadd.s32 v0, v5;
	v7 =	vld [tilespmem:s13+$0x1470]  }
0x57: {  	v8 =	vld [tilespmem:s20+$0x1400];
	[tilespmem:s13+$0x1420] =	vst v5;
	v3 =	vadd.s32 v0, v3  }
0x58: {  	v9 =	vld [tilespmem:s20+$0x1410];
	[tilespmem:s13+$0x1430] =	vst v3;
	v2 =	vadd.s32 v0, v2  }
.Ltmp3:
0x59: {  	v5 =	vld [tilespmem:s20+$0x1420];
	[tilespmem:s13+$0x1440] =	vst v2;
	v2 =	vadd.s32 v0, v4;
	(pc) =	sbr.rel @p1 .LBB2_4-.Ltmp3, $4  }
0x5a: {  	v3 =	vld [tilespmem:s20+$0x1430];
	[tilespmem:s13+$0x1450] =	vst v2;
	v4 =	vadd.s32 v0, v6  }
0x5b: {  	v2 =	vld [tilespmem:s20+$0x1440];
	[tilespmem:s13+$0x1460] =	vst v4;
	v6 =	vadd.s32 v0, v7  }
0x5c: {  	v7 =	vadd.s32 v0, v8;
	v4 =	vld [tilespmem:s20+$0x1450];
	[tilespmem:s13+$0x1470] =	vst v6;
	s13 =	smov.u32 s20  }
0x5d: {  	s14 =	sadd.s32 $0x200, s14;
	[tilespmem:s13+$0x1400] =	vst v7;
	v7 =	vadd.s32 v0, v9;
	v6 =	vld [tilespmem:s13+$0x1460]  }
0x5e: {  	[tilespmem:s13+$0x1410] =	vst v7;
	v5 =	vadd.s32 v0, v5;
	v63 =	vld [tilespmem:s13+$0x1470]  }
0x5f: {  	[tilespmem:s13+$0x1420] =	vst v5;
	v3 =	vadd.s32 v0, v3  }
0x60: {  	[tilespmem:s13+$0x1430] =	vst v3;
	v2 =	vadd.s32 v0, v2  }
0x61: {  	[tilespmem:s13+$0x1440] =	vst v2;
	v2 =	vadd.s32 v0, v4  }
0x62: {  	[tilespmem:s13+$0x1450] =	vst v2;
	v2 =	vadd.s32 v0, v6  }
0x63: {  	[tilespmem:s13+$0x1460] =	vst v2;
	v2 =	vadd.s32 v0, v63  }
0x64: {  	[tilespmem:s13+$0x1470] =	vst v2  }
0x65: {  	[tilespmem:s16], [sflag:$0x1] =	stream.indirect.gather [hbm4b:s4+s19], $0x40, s18, s19, $0xb8;
	[tilespmem:$0x14480] =	vst v63  }
0x66: {  	s22 =	simm.s32 $0x1480  }
0x67: {  	[tilespmem:s21], [sflag:$0x2] =	stream.indirect.gather [hbm4b:s4+s19], $0x40, s22, s19, $0xb8;
	[tilespmem:$0x14480] =	vst v63  }
0x68: {  	s26 =	simm.s32 $0x1500  }
0x69: {  	[tilespmem:s23], [sflag:$0x3] =	stream.indirect.gather [hbm4b:s4+s19], $0x40, s26, s19, $0xb8;
	[tilespmem:$0x14480] =	vst v63  }
0x6a: {  	_ =	swait.ge [sflag:s25], $0x2000  }
0x6b: {  	[sflag:s25] =	ssyncset.done $0x0  }
0x6c: {  	s13 =	simm.s32 $0x0;
	[sflag:s25] =	ssyncadd.s32 $0xFFFFE000  }
0x6d: {  	[spmem:s2] =	stream.indirect.scatter.add.bf16 [tilespmem:s16], [sflag:$0x5], $0x40, s13, s19, $0xb8;
	[tilespmem:$0x14480] =	vst v63  }
0x6e: {  	s14 =	simm.s32 $0x1580  }
0x6f: {  	[tilespmem:s28], [sflag:$0x4] =	stream.indirect.gather [hbm4b:s4+s19], $0x40, s14, s19, $0xb8;
	[tilespmem:$0x14480] =	vst v63  }
0x70: {  	_ =	swait.ge [sflag:s29], $0x2000  }
0x71: {  	[sflag:s29] =	ssyncset.done $0x0  }
0x72: {  	[sflag:s29] =	ssyncadd.s32 $0xFFFFE000  }
0x73: {  	[spmem:s2] =	stream.indirect.scatter.add.bf16 [tilespmem:s21], [sflag:$0x6], $0x40, s19, s19, $0xb8;
	[tilespmem:$0x14480] =	vst v63  }
0x74: {  	_ =	swait.ge [sflag:s30], $0x2000  }
0x75: {  	[sflag:s30] =	ssyncset.done $0x0  }
0x76: {  	[sflag:s30] =	ssyncadd.s32 $0xFFFFE000  }
0x77: {  	[tilespmem:s16], [sflag:$0x1] =	stream.indirect.gather [hbm4b:s4+s19], $0x40, s31, s19, $0xb8;
	[tilespmem:$0x14480] =	vst v63  }
0x78: {  	_ =	swait.ge [sflag:s0], $0x2000  }
0x79: {  	[sflag:s0] =	ssyncset.done $0x0  }
0x7a: {  	[sflag:s0] =	ssyncadd.s32 $0xFFFFE000  }
0x7b: {  	[spmem:s2] =	stream.indirect.scatter.add.bf16 [tilespmem:s23], [sflag:$0x7], $0x40, s1, s19, $0xb8;
	[tilespmem:$0x14480] =	vst v63  }
0x7c: {  	_ =	swait.ge [sflag:s6], $0x2000  }
0x7d: {  	[sflag:s6] =	ssyncset.done $0x0  }
0x7e: {  	[sflag:s6] =	ssyncadd.s32 $0xFFFFE000  }
0x7f: {  	[tilespmem:s21], [sflag:$0x2] =	stream.indirect.gather [hbm4b:s4+s19], $0x40, s7, s19, $0xb8;
	[tilespmem:$0x14480] =	vst v63  }
0x80: {  	_ =	swait.ge [sflag:s8], $0x2000  }
0x81: {  	[sflag:s8] =	ssyncset.done $0x0  }
0x82: {  	[sflag:s8] =	ssyncadd.s32 $0xFFFFE000  }
0x83: {  	[spmem:s2] =	stream.indirect.scatter.add.bf16 [tilespmem:s28], [sflag:$0x8], $0x40, s9, s19, $0xb8;
	[tilespmem:$0x14480] =	vst v63  }
0x84: {  	_ =	swait.ge [sflag:s10], $0x2000  }
0x85: {  	[sflag:s10] =	ssyncset.done $0x0  }
0x86: {  	[sflag:s10] =	ssyncadd.s32 $0xFFFFE000  }
0x87: {  	[tilespmem:s23], [sflag:$0x3] =	stream.indirect.gather [hbm4b:s4+s19], $0x40, s11, s19, $0xb8;
	[tilespmem:$0x14480] =	vst v63  }
.LBB2_6:
0x88: {  	_ =	swait.ge [sflag:s25], $0x2000  }
0x89: {  	s14 =	sshra.s32 s13, $0x2;
	[sflag:s25] =	ssyncset.done $0x0  }
0x8a: {  	s20 =	sadd.s32 $0x200, s14;
	[sflag:s25] =	ssyncadd.s32 $0xFFFFE000  }
0x8b: {  	[spmem:s2] =	stream.indirect.scatter.add.bf16 [tilespmem:s16], [sflag:$0x5], $0x40, s20, s19, $0xb8;
	[tilespmem:$0x14480] =	vst v63  }
0x8c: {  	_ =	swait.ge [sflag:s12], $0x2000  }
0x8d: {  	[sflag:s12] =	ssyncset.done $0x0  }
0x8e: {  	s15 =	sadd.s32 $0x1780, s14;
	[sflag:s12] =	ssyncadd.s32 $0xFFFFE000  }
0x8f: {  	[tilespmem:s28], [sflag:$0x4] =	stream.indirect.gather [hbm4b:s4+s19], $0x40, s15, s19, $0xb8;
	[tilespmem:$0x14480] =	vst v63  }
0x90: {  	_ =	swait.ge [sflag:s29], $0x2000  }
0x91: {  	[sflag:s29] =	ssyncset.done $0x0  }
0x92: {  	s22 =	sadd.s32 $0x280, s14;
	[sflag:s29] =	ssyncadd.s32 $0xFFFFE000  }
0x93: {  	[spmem:s2] =	stream.indirect.scatter.add.bf16 [tilespmem:s21], [sflag:$0x6], $0x40, s22, s19, $0xb8;
	[tilespmem:$0x14480] =	vst v63  }
0x94: {  	_ =	swait.ge [sflag:s30], $0x2000  }
0x95: {  	p1 =	seq.s32 s13, $0x4000;
	[sflag:s30] =	ssyncset.done $0x0  }
0x96: {  	s20 =	simm.s32 @p1 $0x3;
	[sflag:s30] =	ssyncadd.s32 $0xFFFFE000  }
0x97: {  	_ =	swait.ge @p1 [sflag:s20], $0x2000  }
0x98: {  	[sflag:s20] =	ssyncset.done @p1 $0x0  }
0x99: {  	[sflag:s20] =	ssyncadd.s32 @p1 $0xFFFFE000;
	s20 =	sshra.s32 @p1 s13, $0x2  }
0x9a: {  	s15 =	simm.s32 @p1 $0x80;
	s22 =	simm.s32 @p1 $0x6800;
	s20 =	sadd.s32 @p1 $0x300, s20  }
0x9b: {  	[spmem:s2] =	stream.indirect.scatter.add.bf16 @p1 [tilespmem:s22], [sflag:$0x7], $0x40, s20, s15, $0xb8;
	[tilespmem:$0x14480] =	vst v63  }
0x9c: {  	s15 =	simm.s32 @p1 $0x6  }
0x9d: {  	_ =	swait.ge @p1 [sflag:s15], $0x2000  }
0x9e: {  	[sflag:s15] =	ssyncset.done @p1 $0x0  }
0x9f: {  	[sflag:s15] =	ssyncadd.s32 @p1 $0xFFFFE000;
	s15 =	sshra.s32 @!p1 s13, $0x2  }
0xa0: {  	s26 =	simm.s32 @!p1 $0x2800;
	s22 =	simm.s32 @!p1 $0x80;
	s20 =	sadd.s32 @!p1 $0x1800, s15  }
0xa1: {  	[tilespmem:s26], [sflag:$0x1] =	stream.indirect.gather @!p1 [hbm4b:s4+s22], $0x40, s20, s22, $0xb8;
	[tilespmem:$0x14480] =	vst v63  }
0xa2: {  	s20 =	simm.s32 @!p1 $0x3  }
0xa3: {  	_ =	swait.ge @!p1 [sflag:s20], $0x2000  }
0xa4: {  	[sflag:s20] =	ssyncset.done @!p1 $0x0  }
0xa5: {  	s26 =	simm.s32 @!p1 $0x6800;
	[sflag:s20] =	ssyncadd.s32 @!p1 $0xFFFFE000;
	s20 =	sadd.s32 @!p1 $0x300, s15  }
0xa6: {  	[spmem:s2] =	stream.indirect.scatter.add.bf16 @!p1 [tilespmem:s26], [sflag:$0x7], $0x40, s20, s22, $0xb8;
	[tilespmem:$0x14480] =	vst v63  }
0xa7: {  	s20 =	simm.s32 @!p1 $0x6  }
0xa8: {  	_ =	swait.ge @!p1 [sflag:s20], $0x2000  }
0xa9: {  	[sflag:s20] =	ssyncset.done @!p1 $0x0  }
0xaa: {  	s15 =	sadd.s32 @!p1 $0x1880, s15;
	[sflag:s20] =	ssyncadd.s32 @!p1 $0xFFFFE000;
	s20 =	simm.s32 @!p1 $0x4800  }
0xab: {  	[tilespmem:s20], [sflag:$0x2] =	stream.indirect.gather @!p1 [hbm4b:s4+s22], $0x40, s15, s22, $0xb8;
	[tilespmem:$0x14480] =	vst v63  }
0xac: {  	_ =	swait.ge [sflag:s8], $0x2000  }
0xad: {  	[sflag:s8] =	ssyncset.done $0x0  }
.Ltmp4:
0xae: {  	s26 =	sadd.s32 $0x380, s14;
	[sflag:s8] =	ssyncadd.s32 $0xFFFFE000;
	(pc) =	sbr.rel @p1 .LBB2_8-.Ltmp4, $4  }
0xaf: {  	[spmem:s2] =	stream.indirect.scatter.add.bf16 [tilespmem:s28], [sflag:$0x8], $0x40, s26, s19, $0xb8;
	[tilespmem:$0x14480] =	vst v63  }
0xb0: {  	_ =	swait.ge [sflag:s10], $0x2000  }
0xb1: {  	[sflag:s10] =	ssyncset.done $0x0  }
0xb2: {  	[sflag:s10] =	ssyncadd.s32 $0xFFFFE000  }
.Ltmp5:
0xb3: {  	(pc) =	sbr.rel .LBB2_6-.Ltmp5, $3  }
0xb4: {  	_ =	sdelay $0x1  }
0xb5: {  	s14 =	sadd.s32 $0x1900, s14;
	s13 =	sadd.s32 $0x800, s13  }
0xb6: {  	[tilespmem:s23], [sflag:$0x3] =	stream.indirect.gather [hbm4b:s4+s19], $0x40, s14, s19, $0xb8;
	[tilespmem:$0x14480] =	vst v63  }
.LBB2_8:
0xb7: {  	_ =	swait.ge [sflag:s12], $0x2000  }
0xb8: {  	[sflag:s12] =	ssyncset.done $0x0  }
0xb9: {  	s13 =	simm.s32 $0x0;
	s14 =	rddreg [dreg:$0x9];
	[sflag:s12] =	ssyncadd.s32 $0xFFFFE000  }
0xba: {  	[tilespmem:s18], [sflag:$0x9] =	stream.linear.gather [hbm4b:s14+s13], $0x1400, $0x38;
	[tilespmem:$0x14480] =	vst v63  }
0xbb: {  	_ =	swait.ge [sflag:s17], $0x1400  }
0xbc: {  	[sflag:s17] =	ssyncset.done $0x0  }
0xbd: {  	s26 =	rddreg [dreg:$0xa];
	[sflag:s17] =	ssyncadd.s32 $0xFFFFEC00  }
0xbe: {  	[tilespmem:s13], [sflag:$0x9] =	stream.linear.gather [hbm4b:s26+s13], $0x1400, $0x38;
	[tilespmem:$0x14480] =	vst v63  }
0xbf: {  	_ =	swait.ge [sflag:s17], $0x1400  }
0xc0: {  	[sflag:s17] =	ssyncset.done $0x0  }
0xc1: {  	s13 =	simm.s32 $0x0;
	[sflag:s17] =	ssyncadd.s32 $0xFFFFEC00  }
0xc2: {  	v4 =	vld [tilespmem:s13+$0x1400]  }
0xc3: {  	v6 =	vld [tilespmem:s13+$0x1410]  }
0xc4: {  	v5 =	vld [tilespmem:s13+$0x1420]  }
0xc5: {  	v3 =	vld [tilespmem:s13+$0x1430]  }
0xc6: {  	v2 =	vld [tilespmem:s13+$0x1440]  }
0xc7: {  	v7 =	vadd.s32 v0, v4;
	v4 =	vld [tilespmem:s13+$0x1450]  }
0xc8: {  	s14 =	simm.s32 $0x200;
	[tilespmem:s13+$0x1400] =	vst v7;
	v7 =	vadd.s32 v0, v6;
	v6 =	vld [tilespmem:s13+$0x1460]  }
.LBB2_9:
0xc9: {  	s15 =	sshra.s32 s14, $0x2;
	p1 =	sne.s32 s14, $0x4E00;
	[tilespmem:s13+$0x1410] =	vst v7;
	v5 =	vadd.s32 v0, v5;
	v7 =	vld [tilespmem:s13+$0x1470]  }
0xca: {  	v8 =	vld [tilespmem:s15+$0x1400];
	[tilespmem:s13+$0x1420] =	vst v5;
	v3 =	vadd.s32 v0, v3  }
0xcb: {  	v9 =	vld [tilespmem:s15+$0x1410];
	[tilespmem:s13+$0x1430] =	vst v3;
	v2 =	vadd.s32 v0, v2  }
.Ltmp6:
0xcc: {  	v5 =	vld [tilespmem:s15+$0x1420];
	[tilespmem:s13+$0x1440] =	vst v2;
	v2 =	vadd.s32 v0, v4;
	(pc) =	sbr.rel @p1 .LBB2_9-.Ltmp6, $4  }
0xcd: {  	v3 =	vld [tilespmem:s15+$0x1430];
	[tilespmem:s13+$0x1450] =	vst v2;
	v4 =	vadd.s32 v0, v6  }
0xce: {  	v2 =	vld [tilespmem:s15+$0x1440];
	[tilespmem:s13+$0x1460] =	vst v4;
	v6 =	vadd.s32 v0, v7  }
0xcf: {  	v7 =	vadd.s32 v0, v8;
	v4 =	vld [tilespmem:s15+$0x1450];
	[tilespmem:s13+$0x1470] =	vst v6;
	s13 =	smov.u32 s15  }
0xd0: {  	s14 =	sadd.s32 $0x200, s14;
	[tilespmem:s13+$0x1400] =	vst v7;
	v7 =	vadd.s32 v0, v9;
	v6 =	vld [tilespmem:s13+$0x1460]  }
0xd1: {  	[tilespmem:s13+$0x1410] =	vst v7;
	v5 =	vadd.s32 v0, v5;
	v63 =	vld [tilespmem:s13+$0x1470]  }
0xd2: {  	[tilespmem:s13+$0x1420] =	vst v5;
	v3 =	vadd.s32 v0, v3  }
0xd3: {  	[tilespmem:s13+$0x1430] =	vst v3;
	v2 =	vadd.s32 v0, v2  }
0xd4: {  	[tilespmem:s13+$0x1440] =	vst v2;
	v2 =	vadd.s32 v0, v4  }
0xd5: {  	[tilespmem:s13+$0x1450] =	vst v2;
	v2 =	vadd.s32 v0, v6  }
0xd6: {  	[tilespmem:s13+$0x1460] =	vst v2;
	v2 =	vadd.s32 v0, v63  }
0xd7: {  	[tilespmem:s13+$0x1470] =	vst v2  }
0xd8: {  	[tilespmem:s16], [sflag:$0x1] =	stream.indirect.gather [hbm4b:s4+s19], $0x40, s18, s19, $0xb8;
	[tilespmem:$0x14480] =	vst v63  }
0xd9: {  	s22 =	simm.s32 $0x1480  }
0xda: {  	[tilespmem:s21], [sflag:$0x2] =	stream.indirect.gather [hbm4b:s4+s19], $0x40, s22, s19, $0xb8;
	[tilespmem:$0x14480] =	vst v63  }
0xdb: {  	s26 =	simm.s32 $0x1500  }
0xdc: {  	[tilespmem:s23], [sflag:$0x3] =	stream.indirect.gather [hbm4b:s4+s19], $0x40, s26, s19, $0xb8;
	[tilespmem:$0x14480] =	vst v63  }
0xdd: {  	_ =	swait.ge [sflag:s25], $0x2000  }
0xde: {  	[sflag:s25] =	ssyncset.done $0x0  }
0xdf: {  	s13 =	simm.s32 $0x0;
	[sflag:s25] =	ssyncadd.s32 $0xFFFFE000  }
0xe0: {  	[spmem:s2] =	stream.indirect.scatter.add.bf16 [tilespmem:s16], [sflag:$0x5], $0x40, s13, s19, $0xb8;
	[tilespmem:$0x14480] =	vst v63  }
0xe1: {  	s14 =	simm.s32 $0x1580  }
0xe2: {  	[tilespmem:s28], [sflag:$0x4] =	stream.indirect.gather [hbm4b:s4+s19], $0x40, s14, s19, $0xb8;
	[tilespmem:$0x14480] =	vst v63  }
0xe3: {  	_ =	swait.ge [sflag:s29], $0x2000  }
0xe4: {  	[sflag:s29] =	ssyncset.done $0x0  }
0xe5: {  	[sflag:s29] =	ssyncadd.s32 $0xFFFFE000  }
0xe6: {  	[spmem:s2] =	stream.indirect.scatter.add.bf16 [tilespmem:s21], [sflag:$0x6], $0x40, s19, s19, $0xb8;
	[tilespmem:$0x14480] =	vst v63  }
0xe7: {  	_ =	swait.ge [sflag:s30], $0x2000  }
0xe8: {  	[sflag:s30] =	ssyncset.done $0x0  }
0xe9: {  	[sflag:s30] =	ssyncadd.s32 $0xFFFFE000  }
0xea: {  	[tilespmem:s16], [sflag:$0x1] =	stream.indirect.gather [hbm4b:s4+s19], $0x40, s31, s19, $0xb8;
	[tilespmem:$0x14480] =	vst v63  }
0xeb: {  	_ =	swait.ge [sflag:s0], $0x2000  }
0xec: {  	[sflag:s0] =	ssyncset.done $0x0  }
0xed: {  	[sflag:s0] =	ssyncadd.s32 $0xFFFFE000  }
0xee: {  	[spmem:s2] =	stream.indirect.scatter.add.bf16 [tilespmem:s23], [sflag:$0x7], $0x40, s1, s19, $0xb8;
	[tilespmem:$0x14480] =	vst v63  }
0xef: {  	_ =	swait.ge [sflag:s6], $0x2000  }
0xf0: {  	[sflag:s6] =	ssyncset.done $0x0  }
0xf1: {  	[sflag:s6] =	ssyncadd.s32 $0xFFFFE000  }
0xf2: {  	[tilespmem:s21], [sflag:$0x2] =	stream.indirect.gather [hbm4b:s4+s19], $0x40, s7, s19, $0xb8;
	[tilespmem:$0x14480] =	vst v63  }
0xf3: {  	_ =	swait.ge [sflag:s8], $0x2000  }
0xf4: {  	[sflag:s8] =	ssyncset.done $0x0  }
0xf5: {  	[sflag:s8] =	ssyncadd.s32 $0xFFFFE000  }
0xf6: {  	[spmem:s2] =	stream.indirect.scatter.add.bf16 [tilespmem:s28], [sflag:$0x8], $0x40, s9, s19, $0xb8;
	[tilespmem:$0x14480] =	vst v63  }
0xf7: {  	_ =	swait.ge [sflag:s10], $0x2000  }
0xf8: {  	[sflag:s10] =	ssyncset.done $0x0  }
0xf9: {  	[sflag:s10] =	ssyncadd.s32 $0xFFFFE000  }
0xfa: {  	[tilespmem:s23], [sflag:$0x3] =	stream.indirect.gather [hbm4b:s4+s19], $0x40, s11, s19, $0xb8;
	[tilespmem:$0x14480] =	vst v63  }
.LBB2_11:
0xfb: {  	_ =	swait.ge [sflag:s25], $0x2000  }
0xfc: {  	s14 =	sshra.s32 s13, $0x2;
	[sflag:s25] =	ssyncset.done $0x0  }
0xfd: {  	s15 =	sadd.s32 $0x200, s14;
	[sflag:s25] =	ssyncadd.s32 $0xFFFFE000  }
0xfe: {  	[spmem:s2] =	stream.indirect.scatter.add.bf16 [tilespmem:s16], [sflag:$0x5], $0x40, s15, s19, $0xb8;
	[tilespmem:$0x14480] =	vst v63  }
0xff: {  	_ =	swait.ge [sflag:s12], $0x2000  }
0x100: {  	[sflag:s12] =	ssyncset.done $0x0  }
0x101: {  	s20 =	sadd.s32 $0x1780, s14;
	[sflag:s12] =	ssyncadd.s32 $0xFFFFE000  }
0x102: {  	[tilespmem:s28], [sflag:$0x4] =	stream.indirect.gather [hbm4b:s4+s19], $0x40, s20, s19, $0xb8;
	[tilespmem:$0x14480] =	vst v63  }
0x103: {  	_ =	swait.ge [sflag:s29], $0x2000  }
0x104: {  	[sflag:s29] =	ssyncset.done $0x0  }
0x105: {  	s22 =	sadd.s32 $0x280, s14;
	[sflag:s29] =	ssyncadd.s32 $0xFFFFE000  }
0x106: {  	[spmem:s2] =	stream.indirect.scatter.add.bf16 [tilespmem:s21], [sflag:$0x6], $0x40, s22, s19, $0xb8;
	[tilespmem:$0x14480] =	vst v63  }
0x107: {  	_ =	swait.ge [sflag:s30], $0x2000  }
0x108: {  	p1 =	seq.s32 s13, $0x4000;
	[sflag:s30] =	ssyncset.done $0x0  }
0x109: {  	s15 =	simm.s32 @p1 $0x3;
	[sflag:s30] =	ssyncadd.s32 $0xFFFFE000  }
0x10a: {  	_ =	swait.ge @p1 [sflag:s15], $0x2000  }
0x10b: {  	[sflag:s15] =	ssyncset.done @p1 $0x0  }
0x10c: {  	[sflag:s15] =	ssyncadd.s32 @p1 $0xFFFFE000;
	s15 =	sshra.s32 @p1 s13, $0x2  }
0x10d: {  	s20 =	simm.s32 @p1 $0x80;
	s22 =	simm.s32 @p1 $0x6800;
	s15 =	sadd.s32 @p1 $0x300, s15  }
0x10e: {  	[spmem:s2] =	stream.indirect.scatter.add.bf16 @p1 [tilespmem:s22], [sflag:$0x7], $0x40, s15, s20, $0xb8;
	[tilespmem:$0x14480] =	vst v63  }
0x10f: {  	s15 =	simm.s32 @p1 $0x6  }
0x110: {  	_ =	swait.ge @p1 [sflag:s15], $0x2000  }
0x111: {  	[sflag:s15] =	ssyncset.done @p1 $0x0  }
0x112: {  	[sflag:s15] =	ssyncadd.s32 @p1 $0xFFFFE000;
	s15 =	sshra.s32 @!p1 s13, $0x2  }
0x113: {  	s26 =	simm.s32 @!p1 $0x2800;
	s22 =	simm.s32 @!p1 $0x80;
	s20 =	sadd.s32 @!p1 $0x1800, s15  }
0x114: {  	[tilespmem:s26], [sflag:$0x1] =	stream.indirect.gather @!p1 [hbm4b:s4+s22], $0x40, s20, s22, $0xb8;
	[tilespmem:$0x14480] =	vst v63  }
0x115: {  	s20 =	simm.s32 @!p1 $0x3  }
0x116: {  	_ =	swait.ge @!p1 [sflag:s20], $0x2000  }
0x117: {  	[sflag:s20] =	ssyncset.done @!p1 $0x0  }
0x118: {  	s26 =	simm.s32 @!p1 $0x6800;
	[sflag:s20] =	ssyncadd.s32 @!p1 $0xFFFFE000;
	s20 =	sadd.s32 @!p1 $0x300, s15  }
0x119: {  	[spmem:s2] =	stream.indirect.scatter.add.bf16 @!p1 [tilespmem:s26], [sflag:$0x7], $0x40, s20, s22, $0xb8;
	[tilespmem:$0x14480] =	vst v63  }
0x11a: {  	s20 =	simm.s32 @!p1 $0x6  }
0x11b: {  	_ =	swait.ge @!p1 [sflag:s20], $0x2000  }
0x11c: {  	[sflag:s20] =	ssyncset.done @!p1 $0x0  }
0x11d: {  	s15 =	sadd.s32 @!p1 $0x1880, s15;
	[sflag:s20] =	ssyncadd.s32 @!p1 $0xFFFFE000;
	s20 =	simm.s32 @!p1 $0x4800  }
0x11e: {  	[tilespmem:s20], [sflag:$0x2] =	stream.indirect.gather @!p1 [hbm4b:s4+s22], $0x40, s15, s22, $0xb8;
	[tilespmem:$0x14480] =	vst v63  }
0x11f: {  	_ =	swait.ge [sflag:s8], $0x2000  }
0x120: {  	[sflag:s8] =	ssyncset.done $0x0  }
.Ltmp7:
0x121: {  	s26 =	sadd.s32 $0x380, s14;
	[sflag:s8] =	ssyncadd.s32 $0xFFFFE000;
	(pc) =	sbr.rel @p1 .LBB2_13-.Ltmp7, $4  }
0x122: {  	[spmem:s2] =	stream.indirect.scatter.add.bf16 [tilespmem:s28], [sflag:$0x8], $0x40, s26, s19, $0xb8;
	[tilespmem:$0x14480] =	vst v63  }
0x123: {  	_ =	swait.ge [sflag:s10], $0x2000  }
0x124: {  	[sflag:s10] =	ssyncset.done $0x0  }
0x125: {  	[sflag:s10] =	ssyncadd.s32 $0xFFFFE000  }
.Ltmp8:
0x126: {  	(pc) =	sbr.rel .LBB2_11-.Ltmp8, $3  }
0x127: {  	_ =	sdelay $0x1  }
0x128: {  	s14 =	sadd.s32 $0x1900, s14;
	s13 =	sadd.s32 $0x800, s13  }
0x129: {  	[tilespmem:s23], [sflag:$0x3] =	stream.indirect.gather [hbm4b:s4+s19], $0x40, s14, s19, $0xb8;
	[tilespmem:$0x14480] =	vst v63  }
.LBB2_14:
0x12a: {  	_ =	sfence.sel $0x180000  }
0x12b: {  	[bflag:$0x0] =	sbarrier.arrive $0xFFFF  }
0x12c: {  	_ =	strace $0x9000004D  }
0x12d: {  	s0 =	stileid.u32;
	[bflag:$0x2] =	sbarrier.arrive $0xFFFF  }
0x12e: {  	p0 =	sne.s32 s0, $0x0;
	s0 =	rddreg [dreg:$0x2]  }
0x12f: {  	s0 =	sadd.s32 @!p0 $0x100000, s0  }
0x130: {  	[sflag:s0] =	ssyncadd.tile.s32 @!p0 $0x1;
	_ =	shalt  }
.Lfunc_end2:
_tile_overlayer_lowered:
.L_overlay_start_2:
0x131: {  	(tag) =	ssettag $0x2  }
0x132: {  	s0 =	rddreg [dreg:$0x0];
	s2 =	stileid.u32  }
0x133: {  	s1 =	rddreg [dreg:$0x1];
	p0 =	sne.s32 s2, $0x0  }
0x134: {  	s3 =	rddreg [dreg:$0x2];
	[bflag:$0x3] =	sbarrier.arrive $0xFFFF;
	s2 =	simm.s32 @!p0 $0x1C09  }
0x135: {  	[timem:s3], [sflag:s2] =	dma.local @!p0 [hbm:s0], s1  }
0x136: {  	s0 =	simm.s32 @!p0 $0x9  }
0x137: {  	_ =	swait.ge @!p0 [sflag:s0], s1  }
0x138: {  	s1 =	ssub.s32 @!p0 $0x0, s1;
	[sflag:s0] =	ssyncset.done @!p0 $0x0  }
0x139: {  	[sflag:s0] =	ssyncadd.s32 @!p0 s1  }
0x13a: {  	[bflag:$0x3] =	sbarrier.arrive $0xFFFF  }
0x13b: {  	_ =	shalt  }

// kernel: kernel.8.cloned.1.call-start
scs
__scs_entry_jumppad:
0x0: {  	(pc) =	sbr.rel $0x88, $3  }
0x1: {  	(tag) =	ssettag $0x0;
	lr =	simm.s32 $0x1  }
0x2: {  	[smem:$0x3F92] =	sst lr;
	_ =	strace $0xD0000000  }
0x3: {  	_ = 	snop  }
0x4: {  	_ = 	snop  }
0x5: {  	_ = 	snop  }
0x6: {  	_ = 	snop  }
0x7: {  	_ = 	snop  }
__scs_overlays_trampoline_lowered:
0x8: {  	[smem:$0x3FA1] =	sst s0  }
0x9: {  	[smem:$0x3FA2] =	sst s1  }
0xa: {  	[smem:$0x3FA3] =	sst s2  }
0xb: {  	[smem:$0x3FA4] =	sst s3  }
0xc: {  	[smem:$0x3FA5] =	sst s4  }
0xd: {  	[smem:$0x3FA6] =	sst s5  }
0xe: {  	[smem:$0x3FA7] =	sst s6  }
0xf: {  	[smem:$0x3FA8] =	sst s7  }
0x10: {  	[smem:$0x3FA9] =	sst s8  }
0x11: {  	[smem:$0x3FAA] =	sst s9;
	s0 =	simm.s32 @!p0 $0x0  }
0x12: {  	s1 =	sld [smem:$0x3F90];
	s0 =	simm.s32 @p0 $0x1  }
0x13: {  	[smem:$0x3FAB] =	sst s0;
	s0 =	simm.s32 @!p1 $0x0  }
0x14: {  	s2 =	sld [smem:$0x3F8F];
	s0 =	simm.s32 @p1 $0x1  }
0x15: {  	[smem:$0x3FAC] =	sst s0;
	s0 =	simm.s32 @!p2 $0x0  }
0x16: {  	s3 =	sld [smem:$0x3FDB];
	s0 =	simm.s32 @p2 $0x1  }
0x17: {  	s4 =	simm.s32 $0x1BF5;
	[smem:$0x3FAE] =	sst s0  }
0x18: {  	s0 =	sld [smem:$0x3F91];
	_ =	swait.ge [sflag:s4], $0x0  }
0x19: {  	s7 =	sld [smem:$0x3F92]  }
0x1a: {  	s8 =	sadd.s32 $0xFFFFE003, lr  }
0x1b: {  	s9 =	sadd.s32 $0xFFFFFEF7, lr;
	s5 =	simm.s32 $0xFFFFFFFF;
	p2 =	slt.u32 s8, $0xFFFFF086  }
0x1c: {  	p1 =	slt.u32 s9, $0xF7A;
	s5 =	simm.s32 @!p2 $0x0  }
0x1d: {  	s5 =	simm.s32 @p1 $0x1;
	p0 =	seq.s32 s7, s2  }
0x1e: {  	s7 =	smul.u32 @!p0 $0xF7A, s2;
	p2 =	seq.s32 @!p0 s5, $0x0  }
0x1f: {  	s9 =	smul.u32 $0xF7A, s1;
	s8 =	simm.s32 @!p0 $0x1BF5;
	p2 =	por !p2, p0  }
0x20: {  	[sflag:s8] =	ssyncset.s32 @!p0 $0xFFFFF086;
	s6 =	sadd.s32 @!p0 s3, s7;
	s7 =	simm.s32 @!p0 $0x108  }
0x21: {  	s3 =	sadd.s32 s3, s9;
	s6 =	sadd.s32 @!p0 $0x88, s6;
	s7 =	simm.s32 @p2 $0x1082  }
0x22: {  	[simem:s7], [sflag:s8] =	dma.local @!p0 [hbm:s6], $0xF7A  }
0x23: {  	s9 =	sor.u32 $0xD0000000, s2;
	s6 =	simm.s32 $0x108;
	_ =	swait.ge @!p0 [sflag:s8], $0x0  }
0x24: {  	s3 =	sadd.s32 $0x88, s3;
	s6 =	simm.s32 @!p1 $0x1082;
	[sflag:s4] =	ssyncset.s32 $0xFFFFF086  }
0x25: {  	[simem:s6], [sflag:s4] =	dma.local [hbm:s3], $0xF7A  }
0x26: {  	[smem:$0x3F92] =	sst s1;
	(tag) =	ssettag s2;
	_ =	strace s9  }
0x27: {  	s1 =	sld [smem:$0x3FA2]  }
0x28: {  	s2 =	sld [smem:$0x3FA3]  }
0x29: {  	s4 =	sld [smem:$0x3FA5]  }
0x2a: {  	p0 =	seq.s32 s5, $0x0;
	s5 =	sld [smem:$0x3FA6]  }
0x2b: {  	s6 =	sld [smem:$0x3FA7]  }
0x2c: {  	s7 =	sld [smem:$0x3FA8]  }
0x2d: {  	s3 =	simm.s32 $0x108;
	s8 =	sld [smem:$0x3FA9]  }
0x2e: {  	s3 =	simm.s32 @!p0 $0x1082;
	s9 =	sld [smem:$0x3FAA]  }
0x2f: {  	lr =	sadd.s32 s0, s3;
	s0 =	sld [smem:$0x3FA1]  }
0x30: {  	s3 =	sld [smem:$0x3FA4]  }
0x31: {  	[smem:$0x3FAD] =	sst s10  }
0x32: {  	s10 =	sld [smem:$0x3FAB];
	_ =	sdelay $0x3  }
0x33: {  	p0 =	seq.s32 s10, $0x1;
	s10 =	sld [smem:$0x3FAD];
	_ =	sdelay $0x3  }
0x34: {  	[smem:$0x3FAD] =	sst s10  }
0x35: {  	s10 =	sld [smem:$0x3FAC];
	_ =	sdelay $0x3  }
0x36: {  	p1 =	seq.s32 s10, $0x1;
	s10 =	sld [smem:$0x3FAD];
	_ =	sdelay $0x3  }
0x37: {  	[smem:$0x3FAD] =	sst s10  }
0x38: {  	s10 =	sld [smem:$0x3FAE]  }
0x39: {  	_ = 	snop;
	(pc) =	sbr.ind lr, $3  }
0x3a: {  	_ = 	snop  }
0x3b: {  	_ = 	snop  }
0x3c: {  	p2 =	seq.s32 s10, $0x1;
	s10 =	sld [smem:$0x3FAD]  }
0x3d: {  	_ =	shalt  }
0x3e: {  	_ =	shalt  }
0x3f: {  	_ =	shalt  }
0x40: {  	_ =	shalt  }
0x41: {  	_ =	shalt  }
0x42: {  	_ =	shalt  }
0x43: {  	_ =	shalt  }
0x44: {  	_ =	shalt  }
0x45: {  	_ =	shalt  }
0x46: {  	_ =	shalt  }
0x47: {  	_ =	shalt  }
0x48: {  	_ =	shalt  }
0x49: {  	_ =	shalt  }
0x4a: {  	_ =	shalt  }
0x4b: {  	_ =	shalt  }
0x4c: {  	_ =	shalt  }
0x4d: {  	_ =	shalt  }
0x4e: {  	_ =	shalt  }
0x4f: {  	_ =	shalt  }
0x50: {  	_ =	shalt  }
0x51: {  	_ =	shalt  }
0x52: {  	_ =	shalt  }
0x53: {  	_ =	shalt  }
0x54: {  	_ =	shalt  }
0x55: {  	_ =	shalt  }
0x56: {  	_ =	shalt  }
0x57: {  	_ =	shalt  }
0x58: {  	_ =	shalt  }
0x59: {  	_ =	shalt  }
0x5a: {  	_ =	shalt  }
0x5b: {  	_ =	shalt  }
0x5c: {  	_ =	shalt  }
0x5d: {  	_ =	shalt  }
0x5e: {  	_ =	shalt  }
0x5f: {  	_ =	shalt  }
0x60: {  	_ =	shalt  }
0x61: {  	_ =	shalt  }
0x62: {  	_ =	shalt  }
0x63: {  	_ =	shalt  }
0x64: {  	_ =	shalt  }
0x65: {  	_ =	shalt  }
0x66: {  	_ =	shalt  }
0x67: {  	_ =	shalt  }
0x68: {  	_ =	shalt  }
0x69: {  	_ =	shalt  }
0x6a: {  	_ =	shalt  }
0x6b: {  	_ =	shalt  }
0x6c: {  	_ =	shalt  }
0x6d: {  	_ =	shalt  }
0x6e: {  	_ =	shalt  }
0x6f: {  	_ =	shalt  }
0x70: {  	_ =	shalt  }
0x71: {  	_ =	shalt  }
0x72: {  	_ =	shalt  }
0x73: {  	_ =	shalt  }
0x74: {  	_ =	shalt  }
0x75: {  	_ =	shalt  }
0x76: {  	_ =	shalt  }
0x77: {  	_ =	shalt  }
0x78: {  	_ =	shalt  }
0x79: {  	_ =	shalt  }
0x7a: {  	_ =	shalt  }
0x7b: {  	_ =	shalt  }
0x7c: {  	_ =	shalt  }
0x7d: {  	_ =	shalt  }
0x7e: {  	_ =	shalt  }
0x7f: {  	_ =	shalt  }
0x80: {  	_ =	shalt  }
0x81: {  	_ =	shalt  }
0x82: {  	_ =	shalt  }
0x83: {  	_ =	shalt  }
0x84: {  	_ =	shalt  }
0x85: {  	_ =	shalt  }
0x86: {  	_ =	shalt  }
0x87: {  	_ =	shalt  }
.Lfunc_end0:
.L_simem_size_0:
called_computation_lowered:
.L_overlay_start_0:
0x88: {  	s2 =	sld [smem:$0x3FD9]  }
0x89: {  	s3 =	sld [smem:$0x3FFE];
	_ =	sdelay $0x1  }
0x8a: {  	s1 =	srdreg.scid  }
0x8b: {  	s0 =	sand.u32 $0x1, s1  }
0x8c: {  	s16 =	sshll.u32 s0, $0xA;
	s2 =	sadd.s32 s3, s2  }
0x8d: {  	s2 =	sadd.s32 s2, s16  }
0x8e: {  	[smem:$0x3FB9] =	sst s2  }
0x8f: {  	_ = 	snop  }
0x90: {  	(tm) =	ssettm $0x1  }
0x91: {  	s17 =	sld [smem:$0x3FFB];
	_ =	sdelay $0x3  }
0x92: {  	_ =	strace s17  }
0x93: {  	s2 =	sld [smem:$0x3FFC];
	_ =	sdelay $0x3  }
0x94: {  	_ =	strace s2  }
0x95: {  	s2 =	sld [smem:$0x3FFD];
	_ =	sdelay $0x3  }
0x96: {  	_ =	strace s2  }
0x97: {  	_ =	strace $0x8FFFFFFF  }
0x98: {  	s18 =	sld [smem:$0x3FDB];
	_ =	sdelay $0x1  }
0x99: {  	s19 =	simm.s32 $_scs_section_size  }
0x9a: {  	s4 =	simm.s32 $_size__tile_overlayer_lowered;
	s5 =	simm.s32 $_tile_overlayer_lowered  }
0x9b: {  	s22 =	simm.s32 $0x1BFF;
	s21 =	sshll.u32 s5, $0x1;
	s2 =	sadd.s32 s19, s18  }
0x9c: {  	s6 =	simm.s32 $0x0;
	s20 =	sshll.u32 s4, $0x1;
	s4 =	sadd.s32 s21, s2  }
0x9d: {  	[timem:s6], [sflag:s22] =	dma.local [hbm:s4], s20  }
0x9e: {  	_ =	swait.ge [sflag:s22], s20  }
0x9f: {  	s3 =	ssub.s32 $0x0, s20;
	[sflag:s22] =	ssyncset.done $0x0  }
0xa0: {  	[sflag:s22] =	ssyncadd.s32 s3;
	_ =	sdelay $0x1  }
0xa1: {  	s23 =	simm.s32 $0x1B8B  }
0xa2: {  	_ =	swait.ge [sflag:s23], $0x1  }
0xa3: {  	[sflag:s23] =	ssyncset.done $0x0  }
0xa4: {  	s25 =	simm.s32 $0x1B8E;
	s24 =	sld [smem:$0x3FFE];
	[sflag:s23] =	ssyncadd.s32 $0xFFFFFFFF  }
0xa5: {  	s26 =	simm.s32 $execute0_lowered;
	[smem:$0x3FD2] =	sst s25  }
0xa6: {  	s4 =	sshll.u32 s26, $0x1;
	_ =	strace $0x80000046;
	[dreg:$0x1] =	wrdreg $0xFFFFFFFF  }
0xa7: {  	s28 =	simm.s32 $_size_execute0_lowered;
	s2 =	sadd.s32 s2, s4;
	[dreg:$0x0] =	wrdreg $0x0  }
0xa8: {  	s4 =	sshll.u32 s28, $0x1;
	[dreg:$0x2] =	wrdreg s2  }
0xa9: {  	[dreg:$0x3] =	wrdreg s4  }
0xaa: {  	[dreg:$0x4] =	wrdreg $0xC0  }
0xab: {  	_ =	task [dreg:s6], $0x5FFFF  }
0xac: {  	[dreg:$0x1] =	wrdreg $0xFFFFFFFF  }
0xad: {  	[dreg:$0x0] =	wrdreg $0x60  }
0xae: {  	[dreg:$0x2] =	wrdreg s24  }
0xaf: {  	[dreg:$0x3] =	wrdreg $0x57200  }
0xb0: {  	[dreg:$0x4] =	wrdreg $0x9  }
0xb1: {  	_ =	task.clear_ibuf [dreg:s6], $0x5FFFF;
	_ =	strace $0x90000046  }
0xb2: {  	s29 =	simm.s32 $0x9;
	_ =	strace $0x80000048  }
0xb3: {  	_ =	swait.ge [sflag:s29], $0x1  }
0xb4: {  	[sflag:s29] =	ssyncadd.s32 $0xFFFFFFFF  }
0xb5: {  	_ =	strace $0x90000048  }
0xb6: {  	_ =	sfence  }
0xb7: {  	s30 =	sld [smem:$0x0];
	_ =	sdelay $0x2  }
0xb8: {  	s31 =	sshll.u32 s1, $0xD;
	s1 =	sshrl.u32 s1, $0x2  }
0xb9: {  	s3 =	sand.u32 $0x4000, s31;
	s1 =	sadd.s32 s1, s30  }
0xba: {  	s0 =	sor.u32 s3, s0;
	s1 =	sshll.u32 s1, $0x11  }
0xbb: {  	s0 =	sor.u32 s1, s0  }
0xbc: {  	s0 =	sadd.s32 $0x8F2B, s0  }
0xbd: {  	[sflag:s0] =	ssyncadd.remote.s32 $0x1  }
0xbe: {  	_ =	sfence.sel $0xFFFF  }
0xbf: {  	[dreg:$0x0] =	wrdreg $0xFFFFFFFF;
	(pc) =	sbr.abs _section_cstart, $3  }
0xc0: {  	[dreg:$0x1] =	wrdreg $0xFFFFFFFF  }
0xc1: {  	_ =	task.clear_ibuf [dreg:s6], $0x2FFFF;
	_ =	strace $0x9FFFFFFF  }
0xc2: {  	(tm) =	ssettm $0x7FFFFFFF  }
0xc3: {  	_ =	shalt  }
tec
execute0_lowered:
.L_overlay_start_1:
0x0: {  	(tag) =	ssettag $0x1  }
0x1: {  	s4 =	rddreg [dreg:$0x0]  }
0x2: {  	s2 =	rddreg [dreg:$0x1]  }
0x3: {  	s1 =	stileid.u32;
	s0 =	rddreg [dreg:$0x2]  }
0x4: {  	s3 =	simm.s32 $0x0;
	s6 =	srdreg.scid;
	s11 =	simm.s32 $0x2800  }
0x5: {  	s12 =	simm.s32 $0x100;
	s13 =	simm.s32 $0x180;
	s14 =	simm.s32 $0x200  }
0x6: {  	s15 =	simm.s32 $0x280;
	s16 =	simm.s32 $0x300;
	s17 =	simm.s32 $0x380  }
0x7: {  	s18 =	simm.s32 $0x1;
	s21 =	simm.s32 $0x0;
	s5 =	smul.u32 $0x500, s1  }
0x8: {  	[smem:$0x7FF] =	sst s3;
	s7 =	smul.u32 $0x3E80, s1;
	s6 =	sand.u32 $0x1, s6  }
0x9: {  	s9 =	smul.u32 $0x9C80, s1;
	p1 =	slt.u32 s1, $0xA;
	_ =	strace $0x80000047  }
0xa: {  	s30 =	ssub.s32 $0x2, s6;
	p0 =	seq.s32 s6, $0x0;
	s5 =	sadd.s32 s5, s4  }
0xb: {  	s8 =	sshrl.u32 s7, $0x3;
	s10 =	sshrl.u32 s30, $0x1;
	s31 =	sshrl.u32 s9, $0x2  }
0xc: {  	p0 =	por !p0, !p1;
	s20 =	sadd.s32 s7, s2;
	s9 =	simm.s32 $0x3000  }
0xd: {  	s8 =	sadd.s32 s8, s4;
	s10 =	ssub.s32 s30, s10;
	s4 =	sadd.s32 $0x1600, s5  }
0xe: {  	s5 =	sadd.s32 s31, s2;
	p0 =	por !p0, !p0;
	s6 =	sadd.s32 $0x6600, s8  }
0xf: {  	s7 =	smax.u32 s10, $0x1;
	s8 =	simm.s32 $0x2;
	s19 =	sshll.u32 @p0 s1, $0x6  }
0x10: {  	v0 =	vimm.f32 $1.000000000e+00;
	v1 =	vimm.f32 $0.0e+00;
	s10 =	simm.s32 $0x80;
	s20 =	sshrl.u32 @p0 s20, $0x3;
	s19 =	sor.u32 @p0 $0x1C02, s19  }
.LBB2_1:
0x11: {  	[tilespmem:s3], [sflag:$0x2] =	stream.linear.gather [hbm4b:s4+s3], $0x2800, $0x38;
	[tilespmem:$0x7E40] =	vst v63  }
0x12: {  	_ =	swait.ge [sflag:s8], $0x2800  }
0x13: {  	[sflag:s8] =	ssyncset.done $0x0  }
0x14: {  	s22 =	simm.s32 $0x0;
	[sflag:s8] =	ssyncadd.s32 $0xFFFFD800  }
.LBB2_2:
0x15: {  	p1 =	sne.s32 s22, $0x1FC0  }
.Ltmp0:
0x16: {  	_ = 	snop;
	(pc) =	sbr.rel @p1 .LBB2_2-.Ltmp0, $3  }
0x17: {  	_ =	sdelay $0x1  }
0x18: {  	s23 =	sshra.s32 s22, $0x2  }
0x19: {  	s22 =	sadd.s32 $0x40, s22;
	[tilespmem:s23+$0x2800] =	vst v0  }
0x1a: {  	s22 =	simm.s32 $0x40;
	s23 =	simm.s32 $0x0  }
.LBB2_4:
0x1b: {  	p1 =	sne.s32 s22, $0x9C40;
	[tilespmem:s23+$0x3000] =	vst v1;
	s23 =	smov.u32 s22;
	s22 =	sadd.s32 $0x40, s22  }
.Ltmp1:
0x1c: {  	(pc) =	sbr.rel @p1 .LBB2_4-.Ltmp1, $2  }
0x1d: {  	_ =	sdelay $0x2  }
0x1e: {  	s23 =	sshra.s32 s23, $0x2  }
0x1f: {  	[tilespmem:s23+$0x3000] =	vst v1  }
0x20: {  	[spmem:s5] =	stream.linear.scatter [tilespmem:s9], [sflag:$0x2], $0x2720, $0x38;
	[tilespmem:$0x7E40] =	vst v63  }
0x21: {  	_ =	swait.ge [sflag:s8], $0x2720  }
0x22: {  	[sflag:s8] =	ssyncset.done $0x0  }
0x23: {  	[sflag:s8] =	ssyncadd.s32 $0xFFFFD8E0  }
0x24: {  	s22 =	simm.s32 $0x0;
	[bflag:$0x0] =	sbarrier.arrive $0xFFFF  }
0x25: {  	[spmem:s2] =	stream.indirect.scatter.add.f32 [tilespmem:s11], [sflag:$0x1], $0x10, s22, s10, $0xb8;
	[tilespmem:$0x7E40] =	vst v63  }
0x26: {  	_ = 	snop  }
0x27: {  	[spmem:s2] =	stream.indirect.scatter.add.f32 [tilespmem:s11], [sflag:$0x1], $0x10, s10, s10, $0xb8;
	[tilespmem:$0x7E40] =	vst v63  }
0x28: {  	_ = 	snop  }
0x29: {  	[spmem:s2] =	stream.indirect.scatter.add.f32 [tilespmem:s11], [sflag:$0x1], $0x10, s12, s10, $0xb8;
	[tilespmem:$0x7E40] =	vst v63  }
0x2a: {  	_ = 	snop  }
0x2b: {  	[spmem:s2] =	stream.indirect.scatter.add.f32 [tilespmem:s11], [sflag:$0x1], $0x10, s13, s10, $0xb8;
	[tilespmem:$0x7E40] =	vst v63  }
0x2c: {  	_ = 	snop  }
0x2d: {  	[spmem:s2] =	stream.indirect.scatter.add.f32 [tilespmem:s11], [sflag:$0x1], $0x10, s14, s10, $0xb8;
	[tilespmem:$0x7E40] =	vst v63  }
0x2e: {  	_ = 	snop  }
0x2f: {  	[spmem:s2] =	stream.indirect.scatter.add.f32 [tilespmem:s11], [sflag:$0x1], $0x10, s15, s10, $0xb8;
	[tilespmem:$0x7E40] =	vst v63  }
0x30: {  	_ = 	snop  }
0x31: {  	[spmem:s2] =	stream.indirect.scatter.add.f32 [tilespmem:s11], [sflag:$0x1], $0x10, s16, s10, $0xb8;
	[tilespmem:$0x7E40] =	vst v63  }
0x32: {  	_ = 	snop  }
0x33: {  	[spmem:s2] =	stream.indirect.scatter.add.f32 [tilespmem:s11], [sflag:$0x1], $0x10, s17, s10, $0xb8;
	[tilespmem:$0x7E40] =	vst v63  }
0x34: {  	s23 =	simm.s32 $0x400;
	p1 =	por $0x0, $0x0;
	_ =	swait.ge [sflag:s18], $0x800  }
0x35: {  	s24 =	simm.s32 $0x480;
	s25 =	simm.s32 @!p1 $0x80;
	[sflag:s18] =	ssyncset.done $0x0  }
0x36: {  	s26 =	simm.s32 @!p1 $0x2800;
	s22 =	simm.s32 $0x1;
	[sflag:s18] =	ssyncadd.s32 $0xFFFFF800  }
.LBB2_6:
0x37: {  	[spmem:s2] =	stream.indirect.scatter.add.f32 @!p1 [tilespmem:s26], [sflag:$0x1], $0x10, s23, s25, $0xb8;
	[tilespmem:$0x7E40] =	vst v63  }
0x38: {  	s25 =	smov.u32 s22;
	s22 =	sadd.s32 $0x1, s22  }
0x39: {  	p2 =	sne.s32 s22, $0x50  }
.Ltmp2:
0x3a: {  	(pc) =	sbr.rel @p2 .LBB2_6-.Ltmp2, $4  }
0x3b: {  	s23 =	smov.u32 s24  }
0x3c: {  	_ =	swait.ge [sflag:s18], $0x800  }
0x3d: {  	s24 =	sadd.s32 $0x80, s24;
	p1 =	sgt.u32 s25, $0x47;
	[sflag:s18] =	ssyncset.done $0x0  }
0x3e: {  	s25 =	simm.s32 @!p1 $0x80;
	s26 =	simm.s32 @!p1 $0x2800;
	[sflag:s18] =	ssyncadd.s32 $0xFFFFF800  }
0x3f: {  	[spmem:s2] =	stream.indirect.scatter.add.f32 @!p1 [tilespmem:s26], [sflag:$0x1], $0x10, s23, s25, $0xb8;
	[tilespmem:$0x7E40] =	vst v63  }
0x40: {  	s21 =	sadd.s32 $0x1, s21  }
0x41: {  	p1 =	sne.s32 s21, s7  }
.Ltmp3:
0x42: {  	s22 =	simm.s32 @p0 $0x2;
	[bflag:$0x0] =	sbarrier.arrive $0xFFFF;
	(pc) =	sbr.rel @p1 .LBB2_1-.Ltmp3, $4  }
0x43: {  	[hbm:s6], [sflag:s19] =	dma.local @p0 [spmem:s20], $0x7D0  }
0x44: {  	_ =	swait.ge @p0 [sflag:s22], $0x7D0  }
0x45: {  	[sflag:s22] =	ssyncset.done @p0 $0x0  }
0x46: {  	[sflag:s22] =	ssyncadd.s32 @p0 $0xFFFFF830  }
0x47: {  	_ =	sfence.sel $0x180000  }
0x48: {  	[bflag:$0x0] =	sbarrier.arrive $0xFFFF  }
0x49: {  	p0 =	sne.s32 s1, $0x0;
	_ =	strace $0x90000047  }
0x4a: {  	s0 =	sadd.s32 @!p0 $0x100000, s0;
	[bflag:$0x2] =	sbarrier.arrive $0xFFFF  }
0x4b: {  	[sflag:s0] =	ssyncadd.tile.s32 @!p0 $0x1;
	_ =	shalt  }
.Lfunc_end2:
_tile_overlayer_lowered:
.L_overlay_start_2:
0x4c: {  	(tag) =	ssettag $0x2  }
0x4d: {  	s0 =	rddreg [dreg:$0x0];
	s2 =	stileid.u32  }
0x4e: {  	s1 =	rddreg [dreg:$0x1];
	p0 =	sne.s32 s2, $0x0  }
0x4f: {  	s3 =	rddreg [dreg:$0x2];
	[bflag:$0x3] =	sbarrier.arrive $0xFFFF;
	s2 =	simm.s32 @!p0 $0x1C02  }
0x50: {  	[timem:s3], [sflag:s2] =	dma.local @!p0 [hbm:s0], s1  }
0x51: {  	s0 =	simm.s32 @!p0 $0x2  }
0x52: {  	_ =	swait.ge @!p0 [sflag:s0], s1  }
0x53: {  	s1 =	ssub.s32 @!p0 $0x0, s1;
	[sflag:s0] =	ssyncset.done @!p0 $0x0  }
0x54: {  	[sflag:s0] =	ssyncadd.s32 @!p0 s1  }
0x55: {  	[bflag:$0x3] =	sbarrier.arrive $0xFFFF  }
0x56: {  	_ =	shalt  }

</sc_bundles>
